<compile_context>
chip_gen: v7x
topology: tpu7x:2x2x1
jax: 0.10.2.dev20260603
libtpu: 0.0.44.dev20260713+nightly
codegen_flags: <defaults>
</compile_context>

<pallas_src>
import jax
import jax.numpy as jnp
from jax import lax
from jax.experimental import pallas as pl
from jax.experimental.pallas import tpu as pltpu
from jax.experimental.pallas import tpu_sc as plsc

WD = 1e-4
B = 16384
D = 64
L = 16
NC = 2
NS = 16
NW = NC * NS
BPW = B // NW
G = 16
NG = BPW // G
NROW = 1000000
NBLK = NROW // 8
BKC = 16384
NGRID = (NROW + BKC - 1) // BKC


def _norms_body(tu_ref, ti_ref, ou_ref, oi_ref):
    xu = tu_ref[...]
    xi = ti_ref[...]
    ou_ref[...] = jnp.sum(xu * xu, axis=0)
    oi_ref[...] = jnp.sum(xi * xi, axis=0)


def _sc_body(emb_u3, emb_i3, users, pos, neg, nrm_u, nrm_i,
             scores_out, sq_out,
             idxu, idxp, idxn,
             bu, bp, bn, nbu, nbp, nbn, scb, sqb, sem, sem2):
    cid = lax.axis_index("c")
    sid = lax.axis_index("s")
    wid = sid * NC + cid
    base = wid * BPW

    pltpu.sync_copy(users.at[pl.ds(base, BPW)], idxu)
    pltpu.sync_copy(pos.at[pl.ds(base, BPW)], idxp)
    pltpu.sync_copy(neg.at[pl.ds(base, BPW)], idxn)

    ncps = []
    for k in range(BPW // 128):
        s128 = pl.ds(k * 128, 128)
        ncps.append(pltpu.async_copy(
            nrm_u.at[idxu.at[s128]], nbu.at[s128], sem2))
        ncps.append(pltpu.async_copy(
            nrm_i.at[idxp.at[s128]], nbp.at[s128], sem2))
        ncps.append(pltpu.async_copy(
            nrm_i.at[idxn.at[s128]], nbn.at[s128], sem2))

    def group(c, carry):
        s16 = pl.ds(c * G, G)
        ivu = idxu[s16]
        ivp = idxp[s16]
        ivn = idxn[s16]
        bkvu = lax.shift_right_logical(ivu, 3)
        bkvp = lax.shift_right_logical(ivp, 3)
        bkvn = lax.shift_right_logical(ivn, 3)
        cps = []
        for j in range(G):
            cps.append(pltpu.async_copy(emb_u3.at[bkvu[j]], bu.at[j], sem))
            cps.append(pltpu.async_copy(emb_i3.at[bkvp[j]], bp.at[j], sem))
            cps.append(pltpu.async_copy(emb_i3.at[bkvn[j]], bn.at[j], sem))
        for cp in cps:
            cp.wait()

        for j in range(G):
            ru = jnp.bitwise_and(ivu[j], 7)
            rp = jnp.bitwise_and(ivp[j], 7)
            rn = jnp.bitwise_and(ivn[j], 7)
            acc = jnp.zeros((L,), jnp.float32)
            for k in range(D // L):
                s = pl.ds(k * L, L)
                uv = bu[j, ru, s]
                pv = bp[j, rp, s]
                nv = bn[j, rn, s]
                acc = acc + uv * (nv - pv)
            scb[j, pl.ds(0, L)] = acc
        pltpu.sync_copy(scb, scores_out.at[pl.ds(base + c * G, G)])
        return carry

    lax.fori_loop(0, NG, group, 0)

    for cp in ncps:
        cp.wait()
    sqv = jnp.zeros((L,), jnp.float32)
    for k in range(BPW // L):
        s = pl.ds(k * L, L)
        sqv = sqv + nbu[s] + nbp[s] + nbn[s]
    sqb[...] = sqv
    pltpu.sync_copy(sqb, sq_out.at[pl.ds(wid * L, L)])


def _tc_body(sc_ref, sq_ref, out_ref):
    x = jnp.sum(sc_ref[:, 0:L], axis=1, keepdims=True)
    sp = jnp.maximum(x, 0.0) + jnp.log1p(jnp.exp(-jnp.abs(x)))
    reg = jnp.sum(sq_ref[...])
    out_ref[0, 0] = jnp.sum(sp) / B + (0.5 * WD / B) * reg


def kernel(emb_users, emb_items, users, pos_items, neg_items,
           raw_emb_users, raw_emb_items):
    users = users.astype(jnp.int32)
    pos_items = pos_items.astype(jnp.int32)
    neg_items = neg_items.astype(jnp.int32)
    emb_u3 = emb_users.reshape(NBLK, 8, D)
    emb_i3 = emb_items.reshape(NBLK, 8, D)

    nrm_u, nrm_i = pl.pallas_call(
        _norms_body,
        grid=(NGRID,),
        in_specs=[
            pl.BlockSpec((D, BKC), lambda b: (0, b)),
            pl.BlockSpec((D, BKC), lambda b: (0, b)),
        ],
        out_specs=[
            pl.BlockSpec((BKC,), lambda b: (b,)),
            pl.BlockSpec((BKC,), lambda b: (b,)),
        ],
        out_shape=[
            jax.ShapeDtypeStruct((NROW,), jnp.float32),
            jax.ShapeDtypeStruct((NROW,), jnp.float32),
        ],
    )(raw_emb_users.T, raw_emb_items.T)

    mesh = plsc.VectorSubcoreMesh(
        core_axis_name="c", subcore_axis_name="s",
        num_cores=NC, num_subcores=NS)
    sc = pl.kernel(
        _sc_body,
        out_type=[
            jax.ShapeDtypeStruct((B, 128), jnp.float32),
            jax.ShapeDtypeStruct((NW * L,), jnp.float32),
        ],
        mesh=mesh,
        scratch_types=[
            pltpu.VMEM((BPW,), jnp.int32),
            pltpu.VMEM((BPW,), jnp.int32),
            pltpu.VMEM((BPW,), jnp.int32),
            pltpu.VMEM((G, 8, D), jnp.float32),
            pltpu.VMEM((G, 8, D), jnp.float32),
            pltpu.VMEM((G, 8, D), jnp.float32),
            pltpu.VMEM((BPW,), jnp.float32),
            pltpu.VMEM((BPW,), jnp.float32),
            pltpu.VMEM((BPW,), jnp.float32),
            pltpu.VMEM((G, 128), jnp.float32),
            pltpu.VMEM((L,), jnp.float32),
            pltpu.SemaphoreType.DMA,
            pltpu.SemaphoreType.DMA,
        ],
    )
    scores, sq = sc(emb_u3, emb_i3, users, pos_items, neg_items,
                    nrm_u, nrm_i)

    out = pl.pallas_call(
        _tc_body,
        out_shape=jax.ShapeDtypeStruct((1, 1), jnp.float32),
        out_specs=pl.BlockSpec(memory_space=pltpu.SMEM),
    )(scores, sq.reshape(4, 128))
    return out[0, 0]

# --- scband reference (transcript-rebuilt; emitter-appended) ---
"""Pipeline reference for scband-bpr-reg-76613626626596 (READ-ONLY COPY).

The authoritative reference and input builder live on the scoring server;
editing this copy changes nothing except your own understanding.
"""

import jax, jax.numpy as jnp
import numpy as np

WEIGHT_DECAY = 1e-4

def setup_inputs(seed: int = 0) -> dict:
    key = jax.random.key(seed)
    k1, k2, k3, k4, k5, k6, k7 = jax.random.split(key, 7)
    n_users, n_items, d, b = 1000000, 1000000, 64, 16384
    return {
        "emb_users": jax.random.normal(k1, (n_users, d), dtype=jnp.float32),
        "emb_items": jax.random.normal(k2, (n_items, d), dtype=jnp.float32),
        "users": jax.random.randint(k3, (b,), 0, n_users, dtype=jnp.int64) if jax.config.jax_enable_x64 else jax.random.randint(k3, (b,), 0, n_users).astype(jnp.int32),
        "pos_items": jax.random.randint(k4, (b,), 0, n_items).astype(jnp.int32),
        "neg_items": jax.random.randint(k5, (b,), 0, n_items).astype(jnp.int32),
        "raw_emb_users": jax.random.normal(k6, (n_users, d), dtype=jnp.float32),
        "raw_emb_items": jax.random.normal(k7, (n_items, d), dtype=jnp.float32),
    }

def reference(emb_users, emb_items, users, pos_items, neg_items, raw_emb_users, raw_emb_items):
    # gather current embeddings
    cur_u = jnp.take(emb_users, users, axis=0)
    cur_pos_i = jnp.take(emb_items, pos_items, axis=0)
    cur_neg_i = jnp.take(emb_items, neg_items, axis=0)
    pos_scores = jnp.sum(cur_u * cur_pos_i, axis=1)
    neg_scores = jnp.sum(cur_u * cur_neg_i, axis=1)
    # BPRLoss with softplus activation: mean(softplus(neg - pos))
    loss_bpr = jnp.mean(jax.nn.softplus(neg_scores - pos_scores))
    # EmbeddingRegularization(p=2, weight_decay): L2 reg on raw gathered embeddings,
    # averaged over batch size
    raw_u = jnp.take(raw_emb_users, users, axis=0)
    raw_pos_i = jnp.take(raw_emb_items, pos_items, axis=0)
    raw_neg_i = jnp.take(raw_emb_items, neg_items, axis=0)
    batch = raw_u.shape[0]
    reg = 0.5 * (jnp.sum(raw_u ** 2) + jnp.sum(raw_pos_i ** 2) + jnp.sum(raw_neg_i ** 2))
    loss_l2 = WEIGHT_DECAY * reg / batch
    return loss_bpr + loss_l2

if __name__ == "__main__":
    import jax
    _d = setup_inputs()
    print(jax.jit(kernel)(*tuple(_d.values())))

</pallas_src>

<mosaic_0001>
#map = affine_map<(d0, d1) -> (0, 0, 0)>
#map1 = affine_map<(d0, d1) -> (0)>
#map2 = affine_map<(d0, d1) -> (0, 0)>
module attributes {stable_mosaic.version = 14 : i64} {
  func.func @_sc_body(%arg0: i32, %arg1: i32, %arg2: memref<125000x8x64xf32, #tpu.memory_space<hbm>>, %arg3: memref<125000x8x64xf32, #tpu.memory_space<hbm>>, %arg4: memref<16384xi32, #tpu.memory_space<hbm>>, %arg5: memref<16384xi32, #tpu.memory_space<hbm>>, %arg6: memref<16384xi32, #tpu.memory_space<hbm>>, %arg7: memref<1000000xf32, #tpu.memory_space<hbm>>, %arg8: memref<1000000xf32, #tpu.memory_space<hbm>>, %arg9: memref<16384x128xf32, #tpu.memory_space<hbm>>, %arg10: memref<512xf32, #tpu.memory_space<hbm>>, %arg11: memref<512xi32, #tpu.memory_space<vmem>>, %arg12: memref<512xi32, #tpu.memory_space<vmem>>, %arg13: memref<512xi32, #tpu.memory_space<vmem>>, %arg14: memref<16x8x64xf32, #tpu.memory_space<vmem>>, %arg15: memref<16x8x64xf32, #tpu.memory_space<vmem>>, %arg16: memref<16x8x64xf32, #tpu.memory_space<vmem>>, %arg17: memref<512xf32, #tpu.memory_space<vmem>>, %arg18: memref<512xf32, #tpu.memory_space<vmem>>, %arg19: memref<512xf32, #tpu.memory_space<vmem>>, %arg20: memref<16x128xf32, #tpu.memory_space<vmem>>, %arg21: memref<16xf32, #tpu.memory_space<vmem>>, %arg22: memref<!tpu.dma_semaphore, #tpu.memory_space<semaphore_mem>>, %arg23: memref<!tpu.dma_semaphore, #tpu.memory_space<semaphore_mem>>) attributes {dimension_semantics = [#tpu.dimension_semantics<core_parallel>, #tpu.dimension_semantics<subcore_parallel>], iteration_bounds = array<i64: 2, 16>, scalar_prefetch = 0 : i64, scratch_operands = 13 : i64, tpu.core_type = #tpu.core_type<sc_vector_subcore>, window_params = [{transform_indices = #map}, {transform_indices = #map}, {transform_indices = #map1}, {transform_indices = #map1}, {transform_indices = #map1}, {transform_indices = #map1}, {transform_indices = #map1}, {transform_indices = #map2}, {transform_indices = #map1}]} {
    %mul3A = arith.constant 2 : i32
    %mul3A_0 = arith.muli %arg1, %mul3A : i32
    %add3A = arith.addi %mul3A_0, %arg0 : i32
    %mul3A_1 = arith.constant 512 : i32
    %mul3A_2 = arith.muli %add3A, %mul3A_1 : i32
    "tpu.region"() ({
      %run_scoped3A = tpu.sem_alloc : memref<!tpu.dma_semaphore, #tpu.memory_space<semaphore_mem>>
      %dma_start3A_539 = tpu.memref_slice %arg4[%mul3A_2] : memref<16384xi32, #tpu.memory_space<hbm>> -> memref<512xi32, #tpu.memory_space<hbm>>
      %dma_start3A_540 = tpu.memref_slice %arg4[%mul3A_2] : memref<16384xi32, #tpu.memory_space<hbm>> -> memref<512xi32, #tpu.memory_space<hbm>>
      tpu.enqueue_dma source(%dma_start3A_540 : memref<512xi32, #tpu.memory_space<hbm>>) target(%arg11 : memref<512xi32, #tpu.memory_space<vmem>>) target_semaphore(%run_scoped3A : memref<!tpu.dma_semaphore, #tpu.memory_space<semaphore_mem>>)
      %dma_wait3A_541 = tpu.memref_slice %arg4[%mul3A_2] : memref<16384xi32, #tpu.memory_space<hbm>> -> memref<512xi32, #tpu.memory_space<hbm>>
      %dma_wait3A_542 = tpu.memref_slice %arg4[%mul3A_2] : memref<16384xi32, #tpu.memory_space<hbm>> -> memref<512xi32, #tpu.memory_space<hbm>>
      tpu.wait_dma2 semaphore(%run_scoped3A : memref<!tpu.dma_semaphore, #tpu.memory_space<semaphore_mem>>) src(%dma_wait3A_542 : memref<512xi32, #tpu.memory_space<hbm>>) dst(%arg11 : memref<512xi32, #tpu.memory_space<vmem>>)
      tpu.yield
    }) : () -> ()
    "tpu.region"() ({
      %run_scoped3A = tpu.sem_alloc : memref<!tpu.dma_semaphore, #tpu.memory_space<semaphore_mem>>
      %dma_start3A_539 = tpu.memref_slice %arg5[%mul3A_2] : memref<16384xi32, #tpu.memory_space<hbm>> -> memref<512xi32, #tpu.memory_space<hbm>>
      %dma_start3A_540 = tpu.memref_slice %arg5[%mul3A_2] : memref<16384xi32, #tpu.memory_space<hbm>> -> memref<512xi32, #tpu.memory_space<hbm>>
      tpu.enqueue_dma source(%dma_start3A_540 : memref<512xi32, #tpu.memory_space<hbm>>) target(%arg12 : memref<512xi32, #tpu.memory_space<vmem>>) target_semaphore(%run_scoped3A : memref<!tpu.dma_semaphore, #tpu.memory_space<semaphore_mem>>)
      %dma_wait3A_541 = tpu.memref_slice %arg5[%mul3A_2] : memref<16384xi32, #tpu.memory_space<hbm>> -> memref<512xi32, #tpu.memory_space<hbm>>
      %dma_wait3A_542 = tpu.memref_slice %arg5[%mul3A_2] : memref<16384xi32, #tpu.memory_space<hbm>> -> memref<512xi32, #tpu.memory_space<hbm>>
      tpu.wait_dma2 semaphore(%run_scoped3A : memref<!tpu.dma_semaphore, #tpu.memory_space<semaphore_mem>>) src(%dma_wait3A_542 : memref<512xi32, #tpu.memory_space<hbm>>) dst(%arg12 : memref<512xi32, #tpu.memory_space<vmem>>)
      tpu.yield
    }) : () -> ()
    "tpu.region"() ({
      %run_scoped3A = tpu.sem_alloc : memref<!tpu.dma_semaphore, #tpu.memory_space<semaphore_mem>>
      %dma_start3A_539 = tpu.memref_slice %arg6[%mul3A_2] : memref<16384xi32, #tpu.memory_space<hbm>> -> memref<512xi32, #tpu.memory_space<hbm>>
      %dma_start3A_540 = tpu.memref_slice %arg6[%mul3A_2] : memref<16384xi32, #tpu.memory_space<hbm>> -> memref<512xi32, #tpu.memory_space<hbm>>
      tpu.enqueue_dma source(%dma_start3A_540 : memref<512xi32, #tpu.memory_space<hbm>>) target(%arg13 : memref<512xi32, #tpu.memory_space<vmem>>) target_semaphore(%run_scoped3A : memref<!tpu.dma_semaphore, #tpu.memory_space<semaphore_mem>>)
      %dma_wait3A_541 = tpu.memref_slice %arg6[%mul3A_2] : memref<16384xi32, #tpu.memory_space<hbm>> -> memref<512xi32, #tpu.memory_space<hbm>>
      %dma_wait3A_542 = tpu.memref_slice %arg6[%mul3A_2] : memref<16384xi32, #tpu.memory_space<hbm>> -> memref<512xi32, #tpu.memory_space<hbm>>
      tpu.wait_dma2 semaphore(%run_scoped3A : memref<!tpu.dma_semaphore, #tpu.memory_space<semaphore_mem>>) src(%dma_wait3A_542 : memref<512xi32, #tpu.memory_space<hbm>>) dst(%arg13 : memref<512xi32, #tpu.memory_space<vmem>>)
      tpu.yield
    }) : () -> ()
    %dma_start3A = arith.constant 0 : i32
    %dma_start3A_3 = tpu.memref_slice %arg17[%dma_start3A] : memref<512xf32, #tpu.memory_space<vmem>> -> memref<128xf32, #tpu.memory_space<vmem>>
    %dma_start3A_4 = arith.constant 0 : i32
    %dma_start3A_5 = tpu.memref_slice %arg11[%dma_start3A_4] : memref<512xi32, #tpu.memory_space<vmem>> -> memref<128xi32, #tpu.memory_space<vmem>>
    %dma_start3A_6 = arith.constant 0 : i32
    %dma_start3A_7 = tpu.memref_slice %arg7[%dma_start3A_6] : memref<1000000xf32, #tpu.memory_space<hbm>> -> memref<1000000xf32, #tpu.memory_space<hbm>>
    tpu.enqueue_indirect_dma source(%dma_start3A_7 : memref<1000000xf32, #tpu.memory_space<hbm>>) target(%dma_start3A_3 : memref<128xf32, #tpu.memory_space<vmem>>) offsets(%dma_start3A_5 : memref<128xi32, #tpu.memory_space<vmem>>) semaphore(%arg23 : memref<!tpu.dma_semaphore, #tpu.memory_space<semaphore_mem>>)
    %dma_start3A_8 = arith.constant 0 : i32
    %dma_start3A_9 = tpu.memref_slice %arg18[%dma_start3A_8] : memref<512xf32, #tpu.memory_space<vmem>> -> memref<128xf32, #tpu.memory_space<vmem>>
    %dma_start3A_10 = arith.constant 0 : i32
    %dma_start3A_11 = tpu.memref_slice %arg12[%dma_start3A_10] : memref<512xi32, #tpu.memory_space<vmem>> -> memref<128xi32, #tpu.memory_space<vmem>>
    %dma_start3A_12 = arith.constant 0 : i32
    %dma_start3A_13 = tpu.memref_slice %arg8[%dma_start3A_12] : memref<1000000xf32, #tpu.memory_space<hbm>> -> memref<1000000xf32, #tpu.memory_space<hbm>>
    tpu.enqueue_indirect_dma source(%dma_start3A_13 : memref<1000000xf32, #tpu.memory_space<hbm>>) target(%dma_start3A_9 : memref<128xf32, #tpu.memory_space<vmem>>) offsets(%dma_start3A_11 : memref<128xi32, #tpu.memory_space<vmem>>) semaphore(%arg23 : memref<!tpu.dma_semaphore, #tpu.memory_space<semaphore_mem>>)
    %dma_start3A_14 = arith.constant 0 : i32
    %dma_start3A_15 = tpu.memref_slice %arg19[%dma_start3A_14] : memref<512xf32, #tpu.memory_space<vmem>> -> memref<128xf32, #tpu.memory_space<vmem>>
    %dma_start3A_16 = arith.constant 0 : i32
    %dma_start3A_17 = tpu.memref_slice %arg13[%dma_start3A_16] : memref<512xi32, #tpu.memory_space<vmem>> -> memref<128xi32, #tpu.memory_space<vmem>>
    %dma_start3A_18 = arith.constant 0 : i32
    %dma_start3A_19 = tpu.memref_slice %arg8[%dma_start3A_18] : memref<1000000xf32, #tpu.memory_space<hbm>> -> memref<1000000xf32, #tpu.memory_space<hbm>>
    tpu.enqueue_indirect_dma source(%dma_start3A_19 : memref<1000000xf32, #tpu.memory_space<hbm>>) target(%dma_start3A_15 : memref<128xf32, #tpu.memory_space<vmem>>) offsets(%dma_start3A_17 : memref<128xi32, #tpu.memory_space<vmem>>) semaphore(%arg23 : memref<!tpu.dma_semaphore, #tpu.memory_space<semaphore_mem>>)
    %dma_start3A_20 = arith.constant 128 : i32
    %dma_start3A_21 = tpu.memref_slice %arg17[%dma_start3A_20] : memref<512xf32, #tpu.memory_space<vmem>> -> memref<128xf32, #tpu.memory_space<vmem>>
    %dma_start3A_22 = arith.constant 128 : i32
    %dma_start3A_23 = tpu.memref_slice %arg11[%dma_start3A_22] : memref<512xi32, #tpu.memory_space<vmem>> -> memref<128xi32, #tpu.memory_space<vmem>>
    %dma_start3A_24 = arith.constant 0 : i32
    %dma_start3A_25 = tpu.memref_slice %arg7[%dma_start3A_24] : memref<1000000xf32, #tpu.memory_space<hbm>> -> memref<1000000xf32, #tpu.memory_space<hbm>>
    tpu.enqueue_indirect_dma source(%dma_start3A_25 : memref<1000000xf32, #tpu.memory_space<hbm>>) target(%dma_start3A_21 : memref<128xf32, #tpu.memory_space<vmem>>) offsets(%dma_start3A_23 : memref<128xi32, #tpu.memory_space<vmem>>) semaphore(%arg23 : memref<!tpu.dma_semaphore, #tpu.memory_space<semaphore_mem>>)
    %dma_start3A_26 = arith.constant 128 : i32
    %dma_start3A_27 = tpu.memref_slice %arg18[%dma_start3A_26] : memref<512xf32, #tpu.memory_space<vmem>> -> memref<128xf32, #tpu.memory_space<vmem>>
    %dma_start3A_28 = arith.constant 128 : i32
    %dma_start3A_29 = tpu.memref_slice %arg12[%dma_start3A_28] : memref<512xi32, #tpu.memory_space<vmem>> -> memref<128xi32, #tpu.memory_space<vmem>>
    %dma_start3A_30 = arith.constant 0 : i32
    %dma_start3A_31 = tpu.memref_slice %arg8[%dma_start3A_30] : memref<1000000xf32, #tpu.memory_space<hbm>> -> memref<1000000xf32, #tpu.memory_space<hbm>>
    tpu.enqueue_indirect_dma source(%dma_start3A_31 : memref<1000000xf32, #tpu.memory_space<hbm>>) target(%dma_start3A_27 : memref<128xf32, #tpu.memory_space<vmem>>) offsets(%dma_start3A_29 : memref<128xi32, #tpu.memory_space<vmem>>) semaphore(%arg23 : memref<!tpu.dma_semaphore, #tpu.memory_space<semaphore_mem>>)
    %dma_start3A_32 = arith.constant 128 : i32
    %dma_start3A_33 = tpu.memref_slice %arg19[%dma_start3A_32] : memref<512xf32, #tpu.memory_space<vmem>> -> memref<128xf32, #tpu.memory_space<vmem>>
    %dma_start3A_34 = arith.constant 128 : i32
    %dma_start3A_35 = tpu.memref_slice %arg13[%dma_start3A_34] : memref<512xi32, #tpu.memory_space<vmem>> -> memref<128xi32, #tpu.memory_space<vmem>>
    %dma_start3A_36 = arith.constant 0 : i32
    %dma_start3A_37 = tpu.memref_slice %arg8[%dma_start3A_36] : memref<1000000xf32, #tpu.memory_space<hbm>> -> memref<1000000xf32, #tpu.memory_space<hbm>>
    tpu.enqueue_indirect_dma source(%dma_start3A_37 : memref<1000000xf32, #tpu.memory_space<hbm>>) target(%dma_start3A_33 : memref<128xf32, #tpu.memory_space<vmem>>) offsets(%dma_start3A_35 : memref<128xi32, #tpu.memory_space<vmem>>) semaphore(%arg23 : memref<!tpu.dma_semaphore, #tpu.memory_space<semaphore_mem>>)
    %dma_start3A_38 = arith.constant 256 : i32
    %dma_start3A_39 = tpu.memref_slice %arg17[%dma_start3A_38] : memref<512xf32, #tpu.memory_space<vmem>> -> memref<128xf32, #tpu.memory_space<vmem>>
    %dma_start3A_40 = arith.constant 256 : i32
    %dma_start3A_41 = tpu.memref_slice %arg11[%dma_start3A_40] : memref<512xi32, #tpu.memory_space<vmem>> -> memref<128xi32, #tpu.memory_space<vmem>>
    %dma_start3A_42 = arith.constant 0 : i32
    %dma_start3A_43 = tpu.memref_slice %arg7[%dma_start3A_42] : memref<1000000xf32, #tpu.memory_space<hbm>> -> memref<1000000xf32, #tpu.memory_space<hbm>>
    tpu.enqueue_indirect_dma source(%dma_start3A_43 : memref<1000000xf32, #tpu.memory_space<hbm>>) target(%dma_start3A_39 : memref<128xf32, #tpu.memory_space<vmem>>) offsets(%dma_start3A_41 : memref<128xi32, #tpu.memory_space<vmem>>) semaphore(%arg23 : memref<!tpu.dma_semaphore, #tpu.memory_space<semaphore_mem>>)
    %dma_start3A_44 = arith.constant 256 : i32
    %dma_start3A_45 = tpu.memref_slice %arg18[%dma_start3A_44] : memref<512xf32, #tpu.memory_space<vmem>> -> memref<128xf32, #tpu.memory_space<vmem>>
    %dma_start3A_46 = arith.constant 256 : i32
    %dma_start3A_47 = tpu.memref_slice %arg12[%dma_start3A_46] : memref<512xi32, #tpu.memory_space<vmem>> -> memref<128xi32, #tpu.memory_space<vmem>>
    %dma_start3A_48 = arith.constant 0 : i32
    %dma_start3A_49 = tpu.memref_slice %arg8[%dma_start3A_48] : memref<1000000xf32, #tpu.memory_space<hbm>> -> memref<1000000xf32, #tpu.memory_space<hbm>>
    tpu.enqueue_indirect_dma source(%dma_start3A_49 : memref<1000000xf32, #tpu.memory_space<hbm>>) target(%dma_start3A_45 : memref<128xf32, #tpu.memory_space<vmem>>) offsets(%dma_start3A_47 : memref<128xi32, #tpu.memory_space<vmem>>) semaphore(%arg23 : memref<!tpu.dma_semaphore, #tpu.memory_space<semaphore_mem>>)
    %dma_start3A_50 = arith.constant 256 : i32
    %dma_start3A_51 = tpu.memref_slice %arg19[%dma_start3A_50] : memref<512xf32, #tpu.memory_space<vmem>> -> memref<128xf32, #tpu.memory_space<vmem>>
    %dma_start3A_52 = arith.constant 256 : i32
    %dma_start3A_53 = tpu.memref_slice %arg13[%dma_start3A_52] : memref<512xi32, #tpu.memory_space<vmem>> -> memref<128xi32, #tpu.memory_space<vmem>>
    %dma_start3A_54 = arith.constant 0 : i32
    %dma_start3A_55 = tpu.memref_slice %arg8[%dma_start3A_54] : memref<1000000xf32, #tpu.memory_space<hbm>> -> memref<1000000xf32, #tpu.memory_space<hbm>>
    tpu.enqueue_indirect_dma source(%dma_start3A_55 : memref<1000000xf32, #tpu.memory_space<hbm>>) target(%dma_start3A_51 : memref<128xf32, #tpu.memory_space<vmem>>) offsets(%dma_start3A_53 : memref<128xi32, #tpu.memory_space<vmem>>) semaphore(%arg23 : memref<!tpu.dma_semaphore, #tpu.memory_space<semaphore_mem>>)
    %dma_start3A_56 = arith.constant 384 : i32
    %dma_start3A_57 = tpu.memref_slice %arg17[%dma_start3A_56] : memref<512xf32, #tpu.memory_space<vmem>> -> memref<128xf32, #tpu.memory_space<vmem>>
    %dma_start3A_58 = arith.constant 384 : i32
    %dma_start3A_59 = tpu.memref_slice %arg11[%dma_start3A_58] : memref<512xi32, #tpu.memory_space<vmem>> -> memref<128xi32, #tpu.memory_space<vmem>>
    %dma_start3A_60 = arith.constant 0 : i32
    %dma_start3A_61 = tpu.memref_slice %arg7[%dma_start3A_60] : memref<1000000xf32, #tpu.memory_space<hbm>> -> memref<1000000xf32, #tpu.memory_space<hbm>>
    tpu.enqueue_indirect_dma source(%dma_start3A_61 : memref<1000000xf32, #tpu.memory_space<hbm>>) target(%dma_start3A_57 : memref<128xf32, #tpu.memory_space<vmem>>) offsets(%dma_start3A_59 : memref<128xi32, #tpu.memory_space<vmem>>) semaphore(%arg23 : memref<!tpu.dma_semaphore, #tpu.memory_space<semaphore_mem>>)
    %dma_start3A_62 = arith.constant 384 : i32
    %dma_start3A_63 = tpu.memref_slice %arg18[%dma_start3A_62] : memref<512xf32, #tpu.memory_space<vmem>> -> memref<128xf32, #tpu.memory_space<vmem>>
    %dma_start3A_64 = arith.constant 384 : i32
    %dma_start3A_65 = tpu.memref_slice %arg12[%dma_start3A_64] : memref<512xi32, #tpu.memory_space<vmem>> -> memref<128xi32, #tpu.memory_space<vmem>>
    %dma_start3A_66 = arith.constant 0 : i32
    %dma_start3A_67 = tpu.memref_slice %arg8[%dma_start3A_66] : memref<1000000xf32, #tpu.memory_space<hbm>> -> memref<1000000xf32, #tpu.memory_space<hbm>>
    tpu.enqueue_indirect_dma source(%dma_start3A_67 : memref<1000000xf32, #tpu.memory_space<hbm>>) target(%dma_start3A_63 : memref<128xf32, #tpu.memory_space<vmem>>) offsets(%dma_start3A_65 : memref<128xi32, #tpu.memory_space<vmem>>) semaphore(%arg23 : memref<!tpu.dma_semaphore, #tpu.memory_space<semaphore_mem>>)
    %dma_start3A_68 = arith.constant 384 : i32
    %dma_start3A_69 = tpu.memref_slice %arg19[%dma_start3A_68] : memref<512xf32, #tpu.memory_space<vmem>> -> memref<128xf32, #tpu.memory_space<vmem>>
    %dma_start3A_70 = arith.constant 384 : i32
    %dma_start3A_71 = tpu.memref_slice %arg13[%dma_start3A_70] : memref<512xi32, #tpu.memory_space<vmem>> -> memref<128xi32, #tpu.memory_space<vmem>>
    %dma_start3A_72 = arith.constant 0 : i32
    %dma_start3A_73 = tpu.memref_slice %arg8[%dma_start3A_72] : memref<1000000xf32, #tpu.memory_space<hbm>> -> memref<1000000xf32, #tpu.memory_space<hbm>>
    tpu.enqueue_indirect_dma source(%dma_start3A_73 : memref<1000000xf32, #tpu.memory_space<hbm>>) target(%dma_start3A_69 : memref<128xf32, #tpu.memory_space<vmem>>) offsets(%dma_start3A_71 : memref<128xi32, #tpu.memory_space<vmem>>) semaphore(%arg23 : memref<!tpu.dma_semaphore, #tpu.memory_space<semaphore_mem>>)
    %scan3A = arith.constant 0 : i32
    %scan3A_74 = arith.constant 0 : i32
    %scan3A_75 = arith.constant 32 : i32
    %scan3A_76 = arith.addi %scan3A_74, %scan3A_75 : i32
    %scan3A_77 = arith.constant 1 : i32
    scf.for %scan3A_539 = %scan3A_74 to %scan3A_76 step %scan3A_77  : i32 {
      %mul3A_540 = arith.constant 16 : i32
      %mul3A_541 = arith.muli %scan3A_539, %mul3A_540 : i32
      %get3A_542 = arith.index_cast %mul3A_541 : i32 to index
      %get3A_543 = tpu.vector_load %arg11[%get3A_542] {strides = array<i32>} : memref<512xi32, #tpu.memory_space<vmem>>, vector<16xi32>,
      %get3A_544 = vector.shape_cast %get3A_543 : vector<16xi32> to vector<16xi32>
      %get3A_545 = arith.index_cast %mul3A_541 : i32 to index
      %get3A_546 = tpu.vector_load %arg12[%get3A_545] {strides = array<i32>} : memref<512xi32, #tpu.memory_space<vmem>>, vector<16xi32>,
      %get3A_547 = vector.shape_cast %get3A_546 : vector<16xi32> to vector<16xi32>
      %get3A_548 = arith.index_cast %mul3A_541 : i32 to index
      %get3A_549 = tpu.vector_load %arg13[%get3A_548] {strides = array<i32>} : memref<512xi32, #tpu.memory_space<vmem>>, vector<16xi32>,
      %get3A_550 = vector.shape_cast %get3A_549 : vector<16xi32> to vector<16xi32>
      %shift_right_logical3A = arith.constant 3 : i32
      %shift_right_logical3A_551 = vector.broadcast %shift_right_logical3A : i32 to vector<16xi32>
      %shift_right_logical3A_552 = arith.shrui %get3A_544, %shift_right_logical3A_551 : vector<16xi32>
      %shift_right_logical3A_553 = arith.constant 3 : i32
      %shift_right_logical3A_554 = vector.broadcast %shift_right_logical3A_553 : i32 to vector<16xi32>
      %shift_right_logical3A_555 = arith.shrui %get3A_547, %shift_right_logical3A_554 : vector<16xi32>
      %shift_right_logical3A_556 = arith.constant 3 : i32
      %shift_right_logical3A_557 = vector.broadcast %shift_right_logical3A_556 : i32 to vector<16xi32>
      %shift_right_logical3A_558 = arith.shrui %get3A_550, %shift_right_logical3A_557 : vector<16xi32>
      %slice3A = vector.extract_strided_slice %shift_right_logical3A_552 {offsets = [0], sizes = [1], strides = [1]} : vector<16xi32> to vector<1xi32>
      %squeeze3A = vector.extract %slice3A[0] : i32 from vector<1xi32>
      %dma_start3A_559 = arith.constant 0 : i32
      %dma_start3A_560 = arith.constant 0 : i32
      %dma_start3A_561 = arith.constant 0 : i32
      %dma_start3A_562 = tpu.memref_slice %arg14[%dma_start3A_559, %dma_start3A_560, %dma_start3A_561] : memref<16x8x64xf32, #tpu.memory_space<vmem>> -> memref<1x8x64xf32, #tpu.memory_space<vmem>>
      %dma_start3A_563 = tpu.memref_squeeze %dma_start3A_562 : memref<1x8x64xf32, #tpu.memory_space<vmem>> -> memref<8x64xf32, #tpu.memory_space<vmem>>
      %dma_start3A_564 = arith.constant 0 : i32
      %dma_start3A_565 = arith.constant 0 : i32
      %dma_start3A_566 = tpu.memref_slice %arg2[%squeeze3A, %dma_start3A_564, %dma_start3A_565] : memref<125000x8x64xf32, #tpu.memory_space<hbm>> -> memref<1x8x64xf32, #tpu.memory_space<hbm>>
      %dma_start3A_567 = tpu.memref_squeeze %dma_start3A_566 : memref<1x8x64xf32, #tpu.memory_space<hbm>> -> memref<8x64xf32, #tpu.memory_space<hbm>>
      %dma_start3A_568 = arith.constant 0 : i32
      %dma_start3A_569 = arith.constant 0 : i32
      %dma_start3A_570 = tpu.memref_slice %arg14[%dma_start3A_559, %dma_start3A_568, %dma_start3A_569] : memref<16x8x64xf32, #tpu.memory_space<vmem>> -> memref<1x8x64xf32, #tpu.memory_space<vmem>>
      %dma_start3A_571 = tpu.memref_squeeze %dma_start3A_570 : memref<1x8x64xf32, #tpu.memory_space<vmem>> -> memref<8x64xf32, #tpu.memory_space<vmem>>
      %dma_start3A_572 = arith.constant 0 : i32
      %dma_start3A_573 = arith.constant 0 : i32
      %dma_start3A_574 = tpu.memref_slice %arg2[%squeeze3A, %dma_start3A_572, %dma_start3A_573] : memref<125000x8x64xf32, #tpu.memory_space<hbm>> -> memref<1x8x64xf32, #tpu.memory_space<hbm>>
      %dma_start3A_575 = tpu.memref_squeeze %dma_start3A_574 : memref<1x8x64xf32, #tpu.memory_space<hbm>> -> memref<8x64xf32, #tpu.memory_space<hbm>>
      tpu.enqueue_dma source(%dma_start3A_575 : memref<8x64xf32, #tpu.memory_space<hbm>>) target(%dma_start3A_571 : memref<8x64xf32, #tpu.memory_space<vmem>>) target_semaphore(%arg22 : memref<!tpu.dma_semaphore, #tpu.memory_space<semaphore_mem>>)
      %slice3A_576 = vector.extract_strided_slice %shift_right_logical3A_555 {offsets = [0], sizes = [1], strides = [1]} : vector<16xi32> to vector<1xi32>
      %squeeze3A_577 = vector.extract %slice3A_576[0] : i32 from vector<1xi32>
      %dma_start3A_578 = arith.constant 0 : i32
      %dma_start3A_579 = arith.constant 0 : i32
      %dma_start3A_580 = arith.constant 0 : i32
      %dma_start3A_581 = tpu.memref_slice %arg15[%dma_start3A_578, %dma_start3A_579, %dma_start3A_580] : memref<16x8x64xf32, #tpu.memory_space<vmem>> -> memref<1x8x64xf32, #tpu.memory_space<vmem>>
      %dma_start3A_582 = tpu.memref_squeeze %dma_start3A_581 : memref<1x8x64xf32, #tpu.memory_space<vmem>> -> memref<8x64xf32, #tpu.memory_space<vmem>>
      %dma_start3A_583 = arith.constant 0 : i32
      %dma_start3A_584 = arith.constant 0 : i32
      %dma_start3A_585 = tpu.memref_slice %arg3[%squeeze3A_577, %dma_start3A_583, %dma_start3A_584] : memref<125000x8x64xf32, #tpu.memory_space<hbm>> -> memref<1x8x64xf32, #tpu.memory_space<hbm>>
      %dma_start3A_586 = tpu.memref_squeeze %dma_start3A_585 : memref<1x8x64xf32, #tpu.memory_space<hbm>> -> memref<8x64xf32, #tpu.memory_space<hbm>>
      %dma_start3A_587 = arith.constant 0 : i32
      %dma_start3A_588 = arith.constant 0 : i32
      %dma_start3A_589 = tpu.memref_slice %arg15[%dma_start3A_578, %dma_start3A_587, %dma_start3A_588] : memref<16x8x64xf32, #tpu.memory_space<vmem>> -> memref<1x8x64xf32, #tpu.memory_space<vmem>>
      %dma_start3A_590 = tpu.memref_squeeze %dma_start3A_589 : memref<1x8x64xf32, #tpu.memory_space<vmem>> -> memref<8x64xf32, #tpu.memory_space<vmem>>
      %dma_start3A_591 = arith.constant 0 : i32
      %dma_start3A_592 = arith.constant 0 : i32
      %dma_start3A_593 = tpu.memref_slice %arg3[%squeeze3A_577, %dma_start3A_591, %dma_start3A_592] : memref<125000x8x64xf32, #tpu.memory_space<hbm>> -> memref<1x8x64xf32, #tpu.memory_space<hbm>>
      %dma_start3A_594 = tpu.memref_squeeze %dma_start3A_593 : memref<1x8x64xf32, #tpu.memory_space<hbm>> -> memref<8x64xf32, #tpu.memory_space<hbm>>
      tpu.enqueue_dma source(%dma_start3A_594 : memref<8x64xf32, #tpu.memory_space<hbm>>) target(%dma_start3A_590 : memref<8x64xf32, #tpu.memory_space<vmem>>) target_semaphore(%arg22 : memref<!tpu.dma_semaphore, #tpu.memory_space<semaphore_mem>>)
      %slice3A_595 = vector.extract_strided_slice %shift_right_logical3A_558 {offsets = [0], sizes = [1], strides = [1]} : vector<16xi32> to vector<1xi32>
      %squeeze3A_596 = vector.extract %slice3A_595[0] : i32 from vector<1xi32>
      %dma_start3A_597 = arith.constant 0 : i32
      %dma_start3A_598 = arith.constant 0 : i32
      %dma_start3A_599 = arith.constant 0 : i32
      %dma_start3A_600 = tpu.memref_slice %arg16[%dma_start3A_597, %dma_start3A_598, %dma_start3A_599] : memref<16x8x64xf32, #tpu.memory_space<vmem>> -> memref<1x8x64xf32, #tpu.memory_space<vmem>>
      %dma_start3A_601 = tpu.memref_squeeze %dma_start3A_600 : memref<1x8x64xf32, #tpu.memory_space<vmem>> -> memref<8x64xf32, #tpu.memory_space<vmem>>
      %dma_start3A_602 = arith.constant 0 : i32
      %dma_start3A_603 = arith.constant 0 : i32
      %dma_start3A_604 = tpu.memref_slice %arg3[%squeeze3A_596, %dma_start3A_602, %dma_start3A_603] : memref<125000x8x64xf32, #tpu.memory_space<hbm>> -> memref<1x8x64xf32, #tpu.memory_space<hbm>>
      %dma_start3A_605 = tpu.memref_squeeze %dma_start3A_604 : memref<1x8x64xf32, #tpu.memory_space<hbm>> -> memref<8x64xf32, #tpu.memory_space<hbm>>
      %dma_start3A_606 = arith.constant 0 : i32
      %dma_start3A_607 = arith.constant 0 : i32
      %dma_start3A_608 = tpu.memref_slice %arg16[%dma_start3A_597, %dma_start3A_606, %dma_start3A_607] : memref<16x8x64xf32, #tpu.memory_space<vmem>> -> memref<1x8x64xf32, #tpu.memory_space<vmem>>
      %dma_start3A_609 = tpu.memref_squeeze %dma_start3A_608 : memref<1x8x64xf32, #tpu.memory_space<vmem>> -> memref<8x64xf32, #tpu.memory_space<vmem>>
      %dma_start3A_610 = arith.constant 0 : i32
      %dma_start3A_611 = arith.constant 0 : i32
      %dma_start3A_612 = tpu.memref_slice %arg3[%squeeze3A_596, %dma_start3A_610, %dma_start3A_611] : memref<125000x8x64xf32, #tpu.memory_space<hbm>> -> memref<1x8x64xf32, #tpu.memory_space<hbm>>
      %dma_start3A_613 = tpu.memref_squeeze %dma_start3A_612 : memref<1x8x64xf32, #tpu.memory_space<hbm>> -> memref<8x64xf32, #tpu.memory_space<hbm>>
      tpu.enqueue_dma source(%dma_start3A_613 : memref<8x64xf32, #tpu.memory_space<hbm>>) target(%dma_start3A_609 : memref<8x64xf32, #tpu.memory_space<vmem>>) target_semaphore(%arg22 : memref<!tpu.dma_semaphore, #tpu.memory_space<semaphore_mem>>)
      %slice3A_614 = vector.extract_strided_slice %shift_right_logical3A_552 {offsets = [1], sizes = [1], strides = [1]} : vector<16xi32> to vector<1xi32>
      %squeeze3A_615 = vector.extract %slice3A_614[0] : i32 from vector<1xi32>
      %dma_start3A_616 = arith.constant 1 : i32
      %dma_start3A_617 = arith.constant 0 : i32
      %dma_start3A_618 = arith.constant 0 : i32
      %dma_start3A_619 = tpu.memref_slice %arg14[%dma_start3A_616, %dma_start3A_617, %dma_start3A_618] : memref<16x8x64xf32, #tpu.memory_space<vmem>> -> memref<1x8x64xf32, #tpu.memory_space<vmem>>
      %dma_start3A_620 = tpu.memref_squeeze %dma_start3A_619 : memref<1x8x64xf32, #tpu.memory_space<vmem>> -> memref<8x64xf32, #tpu.memory_space<vmem>>
      %dma_start3A_621 = arith.constant 0 : i32
      %dma_start3A_622 = arith.constant 0 : i32
      %dma_start3A_623 = tpu.memref_slice %arg2[%squeeze3A_615, %dma_start3A_621, %dma_start3A_622] : memref<125000x8x64xf32, #tpu.memory_space<hbm>> -> memref<1x8x64xf32, #tpu.memory_space<hbm>>
      %dma_start3A_624 = tpu.memref_squeeze %dma_start3A_623 : memref<1x8x64xf32, #tpu.memory_space<hbm>> -> memref<8x64xf32, #tpu.memory_space<hbm>>
      %dma_start3A_625 = arith.constant 0 : i32
      %dma_start3A_626 = arith.constant 0 : i32
      %dma_start3A_627 = tpu.memref_slice %arg14[%dma_start3A_616, %dma_start3A_625, %dma_start3A_626] : memref<16x8x64xf32, #tpu.memory_space<vmem>> -> memref<1x8x64xf32, #tpu.memory_space<vmem>>
      %dma_start3A_628 = tpu.memref_squeeze %dma_start3A_627 : memref<1x8x64xf32, #tpu.memory_space<vmem>> -> memref<8x64xf32, #tpu.memory_space<vmem>>
      %dma_start3A_629 = arith.constant 0 : i32
      %dma_start3A_630 = arith.constant 0 : i32
      %dma_start3A_631 = tpu.memref_slice %arg2[%squeeze3A_615, %dma_start3A_629, %dma_start3A_630] : memref<125000x8x64xf32, #tpu.memory_space<hbm>> -> memref<1x8x64xf32, #tpu.memory_space<hbm>>
      %dma_start3A_632 = tpu.memref_squeeze %dma_start3A_631 : memref<1x8x64xf32, #tpu.memory_space<hbm>> -> memref<8x64xf32, #tpu.memory_space<hbm>>
      tpu.enqueue_dma source(%dma_start3A_632 : memref<8x64xf32, #tpu.memory_space<hbm>>) target(%dma_start3A_628 : memref<8x64xf32, #tpu.memory_space<vmem>>) target_semaphore(%arg22 : memref<!tpu.dma_semaphore, #tpu.memory_space<semaphore_mem>>)
      %slice3A_633 = vector.extract_strided_slice %shift_right_logical3A_555 {offsets = [1], sizes = [1], strides = [1]} : vector<16xi32> to vector<1xi32>
      %squeeze3A_634 = vector.extract %slice3A_633[0] : i32 from vector<1xi32>
      %dma_start3A_635 = arith.constant 1 : i32
      %dma_start3A_636 = arith.constant 0 : i32
      %dma_start3A_637 = arith.constant 0 : i32
      %dma_start3A_638 = tpu.memref_slice %arg15[%dma_start3A_635, %dma_start3A_636, %dma_start3A_637] : memref<16x8x64xf32, #tpu.memory_space<vmem>> -> memref<1x8x64xf32, #tpu.memory_space<vmem>>
      %dma_start3A_639 = tpu.memref_squeeze %dma_start3A_638 : memref<1x8x64xf32, #tpu.memory_space<vmem>> -> memref<8x64xf32, #tpu.memory_space<vmem>>
      %dma_start3A_640 = arith.constant 0 : i32
      %dma_start3A_641 = arith.constant 0 : i32
      %dma_start3A_642 = tpu.memref_slice %arg3[%squeeze3A_634, %dma_start3A_640, %dma_start3A_641] : memref<125000x8x64xf32, #tpu.memory_space<hbm>> -> memref<1x8x64xf32, #tpu.memory_space<hbm>>
      %dma_start3A_643 = tpu.memref_squeeze %dma_start3A_642 : memref<1x8x64xf32, #tpu.memory_space<hbm>> -> memref<8x64xf32, #tpu.memory_space<hbm>>
      %dma_start3A_644 = arith.constant 0 : i32
      %dma_start3A_645 = arith.constant 0 : i32
      %dma_start3A_646 = tpu.memref_slice %arg15[%dma_start3A_635, %dma_start3A_644, %dma_start3A_645] : memref<16x8x64xf32, #tpu.memory_space<vmem>> -> memref<1x8x64xf32, #tpu.memory_space<vmem>>
      %dma_start3A_647 = tpu.memref_squeeze %dma_start3A_646 : memref<1x8x64xf32, #tpu.memory_space<vmem>> -> memref<8x64xf32, #tpu.memory_space<vmem>>
      %dma_start3A_648 = arith.constant 0 : i32
      %dma_start3A_649 = arith.constant 0 : i32
      %dma_start3A_650 = tpu.memref_slice %arg3[%squeeze3A_634, %dma_start3A_648, %dma_start3A_649] : memref<125000x8x64xf32, #tpu.memory_space<hbm>> -> memref<1x8x64xf32, #tpu.memory_space<hbm>>
      %dma_start3A_651 = tpu.memref_squeeze %dma_start3A_650 : memref<1x8x64xf32, #tpu.memory_space<hbm>> -> memref<8x64xf32, #tpu.memory_space<hbm>>
      tpu.enqueue_dma source(%dma_start3A_651 : memref<8x64xf32, #tpu.memory_space<hbm>>) target(%dma_start3A_647 : memref<8x64xf32, #tpu.memory_space<vmem>>) target_semaphore(%arg22 : memref<!tpu.dma_semaphore, #tpu.memory_space<semaphore_mem>>)
      %slice3A_652 = vector.extract_strided_slice %shift_right_logical3A_558 {offsets = [1], sizes = [1], strides = [1]} : vector<16xi32> to vector<1xi32>
      %squeeze3A_653 = vector.extract %slice3A_652[0] : i32 from vector<1xi32>
      %dma_start3A_654 = arith.constant 1 : i32
      %dma_start3A_655 = arith.constant 0 : i32
      %dma_start3A_656 = arith.constant 0 : i32
      %dma_start3A_657 = tpu.memref_slice %arg16[%dma_start3A_654, %dma_start3A_655, %dma_start3A_656] : memref<16x8x64xf32, #tpu.memory_space<vmem>> -> memref<1x8x64xf32, #tpu.memory_space<vmem>>
      %dma_start3A_658 = tpu.memref_squeeze %dma_start3A_657 : memref<1x8x64xf32, #tpu.memory_space<vmem>> -> memref<8x64xf32, #tpu.memory_space<vmem>>
      %dma_start3A_659 = arith.constant 0 : i32
      %dma_start3A_660 = arith.constant 0 : i32
      %dma_start3A_661 = tpu.memref_slice %arg3[%squeeze3A_653, %dma_start3A_659, %dma_start3A_660] : memref<125000x8x64xf32, #tpu.memory_space<hbm>> -> memref<1x8x64xf32, #tpu.memory_space<hbm>>
      %dma_start3A_662 = tpu.memref_squeeze %dma_start3A_661 : memref<1x8x64xf32, #tpu.memory_space<hbm>> -> memref<8x64xf32, #tpu.memory_space<hbm>>
      %dma_start3A_663 = arith.constant 0 : i32
      %dma_start3A_664 = arith.constant 0 : i32
      %dma_start3A_665 = tpu.memref_slice %arg16[%dma_start3A_654, %dma_start3A_663, %dma_start3A_664] : memref<16x8x64xf32, #tpu.memory_space<vmem>> -> memref<1x8x64xf32, #tpu.memory_space<vmem>>
      %dma_start3A_666 = tpu.memref_squeeze %dma_start3A_665 : memref<1x8x64xf32, #tpu.memory_space<vmem>> -> memref<8x64xf32, #tpu.memory_space<vmem>>
      %dma_start3A_667 = arith.constant 0 : i32
      %dma_start3A_668 = arith.constant 0 : i32
      %dma_start3A_669 = tpu.memref_slice %arg3[%squeeze3A_653, %dma_start3A_667, %dma_start3A_668] : memref<125000x8x64xf32, #tpu.memory_space<hbm>> -> memref<1x8x64xf32, #tpu.memory_space<hbm>>
      %dma_start3A_670 = tpu.memref_squeeze %dma_start3A_669 : memref<1x8x64xf32, #tpu.memory_space<hbm>> -> memref<8x64xf32, #tpu.memory_space<hbm>>
      tpu.enqueue_dma source(%dma_start3A_670 : memref<8x64xf32, #tpu.memory_space<hbm>>) target(%dma_start3A_666 : memref<8x64xf32, #tpu.memory_space<vmem>>) target_semaphore(%arg22 : memref<!tpu.dma_semaphore, #tpu.memory_space<semaphore_mem>>)
      %slice3A_671 = vector.extract_strided_slice %shift_right_logical3A_552 {offsets = [2], sizes = [1], strides = [1]} : vector<16xi32> to vector<1xi32>
      %squeeze3A_672 = vector.extract %slice3A_671[0] : i32 from vector<1xi32>
      %dma_start3A_673 = arith.constant 2 : i32
      %dma_start3A_674 = arith.constant 0 : i32
      %dma_start3A_675 = arith.constant 0 : i32
      %dma_start3A_676 = tpu.memref_slice %arg14[%dma_start3A_673, %dma_start3A_674, %dma_start3A_675] : memref<16x8x64xf32, #tpu.memory_space<vmem>> -> memref<1x8x64xf32, #tpu.memory_space<vmem>>
      %dma_start3A_677 = tpu.memref_squeeze %dma_start3A_676 : memref<1x8x64xf32, #tpu.memory_space<vmem>> -> memref<8x64xf32, #tpu.memory_space<vmem>>
      %dma_start3A_678 = arith.constant 0 : i32
      %dma_start3A_679 = arith.constant 0 : i32
      %dma_start3A_680 = tpu.memref_slice %arg2[%squeeze3A_672, %dma_start3A_678, %dma_start3A_679] : memref<125000x8x64xf32, #tpu.memory_space<hbm>> -> memref<1x8x64xf32, #tpu.memory_space<hbm>>
      %dma_start3A_681 = tpu.memref_squeeze %dma_start3A_680 : memref<1x8x64xf32, #tpu.memory_space<hbm>> -> memref<8x64xf32, #tpu.memory_space<hbm>>
      %dma_start3A_682 = arith.constant 0 : i32
      %dma_start3A_683 = arith.constant 0 : i32
      %dma_start3A_684 = tpu.memref_slice %arg14[%dma_start3A_673, %dma_start3A_682, %dma_start3A_683] : memref<16x8x64xf32, #tpu.memory_space<vmem>> -> memref<1x8x64xf32, #tpu.memory_space<vmem>>
      %dma_start3A_685 = tpu.memref_squeeze %dma_start3A_684 : memref<1x8x64xf32, #tpu.memory_space<vmem>> -> memref<8x64xf32, #tpu.memory_space<vmem>>
      %dma_start3A_686 = arith.constant 0 : i32
      %dma_start3A_687 = arith.constant 0 : i32
      %dma_start3A_688 = tpu.memref_slice %arg2[%squeeze3A_672, %dma_start3A_686, %dma_start3A_687] : memref<125000x8x64xf32, #tpu.memory_space<hbm>> -> memref<1x8x64xf32, #tpu.memory_space<hbm>>
      %dma_start3A_689 = tpu.memref_squeeze %dma_start3A_688 : memref<1x8x64xf32, #tpu.memory_space<hbm>> -> memref<8x64xf32, #tpu.memory_space<hbm>>
      tpu.enqueue_dma source(%dma_start3A_689 : memref<8x64xf32, #tpu.memory_space<hbm>>) target(%dma_start3A_685 : memref<8x64xf32, #tpu.memory_space<vmem>>) target_semaphore(%arg22 : memref<!tpu.dma_semaphore, #tpu.memory_space<semaphore_mem>>)
      %slice3A_690 = vector.extract_strided_slice %shift_right_logical3A_555 {offsets = [2], sizes = [1], strides = [1]} : vector<16xi32> to vector<1xi32>
      %squeeze3A_691 = vector.extract %slice3A_690[0] : i32 from vector<1xi32>
      %dma_start3A_692 = arith.constant 2 : i32
      %dma_start3A_693 = arith.constant 0 : i32
      %dma_start3A_694 = arith.constant 0 : i32
      %dma_start3A_695 = tpu.memref_slice %arg15[%dma_start3A_692, %dma_start3A_693, %dma_start3A_694] : memref<16x8x64xf32, #tpu.memory_space<vmem>> -> memref<1x8x64xf32, #tpu.memory_space<vmem>>
      %dma_start3A_696 = tpu.memref_squeeze %dma_start3A_695 : memref<1x8x64xf32, #tpu.memory_space<vmem>> -> memref<8x64xf32, #tpu.memory_space<vmem>>
      %dma_start3A_697 = arith.constant 0 : i32
      %dma_start3A_698 = arith.constant 0 : i32
      %dma_start3A_699 = tpu.memref_slice %arg3[%squeeze3A_691, %dma_start3A_697, %dma_start3A_698] : memref<125000x8x64xf32, #tpu.memory_space<hbm>> -> memref<1x8x64xf32, #tpu.memory_space<hbm>>
      %dma_start3A_700 = tpu.memref_squeeze %dma_start3A_699 : memref<1x8x64xf32, #tpu.memory_space<hbm>> -> memref<8x64xf32, #tpu.memory_space<hbm>>
      %dma_start3A_701 = arith.constant 0 : i32
      %dma_start3A_702 = arith.constant 0 : i32
      %dma_start3A_703 = tpu.memref_slice %arg15[%dma_start3A_692, %dma_start3A_701, %dma_start3A_702] : memref<16x8x64xf32, #tpu.memory_space<vmem>> -> memref<1x8x64xf32, #tpu.memory_space<vmem>>
      %dma_start3A_704 = tpu.memref_squeeze %dma_start3A_703 : memref<1x8x64xf32, #tpu.memory_space<vmem>> -> memref<8x64xf32, #tpu.memory_space<vmem>>
      %dma_start3A_705 = arith.constant 0 : i32
      %dma_start3A_706 = arith.constant 0 : i32
      %dma_start3A_707 = tpu.memref_slice %arg3[%squeeze3A_691, %dma_start3A_705, %dma_start3A_706] : memref<125000x8x64xf32, #tpu.memory_space<hbm>> -> memref<1x8x64xf32, #tpu.memory_space<hbm>>
      %dma_start3A_708 = tpu.memref_squeeze %dma_start3A_707 : memref<1x8x64xf32, #tpu.memory_space<hbm>> -> memref<8x64xf32, #tpu.memory_space<hbm>>
      tpu.enqueue_dma source(%dma_start3A_708 : memref<8x64xf32, #tpu.memory_space<hbm>>) target(%dma_start3A_704 : memref<8x64xf32, #tpu.memory_space<vmem>>) target_semaphore(%arg22 : memref<!tpu.dma_semaphore, #tpu.memory_space<semaphore_mem>>)
      %slice3A_709 = vector.extract_strided_slice %shift_right_logical3A_558 {offsets = [2], sizes = [1], strides = [1]} : vector<16xi32> to vector<1xi32>
      %squeeze3A_710 = vector.extract %slice3A_709[0] : i32 from vector<1xi32>
      %dma_start3A_711 = arith.constant 2 : i32
      %dma_start3A_712 = arith.constant 0 : i32
      %dma_start3A_713 = arith.constant 0 : i32
      %dma_start3A_714 = tpu.memref_slice %arg16[%dma_start3A_711, %dma_start3A_712, %dma_start3A_713] : memref<16x8x64xf32, #tpu.memory_space<vmem>> -> memref<1x8x64xf32, #tpu.memory_space<vmem>>
      %dma_start3A_715 = tpu.memref_squeeze %dma_start3A_714 : memref<1x8x64xf32, #tpu.memory_space<vmem>> -> memref<8x64xf32, #tpu.memory_space<vmem>>
      %dma_start3A_716 = arith.constant 0 : i32
      %dma_start3A_717 = arith.constant 0 : i32
      %dma_start3A_718 = tpu.memref_slice %arg3[%squeeze3A_710, %dma_start3A_716, %dma_start3A_717] : memref<125000x8x64xf32, #tpu.memory_space<hbm>> -> memref<1x8x64xf32, #tpu.memory_space<hbm>>
      %dma_start3A_719 = tpu.memref_squeeze %dma_start3A_718 : memref<1x8x64xf32, #tpu.memory_space<hbm>> -> memref<8x64xf32, #tpu.memory_space<hbm>>
      %dma_start3A_720 = arith.constant 0 : i32
      %dma_start3A_721 = arith.constant 0 : i32
      %dma_start3A_722 = tpu.memref_slice %arg16[%dma_start3A_711, %dma_start3A_720, %dma_start3A_721] : memref<16x8x64xf32, #tpu.memory_space<vmem>> -> memref<1x8x64xf32, #tpu.memory_space<vmem>>
      %dma_start3A_723 = tpu.memref_squeeze %dma_start3A_722 : memref<1x8x64xf32, #tpu.memory_space<vmem>> -> memref<8x64xf32, #tpu.memory_space<vmem>>
      %dma_start3A_724 = arith.constant 0 : i32
      %dma_start3A_725 = arith.constant 0 : i32
      %dma_start3A_726 = tpu.memref_slice %arg3[%squeeze3A_710, %dma_start3A_724, %dma_start3A_725] : memref<125000x8x64xf32, #tpu.memory_space<hbm>> -> memref<1x8x64xf32, #tpu.memory_space<hbm>>
      %dma_start3A_727 = tpu.memref_squeeze %dma_start3A_726 : memref<1x8x64xf32, #tpu.memory_space<hbm>> -> memref<8x64xf32, #tpu.memory_space<hbm>>
      tpu.enqueue_dma source(%dma_start3A_727 : memref<8x64xf32, #tpu.memory_space<hbm>>) target(%dma_start3A_723 : memref<8x64xf32, #tpu.memory_space<vmem>>) target_semaphore(%arg22 : memref<!tpu.dma_semaphore, #tpu.memory_space<semaphore_mem>>)
      %slice3A_728 = vector.extract_strided_slice %shift_right_logical3A_552 {offsets = [3], sizes = [1], strides = [1]} : vector<16xi32> to vector<1xi32>
      %squeeze3A_729 = vector.extract %slice3A_728[0] : i32 from vector<1xi32>
      %dma_start3A_730 = arith.constant 3 : i32
      %dma_start3A_731 = arith.constant 0 : i32
      %dma_start3A_732 = arith.constant 0 : i32
      %dma_start3A_733 = tpu.memref_slice %arg14[%dma_start3A_730, %dma_start3A_731, %dma_start3A_732] : memref<16x8x64xf32, #tpu.memory_space<vmem>> -> memref<1x8x64xf32, #tpu.memory_space<vmem>>
      %dma_start3A_734 = tpu.memref_squeeze %dma_start3A_733 : memref<1x8x64xf32, #tpu.memory_space<vmem>> -> memref<8x64xf32, #tpu.memory_space<vmem>>
      %dma_start3A_735 = arith.constant 0 : i32
      %dma_start3A_736 = arith.constant 0 : i32
      %dma_start3A_737 = tpu.memref_slice %arg2[%squeeze3A_729, %dma_start3A_735, %dma_start3A_736] : memref<125000x8x64xf32, #tpu.memory_space<hbm>> -> memref<1x8x64xf32, #tpu.memory_space<hbm>>
      %dma_start3A_738 = tpu.memref_squeeze %dma_start3A_737 : memref<1x8x64xf32, #tpu.memory_space<hbm>> -> memref<8x64xf32, #tpu.memory_space<hbm>>
      %dma_start3A_739 = arith.constant 0 : i32
      %dma_start3A_740 = arith.constant 0 : i32
      %dma_start3A_741 = tpu.memref_slice %arg14[%dma_start3A_730, %dma_start3A_739, %dma_start3A_740] : memref<16x8x64xf32, #tpu.memory_space<vmem>> -> memref<1x8x64xf32, #tpu.memory_space<vmem>>
      %dma_start3A_742 = tpu.memref_squeeze %dma_start3A_741 : memref<1x8x64xf32, #tpu.memory_space<vmem>> -> memref<8x64xf32, #tpu.memory_space<vmem>>
      %dma_start3A_743 = arith.constant 0 : i32
      %dma_start3A_744 = arith.constant 0 : i32
      %dma_start3A_745 = tpu.memref_slice %arg2[%squeeze3A_729, %dma_start3A_743, %dma_start3A_744] : memref<125000x8x64xf32, #tpu.memory_space<hbm>> -> memref<1x8x64xf32, #tpu.memory_space<hbm>>
      %dma_start3A_746 = tpu.memref_squeeze %dma_start3A_745 : memref<1x8x64xf32, #tpu.memory_space<hbm>> -> memref<8x64xf32, #tpu.memory_space<hbm>>
      tpu.enqueue_dma source(%dma_start3A_746 : memref<8x64xf32, #tpu.memory_space<hbm>>) target(%dma_start3A_742 : memref<8x64xf32, #tpu.memory_space<vmem>>) target_semaphore(%arg22 : memref<!tpu.dma_semaphore, #tpu.memory_space<semaphore_mem>>)
      %slice3A_747 = vector.extract_strided_slice %shift_right_logical3A_555 {offsets = [3], sizes = [1], strides = [1]} : vector<16xi32> to vector<1xi32>
      %squeeze3A_748 = vector.extract %slice3A_747[0] : i32 from vector<1xi32>
      %dma_start3A_749 = arith.constant 3 : i32
      %dma_start3A_750 = arith.constant 0 : i32
      %dma_start3A_751 = arith.constant 0 : i32
      %dma_start3A_752 = tpu.memref_slice %arg15[%dma_start3A_749, %dma_start3A_750, %dma_start3A_751] : memref<16x8x64xf32, #tpu.memory_space<vmem>> -> memref<1x8x64xf32, #tpu.memory_space<vmem>>
      %dma_start3A_753 = tpu.memref_squeeze %dma_start3A_752 : memref<1x8x64xf32, #tpu.memory_space<vmem>> -> memref<8x64xf32, #tpu.memory_space<vmem>>
      %dma_start3A_754 = arith.constant 0 : i32
      %dma_start3A_755 = arith.constant 0 : i32
      %dma_start3A_756 = tpu.memref_slice %arg3[%squeeze3A_748, %dma_start3A_754, %dma_start3A_755] : memref<125000x8x64xf32, #tpu.memory_space<hbm>> -> memref<1x8x64xf32, #tpu.memory_space<hbm>>
      %dma_start3A_757 = tpu.memref_squeeze %dma_start3A_756 : memref<1x8x64xf32, #tpu.memory_space<hbm>> -> memref<8x64xf32, #tpu.memory_space<hbm>>
      %dma_start3A_758 = arith.constant 0 : i32
      %dma_start3A_759 = arith.constant 0 : i32
      %dma_start3A_760 = tpu.memref_slice %arg15[%dma_start3A_749, %dma_start3A_758, %dma_start3A_759] : memref<16x8x64xf32, #tpu.memory_space<vmem>> -> memref<1x8x64xf32, #tpu.memory_space<vmem>>
      %dma_start3A_761 = tpu.memref_squeeze %dma_start3A_760 : memref<1x8x64xf32, #tpu.memory_space<vmem>> -> memref<8x64xf32, #tpu.memory_space<vmem>>
      %dma_start3A_762 = arith.constant 0 : i32
      %dma_start3A_763 = arith.constant 0 : i32
      %dma_start3A_764 = tpu.memref_slice %arg3[%squeeze3A_748, %dma_start3A_762, %dma_start3A_763] : memref<125000x8x64xf32, #tpu.memory_space<hbm>> -> memref<1x8x64xf32, #tpu.memory_space<hbm>>
      %dma_start3A_765 = tpu.memref_squeeze %dma_start3A_764 : memref<1x8x64xf32, #tpu.memory_space<hbm>> -> memref<8x64xf32, #tpu.memory_space<hbm>>
      tpu.enqueue_dma source(%dma_start3A_765 : memref<8x64xf32, #tpu.memory_space<hbm>>) target(%dma_start3A_761 : memref<8x64xf32, #tpu.memory_space<vmem>>) target_semaphore(%arg22 : memref<!tpu.dma_semaphore, #tpu.memory_space<semaphore_mem>>)
      %slice3A_766 = vector.extract_strided_slice %shift_right_logical3A_558 {offsets = [3], sizes = [1], strides = [1]} : vector<16xi32> to vector<1xi32>
      %squeeze3A_767 = vector.extract %slice3A_766[0] : i32 from vector<1xi32>
      %dma_start3A_768 = arith.constant 3 : i32
      %dma_start3A_769 = arith.constant 0 : i32
      %dma_start3A_770 = arith.constant 0 : i32
      %dma_start3A_771 = tpu.memref_slice %arg16[%dma_start3A_768, %dma_start3A_769, %dma_start3A_770] : memref<16x8x64xf32, #tpu.memory_space<vmem>> -> memref<1x8x64xf32, #tpu.memory_space<vmem>>
      %dma_start3A_772 = tpu.memref_squeeze %dma_start3A_771 : memref<1x8x64xf32, #tpu.memory_space<vmem>> -> memref<8x64xf32, #tpu.memory_space<vmem>>
      %dma_start3A_773 = arith.constant 0 : i32
      %dma_start3A_774 = arith.constant 0 : i32
      %dma_start3A_775 = tpu.memref_slice %arg3[%squeeze3A_767, %dma_start3A_773, %dma_start3A_774] : memref<125000x8x64xf32, #tpu.memory_space<hbm>> -> memref<1x8x64xf32, #tpu.memory_space<hbm>>
      %dma_start3A_776 = tpu.memref_squeeze %dma_start3A_775 : memref<1x8x64xf32, #tpu.memory_space<hbm>> -> memref<8x64xf32, #tpu.memory_space<hbm>>
      %dma_start3A_777 = arith.constant 0 : i32
      %dma_start3A_778 = arith.constant 0 : i32
      %dma_start3A_779 = tpu.memref_slice %arg16[%dma_start3A_768, %dma_start3A_777, %dma_start3A_778] : memref<16x8x64xf32, #tpu.memory_space<vmem>> -> memref<1x8x64xf32, #tpu.memory_space<vmem>>
      %dma_start3A_780 = tpu.memref_squeeze %dma_start3A_779 : memref<1x8x64xf32, #tpu.memory_space<vmem>> -> memref<8x64xf32, #tpu.memory_space<vmem>>
      %dma_start3A_781 = arith.constant 0 : i32
      %dma_start3A_782 = arith.constant 0 : i32
      %dma_start3A_783 = tpu.memref_slice %arg3[%squeeze3A_767, %dma_start3A_781, %dma_start3A_782] : memref<125000x8x64xf32, #tpu.memory_space<hbm>> -> memref<1x8x64xf32, #tpu.memory_space<hbm>>
      %dma_start3A_784 = tpu.memref_squeeze %dma_start3A_783 : memref<1x8x64xf32, #tpu.memory_space<hbm>> -> memref<8x64xf32, #tpu.memory_space<hbm>>
      tpu.enqueue_dma source(%dma_start3A_784 : memref<8x64xf32, #tpu.memory_space<hbm>>) target(%dma_start3A_780 : memref<8x64xf32, #tpu.memory_space<vmem>>) target_semaphore(%arg22 : memref<!tpu.dma_semaphore, #tpu.memory_space<semaphore_mem>>)
      %slice3A_785 = vector.extract_strided_slice %shift_right_logical3A_552 {offsets = [4], sizes = [1], strides = [1]} : vector<16xi32> to vector<1xi32>
      %squeeze3A_786 = vector.extract %slice3A_785[0] : i32 from vector<1xi32>
      %dma_start3A_787 = arith.constant 4 : i32
      %dma_start3A_788 = arith.constant 0 : i32
      %dma_start3A_789 = arith.constant 0 : i32
      %dma_start3A_790 = tpu.memref_slice %arg14[%dma_start3A_787, %dma_start3A_788, %dma_start3A_789] : memref<16x8x64xf32, #tpu.memory_space<vmem>> -> memref<1x8x64xf32, #tpu.memory_space<vmem>>
      %dma_start3A_791 = tpu.memref_squeeze %dma_start3A_790 : memref<1x8x64xf32, #tpu.memory_space<vmem>> -> memref<8x64xf32, #tpu.memory_space<vmem>>
      %dma_start3A_792 = arith.constant 0 : i32
      %dma_start3A_793 = arith.constant 0 : i32
      %dma_start3A_794 = tpu.memref_slice %arg2[%squeeze3A_786, %dma_start3A_792, %dma_start3A_793] : memref<125000x8x64xf32, #tpu.memory_space<hbm>> -> memref<1x8x64xf32, #tpu.memory_space<hbm>>
      %dma_start3A_795 = tpu.memref_squeeze %dma_start3A_794 : memref<1x8x64xf32, #tpu.memory_space<hbm>> -> memref<8x64xf32, #tpu.memory_space<hbm>>
      %dma_start3A_796 = arith.constant 0 : i32
      %dma_start3A_797 = arith.constant 0 : i32
      %dma_start3A_798 = tpu.memref_slice %arg14[%dma_start3A_787, %dma_start3A_796, %dma_start3A_797] : memref<16x8x64xf32, #tpu.memory_space<vmem>> -> memref<1x8x64xf32, #tpu.memory_space<vmem>>
      %dma_start3A_799 = tpu.memref_squeeze %dma_start3A_798 : memref<1x8x64xf32, #tpu.memory_space<vmem>> -> memref<8x64xf32, #tpu.memory_space<vmem>>
      %dma_start3A_800 = arith.constant 0 : i32
      %dma_start3A_801 = arith.constant 0 : i32
      %dma_start3A_802 = tpu.memref_slice %arg2[%squeeze3A_786, %dma_start3A_800, %dma_start3A_801] : memref<125000x8x64xf32, #tpu.memory_space<hbm>> -> memref<1x8x64xf32, #tpu.memory_space<hbm>>
      %dma_start3A_803 = tpu.memref_squeeze %dma_start3A_802 : memref<1x8x64xf32, #tpu.memory_space<hbm>> -> memref<8x64xf32, #tpu.memory_space<hbm>>
      tpu.enqueue_dma source(%dma_start3A_803 : memref<8x64xf32, #tpu.memory_space<hbm>>) target(%dma_start3A_799 : memref<8x64xf32, #tpu.memory_space<vmem>>) target_semaphore(%arg22 : memref<!tpu.dma_semaphore, #tpu.memory_space<semaphore_mem>>)
      %slice3A_804 = vector.extract_strided_slice %shift_right_logical3A_555 {offsets = [4], sizes = [1], strides = [1]} : vector<16xi32> to vector<1xi32>
      %squeeze3A_805 = vector.extract %slice3A_804[0] : i32 from vector<1xi32>
      %dma_start3A_806 = arith.constant 4 : i32
      %dma_start3A_807 = arith.constant 0 : i32
      %dma_start3A_808 = arith.constant 0 : i32
      %dma_start3A_809 = tpu.memref_slice %arg15[%dma_start3A_806, %dma_start3A_807, %dma_start3A_808] : memref<16x8x64xf32, #tpu.memory_space<vmem>> -> memref<1x8x64xf32, #tpu.memory_space<vmem>>
      %dma_start3A_810 = tpu.memref_squeeze %dma_start3A_809 : memref<1x8x64xf32, #tpu.memory_space<vmem>> -> memref<8x64xf32, #tpu.memory_space<vmem>>
      %dma_start3A_811 = arith.constant 0 : i32
      %dma_start3A_812 = arith.constant 0 : i32
      %dma_start3A_813 = tpu.memref_slice %arg3[%squeeze3A_805, %dma_start3A_811, %dma_start3A_812] : memref<125000x8x64xf32, #tpu.memory_space<hbm>> -> memref<1x8x64xf32, #tpu.memory_space<hbm>>
      %dma_start3A_814 = tpu.memref_squeeze %dma_start3A_813 : memref<1x8x64xf32, #tpu.memory_space<hbm>> -> memref<8x64xf32, #tpu.memory_space<hbm>>
      %dma_start3A_815 = arith.constant 0 : i32
      %dma_start3A_816 = arith.constant 0 : i32
      %dma_start3A_817 = tpu.memref_slice %arg15[%dma_start3A_806, %dma_start3A_815, %dma_start3A_816] : memref<16x8x64xf32, #tpu.memory_space<vmem>> -> memref<1x8x64xf32, #tpu.memory_space<vmem>>
      %dma_start3A_818 = tpu.memref_squeeze %dma_start3A_817 : memref<1x8x64xf32, #tpu.memory_space<vmem>> -> memref<8x64xf32, #tpu.memory_space<vmem>>
      %dma_start3A_819 = arith.constant 0 : i32
      %dma_start3A_820 = arith.constant 0 : i32
      %dma_start3A_821 = tpu.memref_slice %arg3[%squeeze3A_805, %dma_start3A_819, %dma_start3A_820] : memref<125000x8x64xf32, #tpu.memory_space<hbm>> -> memref<1x8x64xf32, #tpu.memory_space<hbm>>
      %dma_start3A_822 = tpu.memref_squeeze %dma_start3A_821 : memref<1x8x64xf32, #tpu.memory_space<hbm>> -> memref<8x64xf32, #tpu.memory_space<hbm>>
      tpu.enqueue_dma source(%dma_start3A_822 : memref<8x64xf32, #tpu.memory_space<hbm>>) target(%dma_start3A_818 : memref<8x64xf32, #tpu.memory_space<vmem>>) target_semaphore(%arg22 : memref<!tpu.dma_semaphore, #tpu.memory_space<semaphore_mem>>)
      %slice3A_823 = vector.extract_strided_slice %shift_right_logical3A_558 {offsets = [4], sizes = [1], strides = [1]} : vector<16xi32> to vector<1xi32>
      %squeeze3A_824 = vector.extract %slice3A_823[0] : i32 from vector<1xi32>
      %dma_start3A_825 = arith.constant 4 : i32
      %dma_start3A_826 = arith.constant 0 : i32
      %dma_start3A_827 = arith.constant 0 : i32
      %dma_start3A_828 = tpu.memref_slice %arg16[%dma_start3A_825, %dma_start3A_826, %dma_start3A_827] : memref<16x8x64xf32, #tpu.memory_space<vmem>> -> memref<1x8x64xf32, #tpu.memory_space<vmem>>
      %dma_start3A_829 = tpu.memref_squeeze %dma_start3A_828 : memref<1x8x64xf32, #tpu.memory_space<vmem>> -> memref<8x64xf32, #tpu.memory_space<vmem>>
      %dma_start3A_830 = arith.constant 0 : i32
      %dma_start3A_831 = arith.constant 0 : i32
      %dma_start3A_832 = tpu.memref_slice %arg3[%squeeze3A_824, %dma_start3A_830, %dma_start3A_831] : memref<125000x8x64xf32, #tpu.memory_space<hbm>> -> memref<1x8x64xf32, #tpu.memory_space<hbm>>
      %dma_start3A_833 = tpu.memref_squeeze %dma_start3A_832 : memref<1x8x64xf32, #tpu.memory_space<hbm>> -> memref<8x64xf32, #tpu.memory_space<hbm>>
      %dma_start3A_834 = arith.constant 0 : i32
      %dma_start3A_835 = arith.constant 0 : i32
      %dma_start3A_836 = tpu.memref_slice %arg16[%dma_start3A_825, %dma_start3A_834, %dma_start3A_835] : memref<16x8x64xf32, #tpu.memory_space<vmem>> -> memref<1x8x64xf32, #tpu.memory_space<vmem>>
      %dma_start3A_837 = tpu.memref_squeeze %dma_start3A_836 : memref<1x8x64xf32, #tpu.memory_space<vmem>> -> memref<8x64xf32, #tpu.memory_space<vmem>>
      %dma_start3A_838 = arith.constant 0 : i32
      %dma_start3A_839 = arith.constant 0 : i32
      %dma_start3A_840 = tpu.memref_slice %arg3[%squeeze3A_824, %dma_start3A_838, %dma_start3A_839] : memref<125000x8x64xf32, #tpu.memory_space<hbm>> -> memref<1x8x64xf32, #tpu.memory_space<hbm>>
      %dma_start3A_841 = tpu.memref_squeeze %dma_start3A_840 : memref<1x8x64xf32, #tpu.memory_space<hbm>> -> memref<8x64xf32, #tpu.memory_space<hbm>>
      tpu.enqueue_dma source(%dma_start3A_841 : memref<8x64xf32, #tpu.memory_space<hbm>>) target(%dma_start3A_837 : memref<8x64xf32, #tpu.memory_space<vmem>>) target_semaphore(%arg22 : memref<!tpu.dma_semaphore, #tpu.memory_space<semaphore_mem>>)
      %slice3A_842 = vector.extract_strided_slice %shift_right_logical3A_552 {offsets = [5], sizes = [1], strides = [1]} : vector<16xi32> to vector<1xi32>
      %squeeze3A_843 = vector.extract %slice3A_842[0] : i32 from vector<1xi32>
      %dma_start3A_844 = arith.constant 5 : i32
      %dma_start3A_845 = arith.constant 0 : i32
      %dma_start3A_846 = arith.constant 0 : i32
      %dma_start3A_847 = tpu.memref_slice %arg14[%dma_start3A_844, %dma_start3A_845, %dma_start3A_846] : memref<16x8x64xf32, #tpu.memory_space<vmem>> -> memref<1x8x64xf32, #tpu.memory_space<vmem>>
      %dma_start3A_848 = tpu.memref_squeeze %dma_start3A_847 : memref<1x8x64xf32, #tpu.memory_space<vmem>> -> memref<8x64xf32, #tpu.memory_space<vmem>>
      %dma_start3A_849 = arith.constant 0 : i32
      %dma_start3A_850 = arith.constant 0 : i32
      %dma_start3A_851 = tpu.memref_slice %arg2[%squeeze3A_843, %dma_start3A_849, %dma_start3A_850] : memref<125000x8x64xf32, #tpu.memory_space<hbm>> -> memref<1x8x64xf32, #tpu.memory_space<hbm>>
      %dma_start3A_852 = tpu.memref_squeeze %dma_start3A_851 : memref<1x8x64xf32, #tpu.memory_space<hbm>> -> memref<8x64xf32, #tpu.memory_space<hbm>>
      %dma_start3A_853 = arith.constant 0 : i32
      %dma_start3A_854 = arith.constant 0 : i32
      %dma_start3A_855 = tpu.memref_slice %arg14[%dma_start3A_844, %dma_start3A_853, %dma_start3A_854] : memref<16x8x64xf32, #tpu.memory_space<vmem>> -> memref<1x8x64xf32, #tpu.memory_space<vmem>>
      %dma_start3A_856 = tpu.memref_squeeze %dma_start3A_855 : memref<1x8x64xf32, #tpu.memory_space<vmem>> -> memref<8x64xf32, #tpu.memory_space<vmem>>
      %dma_start3A_857 = arith.constant 0 : i32
      %dma_start3A_858 = arith.constant 0 : i32
      %dma_start3A_859 = tpu.memref_slice %arg2[%squeeze3A_843, %dma_start3A_857, %dma_start3A_858] : memref<125000x8x64xf32, #tpu.memory_space<hbm>> -> memref<1x8x64xf32, #tpu.memory_space<hbm>>
      %dma_start3A_860 = tpu.memref_squeeze %dma_start3A_859 : memref<1x8x64xf32, #tpu.memory_space<hbm>> -> memref<8x64xf32, #tpu.memory_space<hbm>>
      tpu.enqueue_dma source(%dma_start3A_860 : memref<8x64xf32, #tpu.memory_space<hbm>>) target(%dma_start3A_856 : memref<8x64xf32, #tpu.memory_space<vmem>>) target_semaphore(%arg22 : memref<!tpu.dma_semaphore, #tpu.memory_space<semaphore_mem>>)
      %slice3A_861 = vector.extract_strided_slice %shift_right_logical3A_555 {offsets = [5], sizes = [1], strides = [1]} : vector<16xi32> to vector<1xi32>
      %squeeze3A_862 = vector.extract %slice3A_861[0] : i32 from vector<1xi32>
      %dma_start3A_863 = arith.constant 5 : i32
      %dma_start3A_864 = arith.constant 0 : i32
      %dma_start3A_865 = arith.constant 0 : i32
      %dma_start3A_866 = tpu.memref_slice %arg15[%dma_start3A_863, %dma_start3A_864, %dma_start3A_865] : memref<16x8x64xf32, #tpu.memory_space<vmem>> -> memref<1x8x64xf32, #tpu.memory_space<vmem>>
      %dma_start3A_867 = tpu.memref_squeeze %dma_start3A_866 : memref<1x8x64xf32, #tpu.memory_space<vmem>> -> memref<8x64xf32, #tpu.memory_space<vmem>>
      %dma_start3A_868 = arith.constant 0 : i32
      %dma_start3A_869 = arith.constant 0 : i32
      %dma_start3A_870 = tpu.memref_slice %arg3[%squeeze3A_862, %dma_start3A_868, %dma_start3A_869] : memref<125000x8x64xf32, #tpu.memory_space<hbm>> -> memref<1x8x64xf32, #tpu.memory_space<hbm>>
      %dma_start3A_871 = tpu.memref_squeeze %dma_start3A_870 : memref<1x8x64xf32, #tpu.memory_space<hbm>> -> memref<8x64xf32, #tpu.memory_space<hbm>>
      %dma_start3A_872 = arith.constant 0 : i32
      %dma_start3A_873 = arith.constant 0 : i32
      %dma_start3A_874 = tpu.memref_slice %arg15[%dma_start3A_863, %dma_start3A_872, %dma_start3A_873] : memref<16x8x64xf32, #tpu.memory_space<vmem>> -> memref<1x8x64xf32, #tpu.memory_space<vmem>>
      %dma_start3A_875 = tpu.memref_squeeze %dma_start3A_874 : memref<1x8x64xf32, #tpu.memory_space<vmem>> -> memref<8x64xf32, #tpu.memory_space<vmem>>
      %dma_start3A_876 = arith.constant 0 : i32
      %dma_start3A_877 = arith.constant 0 : i32
      %dma_start3A_878 = tpu.memref_slice %arg3[%squeeze3A_862, %dma_start3A_876, %dma_start3A_877] : memref<125000x8x64xf32, #tpu.memory_space<hbm>> -> memref<1x8x64xf32, #tpu.memory_space<hbm>>
      %dma_start3A_879 = tpu.memref_squeeze %dma_start3A_878 : memref<1x8x64xf32, #tpu.memory_space<hbm>> -> memref<8x64xf32, #tpu.memory_space<hbm>>
      tpu.enqueue_dma source(%dma_start3A_879 : memref<8x64xf32, #tpu.memory_space<hbm>>) target(%dma_start3A_875 : memref<8x64xf32, #tpu.memory_space<vmem>>) target_semaphore(%arg22 : memref<!tpu.dma_semaphore, #tpu.memory_space<semaphore_mem>>)
      %slice3A_880 = vector.extract_strided_slice %shift_right_logical3A_558 {offsets = [5], sizes = [1], strides = [1]} : vector<16xi32> to vector<1xi32>
      %squeeze3A_881 = vector.extract %slice3A_880[0] : i32 from vector<1xi32>
      %dma_start3A_882 = arith.constant 5 : i32
      %dma_start3A_883 = arith.constant 0 : i32
      %dma_start3A_884 = arith.constant 0 : i32
      %dma_start3A_885 = tpu.memref_slice %arg16[%dma_start3A_882, %dma_start3A_883, %dma_start3A_884] : memref<16x8x64xf32, #tpu.memory_space<vmem>> -> memref<1x8x64xf32, #tpu.memory_space<vmem>>
      %dma_start3A_886 = tpu.memref_squeeze %dma_start3A_885 : memref<1x8x64xf32, #tpu.memory_space<vmem>> -> memref<8x64xf32, #tpu.memory_space<vmem>>
      %dma_start3A_887 = arith.constant 0 : i32
      %dma_start3A_888 = arith.constant 0 : i32
      %dma_start3A_889 = tpu.memref_slice %arg3[%squeeze3A_881, %dma_start3A_887, %dma_start3A_888] : memref<125000x8x64xf32, #tpu.memory_space<hbm>> -> memref<1x8x64xf32, #tpu.memory_space<hbm>>
      %dma_start3A_890 = tpu.memref_squeeze %dma_start3A_889 : memref<1x8x64xf32, #tpu.memory_space<hbm>> -> memref<8x64xf32, #tpu.memory_space<hbm>>
      %dma_start3A_891 = arith.constant 0 : i32
      %dma_start3A_892 = arith.constant 0 : i32
      %dma_start3A_893 = tpu.memref_slice %arg16[%dma_start3A_882, %dma_start3A_891, %dma_start3A_892] : memref<16x8x64xf32, #tpu.memory_space<vmem>> -> memref<1x8x64xf32, #tpu.memory_space<vmem>>
      %dma_start3A_894 = tpu.memref_squeeze %dma_start3A_893 : memref<1x8x64xf32, #tpu.memory_space<vmem>> -> memref<8x64xf32, #tpu.memory_space<vmem>>
      %dma_start3A_895 = arith.constant 0 : i32
      %dma_start3A_896 = arith.constant 0 : i32
      %dma_start3A_897 = tpu.memref_slice %arg3[%squeeze3A_881, %dma_start3A_895, %dma_start3A_896] : memref<125000x8x64xf32, #tpu.memory_space<hbm>> -> memref<1x8x64xf32, #tpu.memory_space<hbm>>
      %dma_start3A_898 = tpu.memref_squeeze %dma_start3A_897 : memref<1x8x64xf32, #tpu.memory_space<hbm>> -> memref<8x64xf32, #tpu.memory_space<hbm>>
      tpu.enqueue_dma source(%dma_start3A_898 : memref<8x64xf32, #tpu.memory_space<hbm>>) target(%dma_start3A_894 : memref<8x64xf32, #tpu.memory_space<vmem>>) target_semaphore(%arg22 : memref<!tpu.dma_semaphore, #tpu.memory_space<semaphore_mem>>)
      %slice3A_899 = vector.extract_strided_slice %shift_right_logical3A_552 {offsets = [6], sizes = [1], strides = [1]} : vector<16xi32> to vector<1xi32>
      %squeeze3A_900 = vector.extract %slice3A_899[0] : i32 from vector<1xi32>
      %dma_start3A_901 = arith.constant 6 : i32
      %dma_start3A_902 = arith.constant 0 : i32
      %dma_start3A_903 = arith.constant 0 : i32
      %dma_start3A_904 = tpu.memref_slice %arg14[%dma_start3A_901, %dma_start3A_902, %dma_start3A_903] : memref<16x8x64xf32, #tpu.memory_space<vmem>> -> memref<1x8x64xf32, #tpu.memory_space<vmem>>
      %dma_start3A_905 = tpu.memref_squeeze %dma_start3A_904 : memref<1x8x64xf32, #tpu.memory_space<vmem>> -> memref<8x64xf32, #tpu.memory_space<vmem>>
      %dma_start3A_906 = arith.constant 0 : i32
      %dma_start3A_907 = arith.constant 0 : i32
      %dma_start3A_908 = tpu.memref_slice %arg2[%squeeze3A_900, %dma_start3A_906, %dma_start3A_907] : memref<125000x8x64xf32, #tpu.memory_space<hbm>> -> memref<1x8x64xf32, #tpu.memory_space<hbm>>
      %dma_start3A_909 = tpu.memref_squeeze %dma_start3A_908 : memref<1x8x64xf32, #tpu.memory_space<hbm>> -> memref<8x64xf32, #tpu.memory_space<hbm>>
      %dma_start3A_910 = arith.constant 0 : i32
      %dma_start3A_911 = arith.constant 0 : i32
      %dma_start3A_912 = tpu.memref_slice %arg14[%dma_start3A_901, %dma_start3A_910, %dma_start3A_911] : memref<16x8x64xf32, #tpu.memory_space<vmem>> -> memref<1x8x64xf32, #tpu.memory_space<vmem>>
      %dma_start3A_913 = tpu.memref_squeeze %dma_start3A_912 : memref<1x8x64xf32, #tpu.memory_space<vmem>> -> memref<8x64xf32, #tpu.memory_space<vmem>>
      %dma_start3A_914 = arith.constant 0 : i32
      %dma_start3A_915 = arith.constant 0 : i32
      %dma_start3A_916 = tpu.memref_slice %arg2[%squeeze3A_900, %dma_start3A_914, %dma_start3A_915] : memref<125000x8x64xf32, #tpu.memory_space<hbm>> -> memref<1x8x64xf32, #tpu.memory_space<hbm>>
      %dma_start3A_917 = tpu.memref_squeeze %dma_start3A_916 : memref<1x8x64xf32, #tpu.memory_space<hbm>> -> memref<8x64xf32, #tpu.memory_space<hbm>>
      tpu.enqueue_dma source(%dma_start3A_917 : memref<8x64xf32, #tpu.memory_space<hbm>>) target(%dma_start3A_913 : memref<8x64xf32, #tpu.memory_space<vmem>>) target_semaphore(%arg22 : memref<!tpu.dma_semaphore, #tpu.memory_space<semaphore_mem>>)
      %slice3A_918 = vector.extract_strided_slice %shift_right_logical3A_555 {offsets = [6], sizes = [1], strides = [1]} : vector<16xi32> to vector<1xi32>
      %squeeze3A_919 = vector.extract %slice3A_918[0] : i32 from vector<1xi32>
      %dma_start3A_920 = arith.constant 6 : i32
      %dma_start3A_921 = arith.constant 0 : i32
      %dma_start3A_922 = arith.constant 0 : i32
      %dma_start3A_923 = tpu.memref_slice %arg15[%dma_start3A_920, %dma_start3A_921, %dma_start3A_922] : memref<16x8x64xf32, #tpu.memory_space<vmem>> -> memref<1x8x64xf32, #tpu.memory_space<vmem>>
      %dma_start3A_924 = tpu.memref_squeeze %dma_start3A_923 : memref<1x8x64xf32, #tpu.memory_space<vmem>> -> memref<8x64xf32, #tpu.memory_space<vmem>>
      %dma_start3A_925 = arith.constant 0 : i32
      %dma_start3A_926 = arith.constant 0 : i32
      %dma_start3A_927 = tpu.memref_slice %arg3[%squeeze3A_919, %dma_start3A_925, %dma_start3A_926] : memref<125000x8x64xf32, #tpu.memory_space<hbm>> -> memref<1x8x64xf32, #tpu.memory_space<hbm>>
      %dma_start3A_928 = tpu.memref_squeeze %dma_start3A_927 : memref<1x8x64xf32, #tpu.memory_space<hbm>> -> memref<8x64xf32, #tpu.memory_space<hbm>>
      %dma_start3A_929 = arith.constant 0 : i32
      %dma_start3A_930 = arith.constant 0 : i32
      %dma_start3A_931 = tpu.memref_slice %arg15[%dma_start3A_920, %dma_start3A_929, %dma_start3A_930] : memref<16x8x64xf32, #tpu.memory_space<vmem>> -> memref<1x8x64xf32, #tpu.memory_space<vmem>>
      %dma_start3A_932 = tpu.memref_squeeze %dma_start3A_931 : memref<1x8x64xf32, #tpu.memory_space<vmem>> -> memref<8x64xf32, #tpu.memory_space<vmem>>
      %dma_start3A_933 = arith.constant 0 : i32
      %dma_start3A_934 = arith.constant 0 : i32
      %dma_start3A_935 = tpu.memref_slice %arg3[%squeeze3A_919, %dma_start3A_933, %dma_start3A_934] : memref<125000x8x64xf32, #tpu.memory_space<hbm>> -> memref<1x8x64xf32, #tpu.memory_space<hbm>>
      %dma_start3A_936 = tpu.memref_squeeze %dma_start3A_935 : memref<1x8x64xf32, #tpu.memory_space<hbm>> -> memref<8x64xf32, #tpu.memory_space<hbm>>
      tpu.enqueue_dma source(%dma_start3A_936 : memref<8x64xf32, #tpu.memory_space<hbm>>) target(%dma_start3A_932 : memref<8x64xf32, #tpu.memory_space<vmem>>) target_semaphore(%arg22 : memref<!tpu.dma_semaphore, #tpu.memory_space<semaphore_mem>>)
      %slice3A_937 = vector.extract_strided_slice %shift_right_logical3A_558 {offsets = [6], sizes = [1], strides = [1]} : vector<16xi32> to vector<1xi32>
      %squeeze3A_938 = vector.extract %slice3A_937[0] : i32 from vector<1xi32>
      %dma_start3A_939 = arith.constant 6 : i32
      %dma_start3A_940 = arith.constant 0 : i32
      %dma_start3A_941 = arith.constant 0 : i32
      %dma_start3A_942 = tpu.memref_slice %arg16[%dma_start3A_939, %dma_start3A_940, %dma_start3A_941] : memref<16x8x64xf32, #tpu.memory_space<vmem>> -> memref<1x8x64xf32, #tpu.memory_space<vmem>>
      %dma_start3A_943 = tpu.memref_squeeze %dma_start3A_942 : memref<1x8x64xf32, #tpu.memory_space<vmem>> -> memref<8x64xf32, #tpu.memory_space<vmem>>
      %dma_start3A_944 = arith.constant 0 : i32
      %dma_start3A_945 = arith.constant 0 : i32
      %dma_start3A_946 = tpu.memref_slice %arg3[%squeeze3A_938, %dma_start3A_944, %dma_start3A_945] : memref<125000x8x64xf32, #tpu.memory_space<hbm>> -> memref<1x8x64xf32, #tpu.memory_space<hbm>>
      %dma_start3A_947 = tpu.memref_squeeze %dma_start3A_946 : memref<1x8x64xf32, #tpu.memory_space<hbm>> -> memref<8x64xf32, #tpu.memory_space<hbm>>
      %dma_start3A_948 = arith.constant 0 : i32
      %dma_start3A_949 = arith.constant 0 : i32
      %dma_start3A_950 = tpu.memref_slice %arg16[%dma_start3A_939, %dma_start3A_948, %dma_start3A_949] : memref<16x8x64xf32, #tpu.memory_space<vmem>> -> memref<1x8x64xf32, #tpu.memory_space<vmem>>
      %dma_start3A_951 = tpu.memref_squeeze %dma_start3A_950 : memref<1x8x64xf32, #tpu.memory_space<vmem>> -> memref<8x64xf32, #tpu.memory_space<vmem>>
      %dma_start3A_952 = arith.constant 0 : i32
      %dma_start3A_953 = arith.constant 0 : i32
      %dma_start3A_954 = tpu.memref_slice %arg3[%squeeze3A_938, %dma_start3A_952, %dma_start3A_953] : memref<125000x8x64xf32, #tpu.memory_space<hbm>> -> memref<1x8x64xf32, #tpu.memory_space<hbm>>
      %dma_start3A_955 = tpu.memref_squeeze %dma_start3A_954 : memref<1x8x64xf32, #tpu.memory_space<hbm>> -> memref<8x64xf32, #tpu.memory_space<hbm>>
      tpu.enqueue_dma source(%dma_start3A_955 : memref<8x64xf32, #tpu.memory_space<hbm>>) target(%dma_start3A_951 : memref<8x64xf32, #tpu.memory_space<vmem>>) target_semaphore(%arg22 : memref<!tpu.dma_semaphore, #tpu.memory_space<semaphore_mem>>)
      %slice3A_956 = vector.extract_strided_slice %shift_right_logical3A_552 {offsets = [7], sizes = [1], strides = [1]} : vector<16xi32> to vector<1xi32>
      %squeeze3A_957 = vector.extract %slice3A_956[0] : i32 from vector<1xi32>
      %dma_start3A_958 = arith.constant 7 : i32
      %dma_start3A_959 = arith.constant 0 : i32
      %dma_start3A_960 = arith.constant 0 : i32
      %dma_start3A_961 = tpu.memref_slice %arg14[%dma_start3A_958, %dma_start3A_959, %dma_start3A_960] : memref<16x8x64xf32, #tpu.memory_space<vmem>> -> memref<1x8x64xf32, #tpu.memory_space<vmem>>
      %dma_start3A_962 = tpu.memref_squeeze %dma_start3A_961 : memref<1x8x64xf32, #tpu.memory_space<vmem>> -> memref<8x64xf32, #tpu.memory_space<vmem>>
      %dma_start3A_963 = arith.constant 0 : i32
      %dma_start3A_964 = arith.constant 0 : i32
      %dma_start3A_965 = tpu.memref_slice %arg2[%squeeze3A_957, %dma_start3A_963, %dma_start3A_964] : memref<125000x8x64xf32, #tpu.memory_space<hbm>> -> memref<1x8x64xf32, #tpu.memory_space<hbm>>
      %dma_start3A_966 = tpu.memref_squeeze %dma_start3A_965 : memref<1x8x64xf32, #tpu.memory_space<hbm>> -> memref<8x64xf32, #tpu.memory_space<hbm>>
      %dma_start3A_967 = arith.constant 0 : i32
      %dma_start3A_968 = arith.constant 0 : i32
      %dma_start3A_969 = tpu.memref_slice %arg14[%dma_start3A_958, %dma_start3A_967, %dma_start3A_968] : memref<16x8x64xf32, #tpu.memory_space<vmem>> -> memref<1x8x64xf32, #tpu.memory_space<vmem>>
      %dma_start3A_970 = tpu.memref_squeeze %dma_start3A_969 : memref<1x8x64xf32, #tpu.memory_space<vmem>> -> memref<8x64xf32, #tpu.memory_space<vmem>>
      %dma_start3A_971 = arith.constant 0 : i32
      %dma_start3A_972 = arith.constant 0 : i32
      %dma_start3A_973 = tpu.memref_slice %arg2[%squeeze3A_957, %dma_start3A_971, %dma_start3A_972] : memref<125000x8x64xf32, #tpu.memory_space<hbm>> -> memref<1x8x64xf32, #tpu.memory_space<hbm>>
      %dma_start3A_974 = tpu.memref_squeeze %dma_start3A_973 : memref<1x8x64xf32, #tpu.memory_space<hbm>> -> memref<8x64xf32, #tpu.memory_space<hbm>>
      tpu.enqueue_dma source(%dma_start3A_974 : memref<8x64xf32, #tpu.memory_space<hbm>>) target(%dma_start3A_970 : memref<8x64xf32, #tpu.memory_space<vmem>>) target_semaphore(%arg22 : memref<!tpu.dma_semaphore, #tpu.memory_space<semaphore_mem>>)
      %slice3A_975 = vector.extract_strided_slice %shift_right_logical3A_555 {offsets = [7], sizes = [1], strides = [1]} : vector<16xi32> to vector<1xi32>
      %squeeze3A_976 = vector.extract %slice3A_975[0] : i32 from vector<1xi32>
      %dma_start3A_977 = arith.constant 7 : i32
      %dma_start3A_978 = arith.constant 0 : i32
      %dma_start3A_979 = arith.constant 0 : i32
      %dma_start3A_980 = tpu.memref_slice %arg15[%dma_start3A_977, %dma_start3A_978, %dma_start3A_979] : memref<16x8x64xf32, #tpu.memory_space<vmem>> -> memref<1x8x64xf32, #tpu.memory_space<vmem>>
      %dma_start3A_981 = tpu.memref_squeeze %dma_start3A_980 : memref<1x8x64xf32, #tpu.memory_space<vmem>> -> memref<8x64xf32, #tpu.memory_space<vmem>>
      %dma_start3A_982 = arith.constant 0 : i32
      %dma_start3A_983 = arith.constant 0 : i32
      %dma_start3A_984 = tpu.memref_slice %arg3[%squeeze3A_976, %dma_start3A_982, %dma_start3A_983] : memref<125000x8x64xf32, #tpu.memory_space<hbm>> -> memref<1x8x64xf32, #tpu.memory_space<hbm>>
      %dma_start3A_985 = tpu.memref_squeeze %dma_start3A_984 : memref<1x8x64xf32, #tpu.memory_space<hbm>> -> memref<8x64xf32, #tpu.memory_space<hbm>>
      %dma_start3A_986 = arith.constant 0 : i32
      %dma_start3A_987 = arith.constant 0 : i32
      %dma_start3A_988 = tpu.memref_slice %arg15[%dma_start3A_977, %dma_start3A_986, %dma_start3A_987] : memref<16x8x64xf32, #tpu.memory_space<vmem>> -> memref<1x8x64xf32, #tpu.memory_space<vmem>>
      %dma_start3A_989 = tpu.memref_squeeze %dma_start3A_988 : memref<1x8x64xf32, #tpu.memory_space<vmem>> -> memref<8x64xf32, #tpu.memory_space<vmem>>
      %dma_start3A_990 = arith.constant 0 : i32
      %dma_start3A_991 = arith.constant 0 : i32
      %dma_start3A_992 = tpu.memref_slice %arg3[%squeeze3A_976, %dma_start3A_990, %dma_start3A_991] : memref<125000x8x64xf32, #tpu.memory_space<hbm>> -> memref<1x8x64xf32, #tpu.memory_space<hbm>>
      %dma_start3A_993 = tpu.memref_squeeze %dma_start3A_992 : memref<1x8x64xf32, #tpu.memory_space<hbm>> -> memref<8x64xf32, #tpu.memory_space<hbm>>
      tpu.enqueue_dma source(%dma_start3A_993 : memref<8x64xf32, #tpu.memory_space<hbm>>) target(%dma_start3A_989 : memref<8x64xf32, #tpu.memory_space<vmem>>) target_semaphore(%arg22 : memref<!tpu.dma_semaphore, #tpu.memory_space<semaphore_mem>>)
      %slice3A_994 = vector.extract_strided_slice %shift_right_logical3A_558 {offsets = [7], sizes = [1], strides = [1]} : vector<16xi32> to vector<1xi32>
      %squeeze3A_995 = vector.extract %slice3A_994[0] : i32 from vector<1xi32>
      %dma_start3A_996 = arith.constant 7 : i32
      %dma_start3A_997 = arith.constant 0 : i32
      %dma_start3A_998 = arith.constant 0 : i32
      %dma_start3A_999 = tpu.memref_slice %arg16[%dma_start3A_996, %dma_start3A_997, %dma_start3A_998] : memref<16x8x64xf32, #tpu.memory_space<vmem>> -> memref<1x8x64xf32, #tpu.memory_space<vmem>>
      %dma_start3A_1000 = tpu.memref_squeeze %dma_start3A_999 : memref<1x8x64xf32, #tpu.memory_space<vmem>> -> memref<8x64xf32, #tpu.memory_space<vmem>>
      %dma_start3A_1001 = arith.constant 0 : i32
      %dma_start3A_1002 = arith.constant 0 : i32
      %dma_start3A_1003 = tpu.memref_slice %arg3[%squeeze3A_995, %dma_start3A_1001, %dma_start3A_1002] : memref<125000x8x64xf32, #tpu.memory_space<hbm>> -> memref<1x8x64xf32, #tpu.memory_space<hbm>>
      %dma_start3A_1004 = tpu.memref_squeeze %dma_start3A_1003 : memref<1x8x64xf32, #tpu.memory_space<hbm>> -> memref<8x64xf32, #tpu.memory_space<hbm>>
      %dma_start3A_1005 = arith.constant 0 : i32
      %dma_start3A_1006 = arith.constant 0 : i32
      %dma_start3A_1007 = tpu.memref_slice %arg16[%dma_start3A_996, %dma_start3A_1005, %dma_start3A_1006] : memref<16x8x64xf32, #tpu.memory_space<vmem>> -> memref<1x8x64xf32, #tpu.memory_space<vmem>>
      %dma_start3A_1008 = tpu.memref_squeeze %dma_start3A_1007 : memref<1x8x64xf32, #tpu.memory_space<vmem>> -> memref<8x64xf32, #tpu.memory_space<vmem>>
      %dma_start3A_1009 = arith.constant 0 : i32
      %dma_start3A_1010 = arith.constant 0 : i32
      %dma_start3A_1011 = tpu.memref_slice %arg3[%squeeze3A_995, %dma_start3A_1009, %dma_start3A_1010] : memref<125000x8x64xf32, #tpu.memory_space<hbm>> -> memref<1x8x64xf32, #tpu.memory_space<hbm>>
      %dma_start3A_1012 = tpu.memref_squeeze %dma_start3A_1011 : memref<1x8x64xf32, #tpu.memory_space<hbm>> -> memref<8x64xf32, #tpu.memory_space<hbm>>
      tpu.enqueue_dma source(%dma_start3A_1012 : memref<8x64xf32, #tpu.memory_space<hbm>>) target(%dma_start3A_1008 : memref<8x64xf32, #tpu.memory_space<vmem>>) target_semaphore(%arg22 : memref<!tpu.dma_semaphore, #tpu.memory_space<semaphore_mem>>)
      %slice3A_1013 = vector.extract_strided_slice %shift_right_logical3A_552 {offsets = [8], sizes = [1], strides = [1]} : vector<16xi32> to vector<1xi32>
      %squeeze3A_1014 = vector.extract %slice3A_1013[0] : i32 from vector<1xi32>
      %dma_start3A_1015 = arith.constant 8 : i32
      %dma_start3A_1016 = arith.constant 0 : i32
      %dma_start3A_1017 = arith.constant 0 : i32
      %dma_start3A_1018 = tpu.memref_slice %arg14[%dma_start3A_1015, %dma_start3A_1016, %dma_start3A_1017] : memref<16x8x64xf32, #tpu.memory_space<vmem>> -> memref<1x8x64xf32, #tpu.memory_space<vmem>>
      %dma_start3A_1019 = tpu.memref_squeeze %dma_start3A_1018 : memref<1x8x64xf32, #tpu.memory_space<vmem>> -> memref<8x64xf32, #tpu.memory_space<vmem>>
      %dma_start3A_1020 = arith.constant 0 : i32
      %dma_start3A_1021 = arith.constant 0 : i32
      %dma_start3A_1022 = tpu.memref_slice %arg2[%squeeze3A_1014, %dma_start3A_1020, %dma_start3A_1021] : memref<125000x8x64xf32, #tpu.memory_space<hbm>> -> memref<1x8x64xf32, #tpu.memory_space<hbm>>
      %dma_start3A_1023 = tpu.memref_squeeze %dma_start3A_1022 : memref<1x8x64xf32, #tpu.memory_space<hbm>> -> memref<8x64xf32, #tpu.memory_space<hbm>>
      %dma_start3A_1024 = arith.constant 0 : i32
      %dma_start3A_1025 = arith.constant 0 : i32
      %dma_start3A_1026 = tpu.memref_slice %arg14[%dma_start3A_1015, %dma_start3A_1024, %dma_start3A_1025] : memref<16x8x64xf32, #tpu.memory_space<vmem>> -> memref<1x8x64xf32, #tpu.memory_space<vmem>>
      %dma_start3A_1027 = tpu.memref_squeeze %dma_start3A_1026 : memref<1x8x64xf32, #tpu.memory_space<vmem>> -> memref<8x64xf32, #tpu.memory_space<vmem>>
      %dma_start3A_1028 = arith.constant 0 : i32
      %dma_start3A_1029 = arith.constant 0 : i32
      %dma_start3A_1030 = tpu.memref_slice %arg2[%squeeze3A_1014, %dma_start3A_1028, %dma_start3A_1029] : memref<125000x8x64xf32, #tpu.memory_space<hbm>> -> memref<1x8x64xf32, #tpu.memory_space<hbm>>
      %dma_start3A_1031 = tpu.memref_squeeze %dma_start3A_1030 : memref<1x8x64xf32, #tpu.memory_space<hbm>> -> memref<8x64xf32, #tpu.memory_space<hbm>>
      tpu.enqueue_dma source(%dma_start3A_1031 : memref<8x64xf32, #tpu.memory_space<hbm>>) target(%dma_start3A_1027 : memref<8x64xf32, #tpu.memory_space<vmem>>) target_semaphore(%arg22 : memref<!tpu.dma_semaphore, #tpu.memory_space<semaphore_mem>>)
      %slice3A_1032 = vector.extract_strided_slice %shift_right_logical3A_555 {offsets = [8], sizes = [1], strides = [1]} : vector<16xi32> to vector<1xi32>
      %squeeze3A_1033 = vector.extract %slice3A_1032[0] : i32 from vector<1xi32>
      %dma_start3A_1034 = arith.constant 8 : i32
      %dma_start3A_1035 = arith.constant 0 : i32
      %dma_start3A_1036 = arith.constant 0 : i32
      %dma_start3A_1037 = tpu.memref_slice %arg15[%dma_start3A_1034, %dma_start3A_1035, %dma_start3A_1036] : memref<16x8x64xf32, #tpu.memory_space<vmem>> -> memref<1x8x64xf32, #tpu.memory_space<vmem>>
      %dma_start3A_1038 = tpu.memref_squeeze %dma_start3A_1037 : memref<1x8x64xf32, #tpu.memory_space<vmem>> -> memref<8x64xf32, #tpu.memory_space<vmem>>
      %dma_start3A_1039 = arith.constant 0 : i32
      %dma_start3A_1040 = arith.constant 0 : i32
      %dma_start3A_1041 = tpu.memref_slice %arg3[%squeeze3A_1033, %dma_start3A_1039, %dma_start3A_1040] : memref<125000x8x64xf32, #tpu.memory_space<hbm>> -> memref<1x8x64xf32, #tpu.memory_space<hbm>>
      %dma_start3A_1042 = tpu.memref_squeeze %dma_start3A_1041 : memref<1x8x64xf32, #tpu.memory_space<hbm>> -> memref<8x64xf32, #tpu.memory_space<hbm>>
      %dma_start3A_1043 = arith.constant 0 : i32
      %dma_start3A_1044 = arith.constant 0 : i32
      %dma_start3A_1045 = tpu.memref_slice %arg15[%dma_start3A_1034, %dma_start3A_1043, %dma_start3A_1044] : memref<16x8x64xf32, #tpu.memory_space<vmem>> -> memref<1x8x64xf32, #tpu.memory_space<vmem>>
      %dma_start3A_1046 = tpu.memref_squeeze %dma_start3A_1045 : memref<1x8x64xf32, #tpu.memory_space<vmem>> -> memref<8x64xf32, #tpu.memory_space<vmem>>
      %dma_start3A_1047 = arith.constant 0 : i32
      %dma_start3A_1048 = arith.constant 0 : i32
      %dma_start3A_1049 = tpu.memref_slice %arg3[%squeeze3A_1033, %dma_start3A_1047, %dma_start3A_1048] : memref<125000x8x64xf32, #tpu.memory_space<hbm>> -> memref<1x8x64xf32, #tpu.memory_space<hbm>>
      %dma_start3A_1050 = tpu.memref_squeeze %dma_start3A_1049 : memref<1x8x64xf32, #tpu.memory_space<hbm>> -> memref<8x64xf32, #tpu.memory_space<hbm>>
      tpu.enqueue_dma source(%dma_start3A_1050 : memref<8x64xf32, #tpu.memory_space<hbm>>) target(%dma_start3A_1046 : memref<8x64xf32, #tpu.memory_space<vmem>>) target_semaphore(%arg22 : memref<!tpu.dma_semaphore, #tpu.memory_space<semaphore_mem>>)
      %slice3A_1051 = vector.extract_strided_slice %shift_right_logical3A_558 {offsets = [8], sizes = [1], strides = [1]} : vector<16xi32> to vector<1xi32>
      %squeeze3A_1052 = vector.extract %slice3A_1051[0] : i32 from vector<1xi32>
      %dma_start3A_1053 = arith.constant 8 : i32
      %dma_start3A_1054 = arith.constant 0 : i32
      %dma_start3A_1055 = arith.constant 0 : i32
      %dma_start3A_1056 = tpu.memref_slice %arg16[%dma_start3A_1053, %dma_start3A_1054, %dma_start3A_1055] : memref<16x8x64xf32, #tpu.memory_space<vmem>> -> memref<1x8x64xf32, #tpu.memory_space<vmem>>
      %dma_start3A_1057 = tpu.memref_squeeze %dma_start3A_1056 : memref<1x8x64xf32, #tpu.memory_space<vmem>> -> memref<8x64xf32, #tpu.memory_space<vmem>>
      %dma_start3A_1058 = arith.constant 0 : i32
      %dma_start3A_1059 = arith.constant 0 : i32
      %dma_start3A_1060 = tpu.memref_slice %arg3[%squeeze3A_1052, %dma_start3A_1058, %dma_start3A_1059] : memref<125000x8x64xf32, #tpu.memory_space<hbm>> -> memref<1x8x64xf32, #tpu.memory_space<hbm>>
      %dma_start3A_1061 = tpu.memref_squeeze %dma_start3A_1060 : memref<1x8x64xf32, #tpu.memory_space<hbm>> -> memref<8x64xf32, #tpu.memory_space<hbm>>
      %dma_start3A_1062 = arith.constant 0 : i32
      %dma_start3A_1063 = arith.constant 0 : i32
      %dma_start3A_1064 = tpu.memref_slice %arg16[%dma_start3A_1053, %dma_start3A_1062, %dma_start3A_1063] : memref<16x8x64xf32, #tpu.memory_space<vmem>> -> memref<1x8x64xf32, #tpu.memory_space<vmem>>
      %dma_start3A_1065 = tpu.memref_squeeze %dma_start3A_1064 : memref<1x8x64xf32, #tpu.memory_space<vmem>> -> memref<8x64xf32, #tpu.memory_space<vmem>>
      %dma_start3A_1066 = arith.constant 0 : i32
      %dma_start3A_1067 = arith.constant 0 : i32
      %dma_start3A_1068 = tpu.memref_slice %arg3[%squeeze3A_1052, %dma_start3A_1066, %dma_start3A_1067] : memref<125000x8x64xf32, #tpu.memory_space<hbm>> -> memref<1x8x64xf32, #tpu.memory_space<hbm>>
      %dma_start3A_1069 = tpu.memref_squeeze %dma_start3A_1068 : memref<1x8x64xf32, #tpu.memory_space<hbm>> -> memref<8x64xf32, #tpu.memory_space<hbm>>
      tpu.enqueue_dma source(%dma_start3A_1069 : memref<8x64xf32, #tpu.memory_space<hbm>>) target(%dma_start3A_1065 : memref<8x64xf32, #tpu.memory_space<vmem>>) target_semaphore(%arg22 : memref<!tpu.dma_semaphore, #tpu.memory_space<semaphore_mem>>)
      %slice3A_1070 = vector.extract_strided_slice %shift_right_logical3A_552 {offsets = [9], sizes = [1], strides = [1]} : vector<16xi32> to vector<1xi32>
      %squeeze3A_1071 = vector.extract %slice3A_1070[0] : i32 from vector<1xi32>
      %dma_start3A_1072 = arith.constant 9 : i32
      %dma_start3A_1073 = arith.constant 0 : i32
      %dma_start3A_1074 = arith.constant 0 : i32
      %dma_start3A_1075 = tpu.memref_slice %arg14[%dma_start3A_1072, %dma_start3A_1073, %dma_start3A_1074] : memref<16x8x64xf32, #tpu.memory_space<vmem>> -> memref<1x8x64xf32, #tpu.memory_space<vmem>>
      %dma_start3A_1076 = tpu.memref_squeeze %dma_start3A_1075 : memref<1x8x64xf32, #tpu.memory_space<vmem>> -> memref<8x64xf32, #tpu.memory_space<vmem>>
      %dma_start3A_1077 = arith.constant 0 : i32
      %dma_start3A_1078 = arith.constant 0 : i32
      %dma_start3A_1079 = tpu.memref_slice %arg2[%squeeze3A_1071, %dma_start3A_1077, %dma_start3A_1078] : memref<125000x8x64xf32, #tpu.memory_space<hbm>> -> memref<1x8x64xf32, #tpu.memory_space<hbm>>
      %dma_start3A_1080 = tpu.memref_squeeze %dma_start3A_1079 : memref<1x8x64xf32, #tpu.memory_space<hbm>> -> memref<8x64xf32, #tpu.memory_space<hbm>>
      %dma_start3A_1081 = arith.constant 0 : i32
      %dma_start3A_1082 = arith.constant 0 : i32
      %dma_start3A_1083 = tpu.memref_slice %arg14[%dma_start3A_1072, %dma_start3A_1081, %dma_start3A_1082] : memref<16x8x64xf32, #tpu.memory_space<vmem>> -> memref<1x8x64xf32, #tpu.memory_space<vmem>>
      %dma_start3A_1084 = tpu.memref_squeeze %dma_start3A_1083 : memref<1x8x64xf32, #tpu.memory_space<vmem>> -> memref<8x64xf32, #tpu.memory_space<vmem>>
      %dma_start3A_1085 = arith.constant 0 : i32
      %dma_start3A_1086 = arith.constant 0 : i32
      %dma_start3A_1087 = tpu.memref_slice %arg2[%squeeze3A_1071, %dma_start3A_1085, %dma_start3A_1086] : memref<125000x8x64xf32, #tpu.memory_space<hbm>> -> memref<1x8x64xf32, #tpu.memory_space<hbm>>
      %dma_start3A_1088 = tpu.memref_squeeze %dma_start3A_1087 : memref<1x8x64xf32, #tpu.memory_space<hbm>> -> memref<8x64xf32, #tpu.memory_space<hbm>>
      tpu.enqueue_dma source(%dma_start3A_1088 : memref<8x64xf32, #tpu.memory_space<hbm>>) target(%dma_start3A_1084 : memref<8x64xf32, #tpu.memory_space<vmem>>) target_semaphore(%arg22 : memref<!tpu.dma_semaphore, #tpu.memory_space<semaphore_mem>>)
      %slice3A_1089 = vector.extract_strided_slice %shift_right_logical3A_555 {offsets = [9], sizes = [1], strides = [1]} : vector<16xi32> to vector<1xi32>
      %squeeze3A_1090 = vector.extract %slice3A_1089[0] : i32 from vector<1xi32>
      %dma_start3A_1091 = arith.constant 9 : i32
      %dma_start3A_1092 = arith.constant 0 : i32
      %dma_start3A_1093 = arith.constant 0 : i32
      %dma_start3A_1094 = tpu.memref_slice %arg15[%dma_start3A_1091, %dma_start3A_1092, %dma_start3A_1093] : memref<16x8x64xf32, #tpu.memory_space<vmem>> -> memref<1x8x64xf32, #tpu.memory_space<vmem>>
      %dma_start3A_1095 = tpu.memref_squeeze %dma_start3A_1094 : memref<1x8x64xf32, #tpu.memory_space<vmem>> -> memref<8x64xf32, #tpu.memory_space<vmem>>
      %dma_start3A_1096 = arith.constant 0 : i32
      %dma_start3A_1097 = arith.constant 0 : i32
      %dma_start3A_1098 = tpu.memref_slice %arg3[%squeeze3A_1090, %dma_start3A_1096, %dma_start3A_1097] : memref<125000x8x64xf32, #tpu.memory_space<hbm>> -> memref<1x8x64xf32, #tpu.memory_space<hbm>>
      %dma_start3A_1099 = tpu.memref_squeeze %dma_start3A_1098 : memref<1x8x64xf32, #tpu.memory_space<hbm>> -> memref<8x64xf32, #tpu.memory_space<hbm>>
      %dma_start3A_1100 = arith.constant 0 : i32
      %dma_start3A_1101 = arith.constant 0 : i32
      %dma_start3A_1102 = tpu.memref_slice %arg15[%dma_start3A_1091, %dma_start3A_1100, %dma_start3A_1101] : memref<16x8x64xf32, #tpu.memory_space<vmem>> -> memref<1x8x64xf32, #tpu.memory_space<vmem>>
      %dma_start3A_1103 = tpu.memref_squeeze %dma_start3A_1102 : memref<1x8x64xf32, #tpu.memory_space<vmem>> -> memref<8x64xf32, #tpu.memory_space<vmem>>
      %dma_start3A_1104 = arith.constant 0 : i32
      %dma_start3A_1105 = arith.constant 0 : i32
      %dma_start3A_1106 = tpu.memref_slice %arg3[%squeeze3A_1090, %dma_start3A_1104, %dma_start3A_1105] : memref<125000x8x64xf32, #tpu.memory_space<hbm>> -> memref<1x8x64xf32, #tpu.memory_space<hbm>>
      %dma_start3A_1107 = tpu.memref_squeeze %dma_start3A_1106 : memref<1x8x64xf32, #tpu.memory_space<hbm>> -> memref<8x64xf32, #tpu.memory_space<hbm>>
      tpu.enqueue_dma source(%dma_start3A_1107 : memref<8x64xf32, #tpu.memory_space<hbm>>) target(%dma_start3A_1103 : memref<8x64xf32, #tpu.memory_space<vmem>>) target_semaphore(%arg22 : memref<!tpu.dma_semaphore, #tpu.memory_space<semaphore_mem>>)
      %slice3A_1108 = vector.extract_strided_slice %shift_right_logical3A_558 {offsets = [9], sizes = [1], strides = [1]} : vector<16xi32> to vector<1xi32>
      %squeeze3A_1109 = vector.extract %slice3A_1108[0] : i32 from vector<1xi32>
      %dma_start3A_1110 = arith.constant 9 : i32
      %dma_start3A_1111 = arith.constant 0 : i32
      %dma_start3A_1112 = arith.constant 0 : i32
      %dma_start3A_1113 = tpu.memref_slice %arg16[%dma_start3A_1110, %dma_start3A_1111, %dma_start3A_1112] : memref<16x8x64xf32, #tpu.memory_space<vmem>> -> memref<1x8x64xf32, #tpu.memory_space<vmem>>
      %dma_start3A_1114 = tpu.memref_squeeze %dma_start3A_1113 : memref<1x8x64xf32, #tpu.memory_space<vmem>> -> memref<8x64xf32, #tpu.memory_space<vmem>>
      %dma_start3A_1115 = arith.constant 0 : i32
      %dma_start3A_1116 = arith.constant 0 : i32
      %dma_start3A_1117 = tpu.memref_slice %arg3[%squeeze3A_1109, %dma_start3A_1115, %dma_start3A_1116] : memref<125000x8x64xf32, #tpu.memory_space<hbm>> -> memref<1x8x64xf32, #tpu.memory_space<hbm>>
      %dma_start3A_1118 = tpu.memref_squeeze %dma_start3A_1117 : memref<1x8x64xf32, #tpu.memory_space<hbm>> -> memref<8x64xf32, #tpu.memory_space<hbm>>
      %dma_start3A_1119 = arith.constant 0 : i32
      %dma_start3A_1120 = arith.constant 0 : i32
      %dma_start3A_1121 = tpu.memref_slice %arg16[%dma_start3A_1110, %dma_start3A_1119, %dma_start3A_1120] : memref<16x8x64xf32, #tpu.memory_space<vmem>> -> memref<1x8x64xf32, #tpu.memory_space<vmem>>
      %dma_start3A_1122 = tpu.memref_squeeze %dma_start3A_1121 : memref<1x8x64xf32, #tpu.memory_space<vmem>> -> memref<8x64xf32, #tpu.memory_space<vmem>>
      %dma_start3A_1123 = arith.constant 0 : i32
      %dma_start3A_1124 = arith.constant 0 : i32
      %dma_start3A_1125 = tpu.memref_slice %arg3[%squeeze3A_1109, %dma_start3A_1123, %dma_start3A_1124] : memref<125000x8x64xf32, #tpu.memory_space<hbm>> -> memref<1x8x64xf32, #tpu.memory_space<hbm>>
      %dma_start3A_1126 = tpu.memref_squeeze %dma_start3A_1125 : memref<1x8x64xf32, #tpu.memory_space<hbm>> -> memref<8x64xf32, #tpu.memory_space<hbm>>
      tpu.enqueue_dma source(%dma_start3A_1126 : memref<8x64xf32, #tpu.memory_space<hbm>>) target(%dma_start3A_1122 : memref<8x64xf32, #tpu.memory_space<vmem>>) target_semaphore(%arg22 : memref<!tpu.dma_semaphore, #tpu.memory_space<semaphore_mem>>)
      %slice3A_1127 = vector.extract_strided_slice %shift_right_logical3A_552 {offsets = [10], sizes = [1], strides = [1]} : vector<16xi32> to vector<1xi32>
      %squeeze3A_1128 = vector.extract %slice3A_1127[0] : i32 from vector<1xi32>
      %dma_start3A_1129 = arith.constant 10 : i32
      %dma_start3A_1130 = arith.constant 0 : i32
      %dma_start3A_1131 = arith.constant 0 : i32
      %dma_start3A_1132 = tpu.memref_slice %arg14[%dma_start3A_1129, %dma_start3A_1130, %dma_start3A_1131] : memref<16x8x64xf32, #tpu.memory_space<vmem>> -> memref<1x8x64xf32, #tpu.memory_space<vmem>>
      %dma_start3A_1133 = tpu.memref_squeeze %dma_start3A_1132 : memref<1x8x64xf32, #tpu.memory_space<vmem>> -> memref<8x64xf32, #tpu.memory_space<vmem>>
      %dma_start3A_1134 = arith.constant 0 : i32
      %dma_start3A_1135 = arith.constant 0 : i32
      %dma_start3A_1136 = tpu.memref_slice %arg2[%squeeze3A_1128, %dma_start3A_1134, %dma_start3A_1135] : memref<125000x8x64xf32, #tpu.memory_space<hbm>> -> memref<1x8x64xf32, #tpu.memory_space<hbm>>
      %dma_start3A_1137 = tpu.memref_squeeze %dma_start3A_1136 : memref<1x8x64xf32, #tpu.memory_space<hbm>> -> memref<8x64xf32, #tpu.memory_space<hbm>>
      %dma_start3A_1138 = arith.constant 0 : i32
      %dma_start3A_1139 = arith.constant 0 : i32
      %dma_start3A_1140 = tpu.memref_slice %arg14[%dma_start3A_1129, %dma_start3A_1138, %dma_start3A_1139] : memref<16x8x64xf32, #tpu.memory_space<vmem>> -> memref<1x8x64xf32, #tpu.memory_space<vmem>>
      %dma_start3A_1141 = tpu.memref_squeeze %dma_start3A_1140 : memref<1x8x64xf32, #tpu.memory_space<vmem>> -> memref<8x64xf32, #tpu.memory_space<vmem>>
      %dma_start3A_1142 = arith.constant 0 : i32
      %dma_start3A_1143 = arith.constant 0 : i32
      %dma_start3A_1144 = tpu.memref_slice %arg2[%squeeze3A_1128, %dma_start3A_1142, %dma_start3A_1143] : memref<125000x8x64xf32, #tpu.memory_space<hbm>> -> memref<1x8x64xf32, #tpu.memory_space<hbm>>
      %dma_start3A_1145 = tpu.memref_squeeze %dma_start3A_1144 : memref<1x8x64xf32, #tpu.memory_space<hbm>> -> memref<8x64xf32, #tpu.memory_space<hbm>>
      tpu.enqueue_dma source(%dma_start3A_1145 : memref<8x64xf32, #tpu.memory_space<hbm>>) target(%dma_start3A_1141 : memref<8x64xf32, #tpu.memory_space<vmem>>) target_semaphore(%arg22 : memref<!tpu.dma_semaphore, #tpu.memory_space<semaphore_mem>>)
      %slice3A_1146 = vector.extract_strided_slice %shift_right_logical3A_555 {offsets = [10], sizes = [1], strides = [1]} : vector<16xi32> to vector<1xi32>
      %squeeze3A_1147 = vector.extract %slice3A_1146[0] : i32 from vector<1xi32>
      %dma_start3A_1148 = arith.constant 10 : i32
      %dma_start3A_1149 = arith.constant 0 : i32
      %dma_start3A_1150 = arith.constant 0 : i32
      %dma_start3A_1151 = tpu.memref_slice %arg15[%dma_start3A_1148, %dma_start3A_1149, %dma_start3A_1150] : memref<16x8x64xf32, #tpu.memory_space<vmem>> -> memref<1x8x64xf32, #tpu.memory_space<vmem>>
      %dma_start3A_1152 = tpu.memref_squeeze %dma_start3A_1151 : memref<1x8x64xf32, #tpu.memory_space<vmem>> -> memref<8x64xf32, #tpu.memory_space<vmem>>
      %dma_start3A_1153 = arith.constant 0 : i32
      %dma_start3A_1154 = arith.constant 0 : i32
      %dma_start3A_1155 = tpu.memref_slice %arg3[%squeeze3A_1147, %dma_start3A_1153, %dma_start3A_1154] : memref<125000x8x64xf32, #tpu.memory_space<hbm>> -> memref<1x8x64xf32, #tpu.memory_space<hbm>>
      %dma_start3A_1156 = tpu.memref_squeeze %dma_start3A_1155 : memref<1x8x64xf32, #tpu.memory_space<hbm>> -> memref<8x64xf32, #tpu.memory_space<hbm>>
      %dma_start3A_1157 = arith.constant 0 : i32
      %dma_start3A_1158 = arith.constant 0 : i32
      %dma_start3A_1159 = tpu.memref_slice %arg15[%dma_start3A_1148, %dma_start3A_1157, %dma_start3A_1158] : memref<16x8x64xf32, #tpu.memory_space<vmem>> -> memref<1x8x64xf32, #tpu.memory_space<vmem>>
      %dma_start3A_1160 = tpu.memref_squeeze %dma_start3A_1159 : memref<1x8x64xf32, #tpu.memory_space<vmem>> -> memref<8x64xf32, #tpu.memory_space<vmem>>
      %dma_start3A_1161 = arith.constant 0 : i32
      %dma_start3A_1162 = arith.constant 0 : i32
      %dma_start3A_1163 = tpu.memref_slice %arg3[%squeeze3A_1147, %dma_start3A_1161, %dma_start3A_1162] : memref<125000x8x64xf32, #tpu.memory_space<hbm>> -> memref<1x8x64xf32, #tpu.memory_space<hbm>>
      %dma_start3A_1164 = tpu.memref_squeeze %dma_start3A_1163 : memref<1x8x64xf32, #tpu.memory_space<hbm>> -> memref<8x64xf32, #tpu.memory_space<hbm>>
      tpu.enqueue_dma source(%dma_start3A_1164 : memref<8x64xf32, #tpu.memory_space<hbm>>) target(%dma_start3A_1160 : memref<8x64xf32, #tpu.memory_space<vmem>>) target_semaphore(%arg22 : memref<!tpu.dma_semaphore, #tpu.memory_space<semaphore_mem>>)
      %slice3A_1165 = vector.extract_strided_slice %shift_right_logical3A_558 {offsets = [10], sizes = [1], strides = [1]} : vector<16xi32> to vector<1xi32>
      %squeeze3A_1166 = vector.extract %slice3A_1165[0] : i32 from vector<1xi32>
      %dma_start3A_1167 = arith.constant 10 : i32
      %dma_start3A_1168 = arith.constant 0 : i32
      %dma_start3A_1169 = arith.constant 0 : i32
      %dma_start3A_1170 = tpu.memref_slice %arg16[%dma_start3A_1167, %dma_start3A_1168, %dma_start3A_1169] : memref<16x8x64xf32, #tpu.memory_space<vmem>> -> memref<1x8x64xf32, #tpu.memory_space<vmem>>
      %dma_start3A_1171 = tpu.memref_squeeze %dma_start3A_1170 : memref<1x8x64xf32, #tpu.memory_space<vmem>> -> memref<8x64xf32, #tpu.memory_space<vmem>>
      %dma_start3A_1172 = arith.constant 0 : i32
      %dma_start3A_1173 = arith.constant 0 : i32
      %dma_start3A_1174 = tpu.memref_slice %arg3[%squeeze3A_1166, %dma_start3A_1172, %dma_start3A_1173] : memref<125000x8x64xf32, #tpu.memory_space<hbm>> -> memref<1x8x64xf32, #tpu.memory_space<hbm>>
      %dma_start3A_1175 = tpu.memref_squeeze %dma_start3A_1174 : memref<1x8x64xf32, #tpu.memory_space<hbm>> -> memref<8x64xf32, #tpu.memory_space<hbm>>
      %dma_start3A_1176 = arith.constant 0 : i32
      %dma_start3A_1177 = arith.constant 0 : i32
      %dma_start3A_1178 = tpu.memref_slice %arg16[%dma_start3A_1167, %dma_start3A_1176, %dma_start3A_1177] : memref<16x8x64xf32, #tpu.memory_space<vmem>> -> memref<1x8x64xf32, #tpu.memory_space<vmem>>
      %dma_start3A_1179 = tpu.memref_squeeze %dma_start3A_1178 : memref<1x8x64xf32, #tpu.memory_space<vmem>> -> memref<8x64xf32, #tpu.memory_space<vmem>>
      %dma_start3A_1180 = arith.constant 0 : i32
      %dma_start3A_1181 = arith.constant 0 : i32
      %dma_start3A_1182 = tpu.memref_slice %arg3[%squeeze3A_1166, %dma_start3A_1180, %dma_start3A_1181] : memref<125000x8x64xf32, #tpu.memory_space<hbm>> -> memref<1x8x64xf32, #tpu.memory_space<hbm>>
      %dma_start3A_1183 = tpu.memref_squeeze %dma_start3A_1182 : memref<1x8x64xf32, #tpu.memory_space<hbm>> -> memref<8x64xf32, #tpu.memory_space<hbm>>
      tpu.enqueue_dma source(%dma_start3A_1183 : memref<8x64xf32, #tpu.memory_space<hbm>>) target(%dma_start3A_1179 : memref<8x64xf32, #tpu.memory_space<vmem>>) target_semaphore(%arg22 : memref<!tpu.dma_semaphore, #tpu.memory_space<semaphore_mem>>)
      %slice3A_1184 = vector.extract_strided_slice %shift_right_logical3A_552 {offsets = [11], sizes = [1], strides = [1]} : vector<16xi32> to vector<1xi32>
      %squeeze3A_1185 = vector.extract %slice3A_1184[0] : i32 from vector<1xi32>
      %dma_start3A_1186 = arith.constant 11 : i32
      %dma_start3A_1187 = arith.constant 0 : i32
      %dma_start3A_1188 = arith.constant 0 : i32
      %dma_start3A_1189 = tpu.memref_slice %arg14[%dma_start3A_1186, %dma_start3A_1187, %dma_start3A_1188] : memref<16x8x64xf32, #tpu.memory_space<vmem>> -> memref<1x8x64xf32, #tpu.memory_space<vmem>>
      %dma_start3A_1190 = tpu.memref_squeeze %dma_start3A_1189 : memref<1x8x64xf32, #tpu.memory_space<vmem>> -> memref<8x64xf32, #tpu.memory_space<vmem>>
      %dma_start3A_1191 = arith.constant 0 : i32
      %dma_start3A_1192 = arith.constant 0 : i32
      %dma_start3A_1193 = tpu.memref_slice %arg2[%squeeze3A_1185, %dma_start3A_1191, %dma_start3A_1192] : memref<125000x8x64xf32, #tpu.memory_space<hbm>> -> memref<1x8x64xf32, #tpu.memory_space<hbm>>
      %dma_start3A_1194 = tpu.memref_squeeze %dma_start3A_1193 : memref<1x8x64xf32, #tpu.memory_space<hbm>> -> memref<8x64xf32, #tpu.memory_space<hbm>>
      %dma_start3A_1195 = arith.constant 0 : i32
      %dma_start3A_1196 = arith.constant 0 : i32
      %dma_start3A_1197 = tpu.memref_slice %arg14[%dma_start3A_1186, %dma_start3A_1195, %dma_start3A_1196] : memref<16x8x64xf32, #tpu.memory_space<vmem>> -> memref<1x8x64xf32, #tpu.memory_space<vmem>>
      %dma_start3A_1198 = tpu.memref_squeeze %dma_start3A_1197 : memref<1x8x64xf32, #tpu.memory_space<vmem>> -> memref<8x64xf32, #tpu.memory_space<vmem>>
      %dma_start3A_1199 = arith.constant 0 : i32
      %dma_start3A_1200 = arith.constant 0 : i32
      %dma_start3A_1201 = tpu.memref_slice %arg2[%squeeze3A_1185, %dma_start3A_1199, %dma_start3A_1200] : memref<125000x8x64xf32, #tpu.memory_space<hbm>> -> memref<1x8x64xf32, #tpu.memory_space<hbm>>
      %dma_start3A_1202 = tpu.memref_squeeze %dma_start3A_1201 : memref<1x8x64xf32, #tpu.memory_space<hbm>> -> memref<8x64xf32, #tpu.memory_space<hbm>>
      tpu.enqueue_dma source(%dma_start3A_1202 : memref<8x64xf32, #tpu.memory_space<hbm>>) target(%dma_start3A_1198 : memref<8x64xf32, #tpu.memory_space<vmem>>) target_semaphore(%arg22 : memref<!tpu.dma_semaphore, #tpu.memory_space<semaphore_mem>>)
      %slice3A_1203 = vector.extract_strided_slice %shift_right_logical3A_555 {offsets = [11], sizes = [1], strides = [1]} : vector<16xi32> to vector<1xi32>
      %squeeze3A_1204 = vector.extract %slice3A_1203[0] : i32 from vector<1xi32>
      %dma_start3A_1205 = arith.constant 11 : i32
      %dma_start3A_1206 = arith.constant 0 : i32
      %dma_start3A_1207 = arith.constant 0 : i32
      %dma_start3A_1208 = tpu.memref_slice %arg15[%dma_start3A_1205, %dma_start3A_1206, %dma_start3A_1207] : memref<16x8x64xf32, #tpu.memory_space<vmem>> -> memref<1x8x64xf32, #tpu.memory_space<vmem>>
      %dma_start3A_1209 = tpu.memref_squeeze %dma_start3A_1208 : memref<1x8x64xf32, #tpu.memory_space<vmem>> -> memref<8x64xf32, #tpu.memory_space<vmem>>
      %dma_start3A_1210 = arith.constant 0 : i32
      %dma_start3A_1211 = arith.constant 0 : i32
      %dma_start3A_1212 = tpu.memref_slice %arg3[%squeeze3A_1204, %dma_start3A_1210, %dma_start3A_1211] : memref<125000x8x64xf32, #tpu.memory_space<hbm>> -> memref<1x8x64xf32, #tpu.memory_space<hbm>>
      %dma_start3A_1213 = tpu.memref_squeeze %dma_start3A_1212 : memref<1x8x64xf32, #tpu.memory_space<hbm>> -> memref<8x64xf32, #tpu.memory_space<hbm>>
      %dma_start3A_1214 = arith.constant 0 : i32
      %dma_start3A_1215 = arith.constant 0 : i32
      %dma_start3A_1216 = tpu.memref_slice %arg15[%dma_start3A_1205, %dma_start3A_1214, %dma_start3A_1215] : memref<16x8x64xf32, #tpu.memory_space<vmem>> -> memref<1x8x64xf32, #tpu.memory_space<vmem>>
      %dma_start3A_1217 = tpu.memref_squeeze %dma_start3A_1216 : memref<1x8x64xf32, #tpu.memory_space<vmem>> -> memref<8x64xf32, #tpu.memory_space<vmem>>
      %dma_start3A_1218 = arith.constant 0 : i32
      %dma_start3A_1219 = arith.constant 0 : i32
      %dma_start3A_1220 = tpu.memref_slice %arg3[%squeeze3A_1204, %dma_start3A_1218, %dma_start3A_1219] : memref<125000x8x64xf32, #tpu.memory_space<hbm>> -> memref<1x8x64xf32, #tpu.memory_space<hbm>>
      %dma_start3A_1221 = tpu.memref_squeeze %dma_start3A_1220 : memref<1x8x64xf32, #tpu.memory_space<hbm>> -> memref<8x64xf32, #tpu.memory_space<hbm>>
      tpu.enqueue_dma source(%dma_start3A_1221 : memref<8x64xf32, #tpu.memory_space<hbm>>) target(%dma_start3A_1217 : memref<8x64xf32, #tpu.memory_space<vmem>>) target_semaphore(%arg22 : memref<!tpu.dma_semaphore, #tpu.memory_space<semaphore_mem>>)
      %slice3A_1222 = vector.extract_strided_slice %shift_right_logical3A_558 {offsets = [11], sizes = [1], strides = [1]} : vector<16xi32> to vector<1xi32>
      %squeeze3A_1223 = vector.extract %slice3A_1222[0] : i32 from vector<1xi32>
      %dma_start3A_1224 = arith.constant 11 : i32
      %dma_start3A_1225 = arith.constant 0 : i32
      %dma_start3A_1226 = arith.constant 0 : i32
      %dma_start3A_1227 = tpu.memref_slice %arg16[%dma_start3A_1224, %dma_start3A_1225, %dma_start3A_1226] : memref<16x8x64xf32, #tpu.memory_space<vmem>> -> memref<1x8x64xf32, #tpu.memory_space<vmem>>
      %dma_start3A_1228 = tpu.memref_squeeze %dma_start3A_1227 : memref<1x8x64xf32, #tpu.memory_space<vmem>> -> memref<8x64xf32, #tpu.memory_space<vmem>>
      %dma_start3A_1229 = arith.constant 0 : i32
      %dma_start3A_1230 = arith.constant 0 : i32
      %dma_start3A_1231 = tpu.memref_slice %arg3[%squeeze3A_1223, %dma_start3A_1229, %dma_start3A_1230] : memref<125000x8x64xf32, #tpu.memory_space<hbm>> -> memref<1x8x64xf32, #tpu.memory_space<hbm>>
      %dma_start3A_1232 = tpu.memref_squeeze %dma_start3A_1231 : memref<1x8x64xf32, #tpu.memory_space<hbm>> -> memref<8x64xf32, #tpu.memory_space<hbm>>
      %dma_start3A_1233 = arith.constant 0 : i32
      %dma_start3A_1234 = arith.constant 0 : i32
      %dma_start3A_1235 = tpu.memref_slice %arg16[%dma_start3A_1224, %dma_start3A_1233, %dma_start3A_1234] : memref<16x8x64xf32, #tpu.memory_space<vmem>> -> memref<1x8x64xf32, #tpu.memory_space<vmem>>
      %dma_start3A_1236 = tpu.memref_squeeze %dma_start3A_1235 : memref<1x8x64xf32, #tpu.memory_space<vmem>> -> memref<8x64xf32, #tpu.memory_space<vmem>>
      %dma_start3A_1237 = arith.constant 0 : i32
      %dma_start3A_1238 = arith.constant 0 : i32
      %dma_start3A_1239 = tpu.memref_slice %arg3[%squeeze3A_1223, %dma_start3A_1237, %dma_start3A_1238] : memref<125000x8x64xf32, #tpu.memory_space<hbm>> -> memref<1x8x64xf32, #tpu.memory_space<hbm>>
      %dma_start3A_1240 = tpu.memref_squeeze %dma_start3A_1239 : memref<1x8x64xf32, #tpu.memory_space<hbm>> -> memref<8x64xf32, #tpu.memory_space<hbm>>
      tpu.enqueue_dma source(%dma_start3A_1240 : memref<8x64xf32, #tpu.memory_space<hbm>>) target(%dma_start3A_1236 : memref<8x64xf32, #tpu.memory_space<vmem>>) target_semaphore(%arg22 : memref<!tpu.dma_semaphore, #tpu.memory_space<semaphore_mem>>)
      %slice3A_1241 = vector.extract_strided_slice %shift_right_logical3A_552 {offsets = [12], sizes = [1], strides = [1]} : vector<16xi32> to vector<1xi32>
      %squeeze3A_1242 = vector.extract %slice3A_1241[0] : i32 from vector<1xi32>
      %dma_start3A_1243 = arith.constant 12 : i32
      %dma_start3A_1244 = arith.constant 0 : i32
      %dma_start3A_1245 = arith.constant 0 : i32
      %dma_start3A_1246 = tpu.memref_slice %arg14[%dma_start3A_1243, %dma_start3A_1244, %dma_start3A_1245] : memref<16x8x64xf32, #tpu.memory_space<vmem>> -> memref<1x8x64xf32, #tpu.memory_space<vmem>>
      %dma_start3A_1247 = tpu.memref_squeeze %dma_start3A_1246 : memref<1x8x64xf32, #tpu.memory_space<vmem>> -> memref<8x64xf32, #tpu.memory_space<vmem>>
      %dma_start3A_1248 = arith.constant 0 : i32
      %dma_start3A_1249 = arith.constant 0 : i32
      %dma_start3A_1250 = tpu.memref_slice %arg2[%squeeze3A_1242, %dma_start3A_1248, %dma_start3A_1249] : memref<125000x8x64xf32, #tpu.memory_space<hbm>> -> memref<1x8x64xf32, #tpu.memory_space<hbm>>
      %dma_start3A_1251 = tpu.memref_squeeze %dma_start3A_1250 : memref<1x8x64xf32, #tpu.memory_space<hbm>> -> memref<8x64xf32, #tpu.memory_space<hbm>>
      %dma_start3A_1252 = arith.constant 0 : i32
      %dma_start3A_1253 = arith.constant 0 : i32
      %dma_start3A_1254 = tpu.memref_slice %arg14[%dma_start3A_1243, %dma_start3A_1252, %dma_start3A_1253] : memref<16x8x64xf32, #tpu.memory_space<vmem>> -> memref<1x8x64xf32, #tpu.memory_space<vmem>>
      %dma_start3A_1255 = tpu.memref_squeeze %dma_start3A_1254 : memref<1x8x64xf32, #tpu.memory_space<vmem>> -> memref<8x64xf32, #tpu.memory_space<vmem>>
      %dma_start3A_1256 = arith.constant 0 : i32
      %dma_start3A_1257 = arith.constant 0 : i32
      %dma_start3A_1258 = tpu.memref_slice %arg2[%squeeze3A_1242, %dma_start3A_1256, %dma_start3A_1257] : memref<125000x8x64xf32, #tpu.memory_space<hbm>> -> memref<1x8x64xf32, #tpu.memory_space<hbm>>
      %dma_start3A_1259 = tpu.memref_squeeze %dma_start3A_1258 : memref<1x8x64xf32, #tpu.memory_space<hbm>> -> memref<8x64xf32, #tpu.memory_space<hbm>>
      tpu.enqueue_dma source(%dma_start3A_1259 : memref<8x64xf32, #tpu.memory_space<hbm>>) target(%dma_start3A_1255 : memref<8x64xf32, #tpu.memory_space<vmem>>) target_semaphore(%arg22 : memref<!tpu.dma_semaphore, #tpu.memory_space<semaphore_mem>>)
      %slice3A_1260 = vector.extract_strided_slice %shift_right_logical3A_555 {offsets = [12], sizes = [1], strides = [1]} : vector<16xi32> to vector<1xi32>
      %squeeze3A_1261 = vector.extract %slice3A_1260[0] : i32 from vector<1xi32>
      %dma_start3A_1262 = arith.constant 12 : i32
      %dma_start3A_1263 = arith.constant 0 : i32
      %dma_start3A_1264 = arith.constant 0 : i32
      %dma_start3A_1265 = tpu.memref_slice %arg15[%dma_start3A_1262, %dma_start3A_1263, %dma_start3A_1264] : memref<16x8x64xf32, #tpu.memory_space<vmem>> -> memref<1x8x64xf32, #tpu.memory_space<vmem>>
      %dma_start3A_1266 = tpu.memref_squeeze %dma_start3A_1265 : memref<1x8x64xf32, #tpu.memory_space<vmem>> -> memref<8x64xf32, #tpu.memory_space<vmem>>
      %dma_start3A_1267 = arith.constant 0 : i32
      %dma_start3A_1268 = arith.constant 0 : i32
      %dma_start3A_1269 = tpu.memref_slice %arg3[%squeeze3A_1261, %dma_start3A_1267, %dma_start3A_1268] : memref<125000x8x64xf32, #tpu.memory_space<hbm>> -> memref<1x8x64xf32, #tpu.memory_space<hbm>>
      %dma_start3A_1270 = tpu.memref_squeeze %dma_start3A_1269 : memref<1x8x64xf32, #tpu.memory_space<hbm>> -> memref<8x64xf32, #tpu.memory_space<hbm>>
      %dma_start3A_1271 = arith.constant 0 : i32
      %dma_start3A_1272 = arith.constant 0 : i32
      %dma_start3A_1273 = tpu.memref_slice %arg15[%dma_start3A_1262, %dma_start3A_1271, %dma_start3A_1272] : memref<16x8x64xf32, #tpu.memory_space<vmem>> -> memref<1x8x64xf32, #tpu.memory_space<vmem>>
      %dma_start3A_1274 = tpu.memref_squeeze %dma_start3A_1273 : memref<1x8x64xf32, #tpu.memory_space<vmem>> -> memref<8x64xf32, #tpu.memory_space<vmem>>
      %dma_start3A_1275 = arith.constant 0 : i32
      %dma_start3A_1276 = arith.constant 0 : i32
      %dma_start3A_1277 = tpu.memref_slice %arg3[%squeeze3A_1261, %dma_start3A_1275, %dma_start3A_1276] : memref<125000x8x64xf32, #tpu.memory_space<hbm>> -> memref<1x8x64xf32, #tpu.memory_space<hbm>>
      %dma_start3A_1278 = tpu.memref_squeeze %dma_start3A_1277 : memref<1x8x64xf32, #tpu.memory_space<hbm>> -> memref<8x64xf32, #tpu.memory_space<hbm>>
      tpu.enqueue_dma source(%dma_start3A_1278 : memref<8x64xf32, #tpu.memory_space<hbm>>) target(%dma_start3A_1274 : memref<8x64xf32, #tpu.memory_space<vmem>>) target_semaphore(%arg22 : memref<!tpu.dma_semaphore, #tpu.memory_space<semaphore_mem>>)
      %slice3A_1279 = vector.extract_strided_slice %shift_right_logical3A_558 {offsets = [12], sizes = [1], strides = [1]} : vector<16xi32> to vector<1xi32>
      %squeeze3A_1280 = vector.extract %slice3A_1279[0] : i32 from vector<1xi32>
      %dma_start3A_1281 = arith.constant 12 : i32
      %dma_start3A_1282 = arith.constant 0 : i32
      %dma_start3A_1283 = arith.constant 0 : i32
      %dma_start3A_1284 = tpu.memref_slice %arg16[%dma_start3A_1281, %dma_start3A_1282, %dma_start3A_1283] : memref<16x8x64xf32, #tpu.memory_space<vmem>> -> memref<1x8x64xf32, #tpu.memory_space<vmem>>
      %dma_start3A_1285 = tpu.memref_squeeze %dma_start3A_1284 : memref<1x8x64xf32, #tpu.memory_space<vmem>> -> memref<8x64xf32, #tpu.memory_space<vmem>>
      %dma_start3A_1286 = arith.constant 0 : i32
      %dma_start3A_1287 = arith.constant 0 : i32
      %dma_start3A_1288 = tpu.memref_slice %arg3[%squeeze3A_1280, %dma_start3A_1286, %dma_start3A_1287] : memref<125000x8x64xf32, #tpu.memory_space<hbm>> -> memref<1x8x64xf32, #tpu.memory_space<hbm>>
      %dma_start3A_1289 = tpu.memref_squeeze %dma_start3A_1288 : memref<1x8x64xf32, #tpu.memory_space<hbm>> -> memref<8x64xf32, #tpu.memory_space<hbm>>
      %dma_start3A_1290 = arith.constant 0 : i32
      %dma_start3A_1291 = arith.constant 0 : i32
      %dma_start3A_1292 = tpu.memref_slice %arg16[%dma_start3A_1281, %dma_start3A_1290, %dma_start3A_1291] : memref<16x8x64xf32, #tpu.memory_space<vmem>> -> memref<1x8x64xf32, #tpu.memory_space<vmem>>
      %dma_start3A_1293 = tpu.memref_squeeze %dma_start3A_1292 : memref<1x8x64xf32, #tpu.memory_space<vmem>> -> memref<8x64xf32, #tpu.memory_space<vmem>>
      %dma_start3A_1294 = arith.constant 0 : i32
      %dma_start3A_1295 = arith.constant 0 : i32
      %dma_start3A_1296 = tpu.memref_slice %arg3[%squeeze3A_1280, %dma_start3A_1294, %dma_start3A_1295] : memref<125000x8x64xf32, #tpu.memory_space<hbm>> -> memref<1x8x64xf32, #tpu.memory_space<hbm>>
      %dma_start3A_1297 = tpu.memref_squeeze %dma_start3A_1296 : memref<1x8x64xf32, #tpu.memory_space<hbm>> -> memref<8x64xf32, #tpu.memory_space<hbm>>
      tpu.enqueue_dma source(%dma_start3A_1297 : memref<8x64xf32, #tpu.memory_space<hbm>>) target(%dma_start3A_1293 : memref<8x64xf32, #tpu.memory_space<vmem>>) target_semaphore(%arg22 : memref<!tpu.dma_semaphore, #tpu.memory_space<semaphore_mem>>)
      %slice3A_1298 = vector.extract_strided_slice %shift_right_logical3A_552 {offsets = [13], sizes = [1], strides = [1]} : vector<16xi32> to vector<1xi32>
      %squeeze3A_1299 = vector.extract %slice3A_1298[0] : i32 from vector<1xi32>
      %dma_start3A_1300 = arith.constant 13 : i32
      %dma_start3A_1301 = arith.constant 0 : i32
      %dma_start3A_1302 = arith.constant 0 : i32
      %dma_start3A_1303 = tpu.memref_slice %arg14[%dma_start3A_1300, %dma_start3A_1301, %dma_start3A_1302] : memref<16x8x64xf32, #tpu.memory_space<vmem>> -> memref<1x8x64xf32, #tpu.memory_space<vmem>>
      %dma_start3A_1304 = tpu.memref_squeeze %dma_start3A_1303 : memref<1x8x64xf32, #tpu.memory_space<vmem>> -> memref<8x64xf32, #tpu.memory_space<vmem>>
      %dma_start3A_1305 = arith.constant 0 : i32
      %dma_start3A_1306 = arith.constant 0 : i32
      %dma_start3A_1307 = tpu.memref_slice %arg2[%squeeze3A_1299, %dma_start3A_1305, %dma_start3A_1306] : memref<125000x8x64xf32, #tpu.memory_space<hbm>> -> memref<1x8x64xf32, #tpu.memory_space<hbm>>
      %dma_start3A_1308 = tpu.memref_squeeze %dma_start3A_1307 : memref<1x8x64xf32, #tpu.memory_space<hbm>> -> memref<8x64xf32, #tpu.memory_space<hbm>>
      %dma_start3A_1309 = arith.constant 0 : i32
      %dma_start3A_1310 = arith.constant 0 : i32
      %dma_start3A_1311 = tpu.memref_slice %arg14[%dma_start3A_1300, %dma_start3A_1309, %dma_start3A_1310] : memref<16x8x64xf32, #tpu.memory_space<vmem>> -> memref<1x8x64xf32, #tpu.memory_space<vmem>>
      %dma_start3A_1312 = tpu.memref_squeeze %dma_start3A_1311 : memref<1x8x64xf32, #tpu.memory_space<vmem>> -> memref<8x64xf32, #tpu.memory_space<vmem>>
      %dma_start3A_1313 = arith.constant 0 : i32
      %dma_start3A_1314 = arith.constant 0 : i32
      %dma_start3A_1315 = tpu.memref_slice %arg2[%squeeze3A_1299, %dma_start3A_1313, %dma_start3A_1314] : memref<125000x8x64xf32, #tpu.memory_space<hbm>> -> memref<1x8x64xf32, #tpu.memory_space<hbm>>
      %dma_start3A_1316 = tpu.memref_squeeze %dma_start3A_1315 : memref<1x8x64xf32, #tpu.memory_space<hbm>> -> memref<8x64xf32, #tpu.memory_space<hbm>>
      tpu.enqueue_dma source(%dma_start3A_1316 : memref<8x64xf32, #tpu.memory_space<hbm>>) target(%dma_start3A_1312 : memref<8x64xf32, #tpu.memory_space<vmem>>) target_semaphore(%arg22 : memref<!tpu.dma_semaphore, #tpu.memory_space<semaphore_mem>>)
      %slice3A_1317 = vector.extract_strided_slice %shift_right_logical3A_555 {offsets = [13], sizes = [1], strides = [1]} : vector<16xi32> to vector<1xi32>
      %squeeze3A_1318 = vector.extract %slice3A_1317[0] : i32 from vector<1xi32>
      %dma_start3A_1319 = arith.constant 13 : i32
      %dma_start3A_1320 = arith.constant 0 : i32
      %dma_start3A_1321 = arith.constant 0 : i32
      %dma_start3A_1322 = tpu.memref_slice %arg15[%dma_start3A_1319, %dma_start3A_1320, %dma_start3A_1321] : memref<16x8x64xf32, #tpu.memory_space<vmem>> -> memref<1x8x64xf32, #tpu.memory_space<vmem>>
      %dma_start3A_1323 = tpu.memref_squeeze %dma_start3A_1322 : memref<1x8x64xf32, #tpu.memory_space<vmem>> -> memref<8x64xf32, #tpu.memory_space<vmem>>
      %dma_start3A_1324 = arith.constant 0 : i32
      %dma_start3A_1325 = arith.constant 0 : i32
      %dma_start3A_1326 = tpu.memref_slice %arg3[%squeeze3A_1318, %dma_start3A_1324, %dma_start3A_1325] : memref<125000x8x64xf32, #tpu.memory_space<hbm>> -> memref<1x8x64xf32, #tpu.memory_space<hbm>>
      %dma_start3A_1327 = tpu.memref_squeeze %dma_start3A_1326 : memref<1x8x64xf32, #tpu.memory_space<hbm>> -> memref<8x64xf32, #tpu.memory_space<hbm>>
      %dma_start3A_1328 = arith.constant 0 : i32
      %dma_start3A_1329 = arith.constant 0 : i32
      %dma_start3A_1330 = tpu.memref_slice %arg15[%dma_start3A_1319, %dma_start3A_1328, %dma_start3A_1329] : memref<16x8x64xf32, #tpu.memory_space<vmem>> -> memref<1x8x64xf32, #tpu.memory_space<vmem>>
      %dma_start3A_1331 = tpu.memref_squeeze %dma_start3A_1330 : memref<1x8x64xf32, #tpu.memory_space<vmem>> -> memref<8x64xf32, #tpu.memory_space<vmem>>
      %dma_start3A_1332 = arith.constant 0 : i32
      %dma_start3A_1333 = arith.constant 0 : i32
      %dma_start3A_1334 = tpu.memref_slice %arg3[%squeeze3A_1318, %dma_start3A_1332, %dma_start3A_1333] : memref<125000x8x64xf32, #tpu.memory_space<hbm>> -> memref<1x8x64xf32, #tpu.memory_space<hbm>>
      %dma_start3A_1335 = tpu.memref_squeeze %dma_start3A_1334 : memref<1x8x64xf32, #tpu.memory_space<hbm>> -> memref<8x64xf32, #tpu.memory_space<hbm>>
      tpu.enqueue_dma source(%dma_start3A_1335 : memref<8x64xf32, #tpu.memory_space<hbm>>) target(%dma_start3A_1331 : memref<8x64xf32, #tpu.memory_space<vmem>>) target_semaphore(%arg22 : memref<!tpu.dma_semaphore, #tpu.memory_space<semaphore_mem>>)
      %slice3A_1336 = vector.extract_strided_slice %shift_right_logical3A_558 {offsets = [13], sizes = [1], strides = [1]} : vector<16xi32> to vector<1xi32>
      %squeeze3A_1337 = vector.extract %slice3A_1336[0] : i32 from vector<1xi32>
      %dma_start3A_1338 = arith.constant 13 : i32
      %dma_start3A_1339 = arith.constant 0 : i32
      %dma_start3A_1340 = arith.constant 0 : i32
      %dma_start3A_1341 = tpu.memref_slice %arg16[%dma_start3A_1338, %dma_start3A_1339, %dma_start3A_1340] : memref<16x8x64xf32, #tpu.memory_space<vmem>> -> memref<1x8x64xf32, #tpu.memory_space<vmem>>
      %dma_start3A_1342 = tpu.memref_squeeze %dma_start3A_1341 : memref<1x8x64xf32, #tpu.memory_space<vmem>> -> memref<8x64xf32, #tpu.memory_space<vmem>>
      %dma_start3A_1343 = arith.constant 0 : i32
      %dma_start3A_1344 = arith.constant 0 : i32
      %dma_start3A_1345 = tpu.memref_slice %arg3[%squeeze3A_1337, %dma_start3A_1343, %dma_start3A_1344] : memref<125000x8x64xf32, #tpu.memory_space<hbm>> -> memref<1x8x64xf32, #tpu.memory_space<hbm>>
      %dma_start3A_1346 = tpu.memref_squeeze %dma_start3A_1345 : memref<1x8x64xf32, #tpu.memory_space<hbm>> -> memref<8x64xf32, #tpu.memory_space<hbm>>
      %dma_start3A_1347 = arith.constant 0 : i32
      %dma_start3A_1348 = arith.constant 0 : i32
      %dma_start3A_1349 = tpu.memref_slice %arg16[%dma_start3A_1338, %dma_start3A_1347, %dma_start3A_1348] : memref<16x8x64xf32, #tpu.memory_space<vmem>> -> memref<1x8x64xf32, #tpu.memory_space<vmem>>
      %dma_start3A_1350 = tpu.memref_squeeze %dma_start3A_1349 : memref<1x8x64xf32, #tpu.memory_space<vmem>> -> memref<8x64xf32, #tpu.memory_space<vmem>>
      %dma_start3A_1351 = arith.constant 0 : i32
      %dma_start3A_1352 = arith.constant 0 : i32
      %dma_start3A_1353 = tpu.memref_slice %arg3[%squeeze3A_1337, %dma_start3A_1351, %dma_start3A_1352] : memref<125000x8x64xf32, #tpu.memory_space<hbm>> -> memref<1x8x64xf32, #tpu.memory_space<hbm>>
      %dma_start3A_1354 = tpu.memref_squeeze %dma_start3A_1353 : memref<1x8x64xf32, #tpu.memory_space<hbm>> -> memref<8x64xf32, #tpu.memory_space<hbm>>
      tpu.enqueue_dma source(%dma_start3A_1354 : memref<8x64xf32, #tpu.memory_space<hbm>>) target(%dma_start3A_1350 : memref<8x64xf32, #tpu.memory_space<vmem>>) target_semaphore(%arg22 : memref<!tpu.dma_semaphore, #tpu.memory_space<semaphore_mem>>)
      %slice3A_1355 = vector.extract_strided_slice %shift_right_logical3A_552 {offsets = [14], sizes = [1], strides = [1]} : vector<16xi32> to vector<1xi32>
      %squeeze3A_1356 = vector.extract %slice3A_1355[0] : i32 from vector<1xi32>
      %dma_start3A_1357 = arith.constant 14 : i32
      %dma_start3A_1358 = arith.constant 0 : i32
      %dma_start3A_1359 = arith.constant 0 : i32
      %dma_start3A_1360 = tpu.memref_slice %arg14[%dma_start3A_1357, %dma_start3A_1358, %dma_start3A_1359] : memref<16x8x64xf32, #tpu.memory_space<vmem>> -> memref<1x8x64xf32, #tpu.memory_space<vmem>>
      %dma_start3A_1361 = tpu.memref_squeeze %dma_start3A_1360 : memref<1x8x64xf32, #tpu.memory_space<vmem>> -> memref<8x64xf32, #tpu.memory_space<vmem>>
      %dma_start3A_1362 = arith.constant 0 : i32
      %dma_start3A_1363 = arith.constant 0 : i32
      %dma_start3A_1364 = tpu.memref_slice %arg2[%squeeze3A_1356, %dma_start3A_1362, %dma_start3A_1363] : memref<125000x8x64xf32, #tpu.memory_space<hbm>> -> memref<1x8x64xf32, #tpu.memory_space<hbm>>
      %dma_start3A_1365 = tpu.memref_squeeze %dma_start3A_1364 : memref<1x8x64xf32, #tpu.memory_space<hbm>> -> memref<8x64xf32, #tpu.memory_space<hbm>>
      %dma_start3A_1366 = arith.constant 0 : i32
      %dma_start3A_1367 = arith.constant 0 : i32
      %dma_start3A_1368 = tpu.memref_slice %arg14[%dma_start3A_1357, %dma_start3A_1366, %dma_start3A_1367] : memref<16x8x64xf32, #tpu.memory_space<vmem>> -> memref<1x8x64xf32, #tpu.memory_space<vmem>>
      %dma_start3A_1369 = tpu.memref_squeeze %dma_start3A_1368 : memref<1x8x64xf32, #tpu.memory_space<vmem>> -> memref<8x64xf32, #tpu.memory_space<vmem>>
      %dma_start3A_1370 = arith.constant 0 : i32
      %dma_start3A_1371 = arith.constant 0 : i32
      %dma_start3A_1372 = tpu.memref_slice %arg2[%squeeze3A_1356, %dma_start3A_1370, %dma_start3A_1371] : memref<125000x8x64xf32, #tpu.memory_space<hbm>> -> memref<1x8x64xf32, #tpu.memory_space<hbm>>
      %dma_start3A_1373 = tpu.memref_squeeze %dma_start3A_1372 : memref<1x8x64xf32, #tpu.memory_space<hbm>> -> memref<8x64xf32, #tpu.memory_space<hbm>>
      tpu.enqueue_dma source(%dma_start3A_1373 : memref<8x64xf32, #tpu.memory_space<hbm>>) target(%dma_start3A_1369 : memref<8x64xf32, #tpu.memory_space<vmem>>) target_semaphore(%arg22 : memref<!tpu.dma_semaphore, #tpu.memory_space<semaphore_mem>>)
      %slice3A_1374 = vector.extract_strided_slice %shift_right_logical3A_555 {offsets = [14], sizes = [1], strides = [1]} : vector<16xi32> to vector<1xi32>
      %squeeze3A_1375 = vector.extract %slice3A_1374[0] : i32 from vector<1xi32>
      %dma_start3A_1376 = arith.constant 14 : i32
      %dma_start3A_1377 = arith.constant 0 : i32
      %dma_start3A_1378 = arith.constant 0 : i32
      %dma_start3A_1379 = tpu.memref_slice %arg15[%dma_start3A_1376, %dma_start3A_1377, %dma_start3A_1378] : memref<16x8x64xf32, #tpu.memory_space<vmem>> -> memref<1x8x64xf32, #tpu.memory_space<vmem>>
      %dma_start3A_1380 = tpu.memref_squeeze %dma_start3A_1379 : memref<1x8x64xf32, #tpu.memory_space<vmem>> -> memref<8x64xf32, #tpu.memory_space<vmem>>
      %dma_start3A_1381 = arith.constant 0 : i32
      %dma_start3A_1382 = arith.constant 0 : i32
      %dma_start3A_1383 = tpu.memref_slice %arg3[%squeeze3A_1375, %dma_start3A_1381, %dma_start3A_1382] : memref<125000x8x64xf32, #tpu.memory_space<hbm>> -> memref<1x8x64xf32, #tpu.memory_space<hbm>>
      %dma_start3A_1384 = tpu.memref_squeeze %dma_start3A_1383 : memref<1x8x64xf32, #tpu.memory_space<hbm>> -> memref<8x64xf32, #tpu.memory_space<hbm>>
      %dma_start3A_1385 = arith.constant 0 : i32
      %dma_start3A_1386 = arith.constant 0 : i32
      %dma_start3A_1387 = tpu.memref_slice %arg15[%dma_start3A_1376, %dma_start3A_1385, %dma_start3A_1386] : memref<16x8x64xf32, #tpu.memory_space<vmem>> -> memref<1x8x64xf32, #tpu.memory_space<vmem>>
      %dma_start3A_1388 = tpu.memref_squeeze %dma_start3A_1387 : memref<1x8x64xf32, #tpu.memory_space<vmem>> -> memref<8x64xf32, #tpu.memory_space<vmem>>
      %dma_start3A_1389 = arith.constant 0 : i32
      %dma_start3A_1390 = arith.constant 0 : i32
      %dma_start3A_1391 = tpu.memref_slice %arg3[%squeeze3A_1375, %dma_start3A_1389, %dma_start3A_1390] : memref<125000x8x64xf32, #tpu.memory_space<hbm>> -> memref<1x8x64xf32, #tpu.memory_space<hbm>>
      %dma_start3A_1392 = tpu.memref_squeeze %dma_start3A_1391 : memref<1x8x64xf32, #tpu.memory_space<hbm>> -> memref<8x64xf32, #tpu.memory_space<hbm>>
      tpu.enqueue_dma source(%dma_start3A_1392 : memref<8x64xf32, #tpu.memory_space<hbm>>) target(%dma_start3A_1388 : memref<8x64xf32, #tpu.memory_space<vmem>>) target_semaphore(%arg22 : memref<!tpu.dma_semaphore, #tpu.memory_space<semaphore_mem>>)
      %slice3A_1393 = vector.extract_strided_slice %shift_right_logical3A_558 {offsets = [14], sizes = [1], strides = [1]} : vector<16xi32> to vector<1xi32>
      %squeeze3A_1394 = vector.extract %slice3A_1393[0] : i32 from vector<1xi32>
      %dma_start3A_1395 = arith.constant 14 : i32
      %dma_start3A_1396 = arith.constant 0 : i32
      %dma_start3A_1397 = arith.constant 0 : i32
      %dma_start3A_1398 = tpu.memref_slice %arg16[%dma_start3A_1395, %dma_start3A_1396, %dma_start3A_1397] : memref<16x8x64xf32, #tpu.memory_space<vmem>> -> memref<1x8x64xf32, #tpu.memory_space<vmem>>
      %dma_start3A_1399 = tpu.memref_squeeze %dma_start3A_1398 : memref<1x8x64xf32, #tpu.memory_space<vmem>> -> memref<8x64xf32, #tpu.memory_space<vmem>>
      %dma_start3A_1400 = arith.constant 0 : i32
      %dma_start3A_1401 = arith.constant 0 : i32
      %dma_start3A_1402 = tpu.memref_slice %arg3[%squeeze3A_1394, %dma_start3A_1400, %dma_start3A_1401] : memref<125000x8x64xf32, #tpu.memory_space<hbm>> -> memref<1x8x64xf32, #tpu.memory_space<hbm>>
      %dma_start3A_1403 = tpu.memref_squeeze %dma_start3A_1402 : memref<1x8x64xf32, #tpu.memory_space<hbm>> -> memref<8x64xf32, #tpu.memory_space<hbm>>
      %dma_start3A_1404 = arith.constant 0 : i32
      %dma_start3A_1405 = arith.constant 0 : i32
      %dma_start3A_1406 = tpu.memref_slice %arg16[%dma_start3A_1395, %dma_start3A_1404, %dma_start3A_1405] : memref<16x8x64xf32, #tpu.memory_space<vmem>> -> memref<1x8x64xf32, #tpu.memory_space<vmem>>
      %dma_start3A_1407 = tpu.memref_squeeze %dma_start3A_1406 : memref<1x8x64xf32, #tpu.memory_space<vmem>> -> memref<8x64xf32, #tpu.memory_space<vmem>>
      %dma_start3A_1408 = arith.constant 0 : i32
      %dma_start3A_1409 = arith.constant 0 : i32
      %dma_start3A_1410 = tpu.memref_slice %arg3[%squeeze3A_1394, %dma_start3A_1408, %dma_start3A_1409] : memref<125000x8x64xf32, #tpu.memory_space<hbm>> -> memref<1x8x64xf32, #tpu.memory_space<hbm>>
      %dma_start3A_1411 = tpu.memref_squeeze %dma_start3A_1410 : memref<1x8x64xf32, #tpu.memory_space<hbm>> -> memref<8x64xf32, #tpu.memory_space<hbm>>
      tpu.enqueue_dma source(%dma_start3A_1411 : memref<8x64xf32, #tpu.memory_space<hbm>>) target(%dma_start3A_1407 : memref<8x64xf32, #tpu.memory_space<vmem>>) target_semaphore(%arg22 : memref<!tpu.dma_semaphore, #tpu.memory_space<semaphore_mem>>)
      %slice3A_1412 = vector.extract_strided_slice %shift_right_logical3A_552 {offsets = [15], sizes = [1], strides = [1]} : vector<16xi32> to vector<1xi32>
      %squeeze3A_1413 = vector.extract %slice3A_1412[0] : i32 from vector<1xi32>
      %dma_start3A_1414 = arith.constant 15 : i32
      %dma_start3A_1415 = arith.constant 0 : i32
      %dma_start3A_1416 = arith.constant 0 : i32
      %dma_start3A_1417 = tpu.memref_slice %arg14[%dma_start3A_1414, %dma_start3A_1415, %dma_start3A_1416] : memref<16x8x64xf32, #tpu.memory_space<vmem>> -> memref<1x8x64xf32, #tpu.memory_space<vmem>>
      %dma_start3A_1418 = tpu.memref_squeeze %dma_start3A_1417 : memref<1x8x64xf32, #tpu.memory_space<vmem>> -> memref<8x64xf32, #tpu.memory_space<vmem>>
      %dma_start3A_1419 = arith.constant 0 : i32
      %dma_start3A_1420 = arith.constant 0 : i32
      %dma_start3A_1421 = tpu.memref_slice %arg2[%squeeze3A_1413, %dma_start3A_1419, %dma_start3A_1420] : memref<125000x8x64xf32, #tpu.memory_space<hbm>> -> memref<1x8x64xf32, #tpu.memory_space<hbm>>
      %dma_start3A_1422 = tpu.memref_squeeze %dma_start3A_1421 : memref<1x8x64xf32, #tpu.memory_space<hbm>> -> memref<8x64xf32, #tpu.memory_space<hbm>>
      %dma_start3A_1423 = arith.constant 0 : i32
      %dma_start3A_1424 = arith.constant 0 : i32
      %dma_start3A_1425 = tpu.memref_slice %arg14[%dma_start3A_1414, %dma_start3A_1423, %dma_start3A_1424] : memref<16x8x64xf32, #tpu.memory_space<vmem>> -> memref<1x8x64xf32, #tpu.memory_space<vmem>>
      %dma_start3A_1426 = tpu.memref_squeeze %dma_start3A_1425 : memref<1x8x64xf32, #tpu.memory_space<vmem>> -> memref<8x64xf32, #tpu.memory_space<vmem>>
      %dma_start3A_1427 = arith.constant 0 : i32
      %dma_start3A_1428 = arith.constant 0 : i32
      %dma_start3A_1429 = tpu.memref_slice %arg2[%squeeze3A_1413, %dma_start3A_1427, %dma_start3A_1428] : memref<125000x8x64xf32, #tpu.memory_space<hbm>> -> memref<1x8x64xf32, #tpu.memory_space<hbm>>
      %dma_start3A_1430 = tpu.memref_squeeze %dma_start3A_1429 : memref<1x8x64xf32, #tpu.memory_space<hbm>> -> memref<8x64xf32, #tpu.memory_space<hbm>>
      tpu.enqueue_dma source(%dma_start3A_1430 : memref<8x64xf32, #tpu.memory_space<hbm>>) target(%dma_start3A_1426 : memref<8x64xf32, #tpu.memory_space<vmem>>) target_semaphore(%arg22 : memref<!tpu.dma_semaphore, #tpu.memory_space<semaphore_mem>>)
      %slice3A_1431 = vector.extract_strided_slice %shift_right_logical3A_555 {offsets = [15], sizes = [1], strides = [1]} : vector<16xi32> to vector<1xi32>
      %squeeze3A_1432 = vector.extract %slice3A_1431[0] : i32 from vector<1xi32>
      %dma_start3A_1433 = arith.constant 15 : i32
      %dma_start3A_1434 = arith.constant 0 : i32
      %dma_start3A_1435 = arith.constant 0 : i32
      %dma_start3A_1436 = tpu.memref_slice %arg15[%dma_start3A_1433, %dma_start3A_1434, %dma_start3A_1435] : memref<16x8x64xf32, #tpu.memory_space<vmem>> -> memref<1x8x64xf32, #tpu.memory_space<vmem>>
      %dma_start3A_1437 = tpu.memref_squeeze %dma_start3A_1436 : memref<1x8x64xf32, #tpu.memory_space<vmem>> -> memref<8x64xf32, #tpu.memory_space<vmem>>
      %dma_start3A_1438 = arith.constant 0 : i32
      %dma_start3A_1439 = arith.constant 0 : i32
      %dma_start3A_1440 = tpu.memref_slice %arg3[%squeeze3A_1432, %dma_start3A_1438, %dma_start3A_1439] : memref<125000x8x64xf32, #tpu.memory_space<hbm>> -> memref<1x8x64xf32, #tpu.memory_space<hbm>>
      %dma_start3A_1441 = tpu.memref_squeeze %dma_start3A_1440 : memref<1x8x64xf32, #tpu.memory_space<hbm>> -> memref<8x64xf32, #tpu.memory_space<hbm>>
      %dma_start3A_1442 = arith.constant 0 : i32
      %dma_start3A_1443 = arith.constant 0 : i32
      %dma_start3A_1444 = tpu.memref_slice %arg15[%dma_start3A_1433, %dma_start3A_1442, %dma_start3A_1443] : memref<16x8x64xf32, #tpu.memory_space<vmem>> -> memref<1x8x64xf32, #tpu.memory_space<vmem>>
      %dma_start3A_1445 = tpu.memref_squeeze %dma_start3A_1444 : memref<1x8x64xf32, #tpu.memory_space<vmem>> -> memref<8x64xf32, #tpu.memory_space<vmem>>
      %dma_start3A_1446 = arith.constant 0 : i32
      %dma_start3A_1447 = arith.constant 0 : i32
      %dma_start3A_1448 = tpu.memref_slice %arg3[%squeeze3A_1432, %dma_start3A_1446, %dma_start3A_1447] : memref<125000x8x64xf32, #tpu.memory_space<hbm>> -> memref<1x8x64xf32, #tpu.memory_space<hbm>>
      %dma_start3A_1449 = tpu.memref_squeeze %dma_start3A_1448 : memref<1x8x64xf32, #tpu.memory_space<hbm>> -> memref<8x64xf32, #tpu.memory_space<hbm>>
      tpu.enqueue_dma source(%dma_start3A_1449 : memref<8x64xf32, #tpu.memory_space<hbm>>) target(%dma_start3A_1445 : memref<8x64xf32, #tpu.memory_space<vmem>>) target_semaphore(%arg22 : memref<!tpu.dma_semaphore, #tpu.memory_space<semaphore_mem>>)
      %slice3A_1450 = vector.extract_strided_slice %shift_right_logical3A_558 {offsets = [15], sizes = [1], strides = [1]} : vector<16xi32> to vector<1xi32>
      %squeeze3A_1451 = vector.extract %slice3A_1450[0] : i32 from vector<1xi32>
      %dma_start3A_1452 = arith.constant 15 : i32
      %dma_start3A_1453 = arith.constant 0 : i32
      %dma_start3A_1454 = arith.constant 0 : i32
      %dma_start3A_1455 = tpu.memref_slice %arg16[%dma_start3A_1452, %dma_start3A_1453, %dma_start3A_1454] : memref<16x8x64xf32, #tpu.memory_space<vmem>> -> memref<1x8x64xf32, #tpu.memory_space<vmem>>
      %dma_start3A_1456 = tpu.memref_squeeze %dma_start3A_1455 : memref<1x8x64xf32, #tpu.memory_space<vmem>> -> memref<8x64xf32, #tpu.memory_space<vmem>>
      %dma_start3A_1457 = arith.constant 0 : i32
      %dma_start3A_1458 = arith.constant 0 : i32
      %dma_start3A_1459 = tpu.memref_slice %arg3[%squeeze3A_1451, %dma_start3A_1457, %dma_start3A_1458] : memref<125000x8x64xf32, #tpu.memory_space<hbm>> -> memref<1x8x64xf32, #tpu.memory_space<hbm>>
      %dma_start3A_1460 = tpu.memref_squeeze %dma_start3A_1459 : memref<1x8x64xf32, #tpu.memory_space<hbm>> -> memref<8x64xf32, #tpu.memory_space<hbm>>
      %dma_start3A_1461 = arith.constant 0 : i32
      %dma_start3A_1462 = arith.constant 0 : i32
      %dma_start3A_1463 = tpu.memref_slice %arg16[%dma_start3A_1452, %dma_start3A_1461, %dma_start3A_1462] : memref<16x8x64xf32, #tpu.memory_space<vmem>> -> memref<1x8x64xf32, #tpu.memory_space<vmem>>
      %dma_start3A_1464 = tpu.memref_squeeze %dma_start3A_1463 : memref<1x8x64xf32, #tpu.memory_space<vmem>> -> memref<8x64xf32, #tpu.memory_space<vmem>>
      %dma_start3A_1465 = arith.constant 0 : i32
      %dma_start3A_1466 = arith.constant 0 : i32
      %dma_start3A_1467 = tpu.memref_slice %arg3[%squeeze3A_1451, %dma_start3A_1465, %dma_start3A_1466] : memref<125000x8x64xf32, #tpu.memory_space<hbm>> -> memref<1x8x64xf32, #tpu.memory_space<hbm>>
      %dma_start3A_1468 = tpu.memref_squeeze %dma_start3A_1467 : memref<1x8x64xf32, #tpu.memory_space<hbm>> -> memref<8x64xf32, #tpu.memory_space<hbm>>
      tpu.enqueue_dma source(%dma_start3A_1468 : memref<8x64xf32, #tpu.memory_space<hbm>>) target(%dma_start3A_1464 : memref<8x64xf32, #tpu.memory_space<vmem>>) target_semaphore(%arg22 : memref<!tpu.dma_semaphore, #tpu.memory_space<semaphore_mem>>)
      %dma_wait3A_1469 = arith.constant 0 : i32
      %dma_wait3A_1470 = arith.constant 0 : i32
      %dma_wait3A_1471 = arith.constant 0 : i32
      %dma_wait3A_1472 = tpu.memref_slice %arg14[%dma_wait3A_1469, %dma_wait3A_1470, %dma_wait3A_1471] : memref<16x8x64xf32, #tpu.memory_space<vmem>> -> memref<1x8x64xf32, #tpu.memory_space<vmem>>
      %dma_wait3A_1473 = tpu.memref_squeeze %dma_wait3A_1472 : memref<1x8x64xf32, #tpu.memory_space<vmem>> -> memref<8x64xf32, #tpu.memory_space<vmem>>
      %dma_wait3A_1474 = arith.constant 0 : i32
      %dma_wait3A_1475 = arith.constant 0 : i32
      %dma_wait3A_1476 = tpu.memref_slice %arg2[%squeeze3A, %dma_wait3A_1474, %dma_wait3A_1475] : memref<125000x8x64xf32, #tpu.memory_space<hbm>> -> memref<1x8x64xf32, #tpu.memory_space<hbm>>
      %dma_wait3A_1477 = tpu.memref_squeeze %dma_wait3A_1476 : memref<1x8x64xf32, #tpu.memory_space<hbm>> -> memref<8x64xf32, #tpu.memory_space<hbm>>
      %dma_wait3A_1478 = arith.constant 0 : i32
      %dma_wait3A_1479 = arith.constant 0 : i32
      %dma_wait3A_1480 = tpu.memref_slice %arg14[%dma_wait3A_1469, %dma_wait3A_1478, %dma_wait3A_1479] : memref<16x8x64xf32, #tpu.memory_space<vmem>> -> memref<1x8x64xf32, #tpu.memory_space<vmem>>
      %dma_wait3A_1481 = tpu.memref_squeeze %dma_wait3A_1480 : memref<1x8x64xf32, #tpu.memory_space<vmem>> -> memref<8x64xf32, #tpu.memory_space<vmem>>
      %dma_wait3A_1482 = arith.constant 0 : i32
      %dma_wait3A_1483 = arith.constant 0 : i32
      %dma_wait3A_1484 = tpu.memref_slice %arg2[%squeeze3A, %dma_wait3A_1482, %dma_wait3A_1483] : memref<125000x8x64xf32, #tpu.memory_space<hbm>> -> memref<1x8x64xf32, #tpu.memory_space<hbm>>
      %dma_wait3A_1485 = tpu.memref_squeeze %dma_wait3A_1484 : memref<1x8x64xf32, #tpu.memory_space<hbm>> -> memref<8x64xf32, #tpu.memory_space<hbm>>
      tpu.wait_dma2 semaphore(%arg22 : memref<!tpu.dma_semaphore, #tpu.memory_space<semaphore_mem>>) src(%dma_wait3A_1485 : memref<8x64xf32, #tpu.memory_space<hbm>>) dst(%dma_wait3A_1481 : memref<8x64xf32, #tpu.memory_space<vmem>>)
      %dma_wait3A_1486 = arith.constant 0 : i32
      %dma_wait3A_1487 = arith.constant 0 : i32
      %dma_wait3A_1488 = arith.constant 0 : i32
      %dma_wait3A_1489 = tpu.memref_slice %arg15[%dma_wait3A_1486, %dma_wait3A_1487, %dma_wait3A_1488] : memref<16x8x64xf32, #tpu.memory_space<vmem>> -> memref<1x8x64xf32, #tpu.memory_space<vmem>>
      %dma_wait3A_1490 = tpu.memref_squeeze %dma_wait3A_1489 : memref<1x8x64xf32, #tpu.memory_space<vmem>> -> memref<8x64xf32, #tpu.memory_space<vmem>>
      %dma_wait3A_1491 = arith.constant 0 : i32
      %dma_wait3A_1492 = arith.constant 0 : i32
      %dma_wait3A_1493 = tpu.memref_slice %arg3[%squeeze3A_577, %dma_wait3A_1491, %dma_wait3A_1492] : memref<125000x8x64xf32, #tpu.memory_space<hbm>> -> memref<1x8x64xf32, #tpu.memory_space<hbm>>
      %dma_wait3A_1494 = tpu.memref_squeeze %dma_wait3A_1493 : memref<1x8x64xf32, #tpu.memory_space<hbm>> -> memref<8x64xf32, #tpu.memory_space<hbm>>
      %dma_wait3A_1495 = arith.constant 0 : i32
      %dma_wait3A_1496 = arith.constant 0 : i32
      %dma_wait3A_1497 = tpu.memref_slice %arg15[%dma_wait3A_1486, %dma_wait3A_1495, %dma_wait3A_1496] : memref<16x8x64xf32, #tpu.memory_space<vmem>> -> memref<1x8x64xf32, #tpu.memory_space<vmem>>
      %dma_wait3A_1498 = tpu.memref_squeeze %dma_wait3A_1497 : memref<1x8x64xf32, #tpu.memory_space<vmem>> -> memref<8x64xf32, #tpu.memory_space<vmem>>
      %dma_wait3A_1499 = arith.constant 0 : i32
      %dma_wait3A_1500 = arith.constant 0 : i32
      %dma_wait3A_1501 = tpu.memref_slice %arg3[%squeeze3A_577, %dma_wait3A_1499, %dma_wait3A_1500] : memref<125000x8x64xf32, #tpu.memory_space<hbm>> -> memref<1x8x64xf32, #tpu.memory_space<hbm>>
      %dma_wait3A_1502 = tpu.memref_squeeze %dma_wait3A_1501 : memref<1x8x64xf32, #tpu.memory_space<hbm>> -> memref<8x64xf32, #tpu.memory_space<hbm>>
      tpu.wait_dma2 semaphore(%arg22 : memref<!tpu.dma_semaphore, #tpu.memory_space<semaphore_mem>>) src(%dma_wait3A_1502 : memref<8x64xf32, #tpu.memory_space<hbm>>) dst(%dma_wait3A_1498 : memref<8x64xf32, #tpu.memory_space<vmem>>)
      %dma_wait3A_1503 = arith.constant 0 : i32
      %dma_wait3A_1504 = arith.constant 0 : i32
      %dma_wait3A_1505 = arith.constant 0 : i32
      %dma_wait3A_1506 = tpu.memref_slice %arg16[%dma_wait3A_1503, %dma_wait3A_1504, %dma_wait3A_1505] : memref<16x8x64xf32, #tpu.memory_space<vmem>> -> memref<1x8x64xf32, #tpu.memory_space<vmem>>
      %dma_wait3A_1507 = tpu.memref_squeeze %dma_wait3A_1506 : memref<1x8x64xf32, #tpu.memory_space<vmem>> -> memref<8x64xf32, #tpu.memory_space<vmem>>
      %dma_wait3A_1508 = arith.constant 0 : i32
      %dma_wait3A_1509 = arith.constant 0 : i32
      %dma_wait3A_1510 = tpu.memref_slice %arg3[%squeeze3A_596, %dma_wait3A_1508, %dma_wait3A_1509] : memref<125000x8x64xf32, #tpu.memory_space<hbm>> -> memref<1x8x64xf32, #tpu.memory_space<hbm>>
      %dma_wait3A_1511 = tpu.memref_squeeze %dma_wait3A_1510 : memref<1x8x64xf32, #tpu.memory_space<hbm>> -> memref<8x64xf32, #tpu.memory_space<hbm>>
      %dma_wait3A_1512 = arith.constant 0 : i32
      %dma_wait3A_1513 = arith.constant 0 : i32
      %dma_wait3A_1514 = tpu.memref_slice %arg16[%dma_wait3A_1503, %dma_wait3A_1512, %dma_wait3A_1513] : memref<16x8x64xf32, #tpu.memory_space<vmem>> -> memref<1x8x64xf32, #tpu.memory_space<vmem>>
      %dma_wait3A_1515 = tpu.memref_squeeze %dma_wait3A_1514 : memref<1x8x64xf32, #tpu.memory_space<vmem>> -> memref<8x64xf32, #tpu.memory_space<vmem>>
      %dma_wait3A_1516 = arith.constant 0 : i32
      %dma_wait3A_1517 = arith.constant 0 : i32
      %dma_wait3A_1518 = tpu.memref_slice %arg3[%squeeze3A_596, %dma_wait3A_1516, %dma_wait3A_1517] : memref<125000x8x64xf32, #tpu.memory_space<hbm>> -> memref<1x8x64xf32, #tpu.memory_space<hbm>>
      %dma_wait3A_1519 = tpu.memref_squeeze %dma_wait3A_1518 : memref<1x8x64xf32, #tpu.memory_space<hbm>> -> memref<8x64xf32, #tpu.memory_space<hbm>>
      tpu.wait_dma2 semaphore(%arg22 : memref<!tpu.dma_semaphore, #tpu.memory_space<semaphore_mem>>) src(%dma_wait3A_1519 : memref<8x64xf32, #tpu.memory_space<hbm>>) dst(%dma_wait3A_1515 : memref<8x64xf32, #tpu.memory_space<vmem>>)
      %dma_wait3A_1520 = arith.constant 1 : i32
      %dma_wait3A_1521 = arith.constant 0 : i32
      %dma_wait3A_1522 = arith.constant 0 : i32
      %dma_wait3A_1523 = tpu.memref_slice %arg14[%dma_wait3A_1520, %dma_wait3A_1521, %dma_wait3A_1522] : memref<16x8x64xf32, #tpu.memory_space<vmem>> -> memref<1x8x64xf32, #tpu.memory_space<vmem>>
      %dma_wait3A_1524 = tpu.memref_squeeze %dma_wait3A_1523 : memref<1x8x64xf32, #tpu.memory_space<vmem>> -> memref<8x64xf32, #tpu.memory_space<vmem>>
      %dma_wait3A_1525 = arith.constant 0 : i32
      %dma_wait3A_1526 = arith.constant 0 : i32
      %dma_wait3A_1527 = tpu.memref_slice %arg2[%squeeze3A_615, %dma_wait3A_1525, %dma_wait3A_1526] : memref<125000x8x64xf32, #tpu.memory_space<hbm>> -> memref<1x8x64xf32, #tpu.memory_space<hbm>>
      %dma_wait3A_1528 = tpu.memref_squeeze %dma_wait3A_1527 : memref<1x8x64xf32, #tpu.memory_space<hbm>> -> memref<8x64xf32, #tpu.memory_space<hbm>>
      %dma_wait3A_1529 = arith.constant 0 : i32
      %dma_wait3A_1530 = arith.constant 0 : i32
      %dma_wait3A_1531 = tpu.memref_slice %arg14[%dma_wait3A_1520, %dma_wait3A_1529, %dma_wait3A_1530] : memref<16x8x64xf32, #tpu.memory_space<vmem>> -> memref<1x8x64xf32, #tpu.memory_space<vmem>>
      %dma_wait3A_1532 = tpu.memref_squeeze %dma_wait3A_1531 : memref<1x8x64xf32, #tpu.memory_space<vmem>> -> memref<8x64xf32, #tpu.memory_space<vmem>>
      %dma_wait3A_1533 = arith.constant 0 : i32
      %dma_wait3A_1534 = arith.constant 0 : i32
      %dma_wait3A_1535 = tpu.memref_slice %arg2[%squeeze3A_615, %dma_wait3A_1533, %dma_wait3A_1534] : memref<125000x8x64xf32, #tpu.memory_space<hbm>> -> memref<1x8x64xf32, #tpu.memory_space<hbm>>
      %dma_wait3A_1536 = tpu.memref_squeeze %dma_wait3A_1535 : memref<1x8x64xf32, #tpu.memory_space<hbm>> -> memref<8x64xf32, #tpu.memory_space<hbm>>
      tpu.wait_dma2 semaphore(%arg22 : memref<!tpu.dma_semaphore, #tpu.memory_space<semaphore_mem>>) src(%dma_wait3A_1536 : memref<8x64xf32, #tpu.memory_space<hbm>>) dst(%dma_wait3A_1532 : memref<8x64xf32, #tpu.memory_space<vmem>>)
      %dma_wait3A_1537 = arith.constant 1 : i32
      %dma_wait3A_1538 = arith.constant 0 : i32
      %dma_wait3A_1539 = arith.constant 0 : i32
      %dma_wait3A_1540 = tpu.memref_slice %arg15[%dma_wait3A_1537, %dma_wait3A_1538, %dma_wait3A_1539] : memref<16x8x64xf32, #tpu.memory_space<vmem>> -> memref<1x8x64xf32, #tpu.memory_space<vmem>>
      %dma_wait3A_1541 = tpu.memref_squeeze %dma_wait3A_1540 : memref<1x8x64xf32, #tpu.memory_space<vmem>> -> memref<8x64xf32, #tpu.memory_space<vmem>>
      %dma_wait3A_1542 = arith.constant 0 : i32
      %dma_wait3A_1543 = arith.constant 0 : i32
      %dma_wait3A_1544 = tpu.memref_slice %arg3[%squeeze3A_634, %dma_wait3A_1542, %dma_wait3A_1543] : memref<125000x8x64xf32, #tpu.memory_space<hbm>> -> memref<1x8x64xf32, #tpu.memory_space<hbm>>
      %dma_wait3A_1545 = tpu.memref_squeeze %dma_wait3A_1544 : memref<1x8x64xf32, #tpu.memory_space<hbm>> -> memref<8x64xf32, #tpu.memory_space<hbm>>
      %dma_wait3A_1546 = arith.constant 0 : i32
      %dma_wait3A_1547 = arith.constant 0 : i32
      %dma_wait3A_1548 = tpu.memref_slice %arg15[%dma_wait3A_1537, %dma_wait3A_1546, %dma_wait3A_1547] : memref<16x8x64xf32, #tpu.memory_space<vmem>> -> memref<1x8x64xf32, #tpu.memory_space<vmem>>
      %dma_wait3A_1549 = tpu.memref_squeeze %dma_wait3A_1548 : memref<1x8x64xf32, #tpu.memory_space<vmem>> -> memref<8x64xf32, #tpu.memory_space<vmem>>
      %dma_wait3A_1550 = arith.constant 0 : i32
      %dma_wait3A_1551 = arith.constant 0 : i32
      %dma_wait3A_1552 = tpu.memref_slice %arg3[%squeeze3A_634, %dma_wait3A_1550, %dma_wait3A_1551] : memref<125000x8x64xf32, #tpu.memory_space<hbm>> -> memref<1x8x64xf32, #tpu.memory_space<hbm>>
      %dma_wait3A_1553 = tpu.memref_squeeze %dma_wait3A_1552 : memref<1x8x64xf32, #tpu.memory_space<hbm>> -> memref<8x64xf32, #tpu.memory_space<hbm>>
      tpu.wait_dma2 semaphore(%arg22 : memref<!tpu.dma_semaphore, #tpu.memory_space<semaphore_mem>>) src(%dma_wait3A_1553 : memref<8x64xf32, #tpu.memory_space<hbm>>) dst(%dma_wait3A_1549 : memref<8x64xf32, #tpu.memory_space<vmem>>)
      %dma_wait3A_1554 = arith.constant 1 : i32
      %dma_wait3A_1555 = arith.constant 0 : i32
      %dma_wait3A_1556 = arith.constant 0 : i32
      %dma_wait3A_1557 = tpu.memref_slice %arg16[%dma_wait3A_1554, %dma_wait3A_1555, %dma_wait3A_1556] : memref<16x8x64xf32, #tpu.memory_space<vmem>> -> memref<1x8x64xf32, #tpu.memory_space<vmem>>
      %dma_wait3A_1558 = tpu.memref_squeeze %dma_wait3A_1557 : memref<1x8x64xf32, #tpu.memory_space<vmem>> -> memref<8x64xf32, #tpu.memory_space<vmem>>
      %dma_wait3A_1559 = arith.constant 0 : i32
      %dma_wait3A_1560 = arith.constant 0 : i32
      %dma_wait3A_1561 = tpu.memref_slice %arg3[%squeeze3A_653, %dma_wait3A_1559, %dma_wait3A_1560] : memref<125000x8x64xf32, #tpu.memory_space<hbm>> -> memref<1x8x64xf32, #tpu.memory_space<hbm>>
      %dma_wait3A_1562 = tpu.memref_squeeze %dma_wait3A_1561 : memref<1x8x64xf32, #tpu.memory_space<hbm>> -> memref<8x64xf32, #tpu.memory_space<hbm>>
      %dma_wait3A_1563 = arith.constant 0 : i32
      %dma_wait3A_1564 = arith.constant 0 : i32
      %dma_wait3A_1565 = tpu.memref_slice %arg16[%dma_wait3A_1554, %dma_wait3A_1563, %dma_wait3A_1564] : memref<16x8x64xf32, #tpu.memory_space<vmem>> -> memref<1x8x64xf32, #tpu.memory_space<vmem>>
      %dma_wait3A_1566 = tpu.memref_squeeze %dma_wait3A_1565 : memref<1x8x64xf32, #tpu.memory_space<vmem>> -> memref<8x64xf32, #tpu.memory_space<vmem>>
      %dma_wait3A_1567 = arith.constant 0 : i32
      %dma_wait3A_1568 = arith.constant 0 : i32
      %dma_wait3A_1569 = tpu.memref_slice %arg3[%squeeze3A_653, %dma_wait3A_1567, %dma_wait3A_1568] : memref<125000x8x64xf32, #tpu.memory_space<hbm>> -> memref<1x8x64xf32, #tpu.memory_space<hbm>>
      %dma_wait3A_1570 = tpu.memref_squeeze %dma_wait3A_1569 : memref<1x8x64xf32, #tpu.memory_space<hbm>> -> memref<8x64xf32, #tpu.memory_space<hbm>>
      tpu.wait_dma2 semaphore(%arg22 : memref<!tpu.dma_semaphore, #tpu.memory_space<semaphore_mem>>) src(%dma_wait3A_1570 : memref<8x64xf32, #tpu.memory_space<hbm>>) dst(%dma_wait3A_1566 : memref<8x64xf32, #tpu.memory_space<vmem>>)
      %dma_wait3A_1571 = arith.constant 2 : i32
      %dma_wait3A_1572 = arith.constant 0 : i32
      %dma_wait3A_1573 = arith.constant 0 : i32
      %dma_wait3A_1574 = tpu.memref_slice %arg14[%dma_wait3A_1571, %dma_wait3A_1572, %dma_wait3A_1573] : memref<16x8x64xf32, #tpu.memory_space<vmem>> -> memref<1x8x64xf32, #tpu.memory_space<vmem>>
      %dma_wait3A_1575 = tpu.memref_squeeze %dma_wait3A_1574 : memref<1x8x64xf32, #tpu.memory_space<vmem>> -> memref<8x64xf32, #tpu.memory_space<vmem>>
      %dma_wait3A_1576 = arith.constant 0 : i32
      %dma_wait3A_1577 = arith.constant 0 : i32
      %dma_wait3A_1578 = tpu.memref_slice %arg2[%squeeze3A_672, %dma_wait3A_1576, %dma_wait3A_1577] : memref<125000x8x64xf32, #tpu.memory_space<hbm>> -> memref<1x8x64xf32, #tpu.memory_space<hbm>>
      %dma_wait3A_1579 = tpu.memref_squeeze %dma_wait3A_1578 : memref<1x8x64xf32, #tpu.memory_space<hbm>> -> memref<8x64xf32, #tpu.memory_space<hbm>>
      %dma_wait3A_1580 = arith.constant 0 : i32
      %dma_wait3A_1581 = arith.constant 0 : i32
      %dma_wait3A_1582 = tpu.memref_slice %arg14[%dma_wait3A_1571, %dma_wait3A_1580, %dma_wait3A_1581] : memref<16x8x64xf32, #tpu.memory_space<vmem>> -> memref<1x8x64xf32, #tpu.memory_space<vmem>>
      %dma_wait3A_1583 = tpu.memref_squeeze %dma_wait3A_1582 : memref<1x8x64xf32, #tpu.memory_space<vmem>> -> memref<8x64xf32, #tpu.memory_space<vmem>>
      %dma_wait3A_1584 = arith.constant 0 : i32
      %dma_wait3A_1585 = arith.constant 0 : i32
      %dma_wait3A_1586 = tpu.memref_slice %arg2[%squeeze3A_672, %dma_wait3A_1584, %dma_wait3A_1585] : memref<125000x8x64xf32, #tpu.memory_space<hbm>> -> memref<1x8x64xf32, #tpu.memory_space<hbm>>
      %dma_wait3A_1587 = tpu.memref_squeeze %dma_wait3A_1586 : memref<1x8x64xf32, #tpu.memory_space<hbm>> -> memref<8x64xf32, #tpu.memory_space<hbm>>
      tpu.wait_dma2 semaphore(%arg22 : memref<!tpu.dma_semaphore, #tpu.memory_space<semaphore_mem>>) src(%dma_wait3A_1587 : memref<8x64xf32, #tpu.memory_space<hbm>>) dst(%dma_wait3A_1583 : memref<8x64xf32, #tpu.memory_space<vmem>>)
      %dma_wait3A_1588 = arith.constant 2 : i32
      %dma_wait3A_1589 = arith.constant 0 : i32
      %dma_wait3A_1590 = arith.constant 0 : i32
      %dma_wait3A_1591 = tpu.memref_slice %arg15[%dma_wait3A_1588, %dma_wait3A_1589, %dma_wait3A_1590] : memref<16x8x64xf32, #tpu.memory_space<vmem>> -> memref<1x8x64xf32, #tpu.memory_space<vmem>>
      %dma_wait3A_1592 = tpu.memref_squeeze %dma_wait3A_1591 : memref<1x8x64xf32, #tpu.memory_space<vmem>> -> memref<8x64xf32, #tpu.memory_space<vmem>>
      %dma_wait3A_1593 = arith.constant 0 : i32
      %dma_wait3A_1594 = arith.constant 0 : i32
      %dma_wait3A_1595 = tpu.memref_slice %arg3[%squeeze3A_691, %dma_wait3A_1593, %dma_wait3A_1594] : memref<125000x8x64xf32, #tpu.memory_space<hbm>> -> memref<1x8x64xf32, #tpu.memory_space<hbm>>
      %dma_wait3A_1596 = tpu.memref_squeeze %dma_wait3A_1595 : memref<1x8x64xf32, #tpu.memory_space<hbm>> -> memref<8x64xf32, #tpu.memory_space<hbm>>
      %dma_wait3A_1597 = arith.constant 0 : i32
      %dma_wait3A_1598 = arith.constant 0 : i32
      %dma_wait3A_1599 = tpu.memref_slice %arg15[%dma_wait3A_1588, %dma_wait3A_1597, %dma_wait3A_1598] : memref<16x8x64xf32, #tpu.memory_space<vmem>> -> memref<1x8x64xf32, #tpu.memory_space<vmem>>
      %dma_wait3A_1600 = tpu.memref_squeeze %dma_wait3A_1599 : memref<1x8x64xf32, #tpu.memory_space<vmem>> -> memref<8x64xf32, #tpu.memory_space<vmem>>
      %dma_wait3A_1601 = arith.constant 0 : i32
      %dma_wait3A_1602 = arith.constant 0 : i32
      %dma_wait3A_1603 = tpu.memref_slice %arg3[%squeeze3A_691, %dma_wait3A_1601, %dma_wait3A_1602] : memref<125000x8x64xf32, #tpu.memory_space<hbm>> -> memref<1x8x64xf32, #tpu.memory_space<hbm>>
      %dma_wait3A_1604 = tpu.memref_squeeze %dma_wait3A_1603 : memref<1x8x64xf32, #tpu.memory_space<hbm>> -> memref<8x64xf32, #tpu.memory_space<hbm>>
      tpu.wait_dma2 semaphore(%arg22 : memref<!tpu.dma_semaphore, #tpu.memory_space<semaphore_mem>>) src(%dma_wait3A_1604 : memref<8x64xf32, #tpu.memory_space<hbm>>) dst(%dma_wait3A_1600 : memref<8x64xf32, #tpu.memory_space<vmem>>)
      %dma_wait3A_1605 = arith.constant 2 : i32
      %dma_wait3A_1606 = arith.constant 0 : i32
      %dma_wait3A_1607 = arith.constant 0 : i32
      %dma_wait3A_1608 = tpu.memref_slice %arg16[%dma_wait3A_1605, %dma_wait3A_1606, %dma_wait3A_1607] : memref<16x8x64xf32, #tpu.memory_space<vmem>> -> memref<1x8x64xf32, #tpu.memory_space<vmem>>
      %dma_wait3A_1609 = tpu.memref_squeeze %dma_wait3A_1608 : memref<1x8x64xf32, #tpu.memory_space<vmem>> -> memref<8x64xf32, #tpu.memory_space<vmem>>
      %dma_wait3A_1610 = arith.constant 0 : i32
      %dma_wait3A_1611 = arith.constant 0 : i32
      %dma_wait3A_1612 = tpu.memref_slice %arg3[%squeeze3A_710, %dma_wait3A_1610, %dma_wait3A_1611] : memref<125000x8x64xf32, #tpu.memory_space<hbm>> -> memref<1x8x64xf32, #tpu.memory_space<hbm>>
      %dma_wait3A_1613 = tpu.memref_squeeze %dma_wait3A_1612 : memref<1x8x64xf32, #tpu.memory_space<hbm>> -> memref<8x64xf32, #tpu.memory_space<hbm>>
      %dma_wait3A_1614 = arith.constant 0 : i32
      %dma_wait3A_1615 = arith.constant 0 : i32
      %dma_wait3A_1616 = tpu.memref_slice %arg16[%dma_wait3A_1605, %dma_wait3A_1614, %dma_wait3A_1615] : memref<16x8x64xf32, #tpu.memory_space<vmem>> -> memref<1x8x64xf32, #tpu.memory_space<vmem>>
      %dma_wait3A_1617 = tpu.memref_squeeze %dma_wait3A_1616 : memref<1x8x64xf32, #tpu.memory_space<vmem>> -> memref<8x64xf32, #tpu.memory_space<vmem>>
      %dma_wait3A_1618 = arith.constant 0 : i32
      %dma_wait3A_1619 = arith.constant 0 : i32
      %dma_wait3A_1620 = tpu.memref_slice %arg3[%squeeze3A_710, %dma_wait3A_1618, %dma_wait3A_1619] : memref<125000x8x64xf32, #tpu.memory_space<hbm>> -> memref<1x8x64xf32, #tpu.memory_space<hbm>>
      %dma_wait3A_1621 = tpu.memref_squeeze %dma_wait3A_1620 : memref<1x8x64xf32, #tpu.memory_space<hbm>> -> memref<8x64xf32, #tpu.memory_space<hbm>>
      tpu.wait_dma2 semaphore(%arg22 : memref<!tpu.dma_semaphore, #tpu.memory_space<semaphore_mem>>) src(%dma_wait3A_1621 : memref<8x64xf32, #tpu.memory_space<hbm>>) dst(%dma_wait3A_1617 : memref<8x64xf32, #tpu.memory_space<vmem>>)
      %dma_wait3A_1622 = arith.constant 3 : i32
      %dma_wait3A_1623 = arith.constant 0 : i32
      %dma_wait3A_1624 = arith.constant 0 : i32
      %dma_wait3A_1625 = tpu.memref_slice %arg14[%dma_wait3A_1622, %dma_wait3A_1623, %dma_wait3A_1624] : memref<16x8x64xf32, #tpu.memory_space<vmem>> -> memref<1x8x64xf32, #tpu.memory_space<vmem>>
      %dma_wait3A_1626 = tpu.memref_squeeze %dma_wait3A_1625 : memref<1x8x64xf32, #tpu.memory_space<vmem>> -> memref<8x64xf32, #tpu.memory_space<vmem>>
      %dma_wait3A_1627 = arith.constant 0 : i32
      %dma_wait3A_1628 = arith.constant 0 : i32
      %dma_wait3A_1629 = tpu.memref_slice %arg2[%squeeze3A_729, %dma_wait3A_1627, %dma_wait3A_1628] : memref<125000x8x64xf32, #tpu.memory_space<hbm>> -> memref<1x8x64xf32, #tpu.memory_space<hbm>>
      %dma_wait3A_1630 = tpu.memref_squeeze %dma_wait3A_1629 : memref<1x8x64xf32, #tpu.memory_space<hbm>> -> memref<8x64xf32, #tpu.memory_space<hbm>>
      %dma_wait3A_1631 = arith.constant 0 : i32
      %dma_wait3A_1632 = arith.constant 0 : i32
      %dma_wait3A_1633 = tpu.memref_slice %arg14[%dma_wait3A_1622, %dma_wait3A_1631, %dma_wait3A_1632] : memref<16x8x64xf32, #tpu.memory_space<vmem>> -> memref<1x8x64xf32, #tpu.memory_space<vmem>>
      %dma_wait3A_1634 = tpu.memref_squeeze %dma_wait3A_1633 : memref<1x8x64xf32, #tpu.memory_space<vmem>> -> memref<8x64xf32, #tpu.memory_space<vmem>>
      %dma_wait3A_1635 = arith.constant 0 : i32
      %dma_wait3A_1636 = arith.constant 0 : i32
      %dma_wait3A_1637 = tpu.memref_slice %arg2[%squeeze3A_729, %dma_wait3A_1635, %dma_wait3A_1636] : memref<125000x8x64xf32, #tpu.memory_space<hbm>> -> memref<1x8x64xf32, #tpu.memory_space<hbm>>
      %dma_wait3A_1638 = tpu.memref_squeeze %dma_wait3A_1637 : memref<1x8x64xf32, #tpu.memory_space<hbm>> -> memref<8x64xf32, #tpu.memory_space<hbm>>
      tpu.wait_dma2 semaphore(%arg22 : memref<!tpu.dma_semaphore, #tpu.memory_space<semaphore_mem>>) src(%dma_wait3A_1638 : memref<8x64xf32, #tpu.memory_space<hbm>>) dst(%dma_wait3A_1634 : memref<8x64xf32, #tpu.memory_space<vmem>>)
      %dma_wait3A_1639 = arith.constant 3 : i32
      %dma_wait3A_1640 = arith.constant 0 : i32
      %dma_wait3A_1641 = arith.constant 0 : i32
      %dma_wait3A_1642 = tpu.memref_slice %arg15[%dma_wait3A_1639, %dma_wait3A_1640, %dma_wait3A_1641] : memref<16x8x64xf32, #tpu.memory_space<vmem>> -> memref<1x8x64xf32, #tpu.memory_space<vmem>>
      %dma_wait3A_1643 = tpu.memref_squeeze %dma_wait3A_1642 : memref<1x8x64xf32, #tpu.memory_space<vmem>> -> memref<8x64xf32, #tpu.memory_space<vmem>>
      %dma_wait3A_1644 = arith.constant 0 : i32
      %dma_wait3A_1645 = arith.constant 0 : i32
      %dma_wait3A_1646 = tpu.memref_slice %arg3[%squeeze3A_748, %dma_wait3A_1644, %dma_wait3A_1645] : memref<125000x8x64xf32, #tpu.memory_space<hbm>> -> memref<1x8x64xf32, #tpu.memory_space<hbm>>
      %dma_wait3A_1647 = tpu.memref_squeeze %dma_wait3A_1646 : memref<1x8x64xf32, #tpu.memory_space<hbm>> -> memref<8x64xf32, #tpu.memory_space<hbm>>
      %dma_wait3A_1648 = arith.constant 0 : i32
      %dma_wait3A_1649 = arith.constant 0 : i32
      %dma_wait3A_1650 = tpu.memref_slice %arg15[%dma_wait3A_1639, %dma_wait3A_1648, %dma_wait3A_1649] : memref<16x8x64xf32, #tpu.memory_space<vmem>> -> memref<1x8x64xf32, #tpu.memory_space<vmem>>
      %dma_wait3A_1651 = tpu.memref_squeeze %dma_wait3A_1650 : memref<1x8x64xf32, #tpu.memory_space<vmem>> -> memref<8x64xf32, #tpu.memory_space<vmem>>
      %dma_wait3A_1652 = arith.constant 0 : i32
      %dma_wait3A_1653 = arith.constant 0 : i32
      %dma_wait3A_1654 = tpu.memref_slice %arg3[%squeeze3A_748, %dma_wait3A_1652, %dma_wait3A_1653] : memref<125000x8x64xf32, #tpu.memory_space<hbm>> -> memref<1x8x64xf32, #tpu.memory_space<hbm>>
      %dma_wait3A_1655 = tpu.memref_squeeze %dma_wait3A_1654 : memref<1x8x64xf32, #tpu.memory_space<hbm>> -> memref<8x64xf32, #tpu.memory_space<hbm>>
      tpu.wait_dma2 semaphore(%arg22 : memref<!tpu.dma_semaphore, #tpu.memory_space<semaphore_mem>>) src(%dma_wait3A_1655 : memref<8x64xf32, #tpu.memory_space<hbm>>) dst(%dma_wait3A_1651 : memref<8x64xf32, #tpu.memory_space<vmem>>)
      %dma_wait3A_1656 = arith.constant 3 : i32
      %dma_wait3A_1657 = arith.constant 0 : i32
      %dma_wait3A_1658 = arith.constant 0 : i32
      %dma_wait3A_1659 = tpu.memref_slice %arg16[%dma_wait3A_1656, %dma_wait3A_1657, %dma_wait3A_1658] : memref<16x8x64xf32, #tpu.memory_space<vmem>> -> memref<1x8x64xf32, #tpu.memory_space<vmem>>
      %dma_wait3A_1660 = tpu.memref_squeeze %dma_wait3A_1659 : memref<1x8x64xf32, #tpu.memory_space<vmem>> -> memref<8x64xf32, #tpu.memory_space<vmem>>
      %dma_wait3A_1661 = arith.constant 0 : i32
      %dma_wait3A_1662 = arith.constant 0 : i32
      %dma_wait3A_1663 = tpu.memref_slice %arg3[%squeeze3A_767, %dma_wait3A_1661, %dma_wait3A_1662] : memref<125000x8x64xf32, #tpu.memory_space<hbm>> -> memref<1x8x64xf32, #tpu.memory_space<hbm>>
      %dma_wait3A_1664 = tpu.memref_squeeze %dma_wait3A_1663 : memref<1x8x64xf32, #tpu.memory_space<hbm>> -> memref<8x64xf32, #tpu.memory_space<hbm>>
      %dma_wait3A_1665 = arith.constant 0 : i32
      %dma_wait3A_1666 = arith.constant 0 : i32
      %dma_wait3A_1667 = tpu.memref_slice %arg16[%dma_wait3A_1656, %dma_wait3A_1665, %dma_wait3A_1666] : memref<16x8x64xf32, #tpu.memory_space<vmem>> -> memref<1x8x64xf32, #tpu.memory_space<vmem>>
      %dma_wait3A_1668 = tpu.memref_squeeze %dma_wait3A_1667 : memref<1x8x64xf32, #tpu.memory_space<vmem>> -> memref<8x64xf32, #tpu.memory_space<vmem>>
      %dma_wait3A_1669 = arith.constant 0 : i32
      %dma_wait3A_1670 = arith.constant 0 : i32
      %dma_wait3A_1671 = tpu.memref_slice %arg3[%squeeze3A_767, %dma_wait3A_1669, %dma_wait3A_1670] : memref<125000x8x64xf32, #tpu.memory_space<hbm>> -> memref<1x8x64xf32, #tpu.memory_space<hbm>>
      %dma_wait3A_1672 = tpu.memref_squeeze %dma_wait3A_1671 : memref<1x8x64xf32, #tpu.memory_space<hbm>> -> memref<8x64xf32, #tpu.memory_space<hbm>>
      tpu.wait_dma2 semaphore(%arg22 : memref<!tpu.dma_semaphore, #tpu.memory_space<semaphore_mem>>) src(%dma_wait3A_1672 : memref<8x64xf32, #tpu.memory_space<hbm>>) dst(%dma_wait3A_1668 : memref<8x64xf32, #tpu.memory_space<vmem>>)
      %dma_wait3A_1673 = arith.constant 4 : i32
      %dma_wait3A_1674 = arith.constant 0 : i32
      %dma_wait3A_1675 = arith.constant 0 : i32
      %dma_wait3A_1676 = tpu.memref_slice %arg14[%dma_wait3A_1673, %dma_wait3A_1674, %dma_wait3A_1675] : memref<16x8x64xf32, #tpu.memory_space<vmem>> -> memref<1x8x64xf32, #tpu.memory_space<vmem>>
      %dma_wait3A_1677 = tpu.memref_squeeze %dma_wait3A_1676 : memref<1x8x64xf32, #tpu.memory_space<vmem>> -> memref<8x64xf32, #tpu.memory_space<vmem>>
      %dma_wait3A_1678 = arith.constant 0 : i32
      %dma_wait3A_1679 = arith.constant 0 : i32
      %dma_wait3A_1680 = tpu.memref_slice %arg2[%squeeze3A_786, %dma_wait3A_1678, %dma_wait3A_1679] : memref<125000x8x64xf32, #tpu.memory_space<hbm>> -> memref<1x8x64xf32, #tpu.memory_space<hbm>>
      %dma_wait3A_1681 = tpu.memref_squeeze %dma_wait3A_1680 : memref<1x8x64xf32, #tpu.memory_space<hbm>> -> memref<8x64xf32, #tpu.memory_space<hbm>>
      %dma_wait3A_1682 = arith.constant 0 : i32
      %dma_wait3A_1683 = arith.constant 0 : i32
      %dma_wait3A_1684 = tpu.memref_slice %arg14[%dma_wait3A_1673, %dma_wait3A_1682, %dma_wait3A_1683] : memref<16x8x64xf32, #tpu.memory_space<vmem>> -> memref<1x8x64xf32, #tpu.memory_space<vmem>>
      %dma_wait3A_1685 = tpu.memref_squeeze %dma_wait3A_1684 : memref<1x8x64xf32, #tpu.memory_space<vmem>> -> memref<8x64xf32, #tpu.memory_space<vmem>>
      %dma_wait3A_1686 = arith.constant 0 : i32
      %dma_wait3A_1687 = arith.constant 0 : i32
      %dma_wait3A_1688 = tpu.memref_slice %arg2[%squeeze3A_786, %dma_wait3A_1686, %dma_wait3A_1687] : memref<125000x8x64xf32, #tpu.memory_space<hbm>> -> memref<1x8x64xf32, #tpu.memory_space<hbm>>
      %dma_wait3A_1689 = tpu.memref_squeeze %dma_wait3A_1688 : memref<1x8x64xf32, #tpu.memory_space<hbm>> -> memref<8x64xf32, #tpu.memory_space<hbm>>
      tpu.wait_dma2 semaphore(%arg22 : memref<!tpu.dma_semaphore, #tpu.memory_space<semaphore_mem>>) src(%dma_wait3A_1689 : memref<8x64xf32, #tpu.memory_space<hbm>>) dst(%dma_wait3A_1685 : memref<8x64xf32, #tpu.memory_space<vmem>>)
      %dma_wait3A_1690 = arith.constant 4 : i32
      %dma_wait3A_1691 = arith.constant 0 : i32
      %dma_wait3A_1692 = arith.constant 0 : i32
      %dma_wait3A_1693 = tpu.memref_slice %arg15[%dma_wait3A_1690, %dma_wait3A_1691, %dma_wait3A_1692] : memref<16x8x64xf32, #tpu.memory_space<vmem>> -> memref<1x8x64xf32, #tpu.memory_space<vmem>>
      %dma_wait3A_1694 = tpu.memref_squeeze %dma_wait3A_1693 : memref<1x8x64xf32, #tpu.memory_space<vmem>> -> memref<8x64xf32, #tpu.memory_space<vmem>>
      %dma_wait3A_1695 = arith.constant 0 : i32
      %dma_wait3A_1696 = arith.constant 0 : i32
      %dma_wait3A_1697 = tpu.memref_slice %arg3[%squeeze3A_805, %dma_wait3A_1695, %dma_wait3A_1696] : memref<125000x8x64xf32, #tpu.memory_space<hbm>> -> memref<1x8x64xf32, #tpu.memory_space<hbm>>
      %dma_wait3A_1698 = tpu.memref_squeeze %dma_wait3A_1697 : memref<1x8x64xf32, #tpu.memory_space<hbm>> -> memref<8x64xf32, #tpu.memory_space<hbm>>
      %dma_wait3A_1699 = arith.constant 0 : i32
      %dma_wait3A_1700 = arith.constant 0 : i32
      %dma_wait3A_1701 = tpu.memref_slice %arg15[%dma_wait3A_1690, %dma_wait3A_1699, %dma_wait3A_1700] : memref<16x8x64xf32, #tpu.memory_space<vmem>> -> memref<1x8x64xf32, #tpu.memory_space<vmem>>
      %dma_wait3A_1702 = tpu.memref_squeeze %dma_wait3A_1701 : memref<1x8x64xf32, #tpu.memory_space<vmem>> -> memref<8x64xf32, #tpu.memory_space<vmem>>
      %dma_wait3A_1703 = arith.constant 0 : i32
      %dma_wait3A_1704 = arith.constant 0 : i32
      %dma_wait3A_1705 = tpu.memref_slice %arg3[%squeeze3A_805, %dma_wait3A_1703, %dma_wait3A_1704] : memref<125000x8x64xf32, #tpu.memory_space<hbm>> -> memref<1x8x64xf32, #tpu.memory_space<hbm>>
      %dma_wait3A_1706 = tpu.memref_squeeze %dma_wait3A_1705 : memref<1x8x64xf32, #tpu.memory_space<hbm>> -> memref<8x64xf32, #tpu.memory_space<hbm>>
      tpu.wait_dma2 semaphore(%arg22 : memref<!tpu.dma_semaphore, #tpu.memory_space<semaphore_mem>>) src(%dma_wait3A_1706 : memref<8x64xf32, #tpu.memory_space<hbm>>) dst(%dma_wait3A_1702 : memref<8x64xf32, #tpu.memory_space<vmem>>)
      %dma_wait3A_1707 = arith.constant 4 : i32
      %dma_wait3A_1708 = arith.constant 0 : i32
      %dma_wait3A_1709 = arith.constant 0 : i32
      %dma_wait3A_1710 = tpu.memref_slice %arg16[%dma_wait3A_1707, %dma_wait3A_1708, %dma_wait3A_1709] : memref<16x8x64xf32, #tpu.memory_space<vmem>> -> memref<1x8x64xf32, #tpu.memory_space<vmem>>
      %dma_wait3A_1711 = tpu.memref_squeeze %dma_wait3A_1710 : memref<1x8x64xf32, #tpu.memory_space<vmem>> -> memref<8x64xf32, #tpu.memory_space<vmem>>
      %dma_wait3A_1712 = arith.constant 0 : i32
      %dma_wait3A_1713 = arith.constant 0 : i32
      %dma_wait3A_1714 = tpu.memref_slice %arg3[%squeeze3A_824, %dma_wait3A_1712, %dma_wait3A_1713] : memref<125000x8x64xf32, #tpu.memory_space<hbm>> -> memref<1x8x64xf32, #tpu.memory_space<hbm>>
      %dma_wait3A_1715 = tpu.memref_squeeze %dma_wait3A_1714 : memref<1x8x64xf32, #tpu.memory_space<hbm>> -> memref<8x64xf32, #tpu.memory_space<hbm>>
      %dma_wait3A_1716 = arith.constant 0 : i32
      %dma_wait3A_1717 = arith.constant 0 : i32
      %dma_wait3A_1718 = tpu.memref_slice %arg16[%dma_wait3A_1707, %dma_wait3A_1716, %dma_wait3A_1717] : memref<16x8x64xf32, #tpu.memory_space<vmem>> -> memref<1x8x64xf32, #tpu.memory_space<vmem>>
      %dma_wait3A_1719 = tpu.memref_squeeze %dma_wait3A_1718 : memref<1x8x64xf32, #tpu.memory_space<vmem>> -> memref<8x64xf32, #tpu.memory_space<vmem>>
      %dma_wait3A_1720 = arith.constant 0 : i32
      %dma_wait3A_1721 = arith.constant 0 : i32
      %dma_wait3A_1722 = tpu.memref_slice %arg3[%squeeze3A_824, %dma_wait3A_1720, %dma_wait3A_1721] : memref<125000x8x64xf32, #tpu.memory_space<hbm>> -> memref<1x8x64xf32, #tpu.memory_space<hbm>>
      %dma_wait3A_1723 = tpu.memref_squeeze %dma_wait3A_1722 : memref<1x8x64xf32, #tpu.memory_space<hbm>> -> memref<8x64xf32, #tpu.memory_space<hbm>>
      tpu.wait_dma2 semaphore(%arg22 : memref<!tpu.dma_semaphore, #tpu.memory_space<semaphore_mem>>) src(%dma_wait3A_1723 : memref<8x64xf32, #tpu.memory_space<hbm>>) dst(%dma_wait3A_1719 : memref<8x64xf32, #tpu.memory_space<vmem>>)
      %dma_wait3A_1724 = arith.constant 5 : i32
      %dma_wait3A_1725 = arith.constant 0 : i32
      %dma_wait3A_1726 = arith.constant 0 : i32
      %dma_wait3A_1727 = tpu.memref_slice %arg14[%dma_wait3A_1724, %dma_wait3A_1725, %dma_wait3A_1726] : memref<16x8x64xf32, #tpu.memory_space<vmem>> -> memref<1x8x64xf32, #tpu.memory_space<vmem>>
      %dma_wait3A_1728 = tpu.memref_squeeze %dma_wait3A_1727 : memref<1x8x64xf32, #tpu.memory_space<vmem>> -> memref<8x64xf32, #tpu.memory_space<vmem>>
      %dma_wait3A_1729 = arith.constant 0 : i32
      %dma_wait3A_1730 = arith.constant 0 : i32
      %dma_wait3A_1731 = tpu.memref_slice %arg2[%squeeze3A_843, %dma_wait3A_1729, %dma_wait3A_1730] : memref<125000x8x64xf32, #tpu.memory_space<hbm>> -> memref<1x8x64xf32, #tpu.memory_space<hbm>>
      %dma_wait3A_1732 = tpu.memref_squeeze %dma_wait3A_1731 : memref<1x8x64xf32, #tpu.memory_space<hbm>> -> memref<8x64xf32, #tpu.memory_space<hbm>>
      %dma_wait3A_1733 = arith.constant 0 : i32
      %dma_wait3A_1734 = arith.constant 0 : i32
      %dma_wait3A_1735 = tpu.memref_slice %arg14[%dma_wait3A_1724, %dma_wait3A_1733, %dma_wait3A_1734] : memref<16x8x64xf32, #tpu.memory_space<vmem>> -> memref<1x8x64xf32, #tpu.memory_space<vmem>>
      %dma_wait3A_1736 = tpu.memref_squeeze %dma_wait3A_1735 : memref<1x8x64xf32, #tpu.memory_space<vmem>> -> memref<8x64xf32, #tpu.memory_space<vmem>>
      %dma_wait3A_1737 = arith.constant 0 : i32
      %dma_wait3A_1738 = arith.constant 0 : i32
      %dma_wait3A_1739 = tpu.memref_slice %arg2[%squeeze3A_843, %dma_wait3A_1737, %dma_wait3A_1738] : memref<125000x8x64xf32, #tpu.memory_space<hbm>> -> memref<1x8x64xf32, #tpu.memory_space<hbm>>
      %dma_wait3A_1740 = tpu.memref_squeeze %dma_wait3A_1739 : memref<1x8x64xf32, #tpu.memory_space<hbm>> -> memref<8x64xf32, #tpu.memory_space<hbm>>
      tpu.wait_dma2 semaphore(%arg22 : memref<!tpu.dma_semaphore, #tpu.memory_space<semaphore_mem>>) src(%dma_wait3A_1740 : memref<8x64xf32, #tpu.memory_space<hbm>>) dst(%dma_wait3A_1736 : memref<8x64xf32, #tpu.memory_space<vmem>>)
      %dma_wait3A_1741 = arith.constant 5 : i32
      %dma_wait3A_1742 = arith.constant 0 : i32
      %dma_wait3A_1743 = arith.constant 0 : i32
      %dma_wait3A_1744 = tpu.memref_slice %arg15[%dma_wait3A_1741, %dma_wait3A_1742, %dma_wait3A_1743] : memref<16x8x64xf32, #tpu.memory_space<vmem>> -> memref<1x8x64xf32, #tpu.memory_space<vmem>>
      %dma_wait3A_1745 = tpu.memref_squeeze %dma_wait3A_1744 : memref<1x8x64xf32, #tpu.memory_space<vmem>> -> memref<8x64xf32, #tpu.memory_space<vmem>>
      %dma_wait3A_1746 = arith.constant 0 : i32
      %dma_wait3A_1747 = arith.constant 0 : i32
      %dma_wait3A_1748 = tpu.memref_slice %arg3[%squeeze3A_862, %dma_wait3A_1746, %dma_wait3A_1747] : memref<125000x8x64xf32, #tpu.memory_space<hbm>> -> memref<1x8x64xf32, #tpu.memory_space<hbm>>
      %dma_wait3A_1749 = tpu.memref_squeeze %dma_wait3A_1748 : memref<1x8x64xf32, #tpu.memory_space<hbm>> -> memref<8x64xf32, #tpu.memory_space<hbm>>
      %dma_wait3A_1750 = arith.constant 0 : i32
      %dma_wait3A_1751 = arith.constant 0 : i32
      %dma_wait3A_1752 = tpu.memref_slice %arg15[%dma_wait3A_1741, %dma_wait3A_1750, %dma_wait3A_1751] : memref<16x8x64xf32, #tpu.memory_space<vmem>> -> memref<1x8x64xf32, #tpu.memory_space<vmem>>
      %dma_wait3A_1753 = tpu.memref_squeeze %dma_wait3A_1752 : memref<1x8x64xf32, #tpu.memory_space<vmem>> -> memref<8x64xf32, #tpu.memory_space<vmem>>
      %dma_wait3A_1754 = arith.constant 0 : i32
      %dma_wait3A_1755 = arith.constant 0 : i32
      %dma_wait3A_1756 = tpu.memref_slice %arg3[%squeeze3A_862, %dma_wait3A_1754, %dma_wait3A_1755] : memref<125000x8x64xf32, #tpu.memory_space<hbm>> -> memref<1x8x64xf32, #tpu.memory_space<hbm>>
      %dma_wait3A_1757 = tpu.memref_squeeze %dma_wait3A_1756 : memref<1x8x64xf32, #tpu.memory_space<hbm>> -> memref<8x64xf32, #tpu.memory_space<hbm>>
      tpu.wait_dma2 semaphore(%arg22 : memref<!tpu.dma_semaphore, #tpu.memory_space<semaphore_mem>>) src(%dma_wait3A_1757 : memref<8x64xf32, #tpu.memory_space<hbm>>) dst(%dma_wait3A_1753 : memref<8x64xf32, #tpu.memory_space<vmem>>)
      %dma_wait3A_1758 = arith.constant 5 : i32
      %dma_wait3A_1759 = arith.constant 0 : i32
      %dma_wait3A_1760 = arith.constant 0 : i32
      %dma_wait3A_1761 = tpu.memref_slice %arg16[%dma_wait3A_1758, %dma_wait3A_1759, %dma_wait3A_1760] : memref<16x8x64xf32, #tpu.memory_space<vmem>> -> memref<1x8x64xf32, #tpu.memory_space<vmem>>
      %dma_wait3A_1762 = tpu.memref_squeeze %dma_wait3A_1761 : memref<1x8x64xf32, #tpu.memory_space<vmem>> -> memref<8x64xf32, #tpu.memory_space<vmem>>
      %dma_wait3A_1763 = arith.constant 0 : i32
      %dma_wait3A_1764 = arith.constant 0 : i32
      %dma_wait3A_1765 = tpu.memref_slice %arg3[%squeeze3A_881, %dma_wait3A_1763, %dma_wait3A_1764] : memref<125000x8x64xf32, #tpu.memory_space<hbm>> -> memref<1x8x64xf32, #tpu.memory_space<hbm>>
      %dma_wait3A_1766 = tpu.memref_squeeze %dma_wait3A_1765 : memref<1x8x64xf32, #tpu.memory_space<hbm>> -> memref<8x64xf32, #tpu.memory_space<hbm>>
      %dma_wait3A_1767 = arith.constant 0 : i32
      %dma_wait3A_1768 = arith.constant 0 : i32
      %dma_wait3A_1769 = tpu.memref_slice %arg16[%dma_wait3A_1758, %dma_wait3A_1767, %dma_wait3A_1768] : memref<16x8x64xf32, #tpu.memory_space<vmem>> -> memref<1x8x64xf32, #tpu.memory_space<vmem>>
      %dma_wait3A_1770 = tpu.memref_squeeze %dma_wait3A_1769 : memref<1x8x64xf32, #tpu.memory_space<vmem>> -> memref<8x64xf32, #tpu.memory_space<vmem>>
      %dma_wait3A_1771 = arith.constant 0 : i32
      %dma_wait3A_1772 = arith.constant 0 : i32
      %dma_wait3A_1773 = tpu.memref_slice %arg3[%squeeze3A_881, %dma_wait3A_1771, %dma_wait3A_1772] : memref<125000x8x64xf32, #tpu.memory_space<hbm>> -> memref<1x8x64xf32, #tpu.memory_space<hbm>>
      %dma_wait3A_1774 = tpu.memref_squeeze %dma_wait3A_1773 : memref<1x8x64xf32, #tpu.memory_space<hbm>> -> memref<8x64xf32, #tpu.memory_space<hbm>>
      tpu.wait_dma2 semaphore(%arg22 : memref<!tpu.dma_semaphore, #tpu.memory_space<semaphore_mem>>) src(%dma_wait3A_1774 : memref<8x64xf32, #tpu.memory_space<hbm>>) dst(%dma_wait3A_1770 : memref<8x64xf32, #tpu.memory_space<vmem>>)
      %dma_wait3A_1775 = arith.constant 6 : i32
      %dma_wait3A_1776 = arith.constant 0 : i32
      %dma_wait3A_1777 = arith.constant 0 : i32
      %dma_wait3A_1778 = tpu.memref_slice %arg14[%dma_wait3A_1775, %dma_wait3A_1776, %dma_wait3A_1777] : memref<16x8x64xf32, #tpu.memory_space<vmem>> -> memref<1x8x64xf32, #tpu.memory_space<vmem>>
      %dma_wait3A_1779 = tpu.memref_squeeze %dma_wait3A_1778 : memref<1x8x64xf32, #tpu.memory_space<vmem>> -> memref<8x64xf32, #tpu.memory_space<vmem>>
      %dma_wait3A_1780 = arith.constant 0 : i32
      %dma_wait3A_1781 = arith.constant 0 : i32
      %dma_wait3A_1782 = tpu.memref_slice %arg2[%squeeze3A_900, %dma_wait3A_1780, %dma_wait3A_1781] : memref<125000x8x64xf32, #tpu.memory_space<hbm>> -> memref<1x8x64xf32, #tpu.memory_space<hbm>>
      %dma_wait3A_1783 = tpu.memref_squeeze %dma_wait3A_1782 : memref<1x8x64xf32, #tpu.memory_space<hbm>> -> memref<8x64xf32, #tpu.memory_space<hbm>>
      %dma_wait3A_1784 = arith.constant 0 : i32
      %dma_wait3A_1785 = arith.constant 0 : i32
      %dma_wait3A_1786 = tpu.memref_slice %arg14[%dma_wait3A_1775, %dma_wait3A_1784, %dma_wait3A_1785] : memref<16x8x64xf32, #tpu.memory_space<vmem>> -> memref<1x8x64xf32, #tpu.memory_space<vmem>>
      %dma_wait3A_1787 = tpu.memref_squeeze %dma_wait3A_1786 : memref<1x8x64xf32, #tpu.memory_space<vmem>> -> memref<8x64xf32, #tpu.memory_space<vmem>>
      %dma_wait3A_1788 = arith.constant 0 : i32
      %dma_wait3A_1789 = arith.constant 0 : i32
      %dma_wait3A_1790 = tpu.memref_slice %arg2[%squeeze3A_900, %dma_wait3A_1788, %dma_wait3A_1789] : memref<125000x8x64xf32, #tpu.memory_space<hbm>> -> memref<1x8x64xf32, #tpu.memory_space<hbm>>
      %dma_wait3A_1791 = tpu.memref_squeeze %dma_wait3A_1790 : memref<1x8x64xf32, #tpu.memory_space<hbm>> -> memref<8x64xf32, #tpu.memory_space<hbm>>
      tpu.wait_dma2 semaphore(%arg22 : memref<!tpu.dma_semaphore, #tpu.memory_space<semaphore_mem>>) src(%dma_wait3A_1791 : memref<8x64xf32, #tpu.memory_space<hbm>>) dst(%dma_wait3A_1787 : memref<8x64xf32, #tpu.memory_space<vmem>>)
      %dma_wait3A_1792 = arith.constant 6 : i32
      %dma_wait3A_1793 = arith.constant 0 : i32
      %dma_wait3A_1794 = arith.constant 0 : i32
      %dma_wait3A_1795 = tpu.memref_slice %arg15[%dma_wait3A_1792, %dma_wait3A_1793, %dma_wait3A_1794] : memref<16x8x64xf32, #tpu.memory_space<vmem>> -> memref<1x8x64xf32, #tpu.memory_space<vmem>>
      %dma_wait3A_1796 = tpu.memref_squeeze %dma_wait3A_1795 : memref<1x8x64xf32, #tpu.memory_space<vmem>> -> memref<8x64xf32, #tpu.memory_space<vmem>>
      %dma_wait3A_1797 = arith.constant 0 : i32
      %dma_wait3A_1798 = arith.constant 0 : i32
      %dma_wait3A_1799 = tpu.memref_slice %arg3[%squeeze3A_919, %dma_wait3A_1797, %dma_wait3A_1798] : memref<125000x8x64xf32, #tpu.memory_space<hbm>> -> memref<1x8x64xf32, #tpu.memory_space<hbm>>
      %dma_wait3A_1800 = tpu.memref_squeeze %dma_wait3A_1799 : memref<1x8x64xf32, #tpu.memory_space<hbm>> -> memref<8x64xf32, #tpu.memory_space<hbm>>
      %dma_wait3A_1801 = arith.constant 0 : i32
      %dma_wait3A_1802 = arith.constant 0 : i32
      %dma_wait3A_1803 = tpu.memref_slice %arg15[%dma_wait3A_1792, %dma_wait3A_1801, %dma_wait3A_1802] : memref<16x8x64xf32, #tpu.memory_space<vmem>> -> memref<1x8x64xf32, #tpu.memory_space<vmem>>
      %dma_wait3A_1804 = tpu.memref_squeeze %dma_wait3A_1803 : memref<1x8x64xf32, #tpu.memory_space<vmem>> -> memref<8x64xf32, #tpu.memory_space<vmem>>
      %dma_wait3A_1805 = arith.constant 0 : i32
      %dma_wait3A_1806 = arith.constant 0 : i32
      %dma_wait3A_1807 = tpu.memref_slice %arg3[%squeeze3A_919, %dma_wait3A_1805, %dma_wait3A_1806] : memref<125000x8x64xf32, #tpu.memory_space<hbm>> -> memref<1x8x64xf32, #tpu.memory_space<hbm>>
      %dma_wait3A_1808 = tpu.memref_squeeze %dma_wait3A_1807 : memref<1x8x64xf32, #tpu.memory_space<hbm>> -> memref<8x64xf32, #tpu.memory_space<hbm>>
      tpu.wait_dma2 semaphore(%arg22 : memref<!tpu.dma_semaphore, #tpu.memory_space<semaphore_mem>>) src(%dma_wait3A_1808 : memref<8x64xf32, #tpu.memory_space<hbm>>) dst(%dma_wait3A_1804 : memref<8x64xf32, #tpu.memory_space<vmem>>)
      %dma_wait3A_1809 = arith.constant 6 : i32
      %dma_wait3A_1810 = arith.constant 0 : i32
      %dma_wait3A_1811 = arith.constant 0 : i32
      %dma_wait3A_1812 = tpu.memref_slice %arg16[%dma_wait3A_1809, %dma_wait3A_1810, %dma_wait3A_1811] : memref<16x8x64xf32, #tpu.memory_space<vmem>> -> memref<1x8x64xf32, #tpu.memory_space<vmem>>
      %dma_wait3A_1813 = tpu.memref_squeeze %dma_wait3A_1812 : memref<1x8x64xf32, #tpu.memory_space<vmem>> -> memref<8x64xf32, #tpu.memory_space<vmem>>
      %dma_wait3A_1814 = arith.constant 0 : i32
      %dma_wait3A_1815 = arith.constant 0 : i32
      %dma_wait3A_1816 = tpu.memref_slice %arg3[%squeeze3A_938, %dma_wait3A_1814, %dma_wait3A_1815] : memref<125000x8x64xf32, #tpu.memory_space<hbm>> -> memref<1x8x64xf32, #tpu.memory_space<hbm>>
      %dma_wait3A_1817 = tpu.memref_squeeze %dma_wait3A_1816 : memref<1x8x64xf32, #tpu.memory_space<hbm>> -> memref<8x64xf32, #tpu.memory_space<hbm>>
      %dma_wait3A_1818 = arith.constant 0 : i32
      %dma_wait3A_1819 = arith.constant 0 : i32
      %dma_wait3A_1820 = tpu.memref_slice %arg16[%dma_wait3A_1809, %dma_wait3A_1818, %dma_wait3A_1819] : memref<16x8x64xf32, #tpu.memory_space<vmem>> -> memref<1x8x64xf32, #tpu.memory_space<vmem>>
      %dma_wait3A_1821 = tpu.memref_squeeze %dma_wait3A_1820 : memref<1x8x64xf32, #tpu.memory_space<vmem>> -> memref<8x64xf32, #tpu.memory_space<vmem>>
      %dma_wait3A_1822 = arith.constant 0 : i32
      %dma_wait3A_1823 = arith.constant 0 : i32
      %dma_wait3A_1824 = tpu.memref_slice %arg3[%squeeze3A_938, %dma_wait3A_1822, %dma_wait3A_1823] : memref<125000x8x64xf32, #tpu.memory_space<hbm>> -> memref<1x8x64xf32, #tpu.memory_space<hbm>>
      %dma_wait3A_1825 = tpu.memref_squeeze %dma_wait3A_1824 : memref<1x8x64xf32, #tpu.memory_space<hbm>> -> memref<8x64xf32, #tpu.memory_space<hbm>>
      tpu.wait_dma2 semaphore(%arg22 : memref<!tpu.dma_semaphore, #tpu.memory_space<semaphore_mem>>) src(%dma_wait3A_1825 : memref<8x64xf32, #tpu.memory_space<hbm>>) dst(%dma_wait3A_1821 : memref<8x64xf32, #tpu.memory_space<vmem>>)
      %dma_wait3A_1826 = arith.constant 7 : i32
      %dma_wait3A_1827 = arith.constant 0 : i32
      %dma_wait3A_1828 = arith.constant 0 : i32
      %dma_wait3A_1829 = tpu.memref_slice %arg14[%dma_wait3A_1826, %dma_wait3A_1827, %dma_wait3A_1828] : memref<16x8x64xf32, #tpu.memory_space<vmem>> -> memref<1x8x64xf32, #tpu.memory_space<vmem>>
      %dma_wait3A_1830 = tpu.memref_squeeze %dma_wait3A_1829 : memref<1x8x64xf32, #tpu.memory_space<vmem>> -> memref<8x64xf32, #tpu.memory_space<vmem>>
      %dma_wait3A_1831 = arith.constant 0 : i32
      %dma_wait3A_1832 = arith.constant 0 : i32
      %dma_wait3A_1833 = tpu.memref_slice %arg2[%squeeze3A_957, %dma_wait3A_1831, %dma_wait3A_1832] : memref<125000x8x64xf32, #tpu.memory_space<hbm>> -> memref<1x8x64xf32, #tpu.memory_space<hbm>>
      %dma_wait3A_1834 = tpu.memref_squeeze %dma_wait3A_1833 : memref<1x8x64xf32, #tpu.memory_space<hbm>> -> memref<8x64xf32, #tpu.memory_space<hbm>>
      %dma_wait3A_1835 = arith.constant 0 : i32
      %dma_wait3A_1836 = arith.constant 0 : i32
      %dma_wait3A_1837 = tpu.memref_slice %arg14[%dma_wait3A_1826, %dma_wait3A_1835, %dma_wait3A_1836] : memref<16x8x64xf32, #tpu.memory_space<vmem>> -> memref<1x8x64xf32, #tpu.memory_space<vmem>>
      %dma_wait3A_1838 = tpu.memref_squeeze %dma_wait3A_1837 : memref<1x8x64xf32, #tpu.memory_space<vmem>> -> memref<8x64xf32, #tpu.memory_space<vmem>>
      %dma_wait3A_1839 = arith.constant 0 : i32
      %dma_wait3A_1840 = arith.constant 0 : i32
      %dma_wait3A_1841 = tpu.memref_slice %arg2[%squeeze3A_957, %dma_wait3A_1839, %dma_wait3A_1840] : memref<125000x8x64xf32, #tpu.memory_space<hbm>> -> memref<1x8x64xf32, #tpu.memory_space<hbm>>
      %dma_wait3A_1842 = tpu.memref_squeeze %dma_wait3A_1841 : memref<1x8x64xf32, #tpu.memory_space<hbm>> -> memref<8x64xf32, #tpu.memory_space<hbm>>
      tpu.wait_dma2 semaphore(%arg22 : memref<!tpu.dma_semaphore, #tpu.memory_space<semaphore_mem>>) src(%dma_wait3A_1842 : memref<8x64xf32, #tpu.memory_space<hbm>>) dst(%dma_wait3A_1838 : memref<8x64xf32, #tpu.memory_space<vmem>>)
      %dma_wait3A_1843 = arith.constant 7 : i32
      %dma_wait3A_1844 = arith.constant 0 : i32
      %dma_wait3A_1845 = arith.constant 0 : i32
      %dma_wait3A_1846 = tpu.memref_slice %arg15[%dma_wait3A_1843, %dma_wait3A_1844, %dma_wait3A_1845] : memref<16x8x64xf32, #tpu.memory_space<vmem>> -> memref<1x8x64xf32, #tpu.memory_space<vmem>>
      %dma_wait3A_1847 = tpu.memref_squeeze %dma_wait3A_1846 : memref<1x8x64xf32, #tpu.memory_space<vmem>> -> memref<8x64xf32, #tpu.memory_space<vmem>>
      %dma_wait3A_1848 = arith.constant 0 : i32
      %dma_wait3A_1849 = arith.constant 0 : i32
      %dma_wait3A_1850 = tpu.memref_slice %arg3[%squeeze3A_976, %dma_wait3A_1848, %dma_wait3A_1849] : memref<125000x8x64xf32, #tpu.memory_space<hbm>> -> memref<1x8x64xf32, #tpu.memory_space<hbm>>
      %dma_wait3A_1851 = tpu.memref_squeeze %dma_wait3A_1850 : memref<1x8x64xf32, #tpu.memory_space<hbm>> -> memref<8x64xf32, #tpu.memory_space<hbm>>
      %dma_wait3A_1852 = arith.constant 0 : i32
      %dma_wait3A_1853 = arith.constant 0 : i32
      %dma_wait3A_1854 = tpu.memref_slice %arg15[%dma_wait3A_1843, %dma_wait3A_1852, %dma_wait3A_1853] : memref<16x8x64xf32, #tpu.memory_space<vmem>> -> memref<1x8x64xf32, #tpu.memory_space<vmem>>
      %dma_wait3A_1855 = tpu.memref_squeeze %dma_wait3A_1854 : memref<1x8x64xf32, #tpu.memory_space<vmem>> -> memref<8x64xf32, #tpu.memory_space<vmem>>
      %dma_wait3A_1856 = arith.constant 0 : i32
      %dma_wait3A_1857 = arith.constant 0 : i32
      %dma_wait3A_1858 = tpu.memref_slice %arg3[%squeeze3A_976, %dma_wait3A_1856, %dma_wait3A_1857] : memref<125000x8x64xf32, #tpu.memory_space<hbm>> -> memref<1x8x64xf32, #tpu.memory_space<hbm>>
      %dma_wait3A_1859 = tpu.memref_squeeze %dma_wait3A_1858 : memref<1x8x64xf32, #tpu.memory_space<hbm>> -> memref<8x64xf32, #tpu.memory_space<hbm>>
      tpu.wait_dma2 semaphore(%arg22 : memref<!tpu.dma_semaphore, #tpu.memory_space<semaphore_mem>>) src(%dma_wait3A_1859 : memref<8x64xf32, #tpu.memory_space<hbm>>) dst(%dma_wait3A_1855 : memref<8x64xf32, #tpu.memory_space<vmem>>)
      %dma_wait3A_1860 = arith.constant 7 : i32
      %dma_wait3A_1861 = arith.constant 0 : i32
      %dma_wait3A_1862 = arith.constant 0 : i32
      %dma_wait3A_1863 = tpu.memref_slice %arg16[%dma_wait3A_1860, %dma_wait3A_1861, %dma_wait3A_1862] : memref<16x8x64xf32, #tpu.memory_space<vmem>> -> memref<1x8x64xf32, #tpu.memory_space<vmem>>
      %dma_wait3A_1864 = tpu.memref_squeeze %dma_wait3A_1863 : memref<1x8x64xf32, #tpu.memory_space<vmem>> -> memref<8x64xf32, #tpu.memory_space<vmem>>
      %dma_wait3A_1865 = arith.constant 0 : i32
      %dma_wait3A_1866 = arith.constant 0 : i32
      %dma_wait3A_1867 = tpu.memref_slice %arg3[%squeeze3A_995, %dma_wait3A_1865, %dma_wait3A_1866] : memref<125000x8x64xf32, #tpu.memory_space<hbm>> -> memref<1x8x64xf32, #tpu.memory_space<hbm>>
      %dma_wait3A_1868 = tpu.memref_squeeze %dma_wait3A_1867 : memref<1x8x64xf32, #tpu.memory_space<hbm>> -> memref<8x64xf32, #tpu.memory_space<hbm>>
      %dma_wait3A_1869 = arith.constant 0 : i32
      %dma_wait3A_1870 = arith.constant 0 : i32
      %dma_wait3A_1871 = tpu.memref_slice %arg16[%dma_wait3A_1860, %dma_wait3A_1869, %dma_wait3A_1870] : memref<16x8x64xf32, #tpu.memory_space<vmem>> -> memref<1x8x64xf32, #tpu.memory_space<vmem>>
      %dma_wait3A_1872 = tpu.memref_squeeze %dma_wait3A_1871 : memref<1x8x64xf32, #tpu.memory_space<vmem>> -> memref<8x64xf32, #tpu.memory_space<vmem>>
      %dma_wait3A_1873 = arith.constant 0 : i32
      %dma_wait3A_1874 = arith.constant 0 : i32
      %dma_wait3A_1875 = tpu.memref_slice %arg3[%squeeze3A_995, %dma_wait3A_1873, %dma_wait3A_1874] : memref<125000x8x64xf32, #tpu.memory_space<hbm>> -> memref<1x8x64xf32, #tpu.memory_space<hbm>>
      %dma_wait3A_1876 = tpu.memref_squeeze %dma_wait3A_1875 : memref<1x8x64xf32, #tpu.memory_space<hbm>> -> memref<8x64xf32, #tpu.memory_space<hbm>>
      tpu.wait_dma2 semaphore(%arg22 : memref<!tpu.dma_semaphore, #tpu.memory_space<semaphore_mem>>) src(%dma_wait3A_1876 : memref<8x64xf32, #tpu.memory_space<hbm>>) dst(%dma_wait3A_1872 : memref<8x64xf32, #tpu.memory_space<vmem>>)
      %dma_wait3A_1877 = arith.constant 8 : i32
      %dma_wait3A_1878 = arith.constant 0 : i32
      %dma_wait3A_1879 = arith.constant 0 : i32
      %dma_wait3A_1880 = tpu.memref_slice %arg14[%dma_wait3A_1877, %dma_wait3A_1878, %dma_wait3A_1879] : memref<16x8x64xf32, #tpu.memory_space<vmem>> -> memref<1x8x64xf32, #tpu.memory_space<vmem>>
      %dma_wait3A_1881 = tpu.memref_squeeze %dma_wait3A_1880 : memref<1x8x64xf32, #tpu.memory_space<vmem>> -> memref<8x64xf32, #tpu.memory_space<vmem>>
      %dma_wait3A_1882 = arith.constant 0 : i32
      %dma_wait3A_1883 = arith.constant 0 : i32
      %dma_wait3A_1884 = tpu.memref_slice %arg2[%squeeze3A_1014, %dma_wait3A_1882, %dma_wait3A_1883] : memref<125000x8x64xf32, #tpu.memory_space<hbm>> -> memref<1x8x64xf32, #tpu.memory_space<hbm>>
      %dma_wait3A_1885 = tpu.memref_squeeze %dma_wait3A_1884 : memref<1x8x64xf32, #tpu.memory_space<hbm>> -> memref<8x64xf32, #tpu.memory_space<hbm>>
      %dma_wait3A_1886 = arith.constant 0 : i32
      %dma_wait3A_1887 = arith.constant 0 : i32
      %dma_wait3A_1888 = tpu.memref_slice %arg14[%dma_wait3A_1877, %dma_wait3A_1886, %dma_wait3A_1887] : memref<16x8x64xf32, #tpu.memory_space<vmem>> -> memref<1x8x64xf32, #tpu.memory_space<vmem>>
      %dma_wait3A_1889 = tpu.memref_squeeze %dma_wait3A_1888 : memref<1x8x64xf32, #tpu.memory_space<vmem>> -> memref<8x64xf32, #tpu.memory_space<vmem>>
      %dma_wait3A_1890 = arith.constant 0 : i32
      %dma_wait3A_1891 = arith.constant 0 : i32
      %dma_wait3A_1892 = tpu.memref_slice %arg2[%squeeze3A_1014, %dma_wait3A_1890, %dma_wait3A_1891] : memref<125000x8x64xf32, #tpu.memory_space<hbm>> -> memref<1x8x64xf32, #tpu.memory_space<hbm>>
      %dma_wait3A_1893 = tpu.memref_squeeze %dma_wait3A_1892 : memref<1x8x64xf32, #tpu.memory_space<hbm>> -> memref<8x64xf32, #tpu.memory_space<hbm>>
      tpu.wait_dma2 semaphore(%arg22 : memref<!tpu.dma_semaphore, #tpu.memory_space<semaphore_mem>>) src(%dma_wait3A_1893 : memref<8x64xf32, #tpu.memory_space<hbm>>) dst(%dma_wait3A_1889 : memref<8x64xf32, #tpu.memory_space<vmem>>)
      %dma_wait3A_1894 = arith.constant 8 : i32
      %dma_wait3A_1895 = arith.constant 0 : i32
      %dma_wait3A_1896 = arith.constant 0 : i32
      %dma_wait3A_1897 = tpu.memref_slice %arg15[%dma_wait3A_1894, %dma_wait3A_1895, %dma_wait3A_1896] : memref<16x8x64xf32, #tpu.memory_space<vmem>> -> memref<1x8x64xf32, #tpu.memory_space<vmem>>
      %dma_wait3A_1898 = tpu.memref_squeeze %dma_wait3A_1897 : memref<1x8x64xf32, #tpu.memory_space<vmem>> -> memref<8x64xf32, #tpu.memory_space<vmem>>
      %dma_wait3A_1899 = arith.constant 0 : i32
      %dma_wait3A_1900 = arith.constant 0 : i32
      %dma_wait3A_1901 = tpu.memref_slice %arg3[%squeeze3A_1033, %dma_wait3A_1899, %dma_wait3A_1900] : memref<125000x8x64xf32, #tpu.memory_space<hbm>> -> memref<1x8x64xf32, #tpu.memory_space<hbm>>
      %dma_wait3A_1902 = tpu.memref_squeeze %dma_wait3A_1901 : memref<1x8x64xf32, #tpu.memory_space<hbm>> -> memref<8x64xf32, #tpu.memory_space<hbm>>
      %dma_wait3A_1903 = arith.constant 0 : i32
      %dma_wait3A_1904 = arith.constant 0 : i32
      %dma_wait3A_1905 = tpu.memref_slice %arg15[%dma_wait3A_1894, %dma_wait3A_1903, %dma_wait3A_1904] : memref<16x8x64xf32, #tpu.memory_space<vmem>> -> memref<1x8x64xf32, #tpu.memory_space<vmem>>
      %dma_wait3A_1906 = tpu.memref_squeeze %dma_wait3A_1905 : memref<1x8x64xf32, #tpu.memory_space<vmem>> -> memref<8x64xf32, #tpu.memory_space<vmem>>
      %dma_wait3A_1907 = arith.constant 0 : i32
      %dma_wait3A_1908 = arith.constant 0 : i32
      %dma_wait3A_1909 = tpu.memref_slice %arg3[%squeeze3A_1033, %dma_wait3A_1907, %dma_wait3A_1908] : memref<125000x8x64xf32, #tpu.memory_space<hbm>> -> memref<1x8x64xf32, #tpu.memory_space<hbm>>
      %dma_wait3A_1910 = tpu.memref_squeeze %dma_wait3A_1909 : memref<1x8x64xf32, #tpu.memory_space<hbm>> -> memref<8x64xf32, #tpu.memory_space<hbm>>
      tpu.wait_dma2 semaphore(%arg22 : memref<!tpu.dma_semaphore, #tpu.memory_space<semaphore_mem>>) src(%dma_wait3A_1910 : memref<8x64xf32, #tpu.memory_space<hbm>>) dst(%dma_wait3A_1906 : memref<8x64xf32, #tpu.memory_space<vmem>>)
      %dma_wait3A_1911 = arith.constant 8 : i32
      %dma_wait3A_1912 = arith.constant 0 : i32
      %dma_wait3A_1913 = arith.constant 0 : i32
      %dma_wait3A_1914 = tpu.memref_slice %arg16[%dma_wait3A_1911, %dma_wait3A_1912, %dma_wait3A_1913] : memref<16x8x64xf32, #tpu.memory_space<vmem>> -> memref<1x8x64xf32, #tpu.memory_space<vmem>>
      %dma_wait3A_1915 = tpu.memref_squeeze %dma_wait3A_1914 : memref<1x8x64xf32, #tpu.memory_space<vmem>> -> memref<8x64xf32, #tpu.memory_space<vmem>>
      %dma_wait3A_1916 = arith.constant 0 : i32
      %dma_wait3A_1917 = arith.constant 0 : i32
      %dma_wait3A_1918 = tpu.memref_slice %arg3[%squeeze3A_1052, %dma_wait3A_1916, %dma_wait3A_1917] : memref<125000x8x64xf32, #tpu.memory_space<hbm>> -> memref<1x8x64xf32, #tpu.memory_space<hbm>>
      %dma_wait3A_1919 = tpu.memref_squeeze %dma_wait3A_1918 : memref<1x8x64xf32, #tpu.memory_space<hbm>> -> memref<8x64xf32, #tpu.memory_space<hbm>>
      %dma_wait3A_1920 = arith.constant 0 : i32
      %dma_wait3A_1921 = arith.constant 0 : i32
      %dma_wait3A_1922 = tpu.memref_slice %arg16[%dma_wait3A_1911, %dma_wait3A_1920, %dma_wait3A_1921] : memref<16x8x64xf32, #tpu.memory_space<vmem>> -> memref<1x8x64xf32, #tpu.memory_space<vmem>>
      %dma_wait3A_1923 = tpu.memref_squeeze %dma_wait3A_1922 : memref<1x8x64xf32, #tpu.memory_space<vmem>> -> memref<8x64xf32, #tpu.memory_space<vmem>>
      %dma_wait3A_1924 = arith.constant 0 : i32
      %dma_wait3A_1925 = arith.constant 0 : i32
      %dma_wait3A_1926 = tpu.memref_slice %arg3[%squeeze3A_1052, %dma_wait3A_1924, %dma_wait3A_1925] : memref<125000x8x64xf32, #tpu.memory_space<hbm>> -> memref<1x8x64xf32, #tpu.memory_space<hbm>>
      %dma_wait3A_1927 = tpu.memref_squeeze %dma_wait3A_1926 : memref<1x8x64xf32, #tpu.memory_space<hbm>> -> memref<8x64xf32, #tpu.memory_space<hbm>>
      tpu.wait_dma2 semaphore(%arg22 : memref<!tpu.dma_semaphore, #tpu.memory_space<semaphore_mem>>) src(%dma_wait3A_1927 : memref<8x64xf32, #tpu.memory_space<hbm>>) dst(%dma_wait3A_1923 : memref<8x64xf32, #tpu.memory_space<vmem>>)
      %dma_wait3A_1928 = arith.constant 9 : i32
      %dma_wait3A_1929 = arith.constant 0 : i32
      %dma_wait3A_1930 = arith.constant 0 : i32
      %dma_wait3A_1931 = tpu.memref_slice %arg14[%dma_wait3A_1928, %dma_wait3A_1929, %dma_wait3A_1930] : memref<16x8x64xf32, #tpu.memory_space<vmem>> -> memref<1x8x64xf32, #tpu.memory_space<vmem>>
      %dma_wait3A_1932 = tpu.memref_squeeze %dma_wait3A_1931 : memref<1x8x64xf32, #tpu.memory_space<vmem>> -> memref<8x64xf32, #tpu.memory_space<vmem>>
      %dma_wait3A_1933 = arith.constant 0 : i32
      %dma_wait3A_1934 = arith.constant 0 : i32
      %dma_wait3A_1935 = tpu.memref_slice %arg2[%squeeze3A_1071, %dma_wait3A_1933, %dma_wait3A_1934] : memref<125000x8x64xf32, #tpu.memory_space<hbm>> -> memref<1x8x64xf32, #tpu.memory_space<hbm>>
      %dma_wait3A_1936 = tpu.memref_squeeze %dma_wait3A_1935 : memref<1x8x64xf32, #tpu.memory_space<hbm>> -> memref<8x64xf32, #tpu.memory_space<hbm>>
      %dma_wait3A_1937 = arith.constant 0 : i32
      %dma_wait3A_1938 = arith.constant 0 : i32
      %dma_wait3A_1939 = tpu.memref_slice %arg14[%dma_wait3A_1928, %dma_wait3A_1937, %dma_wait3A_1938] : memref<16x8x64xf32, #tpu.memory_space<vmem>> -> memref<1x8x64xf32, #tpu.memory_space<vmem>>
      %dma_wait3A_1940 = tpu.memref_squeeze %dma_wait3A_1939 : memref<1x8x64xf32, #tpu.memory_space<vmem>> -> memref<8x64xf32, #tpu.memory_space<vmem>>
      %dma_wait3A_1941 = arith.constant 0 : i32
      %dma_wait3A_1942 = arith.constant 0 : i32
      %dma_wait3A_1943 = tpu.memref_slice %arg2[%squeeze3A_1071, %dma_wait3A_1941, %dma_wait3A_1942] : memref<125000x8x64xf32, #tpu.memory_space<hbm>> -> memref<1x8x64xf32, #tpu.memory_space<hbm>>
      %dma_wait3A_1944 = tpu.memref_squeeze %dma_wait3A_1943 : memref<1x8x64xf32, #tpu.memory_space<hbm>> -> memref<8x64xf32, #tpu.memory_space<hbm>>
      tpu.wait_dma2 semaphore(%arg22 : memref<!tpu.dma_semaphore, #tpu.memory_space<semaphore_mem>>) src(%dma_wait3A_1944 : memref<8x64xf32, #tpu.memory_space<hbm>>) dst(%dma_wait3A_1940 : memref<8x64xf32, #tpu.memory_space<vmem>>)
      %dma_wait3A_1945 = arith.constant 9 : i32
      %dma_wait3A_1946 = arith.constant 0 : i32
      %dma_wait3A_1947 = arith.constant 0 : i32
      %dma_wait3A_1948 = tpu.memref_slice %arg15[%dma_wait3A_1945, %dma_wait3A_1946, %dma_wait3A_1947] : memref<16x8x64xf32, #tpu.memory_space<vmem>> -> memref<1x8x64xf32, #tpu.memory_space<vmem>>
      %dma_wait3A_1949 = tpu.memref_squeeze %dma_wait3A_1948 : memref<1x8x64xf32, #tpu.memory_space<vmem>> -> memref<8x64xf32, #tpu.memory_space<vmem>>
      %dma_wait3A_1950 = arith.constant 0 : i32
      %dma_wait3A_1951 = arith.constant 0 : i32
      %dma_wait3A_1952 = tpu.memref_slice %arg3[%squeeze3A_1090, %dma_wait3A_1950, %dma_wait3A_1951] : memref<125000x8x64xf32, #tpu.memory_space<hbm>> -> memref<1x8x64xf32, #tpu.memory_space<hbm>>
      %dma_wait3A_1953 = tpu.memref_squeeze %dma_wait3A_1952 : memref<1x8x64xf32, #tpu.memory_space<hbm>> -> memref<8x64xf32, #tpu.memory_space<hbm>>
      %dma_wait3A_1954 = arith.constant 0 : i32
      %dma_wait3A_1955 = arith.constant 0 : i32
      %dma_wait3A_1956 = tpu.memref_slice %arg15[%dma_wait3A_1945, %dma_wait3A_1954, %dma_wait3A_1955] : memref<16x8x64xf32, #tpu.memory_space<vmem>> -> memref<1x8x64xf32, #tpu.memory_space<vmem>>
      %dma_wait3A_1957 = tpu.memref_squeeze %dma_wait3A_1956 : memref<1x8x64xf32, #tpu.memory_space<vmem>> -> memref<8x64xf32, #tpu.memory_space<vmem>>
      %dma_wait3A_1958 = arith.constant 0 : i32
      %dma_wait3A_1959 = arith.constant 0 : i32
      %dma_wait3A_1960 = tpu.memref_slice %arg3[%squeeze3A_1090, %dma_wait3A_1958, %dma_wait3A_1959] : memref<125000x8x64xf32, #tpu.memory_space<hbm>> -> memref<1x8x64xf32, #tpu.memory_space<hbm>>
      %dma_wait3A_1961 = tpu.memref_squeeze %dma_wait3A_1960 : memref<1x8x64xf32, #tpu.memory_space<hbm>> -> memref<8x64xf32, #tpu.memory_space<hbm>>
      tpu.wait_dma2 semaphore(%arg22 : memref<!tpu.dma_semaphore, #tpu.memory_space<semaphore_mem>>) src(%dma_wait3A_1961 : memref<8x64xf32, #tpu.memory_space<hbm>>) dst(%dma_wait3A_1957 : memref<8x64xf32, #tpu.memory_space<vmem>>)
      %dma_wait3A_1962 = arith.constant 9 : i32
      %dma_wait3A_1963 = arith.constant 0 : i32
      %dma_wait3A_1964 = arith.constant 0 : i32
      %dma_wait3A_1965 = tpu.memref_slice %arg16[%dma_wait3A_1962, %dma_wait3A_1963, %dma_wait3A_1964] : memref<16x8x64xf32, #tpu.memory_space<vmem>> -> memref<1x8x64xf32, #tpu.memory_space<vmem>>
      %dma_wait3A_1966 = tpu.memref_squeeze %dma_wait3A_1965 : memref<1x8x64xf32, #tpu.memory_space<vmem>> -> memref<8x64xf32, #tpu.memory_space<vmem>>
      %dma_wait3A_1967 = arith.constant 0 : i32
      %dma_wait3A_1968 = arith.constant 0 : i32
      %dma_wait3A_1969 = tpu.memref_slice %arg3[%squeeze3A_1109, %dma_wait3A_1967, %dma_wait3A_1968] : memref<125000x8x64xf32, #tpu.memory_space<hbm>> -> memref<1x8x64xf32, #tpu.memory_space<hbm>>
      %dma_wait3A_1970 = tpu.memref_squeeze %dma_wait3A_1969 : memref<1x8x64xf32, #tpu.memory_space<hbm>> -> memref<8x64xf32, #tpu.memory_space<hbm>>
      %dma_wait3A_1971 = arith.constant 0 : i32
      %dma_wait3A_1972 = arith.constant 0 : i32
      %dma_wait3A_1973 = tpu.memref_slice %arg16[%dma_wait3A_1962, %dma_wait3A_1971, %dma_wait3A_1972] : memref<16x8x64xf32, #tpu.memory_space<vmem>> -> memref<1x8x64xf32, #tpu.memory_space<vmem>>
      %dma_wait3A_1974 = tpu.memref_squeeze %dma_wait3A_1973 : memref<1x8x64xf32, #tpu.memory_space<vmem>> -> memref<8x64xf32, #tpu.memory_space<vmem>>
      %dma_wait3A_1975 = arith.constant 0 : i32
      %dma_wait3A_1976 = arith.constant 0 : i32
      %dma_wait3A_1977 = tpu.memref_slice %arg3[%squeeze3A_1109, %dma_wait3A_1975, %dma_wait3A_1976] : memref<125000x8x64xf32, #tpu.memory_space<hbm>> -> memref<1x8x64xf32, #tpu.memory_space<hbm>>
      %dma_wait3A_1978 = tpu.memref_squeeze %dma_wait3A_1977 : memref<1x8x64xf32, #tpu.memory_space<hbm>> -> memref<8x64xf32, #tpu.memory_space<hbm>>
      tpu.wait_dma2 semaphore(%arg22 : memref<!tpu.dma_semaphore, #tpu.memory_space<semaphore_mem>>) src(%dma_wait3A_1978 : memref<8x64xf32, #tpu.memory_space<hbm>>) dst(%dma_wait3A_1974 : memref<8x64xf32, #tpu.memory_space<vmem>>)
      %dma_wait3A_1979 = arith.constant 10 : i32
      %dma_wait3A_1980 = arith.constant 0 : i32
      %dma_wait3A_1981 = arith.constant 0 : i32
      %dma_wait3A_1982 = tpu.memref_slice %arg14[%dma_wait3A_1979, %dma_wait3A_1980, %dma_wait3A_1981] : memref<16x8x64xf32, #tpu.memory_space<vmem>> -> memref<1x8x64xf32, #tpu.memory_space<vmem>>
      %dma_wait3A_1983 = tpu.memref_squeeze %dma_wait3A_1982 : memref<1x8x64xf32, #tpu.memory_space<vmem>> -> memref<8x64xf32, #tpu.memory_space<vmem>>
      %dma_wait3A_1984 = arith.constant 0 : i32
      %dma_wait3A_1985 = arith.constant 0 : i32
      %dma_wait3A_1986 = tpu.memref_slice %arg2[%squeeze3A_1128, %dma_wait3A_1984, %dma_wait3A_1985] : memref<125000x8x64xf32, #tpu.memory_space<hbm>> -> memref<1x8x64xf32, #tpu.memory_space<hbm>>
      %dma_wait3A_1987 = tpu.memref_squeeze %dma_wait3A_1986 : memref<1x8x64xf32, #tpu.memory_space<hbm>> -> memref<8x64xf32, #tpu.memory_space<hbm>>
      %dma_wait3A_1988 = arith.constant 0 : i32
      %dma_wait3A_1989 = arith.constant 0 : i32
      %dma_wait3A_1990 = tpu.memref_slice %arg14[%dma_wait3A_1979, %dma_wait3A_1988, %dma_wait3A_1989] : memref<16x8x64xf32, #tpu.memory_space<vmem>> -> memref<1x8x64xf32, #tpu.memory_space<vmem>>
      %dma_wait3A_1991 = tpu.memref_squeeze %dma_wait3A_1990 : memref<1x8x64xf32, #tpu.memory_space<vmem>> -> memref<8x64xf32, #tpu.memory_space<vmem>>
      %dma_wait3A_1992 = arith.constant 0 : i32
      %dma_wait3A_1993 = arith.constant 0 : i32
      %dma_wait3A_1994 = tpu.memref_slice %arg2[%squeeze3A_1128, %dma_wait3A_1992, %dma_wait3A_1993] : memref<125000x8x64xf32, #tpu.memory_space<hbm>> -> memref<1x8x64xf32, #tpu.memory_space<hbm>>
      %dma_wait3A_1995 = tpu.memref_squeeze %dma_wait3A_1994 : memref<1x8x64xf32, #tpu.memory_space<hbm>> -> memref<8x64xf32, #tpu.memory_space<hbm>>
      tpu.wait_dma2 semaphore(%arg22 : memref<!tpu.dma_semaphore, #tpu.memory_space<semaphore_mem>>) src(%dma_wait3A_1995 : memref<8x64xf32, #tpu.memory_space<hbm>>) dst(%dma_wait3A_1991 : memref<8x64xf32, #tpu.memory_space<vmem>>)
      %dma_wait3A_1996 = arith.constant 10 : i32
      %dma_wait3A_1997 = arith.constant 0 : i32
      %dma_wait3A_1998 = arith.constant 0 : i32
      %dma_wait3A_1999 = tpu.memref_slice %arg15[%dma_wait3A_1996, %dma_wait3A_1997, %dma_wait3A_1998] : memref<16x8x64xf32, #tpu.memory_space<vmem>> -> memref<1x8x64xf32, #tpu.memory_space<vmem>>
      %dma_wait3A_2000 = tpu.memref_squeeze %dma_wait3A_1999 : memref<1x8x64xf32, #tpu.memory_space<vmem>> -> memref<8x64xf32, #tpu.memory_space<vmem>>
      %dma_wait3A_2001 = arith.constant 0 : i32
      %dma_wait3A_2002 = arith.constant 0 : i32
      %dma_wait3A_2003 = tpu.memref_slice %arg3[%squeeze3A_1147, %dma_wait3A_2001, %dma_wait3A_2002] : memref<125000x8x64xf32, #tpu.memory_space<hbm>> -> memref<1x8x64xf32, #tpu.memory_space<hbm>>
      %dma_wait3A_2004 = tpu.memref_squeeze %dma_wait3A_2003 : memref<1x8x64xf32, #tpu.memory_space<hbm>> -> memref<8x64xf32, #tpu.memory_space<hbm>>
      %dma_wait3A_2005 = arith.constant 0 : i32
      %dma_wait3A_2006 = arith.constant 0 : i32
      %dma_wait3A_2007 = tpu.memref_slice %arg15[%dma_wait3A_1996, %dma_wait3A_2005, %dma_wait3A_2006] : memref<16x8x64xf32, #tpu.memory_space<vmem>> -> memref<1x8x64xf32, #tpu.memory_space<vmem>>
      %dma_wait3A_2008 = tpu.memref_squeeze %dma_wait3A_2007 : memref<1x8x64xf32, #tpu.memory_space<vmem>> -> memref<8x64xf32, #tpu.memory_space<vmem>>
      %dma_wait3A_2009 = arith.constant 0 : i32
      %dma_wait3A_2010 = arith.constant 0 : i32
      %dma_wait3A_2011 = tpu.memref_slice %arg3[%squeeze3A_1147, %dma_wait3A_2009, %dma_wait3A_2010] : memref<125000x8x64xf32, #tpu.memory_space<hbm>> -> memref<1x8x64xf32, #tpu.memory_space<hbm>>
      %dma_wait3A_2012 = tpu.memref_squeeze %dma_wait3A_2011 : memref<1x8x64xf32, #tpu.memory_space<hbm>> -> memref<8x64xf32, #tpu.memory_space<hbm>>
      tpu.wait_dma2 semaphore(%arg22 : memref<!tpu.dma_semaphore, #tpu.memory_space<semaphore_mem>>) src(%dma_wait3A_2012 : memref<8x64xf32, #tpu.memory_space<hbm>>) dst(%dma_wait3A_2008 : memref<8x64xf32, #tpu.memory_space<vmem>>)
      %dma_wait3A_2013 = arith.constant 10 : i32
      %dma_wait3A_2014 = arith.constant 0 : i32
      %dma_wait3A_2015 = arith.constant 0 : i32
      %dma_wait3A_2016 = tpu.memref_slice %arg16[%dma_wait3A_2013, %dma_wait3A_2014, %dma_wait3A_2015] : memref<16x8x64xf32, #tpu.memory_space<vmem>> -> memref<1x8x64xf32, #tpu.memory_space<vmem>>
      %dma_wait3A_2017 = tpu.memref_squeeze %dma_wait3A_2016 : memref<1x8x64xf32, #tpu.memory_space<vmem>> -> memref<8x64xf32, #tpu.memory_space<vmem>>
      %dma_wait3A_2018 = arith.constant 0 : i32
      %dma_wait3A_2019 = arith.constant 0 : i32
      %dma_wait3A_2020 = tpu.memref_slice %arg3[%squeeze3A_1166, %dma_wait3A_2018, %dma_wait3A_2019] : memref<125000x8x64xf32, #tpu.memory_space<hbm>> -> memref<1x8x64xf32, #tpu.memory_space<hbm>>
      %dma_wait3A_2021 = tpu.memref_squeeze %dma_wait3A_2020 : memref<1x8x64xf32, #tpu.memory_space<hbm>> -> memref<8x64xf32, #tpu.memory_space<hbm>>
      %dma_wait3A_2022 = arith.constant 0 : i32
      %dma_wait3A_2023 = arith.constant 0 : i32
      %dma_wait3A_2024 = tpu.memref_slice %arg16[%dma_wait3A_2013, %dma_wait3A_2022, %dma_wait3A_2023] : memref<16x8x64xf32, #tpu.memory_space<vmem>> -> memref<1x8x64xf32, #tpu.memory_space<vmem>>
      %dma_wait3A_2025 = tpu.memref_squeeze %dma_wait3A_2024 : memref<1x8x64xf32, #tpu.memory_space<vmem>> -> memref<8x64xf32, #tpu.memory_space<vmem>>
      %dma_wait3A_2026 = arith.constant 0 : i32
      %dma_wait3A_2027 = arith.constant 0 : i32
      %dma_wait3A_2028 = tpu.memref_slice %arg3[%squeeze3A_1166, %dma_wait3A_2026, %dma_wait3A_2027] : memref<125000x8x64xf32, #tpu.memory_space<hbm>> -> memref<1x8x64xf32, #tpu.memory_space<hbm>>
      %dma_wait3A_2029 = tpu.memref_squeeze %dma_wait3A_2028 : memref<1x8x64xf32, #tpu.memory_space<hbm>> -> memref<8x64xf32, #tpu.memory_space<hbm>>
      tpu.wait_dma2 semaphore(%arg22 : memref<!tpu.dma_semaphore, #tpu.memory_space<semaphore_mem>>) src(%dma_wait3A_2029 : memref<8x64xf32, #tpu.memory_space<hbm>>) dst(%dma_wait3A_2025 : memref<8x64xf32, #tpu.memory_space<vmem>>)
      %dma_wait3A_2030 = arith.constant 11 : i32
      %dma_wait3A_2031 = arith.constant 0 : i32
      %dma_wait3A_2032 = arith.constant 0 : i32
      %dma_wait3A_2033 = tpu.memref_slice %arg14[%dma_wait3A_2030, %dma_wait3A_2031, %dma_wait3A_2032] : memref<16x8x64xf32, #tpu.memory_space<vmem>> -> memref<1x8x64xf32, #tpu.memory_space<vmem>>
      %dma_wait3A_2034 = tpu.memref_squeeze %dma_wait3A_2033 : memref<1x8x64xf32, #tpu.memory_space<vmem>> -> memref<8x64xf32, #tpu.memory_space<vmem>>
      %dma_wait3A_2035 = arith.constant 0 : i32
      %dma_wait3A_2036 = arith.constant 0 : i32
      %dma_wait3A_2037 = tpu.memref_slice %arg2[%squeeze3A_1185, %dma_wait3A_2035, %dma_wait3A_2036] : memref<125000x8x64xf32, #tpu.memory_space<hbm>> -> memref<1x8x64xf32, #tpu.memory_space<hbm>>
      %dma_wait3A_2038 = tpu.memref_squeeze %dma_wait3A_2037 : memref<1x8x64xf32, #tpu.memory_space<hbm>> -> memref<8x64xf32, #tpu.memory_space<hbm>>
      %dma_wait3A_2039 = arith.constant 0 : i32
      %dma_wait3A_2040 = arith.constant 0 : i32
      %dma_wait3A_2041 = tpu.memref_slice %arg14[%dma_wait3A_2030, %dma_wait3A_2039, %dma_wait3A_2040] : memref<16x8x64xf32, #tpu.memory_space<vmem>> -> memref<1x8x64xf32, #tpu.memory_space<vmem>>
      %dma_wait3A_2042 = tpu.memref_squeeze %dma_wait3A_2041 : memref<1x8x64xf32, #tpu.memory_space<vmem>> -> memref<8x64xf32, #tpu.memory_space<vmem>>
      %dma_wait3A_2043 = arith.constant 0 : i32
      %dma_wait3A_2044 = arith.constant 0 : i32
      %dma_wait3A_2045 = tpu.memref_slice %arg2[%squeeze3A_1185, %dma_wait3A_2043, %dma_wait3A_2044] : memref<125000x8x64xf32, #tpu.memory_space<hbm>> -> memref<1x8x64xf32, #tpu.memory_space<hbm>>
      %dma_wait3A_2046 = tpu.memref_squeeze %dma_wait3A_2045 : memref<1x8x64xf32, #tpu.memory_space<hbm>> -> memref<8x64xf32, #tpu.memory_space<hbm>>
      tpu.wait_dma2 semaphore(%arg22 : memref<!tpu.dma_semaphore, #tpu.memory_space<semaphore_mem>>) src(%dma_wait3A_2046 : memref<8x64xf32, #tpu.memory_space<hbm>>) dst(%dma_wait3A_2042 : memref<8x64xf32, #tpu.memory_space<vmem>>)
      %dma_wait3A_2047 = arith.constant 11 : i32
      %dma_wait3A_2048 = arith.constant 0 : i32
      %dma_wait3A_2049 = arith.constant 0 : i32
      %dma_wait3A_2050 = tpu.memref_slice %arg15[%dma_wait3A_2047, %dma_wait3A_2048, %dma_wait3A_2049] : memref<16x8x64xf32, #tpu.memory_space<vmem>> -> memref<1x8x64xf32, #tpu.memory_space<vmem>>
      %dma_wait3A_2051 = tpu.memref_squeeze %dma_wait3A_2050 : memref<1x8x64xf32, #tpu.memory_space<vmem>> -> memref<8x64xf32, #tpu.memory_space<vmem>>
      %dma_wait3A_2052 = arith.constant 0 : i32
      %dma_wait3A_2053 = arith.constant 0 : i32
      %dma_wait3A_2054 = tpu.memref_slice %arg3[%squeeze3A_1204, %dma_wait3A_2052, %dma_wait3A_2053] : memref<125000x8x64xf32, #tpu.memory_space<hbm>> -> memref<1x8x64xf32, #tpu.memory_space<hbm>>
      %dma_wait3A_2055 = tpu.memref_squeeze %dma_wait3A_2054 : memref<1x8x64xf32, #tpu.memory_space<hbm>> -> memref<8x64xf32, #tpu.memory_space<hbm>>
      %dma_wait3A_2056 = arith.constant 0 : i32
      %dma_wait3A_2057 = arith.constant 0 : i32
      %dma_wait3A_2058 = tpu.memref_slice %arg15[%dma_wait3A_2047, %dma_wait3A_2056, %dma_wait3A_2057] : memref<16x8x64xf32, #tpu.memory_space<vmem>> -> memref<1x8x64xf32, #tpu.memory_space<vmem>>
      %dma_wait3A_2059 = tpu.memref_squeeze %dma_wait3A_2058 : memref<1x8x64xf32, #tpu.memory_space<vmem>> -> memref<8x64xf32, #tpu.memory_space<vmem>>
      %dma_wait3A_2060 = arith.constant 0 : i32
      %dma_wait3A_2061 = arith.constant 0 : i32
      %dma_wait3A_2062 = tpu.memref_slice %arg3[%squeeze3A_1204, %dma_wait3A_2060, %dma_wait3A_2061] : memref<125000x8x64xf32, #tpu.memory_space<hbm>> -> memref<1x8x64xf32, #tpu.memory_space<hbm>>
      %dma_wait3A_2063 = tpu.memref_squeeze %dma_wait3A_2062 : memref<1x8x64xf32, #tpu.memory_space<hbm>> -> memref<8x64xf32, #tpu.memory_space<hbm>>
      tpu.wait_dma2 semaphore(%arg22 : memref<!tpu.dma_semaphore, #tpu.memory_space<semaphore_mem>>) src(%dma_wait3A_2063 : memref<8x64xf32, #tpu.memory_space<hbm>>) dst(%dma_wait3A_2059 : memref<8x64xf32, #tpu.memory_space<vmem>>)
      %dma_wait3A_2064 = arith.constant 11 : i32
      %dma_wait3A_2065 = arith.constant 0 : i32
      %dma_wait3A_2066 = arith.constant 0 : i32
      %dma_wait3A_2067 = tpu.memref_slice %arg16[%dma_wait3A_2064, %dma_wait3A_2065, %dma_wait3A_2066] : memref<16x8x64xf32, #tpu.memory_space<vmem>> -> memref<1x8x64xf32, #tpu.memory_space<vmem>>
      %dma_wait3A_2068 = tpu.memref_squeeze %dma_wait3A_2067 : memref<1x8x64xf32, #tpu.memory_space<vmem>> -> memref<8x64xf32, #tpu.memory_space<vmem>>
      %dma_wait3A_2069 = arith.constant 0 : i32
      %dma_wait3A_2070 = arith.constant 0 : i32
      %dma_wait3A_2071 = tpu.memref_slice %arg3[%squeeze3A_1223, %dma_wait3A_2069, %dma_wait3A_2070] : memref<125000x8x64xf32, #tpu.memory_space<hbm>> -> memref<1x8x64xf32, #tpu.memory_space<hbm>>
      %dma_wait3A_2072 = tpu.memref_squeeze %dma_wait3A_2071 : memref<1x8x64xf32, #tpu.memory_space<hbm>> -> memref<8x64xf32, #tpu.memory_space<hbm>>
      %dma_wait3A_2073 = arith.constant 0 : i32
      %dma_wait3A_2074 = arith.constant 0 : i32
      %dma_wait3A_2075 = tpu.memref_slice %arg16[%dma_wait3A_2064, %dma_wait3A_2073, %dma_wait3A_2074] : memref<16x8x64xf32, #tpu.memory_space<vmem>> -> memref<1x8x64xf32, #tpu.memory_space<vmem>>
      %dma_wait3A_2076 = tpu.memref_squeeze %dma_wait3A_2075 : memref<1x8x64xf32, #tpu.memory_space<vmem>> -> memref<8x64xf32, #tpu.memory_space<vmem>>
      %dma_wait3A_2077 = arith.constant 0 : i32
      %dma_wait3A_2078 = arith.constant 0 : i32
      %dma_wait3A_2079 = tpu.memref_slice %arg3[%squeeze3A_1223, %dma_wait3A_2077, %dma_wait3A_2078] : memref<125000x8x64xf32, #tpu.memory_space<hbm>> -> memref<1x8x64xf32, #tpu.memory_space<hbm>>
      %dma_wait3A_2080 = tpu.memref_squeeze %dma_wait3A_2079 : memref<1x8x64xf32, #tpu.memory_space<hbm>> -> memref<8x64xf32, #tpu.memory_space<hbm>>
      tpu.wait_dma2 semaphore(%arg22 : memref<!tpu.dma_semaphore, #tpu.memory_space<semaphore_mem>>) src(%dma_wait3A_2080 : memref<8x64xf32, #tpu.memory_space<hbm>>) dst(%dma_wait3A_2076 : memref<8x64xf32, #tpu.memory_space<vmem>>)
      %dma_wait3A_2081 = arith.constant 12 : i32
      %dma_wait3A_2082 = arith.constant 0 : i32
      %dma_wait3A_2083 = arith.constant 0 : i32
      %dma_wait3A_2084 = tpu.memref_slice %arg14[%dma_wait3A_2081, %dma_wait3A_2082, %dma_wait3A_2083] : memref<16x8x64xf32, #tpu.memory_space<vmem>> -> memref<1x8x64xf32, #tpu.memory_space<vmem>>
      %dma_wait3A_2085 = tpu.memref_squeeze %dma_wait3A_2084 : memref<1x8x64xf32, #tpu.memory_space<vmem>> -> memref<8x64xf32, #tpu.memory_space<vmem>>
      %dma_wait3A_2086 = arith.constant 0 : i32
      %dma_wait3A_2087 = arith.constant 0 : i32
      %dma_wait3A_2088 = tpu.memref_slice %arg2[%squeeze3A_1242, %dma_wait3A_2086, %dma_wait3A_2087] : memref<125000x8x64xf32, #tpu.memory_space<hbm>> -> memref<1x8x64xf32, #tpu.memory_space<hbm>>
      %dma_wait3A_2089 = tpu.memref_squeeze %dma_wait3A_2088 : memref<1x8x64xf32, #tpu.memory_space<hbm>> -> memref<8x64xf32, #tpu.memory_space<hbm>>
      %dma_wait3A_2090 = arith.constant 0 : i32
      %dma_wait3A_2091 = arith.constant 0 : i32
      %dma_wait3A_2092 = tpu.memref_slice %arg14[%dma_wait3A_2081, %dma_wait3A_2090, %dma_wait3A_2091] : memref<16x8x64xf32, #tpu.memory_space<vmem>> -> memref<1x8x64xf32, #tpu.memory_space<vmem>>
      %dma_wait3A_2093 = tpu.memref_squeeze %dma_wait3A_2092 : memref<1x8x64xf32, #tpu.memory_space<vmem>> -> memref<8x64xf32, #tpu.memory_space<vmem>>
      %dma_wait3A_2094 = arith.constant 0 : i32
      %dma_wait3A_2095 = arith.constant 0 : i32
      %dma_wait3A_2096 = tpu.memref_slice %arg2[%squeeze3A_1242, %dma_wait3A_2094, %dma_wait3A_2095] : memref<125000x8x64xf32, #tpu.memory_space<hbm>> -> memref<1x8x64xf32, #tpu.memory_space<hbm>>
      %dma_wait3A_2097 = tpu.memref_squeeze %dma_wait3A_2096 : memref<1x8x64xf32, #tpu.memory_space<hbm>> -> memref<8x64xf32, #tpu.memory_space<hbm>>
      tpu.wait_dma2 semaphore(%arg22 : memref<!tpu.dma_semaphore, #tpu.memory_space<semaphore_mem>>) src(%dma_wait3A_2097 : memref<8x64xf32, #tpu.memory_space<hbm>>) dst(%dma_wait3A_2093 : memref<8x64xf32, #tpu.memory_space<vmem>>)
      %dma_wait3A_2098 = arith.constant 12 : i32
      %dma_wait3A_2099 = arith.constant 0 : i32
      %dma_wait3A_2100 = arith.constant 0 : i32
      %dma_wait3A_2101 = tpu.memref_slice %arg15[%dma_wait3A_2098, %dma_wait3A_2099, %dma_wait3A_2100] : memref<16x8x64xf32, #tpu.memory_space<vmem>> -> memref<1x8x64xf32, #tpu.memory_space<vmem>>
      %dma_wait3A_2102 = tpu.memref_squeeze %dma_wait3A_2101 : memref<1x8x64xf32, #tpu.memory_space<vmem>> -> memref<8x64xf32, #tpu.memory_space<vmem>>
      %dma_wait3A_2103 = arith.constant 0 : i32
      %dma_wait3A_2104 = arith.constant 0 : i32
      %dma_wait3A_2105 = tpu.memref_slice %arg3[%squeeze3A_1261, %dma_wait3A_2103, %dma_wait3A_2104] : memref<125000x8x64xf32, #tpu.memory_space<hbm>> -> memref<1x8x64xf32, #tpu.memory_space<hbm>>
      %dma_wait3A_2106 = tpu.memref_squeeze %dma_wait3A_2105 : memref<1x8x64xf32, #tpu.memory_space<hbm>> -> memref<8x64xf32, #tpu.memory_space<hbm>>
      %dma_wait3A_2107 = arith.constant 0 : i32
      %dma_wait3A_2108 = arith.constant 0 : i32
      %dma_wait3A_2109 = tpu.memref_slice %arg15[%dma_wait3A_2098, %dma_wait3A_2107, %dma_wait3A_2108] : memref<16x8x64xf32, #tpu.memory_space<vmem>> -> memref<1x8x64xf32, #tpu.memory_space<vmem>>
      %dma_wait3A_2110 = tpu.memref_squeeze %dma_wait3A_2109 : memref<1x8x64xf32, #tpu.memory_space<vmem>> -> memref<8x64xf32, #tpu.memory_space<vmem>>
      %dma_wait3A_2111 = arith.constant 0 : i32
      %dma_wait3A_2112 = arith.constant 0 : i32
      %dma_wait3A_2113 = tpu.memref_slice %arg3[%squeeze3A_1261, %dma_wait3A_2111, %dma_wait3A_2112] : memref<125000x8x64xf32, #tpu.memory_space<hbm>> -> memref<1x8x64xf32, #tpu.memory_space<hbm>>
      %dma_wait3A_2114 = tpu.memref_squeeze %dma_wait3A_2113 : memref<1x8x64xf32, #tpu.memory_space<hbm>> -> memref<8x64xf32, #tpu.memory_space<hbm>>
      tpu.wait_dma2 semaphore(%arg22 : memref<!tpu.dma_semaphore, #tpu.memory_space<semaphore_mem>>) src(%dma_wait3A_2114 : memref<8x64xf32, #tpu.memory_space<hbm>>) dst(%dma_wait3A_2110 : memref<8x64xf32, #tpu.memory_space<vmem>>)
      %dma_wait3A_2115 = arith.constant 12 : i32
      %dma_wait3A_2116 = arith.constant 0 : i32
      %dma_wait3A_2117 = arith.constant 0 : i32
      %dma_wait3A_2118 = tpu.memref_slice %arg16[%dma_wait3A_2115, %dma_wait3A_2116, %dma_wait3A_2117] : memref<16x8x64xf32, #tpu.memory_space<vmem>> -> memref<1x8x64xf32, #tpu.memory_space<vmem>>
      %dma_wait3A_2119 = tpu.memref_squeeze %dma_wait3A_2118 : memref<1x8x64xf32, #tpu.memory_space<vmem>> -> memref<8x64xf32, #tpu.memory_space<vmem>>
      %dma_wait3A_2120 = arith.constant 0 : i32
      %dma_wait3A_2121 = arith.constant 0 : i32
      %dma_wait3A_2122 = tpu.memref_slice %arg3[%squeeze3A_1280, %dma_wait3A_2120, %dma_wait3A_2121] : memref<125000x8x64xf32, #tpu.memory_space<hbm>> -> memref<1x8x64xf32, #tpu.memory_space<hbm>>
      %dma_wait3A_2123 = tpu.memref_squeeze %dma_wait3A_2122 : memref<1x8x64xf32, #tpu.memory_space<hbm>> -> memref<8x64xf32, #tpu.memory_space<hbm>>
      %dma_wait3A_2124 = arith.constant 0 : i32
      %dma_wait3A_2125 = arith.constant 0 : i32
      %dma_wait3A_2126 = tpu.memref_slice %arg16[%dma_wait3A_2115, %dma_wait3A_2124, %dma_wait3A_2125] : memref<16x8x64xf32, #tpu.memory_space<vmem>> -> memref<1x8x64xf32, #tpu.memory_space<vmem>>
      %dma_wait3A_2127 = tpu.memref_squeeze %dma_wait3A_2126 : memref<1x8x64xf32, #tpu.memory_space<vmem>> -> memref<8x64xf32, #tpu.memory_space<vmem>>
      %dma_wait3A_2128 = arith.constant 0 : i32
      %dma_wait3A_2129 = arith.constant 0 : i32
      %dma_wait3A_2130 = tpu.memref_slice %arg3[%squeeze3A_1280, %dma_wait3A_2128, %dma_wait3A_2129] : memref<125000x8x64xf32, #tpu.memory_space<hbm>> -> memref<1x8x64xf32, #tpu.memory_space<hbm>>
      %dma_wait3A_2131 = tpu.memref_squeeze %dma_wait3A_2130 : memref<1x8x64xf32, #tpu.memory_space<hbm>> -> memref<8x64xf32, #tpu.memory_space<hbm>>
      tpu.wait_dma2 semaphore(%arg22 : memref<!tpu.dma_semaphore, #tpu.memory_space<semaphore_mem>>) src(%dma_wait3A_2131 : memref<8x64xf32, #tpu.memory_space<hbm>>) dst(%dma_wait3A_2127 : memref<8x64xf32, #tpu.memory_space<vmem>>)
      %dma_wait3A_2132 = arith.constant 13 : i32
      %dma_wait3A_2133 = arith.constant 0 : i32
      %dma_wait3A_2134 = arith.constant 0 : i32
      %dma_wait3A_2135 = tpu.memref_slice %arg14[%dma_wait3A_2132, %dma_wait3A_2133, %dma_wait3A_2134] : memref<16x8x64xf32, #tpu.memory_space<vmem>> -> memref<1x8x64xf32, #tpu.memory_space<vmem>>
      %dma_wait3A_2136 = tpu.memref_squeeze %dma_wait3A_2135 : memref<1x8x64xf32, #tpu.memory_space<vmem>> -> memref<8x64xf32, #tpu.memory_space<vmem>>
      %dma_wait3A_2137 = arith.constant 0 : i32
      %dma_wait3A_2138 = arith.constant 0 : i32
      %dma_wait3A_2139 = tpu.memref_slice %arg2[%squeeze3A_1299, %dma_wait3A_2137, %dma_wait3A_2138] : memref<125000x8x64xf32, #tpu.memory_space<hbm>> -> memref<1x8x64xf32, #tpu.memory_space<hbm>>
      %dma_wait3A_2140 = tpu.memref_squeeze %dma_wait3A_2139 : memref<1x8x64xf32, #tpu.memory_space<hbm>> -> memref<8x64xf32, #tpu.memory_space<hbm>>
      %dma_wait3A_2141 = arith.constant 0 : i32
      %dma_wait3A_2142 = arith.constant 0 : i32
      %dma_wait3A_2143 = tpu.memref_slice %arg14[%dma_wait3A_2132, %dma_wait3A_2141, %dma_wait3A_2142] : memref<16x8x64xf32, #tpu.memory_space<vmem>> -> memref<1x8x64xf32, #tpu.memory_space<vmem>>
      %dma_wait3A_2144 = tpu.memref_squeeze %dma_wait3A_2143 : memref<1x8x64xf32, #tpu.memory_space<vmem>> -> memref<8x64xf32, #tpu.memory_space<vmem>>
      %dma_wait3A_2145 = arith.constant 0 : i32
      %dma_wait3A_2146 = arith.constant 0 : i32
      %dma_wait3A_2147 = tpu.memref_slice %arg2[%squeeze3A_1299, %dma_wait3A_2145, %dma_wait3A_2146] : memref<125000x8x64xf32, #tpu.memory_space<hbm>> -> memref<1x8x64xf32, #tpu.memory_space<hbm>>
      %dma_wait3A_2148 = tpu.memref_squeeze %dma_wait3A_2147 : memref<1x8x64xf32, #tpu.memory_space<hbm>> -> memref<8x64xf32, #tpu.memory_space<hbm>>
      tpu.wait_dma2 semaphore(%arg22 : memref<!tpu.dma_semaphore, #tpu.memory_space<semaphore_mem>>) src(%dma_wait3A_2148 : memref<8x64xf32, #tpu.memory_space<hbm>>) dst(%dma_wait3A_2144 : memref<8x64xf32, #tpu.memory_space<vmem>>)
      %dma_wait3A_2149 = arith.constant 13 : i32
      %dma_wait3A_2150 = arith.constant 0 : i32
      %dma_wait3A_2151 = arith.constant 0 : i32
      %dma_wait3A_2152 = tpu.memref_slice %arg15[%dma_wait3A_2149, %dma_wait3A_2150, %dma_wait3A_2151] : memref<16x8x64xf32, #tpu.memory_space<vmem>> -> memref<1x8x64xf32, #tpu.memory_space<vmem>>
      %dma_wait3A_2153 = tpu.memref_squeeze %dma_wait3A_2152 : memref<1x8x64xf32, #tpu.memory_space<vmem>> -> memref<8x64xf32, #tpu.memory_space<vmem>>
      %dma_wait3A_2154 = arith.constant 0 : i32
      %dma_wait3A_2155 = arith.constant 0 : i32
      %dma_wait3A_2156 = tpu.memref_slice %arg3[%squeeze3A_1318, %dma_wait3A_2154, %dma_wait3A_2155] : memref<125000x8x64xf32, #tpu.memory_space<hbm>> -> memref<1x8x64xf32, #tpu.memory_space<hbm>>
      %dma_wait3A_2157 = tpu.memref_squeeze %dma_wait3A_2156 : memref<1x8x64xf32, #tpu.memory_space<hbm>> -> memref<8x64xf32, #tpu.memory_space<hbm>>
      %dma_wait3A_2158 = arith.constant 0 : i32
      %dma_wait3A_2159 = arith.constant 0 : i32
      %dma_wait3A_2160 = tpu.memref_slice %arg15[%dma_wait3A_2149, %dma_wait3A_2158, %dma_wait3A_2159] : memref<16x8x64xf32, #tpu.memory_space<vmem>> -> memref<1x8x64xf32, #tpu.memory_space<vmem>>
      %dma_wait3A_2161 = tpu.memref_squeeze %dma_wait3A_2160 : memref<1x8x64xf32, #tpu.memory_space<vmem>> -> memref<8x64xf32, #tpu.memory_space<vmem>>
      %dma_wait3A_2162 = arith.constant 0 : i32
      %dma_wait3A_2163 = arith.constant 0 : i32
      %dma_wait3A_2164 = tpu.memref_slice %arg3[%squeeze3A_1318, %dma_wait3A_2162, %dma_wait3A_2163] : memref<125000x8x64xf32, #tpu.memory_space<hbm>> -> memref<1x8x64xf32, #tpu.memory_space<hbm>>
      %dma_wait3A_2165 = tpu.memref_squeeze %dma_wait3A_2164 : memref<1x8x64xf32, #tpu.memory_space<hbm>> -> memref<8x64xf32, #tpu.memory_space<hbm>>
      tpu.wait_dma2 semaphore(%arg22 : memref<!tpu.dma_semaphore, #tpu.memory_space<semaphore_mem>>) src(%dma_wait3A_2165 : memref<8x64xf32, #tpu.memory_space<hbm>>) dst(%dma_wait3A_2161 : memref<8x64xf32, #tpu.memory_space<vmem>>)
      %dma_wait3A_2166 = arith.constant 13 : i32
      %dma_wait3A_2167 = arith.constant 0 : i32
      %dma_wait3A_2168 = arith.constant 0 : i32
      %dma_wait3A_2169 = tpu.memref_slice %arg16[%dma_wait3A_2166, %dma_wait3A_2167, %dma_wait3A_2168] : memref<16x8x64xf32, #tpu.memory_space<vmem>> -> memref<1x8x64xf32, #tpu.memory_space<vmem>>
      %dma_wait3A_2170 = tpu.memref_squeeze %dma_wait3A_2169 : memref<1x8x64xf32, #tpu.memory_space<vmem>> -> memref<8x64xf32, #tpu.memory_space<vmem>>
      %dma_wait3A_2171 = arith.constant 0 : i32
      %dma_wait3A_2172 = arith.constant 0 : i32
      %dma_wait3A_2173 = tpu.memref_slice %arg3[%squeeze3A_1337, %dma_wait3A_2171, %dma_wait3A_2172] : memref<125000x8x64xf32, #tpu.memory_space<hbm>> -> memref<1x8x64xf32, #tpu.memory_space<hbm>>
      %dma_wait3A_2174 = tpu.memref_squeeze %dma_wait3A_2173 : memref<1x8x64xf32, #tpu.memory_space<hbm>> -> memref<8x64xf32, #tpu.memory_space<hbm>>
      %dma_wait3A_2175 = arith.constant 0 : i32
      %dma_wait3A_2176 = arith.constant 0 : i32
      %dma_wait3A_2177 = tpu.memref_slice %arg16[%dma_wait3A_2166, %dma_wait3A_2175, %dma_wait3A_2176] : memref<16x8x64xf32, #tpu.memory_space<vmem>> -> memref<1x8x64xf32, #tpu.memory_space<vmem>>
      %dma_wait3A_2178 = tpu.memref_squeeze %dma_wait3A_2177 : memref<1x8x64xf32, #tpu.memory_space<vmem>> -> memref<8x64xf32, #tpu.memory_space<vmem>>
      %dma_wait3A_2179 = arith.constant 0 : i32
      %dma_wait3A_2180 = arith.constant 0 : i32
      %dma_wait3A_2181 = tpu.memref_slice %arg3[%squeeze3A_1337, %dma_wait3A_2179, %dma_wait3A_2180] : memref<125000x8x64xf32, #tpu.memory_space<hbm>> -> memref<1x8x64xf32, #tpu.memory_space<hbm>>
      %dma_wait3A_2182 = tpu.memref_squeeze %dma_wait3A_2181 : memref<1x8x64xf32, #tpu.memory_space<hbm>> -> memref<8x64xf32, #tpu.memory_space<hbm>>
      tpu.wait_dma2 semaphore(%arg22 : memref<!tpu.dma_semaphore, #tpu.memory_space<semaphore_mem>>) src(%dma_wait3A_2182 : memref<8x64xf32, #tpu.memory_space<hbm>>) dst(%dma_wait3A_2178 : memref<8x64xf32, #tpu.memory_space<vmem>>)
      %dma_wait3A_2183 = arith.constant 14 : i32
      %dma_wait3A_2184 = arith.constant 0 : i32
      %dma_wait3A_2185 = arith.constant 0 : i32
      %dma_wait3A_2186 = tpu.memref_slice %arg14[%dma_wait3A_2183, %dma_wait3A_2184, %dma_wait3A_2185] : memref<16x8x64xf32, #tpu.memory_space<vmem>> -> memref<1x8x64xf32, #tpu.memory_space<vmem>>
      %dma_wait3A_2187 = tpu.memref_squeeze %dma_wait3A_2186 : memref<1x8x64xf32, #tpu.memory_space<vmem>> -> memref<8x64xf32, #tpu.memory_space<vmem>>
      %dma_wait3A_2188 = arith.constant 0 : i32
      %dma_wait3A_2189 = arith.constant 0 : i32
      %dma_wait3A_2190 = tpu.memref_slice %arg2[%squeeze3A_1356, %dma_wait3A_2188, %dma_wait3A_2189] : memref<125000x8x64xf32, #tpu.memory_space<hbm>> -> memref<1x8x64xf32, #tpu.memory_space<hbm>>
      %dma_wait3A_2191 = tpu.memref_squeeze %dma_wait3A_2190 : memref<1x8x64xf32, #tpu.memory_space<hbm>> -> memref<8x64xf32, #tpu.memory_space<hbm>>
      %dma_wait3A_2192 = arith.constant 0 : i32
      %dma_wait3A_2193 = arith.constant 0 : i32
      %dma_wait3A_2194 = tpu.memref_slice %arg14[%dma_wait3A_2183, %dma_wait3A_2192, %dma_wait3A_2193] : memref<16x8x64xf32, #tpu.memory_space<vmem>> -> memref<1x8x64xf32, #tpu.memory_space<vmem>>
      %dma_wait3A_2195 = tpu.memref_squeeze %dma_wait3A_2194 : memref<1x8x64xf32, #tpu.memory_space<vmem>> -> memref<8x64xf32, #tpu.memory_space<vmem>>
      %dma_wait3A_2196 = arith.constant 0 : i32
      %dma_wait3A_2197 = arith.constant 0 : i32
      %dma_wait3A_2198 = tpu.memref_slice %arg2[%squeeze3A_1356, %dma_wait3A_2196, %dma_wait3A_2197] : memref<125000x8x64xf32, #tpu.memory_space<hbm>> -> memref<1x8x64xf32, #tpu.memory_space<hbm>>
      %dma_wait3A_2199 = tpu.memref_squeeze %dma_wait3A_2198 : memref<1x8x64xf32, #tpu.memory_space<hbm>> -> memref<8x64xf32, #tpu.memory_space<hbm>>
      tpu.wait_dma2 semaphore(%arg22 : memref<!tpu.dma_semaphore, #tpu.memory_space<semaphore_mem>>) src(%dma_wait3A_2199 : memref<8x64xf32, #tpu.memory_space<hbm>>) dst(%dma_wait3A_2195 : memref<8x64xf32, #tpu.memory_space<vmem>>)
      %dma_wait3A_2200 = arith.constant 14 : i32
      %dma_wait3A_2201 = arith.constant 0 : i32
      %dma_wait3A_2202 = arith.constant 0 : i32
      %dma_wait3A_2203 = tpu.memref_slice %arg15[%dma_wait3A_2200, %dma_wait3A_2201, %dma_wait3A_2202] : memref<16x8x64xf32, #tpu.memory_space<vmem>> -> memref<1x8x64xf32, #tpu.memory_space<vmem>>
      %dma_wait3A_2204 = tpu.memref_squeeze %dma_wait3A_2203 : memref<1x8x64xf32, #tpu.memory_space<vmem>> -> memref<8x64xf32, #tpu.memory_space<vmem>>
      %dma_wait3A_2205 = arith.constant 0 : i32
      %dma_wait3A_2206 = arith.constant 0 : i32
      %dma_wait3A_2207 = tpu.memref_slice %arg3[%squeeze3A_1375, %dma_wait3A_2205, %dma_wait3A_2206] : memref<125000x8x64xf32, #tpu.memory_space<hbm>> -> memref<1x8x64xf32, #tpu.memory_space<hbm>>
      %dma_wait3A_2208 = tpu.memref_squeeze %dma_wait3A_2207 : memref<1x8x64xf32, #tpu.memory_space<hbm>> -> memref<8x64xf32, #tpu.memory_space<hbm>>
      %dma_wait3A_2209 = arith.constant 0 : i32
      %dma_wait3A_2210 = arith.constant 0 : i32
      %dma_wait3A_2211 = tpu.memref_slice %arg15[%dma_wait3A_2200, %dma_wait3A_2209, %dma_wait3A_2210] : memref<16x8x64xf32, #tpu.memory_space<vmem>> -> memref<1x8x64xf32, #tpu.memory_space<vmem>>
      %dma_wait3A_2212 = tpu.memref_squeeze %dma_wait3A_2211 : memref<1x8x64xf32, #tpu.memory_space<vmem>> -> memref<8x64xf32, #tpu.memory_space<vmem>>
      %dma_wait3A_2213 = arith.constant 0 : i32
      %dma_wait3A_2214 = arith.constant 0 : i32
      %dma_wait3A_2215 = tpu.memref_slice %arg3[%squeeze3A_1375, %dma_wait3A_2213, %dma_wait3A_2214] : memref<125000x8x64xf32, #tpu.memory_space<hbm>> -> memref<1x8x64xf32, #tpu.memory_space<hbm>>
      %dma_wait3A_2216 = tpu.memref_squeeze %dma_wait3A_2215 : memref<1x8x64xf32, #tpu.memory_space<hbm>> -> memref<8x64xf32, #tpu.memory_space<hbm>>
      tpu.wait_dma2 semaphore(%arg22 : memref<!tpu.dma_semaphore, #tpu.memory_space<semaphore_mem>>) src(%dma_wait3A_2216 : memref<8x64xf32, #tpu.memory_space<hbm>>) dst(%dma_wait3A_2212 : memref<8x64xf32, #tpu.memory_space<vmem>>)
      %dma_wait3A_2217 = arith.constant 14 : i32
      %dma_wait3A_2218 = arith.constant 0 : i32
      %dma_wait3A_2219 = arith.constant 0 : i32
      %dma_wait3A_2220 = tpu.memref_slice %arg16[%dma_wait3A_2217, %dma_wait3A_2218, %dma_wait3A_2219] : memref<16x8x64xf32, #tpu.memory_space<vmem>> -> memref<1x8x64xf32, #tpu.memory_space<vmem>>
      %dma_wait3A_2221 = tpu.memref_squeeze %dma_wait3A_2220 : memref<1x8x64xf32, #tpu.memory_space<vmem>> -> memref<8x64xf32, #tpu.memory_space<vmem>>
      %dma_wait3A_2222 = arith.constant 0 : i32
      %dma_wait3A_2223 = arith.constant 0 : i32
      %dma_wait3A_2224 = tpu.memref_slice %arg3[%squeeze3A_1394, %dma_wait3A_2222, %dma_wait3A_2223] : memref<125000x8x64xf32, #tpu.memory_space<hbm>> -> memref<1x8x64xf32, #tpu.memory_space<hbm>>
      %dma_wait3A_2225 = tpu.memref_squeeze %dma_wait3A_2224 : memref<1x8x64xf32, #tpu.memory_space<hbm>> -> memref<8x64xf32, #tpu.memory_space<hbm>>
      %dma_wait3A_2226 = arith.constant 0 : i32
      %dma_wait3A_2227 = arith.constant 0 : i32
      %dma_wait3A_2228 = tpu.memref_slice %arg16[%dma_wait3A_2217, %dma_wait3A_2226, %dma_wait3A_2227] : memref<16x8x64xf32, #tpu.memory_space<vmem>> -> memref<1x8x64xf32, #tpu.memory_space<vmem>>
      %dma_wait3A_2229 = tpu.memref_squeeze %dma_wait3A_2228 : memref<1x8x64xf32, #tpu.memory_space<vmem>> -> memref<8x64xf32, #tpu.memory_space<vmem>>
      %dma_wait3A_2230 = arith.constant 0 : i32
      %dma_wait3A_2231 = arith.constant 0 : i32
      %dma_wait3A_2232 = tpu.memref_slice %arg3[%squeeze3A_1394, %dma_wait3A_2230, %dma_wait3A_2231] : memref<125000x8x64xf32, #tpu.memory_space<hbm>> -> memref<1x8x64xf32, #tpu.memory_space<hbm>>
      %dma_wait3A_2233 = tpu.memref_squeeze %dma_wait3A_2232 : memref<1x8x64xf32, #tpu.memory_space<hbm>> -> memref<8x64xf32, #tpu.memory_space<hbm>>
      tpu.wait_dma2 semaphore(%arg22 : memref<!tpu.dma_semaphore, #tpu.memory_space<semaphore_mem>>) src(%dma_wait3A_2233 : memref<8x64xf32, #tpu.memory_space<hbm>>) dst(%dma_wait3A_2229 : memref<8x64xf32, #tpu.memory_space<vmem>>)
      %dma_wait3A_2234 = arith.constant 15 : i32
      %dma_wait3A_2235 = arith.constant 0 : i32
      %dma_wait3A_2236 = arith.constant 0 : i32
      %dma_wait3A_2237 = tpu.memref_slice %arg14[%dma_wait3A_2234, %dma_wait3A_2235, %dma_wait3A_2236] : memref<16x8x64xf32, #tpu.memory_space<vmem>> -> memref<1x8x64xf32, #tpu.memory_space<vmem>>
      %dma_wait3A_2238 = tpu.memref_squeeze %dma_wait3A_2237 : memref<1x8x64xf32, #tpu.memory_space<vmem>> -> memref<8x64xf32, #tpu.memory_space<vmem>>
      %dma_wait3A_2239 = arith.constant 0 : i32
      %dma_wait3A_2240 = arith.constant 0 : i32
      %dma_wait3A_2241 = tpu.memref_slice %arg2[%squeeze3A_1413, %dma_wait3A_2239, %dma_wait3A_2240] : memref<125000x8x64xf32, #tpu.memory_space<hbm>> -> memref<1x8x64xf32, #tpu.memory_space<hbm>>
      %dma_wait3A_2242 = tpu.memref_squeeze %dma_wait3A_2241 : memref<1x8x64xf32, #tpu.memory_space<hbm>> -> memref<8x64xf32, #tpu.memory_space<hbm>>
      %dma_wait3A_2243 = arith.constant 0 : i32
      %dma_wait3A_2244 = arith.constant 0 : i32
      %dma_wait3A_2245 = tpu.memref_slice %arg14[%dma_wait3A_2234, %dma_wait3A_2243, %dma_wait3A_2244] : memref<16x8x64xf32, #tpu.memory_space<vmem>> -> memref<1x8x64xf32, #tpu.memory_space<vmem>>
      %dma_wait3A_2246 = tpu.memref_squeeze %dma_wait3A_2245 : memref<1x8x64xf32, #tpu.memory_space<vmem>> -> memref<8x64xf32, #tpu.memory_space<vmem>>
      %dma_wait3A_2247 = arith.constant 0 : i32
      %dma_wait3A_2248 = arith.constant 0 : i32
      %dma_wait3A_2249 = tpu.memref_slice %arg2[%squeeze3A_1413, %dma_wait3A_2247, %dma_wait3A_2248] : memref<125000x8x64xf32, #tpu.memory_space<hbm>> -> memref<1x8x64xf32, #tpu.memory_space<hbm>>
      %dma_wait3A_2250 = tpu.memref_squeeze %dma_wait3A_2249 : memref<1x8x64xf32, #tpu.memory_space<hbm>> -> memref<8x64xf32, #tpu.memory_space<hbm>>
      tpu.wait_dma2 semaphore(%arg22 : memref<!tpu.dma_semaphore, #tpu.memory_space<semaphore_mem>>) src(%dma_wait3A_2250 : memref<8x64xf32, #tpu.memory_space<hbm>>) dst(%dma_wait3A_2246 : memref<8x64xf32, #tpu.memory_space<vmem>>)
      %dma_wait3A_2251 = arith.constant 15 : i32
      %dma_wait3A_2252 = arith.constant 0 : i32
      %dma_wait3A_2253 = arith.constant 0 : i32
      %dma_wait3A_2254 = tpu.memref_slice %arg15[%dma_wait3A_2251, %dma_wait3A_2252, %dma_wait3A_2253] : memref<16x8x64xf32, #tpu.memory_space<vmem>> -> memref<1x8x64xf32, #tpu.memory_space<vmem>>
      %dma_wait3A_2255 = tpu.memref_squeeze %dma_wait3A_2254 : memref<1x8x64xf32, #tpu.memory_space<vmem>> -> memref<8x64xf32, #tpu.memory_space<vmem>>
      %dma_wait3A_2256 = arith.constant 0 : i32
      %dma_wait3A_2257 = arith.constant 0 : i32
      %dma_wait3A_2258 = tpu.memref_slice %arg3[%squeeze3A_1432, %dma_wait3A_2256, %dma_wait3A_2257] : memref<125000x8x64xf32, #tpu.memory_space<hbm>> -> memref<1x8x64xf32, #tpu.memory_space<hbm>>
      %dma_wait3A_2259 = tpu.memref_squeeze %dma_wait3A_2258 : memref<1x8x64xf32, #tpu.memory_space<hbm>> -> memref<8x64xf32, #tpu.memory_space<hbm>>
      %dma_wait3A_2260 = arith.constant 0 : i32
      %dma_wait3A_2261 = arith.constant 0 : i32
      %dma_wait3A_2262 = tpu.memref_slice %arg15[%dma_wait3A_2251, %dma_wait3A_2260, %dma_wait3A_2261] : memref<16x8x64xf32, #tpu.memory_space<vmem>> -> memref<1x8x64xf32, #tpu.memory_space<vmem>>
      %dma_wait3A_2263 = tpu.memref_squeeze %dma_wait3A_2262 : memref<1x8x64xf32, #tpu.memory_space<vmem>> -> memref<8x64xf32, #tpu.memory_space<vmem>>
      %dma_wait3A_2264 = arith.constant 0 : i32
      %dma_wait3A_2265 = arith.constant 0 : i32
      %dma_wait3A_2266 = tpu.memref_slice %arg3[%squeeze3A_1432, %dma_wait3A_2264, %dma_wait3A_2265] : memref<125000x8x64xf32, #tpu.memory_space<hbm>> -> memref<1x8x64xf32, #tpu.memory_space<hbm>>
      %dma_wait3A_2267 = tpu.memref_squeeze %dma_wait3A_2266 : memref<1x8x64xf32, #tpu.memory_space<hbm>> -> memref<8x64xf32, #tpu.memory_space<hbm>>
      tpu.wait_dma2 semaphore(%arg22 : memref<!tpu.dma_semaphore, #tpu.memory_space<semaphore_mem>>) src(%dma_wait3A_2267 : memref<8x64xf32, #tpu.memory_space<hbm>>) dst(%dma_wait3A_2263 : memref<8x64xf32, #tpu.memory_space<vmem>>)
      %dma_wait3A_2268 = arith.constant 15 : i32
      %dma_wait3A_2269 = arith.constant 0 : i32
      %dma_wait3A_2270 = arith.constant 0 : i32
      %dma_wait3A_2271 = tpu.memref_slice %arg16[%dma_wait3A_2268, %dma_wait3A_2269, %dma_wait3A_2270] : memref<16x8x64xf32, #tpu.memory_space<vmem>> -> memref<1x8x64xf32, #tpu.memory_space<vmem>>
      %dma_wait3A_2272 = tpu.memref_squeeze %dma_wait3A_2271 : memref<1x8x64xf32, #tpu.memory_space<vmem>> -> memref<8x64xf32, #tpu.memory_space<vmem>>
      %dma_wait3A_2273 = arith.constant 0 : i32
      %dma_wait3A_2274 = arith.constant 0 : i32
      %dma_wait3A_2275 = tpu.memref_slice %arg3[%squeeze3A_1451, %dma_wait3A_2273, %dma_wait3A_2274] : memref<125000x8x64xf32, #tpu.memory_space<hbm>> -> memref<1x8x64xf32, #tpu.memory_space<hbm>>
      %dma_wait3A_2276 = tpu.memref_squeeze %dma_wait3A_2275 : memref<1x8x64xf32, #tpu.memory_space<hbm>> -> memref<8x64xf32, #tpu.memory_space<hbm>>
      %dma_wait3A_2277 = arith.constant 0 : i32
      %dma_wait3A_2278 = arith.constant 0 : i32
      %dma_wait3A_2279 = tpu.memref_slice %arg16[%dma_wait3A_2268, %dma_wait3A_2277, %dma_wait3A_2278] : memref<16x8x64xf32, #tpu.memory_space<vmem>> -> memref<1x8x64xf32, #tpu.memory_space<vmem>>
      %dma_wait3A_2280 = tpu.memref_squeeze %dma_wait3A_2279 : memref<1x8x64xf32, #tpu.memory_space<vmem>> -> memref<8x64xf32, #tpu.memory_space<vmem>>
      %dma_wait3A_2281 = arith.constant 0 : i32
      %dma_wait3A_2282 = arith.constant 0 : i32
      %dma_wait3A_2283 = tpu.memref_slice %arg3[%squeeze3A_1451, %dma_wait3A_2281, %dma_wait3A_2282] : memref<125000x8x64xf32, #tpu.memory_space<hbm>> -> memref<1x8x64xf32, #tpu.memory_space<hbm>>
      %dma_wait3A_2284 = tpu.memref_squeeze %dma_wait3A_2283 : memref<1x8x64xf32, #tpu.memory_space<hbm>> -> memref<8x64xf32, #tpu.memory_space<hbm>>
      tpu.wait_dma2 semaphore(%arg22 : memref<!tpu.dma_semaphore, #tpu.memory_space<semaphore_mem>>) src(%dma_wait3A_2284 : memref<8x64xf32, #tpu.memory_space<hbm>>) dst(%dma_wait3A_2280 : memref<8x64xf32, #tpu.memory_space<vmem>>)
      %slice3A_2285 = vector.extract_strided_slice %get3A_544 {offsets = [0], sizes = [1], strides = [1]} : vector<16xi32> to vector<1xi32>
      %squeeze3A_2286 = vector.extract %slice3A_2285[0] : i32 from vector<1xi32>
      %and3A = arith.constant 7 : i32
      %and3A_2287 = arith.andi %squeeze3A_2286, %and3A : i32
      %slice3A_2288 = vector.extract_strided_slice %get3A_547 {offsets = [0], sizes = [1], strides = [1]} : vector<16xi32> to vector<1xi32>
      %squeeze3A_2289 = vector.extract %slice3A_2288[0] : i32 from vector<1xi32>
      %and3A_2290 = arith.constant 7 : i32
      %and3A_2291 = arith.andi %squeeze3A_2289, %and3A_2290 : i32
      %slice3A_2292 = vector.extract_strided_slice %get3A_550 {offsets = [0], sizes = [1], strides = [1]} : vector<16xi32> to vector<1xi32>
      %squeeze3A_2293 = vector.extract %slice3A_2292[0] : i32 from vector<1xi32>
      %and3A_2294 = arith.constant 7 : i32
      %and3A_2295 = arith.andi %squeeze3A_2293, %and3A_2294 : i32
      %broadcast_in_dim3A_2296 = arith.constant 0.000000e+00 : f32
      %broadcast_in_dim3A_2297 = vector.broadcast %broadcast_in_dim3A_2296 : f32 to vector<16xf32>
      %get3A_2298 = arith.constant 0 : i32
      %get3A_2299 = arith.index_cast %get3A_2298 : i32 to index
      %get3A_2300 = arith.index_cast %and3A_2287 : i32 to index
      %get3A_2301 = arith.constant 0 : index
      %get3A_2302 = tpu.vector_load %arg14[%get3A_2299, %get3A_2300, %get3A_2301] {strides = array<i32>} : memref<16x8x64xf32, #tpu.memory_space<vmem>>, vector<1x1x16xf32>,
      %get3A_2303 = vector.shape_cast %get3A_2302 : vector<1x1x16xf32> to vector<16xf32>
      %get3A_2304 = arith.constant 0 : i32
      %get3A_2305 = arith.index_cast %get3A_2304 : i32 to index
      %get3A_2306 = arith.index_cast %and3A_2291 : i32 to index
      %get3A_2307 = arith.constant 0 : index
      %get3A_2308 = tpu.vector_load %arg15[%get3A_2305, %get3A_2306, %get3A_2307] {strides = array<i32>} : memref<16x8x64xf32, #tpu.memory_space<vmem>>, vector<1x1x16xf32>,
      %get3A_2309 = vector.shape_cast %get3A_2308 : vector<1x1x16xf32> to vector<16xf32>
      %get3A_2310 = arith.constant 0 : i32
      %get3A_2311 = arith.index_cast %get3A_2310 : i32 to index
      %get3A_2312 = arith.index_cast %and3A_2295 : i32 to index
      %get3A_2313 = arith.constant 0 : index
      %get3A_2314 = tpu.vector_load %arg16[%get3A_2311, %get3A_2312, %get3A_2313] {strides = array<i32>} : memref<16x8x64xf32, #tpu.memory_space<vmem>>, vector<1x1x16xf32>,
      %get3A_2315 = vector.shape_cast %get3A_2314 : vector<1x1x16xf32> to vector<16xf32>
      %sub3A = arith.subf %get3A_2315, %get3A_2309 : vector<16xf32>
      %mul3A_2316 = arith.mulf %get3A_2303, %sub3A : vector<16xf32>
      %add3A_2317 = arith.addf %broadcast_in_dim3A_2297, %mul3A_2316 : vector<16xf32>
      %get3A_2318 = arith.constant 0 : i32
      %get3A_2319 = arith.index_cast %get3A_2318 : i32 to index
      %get3A_2320 = arith.index_cast %and3A_2287 : i32 to index
      %get3A_2321 = arith.constant 16 : index
      %get3A_2322 = tpu.vector_load %arg14[%get3A_2319, %get3A_2320, %get3A_2321] {strides = array<i32>} : memref<16x8x64xf32, #tpu.memory_space<vmem>>, vector<1x1x16xf32>,
      %get3A_2323 = vector.shape_cast %get3A_2322 : vector<1x1x16xf32> to vector<16xf32>
      %get3A_2324 = arith.constant 0 : i32
      %get3A_2325 = arith.index_cast %get3A_2324 : i32 to index
      %get3A_2326 = arith.index_cast %and3A_2291 : i32 to index
      %get3A_2327 = arith.constant 16 : index
      %get3A_2328 = tpu.vector_load %arg15[%get3A_2325, %get3A_2326, %get3A_2327] {strides = array<i32>} : memref<16x8x64xf32, #tpu.memory_space<vmem>>, vector<1x1x16xf32>,
      %get3A_2329 = vector.shape_cast %get3A_2328 : vector<1x1x16xf32> to vector<16xf32>
      %get3A_2330 = arith.constant 0 : i32
      %get3A_2331 = arith.index_cast %get3A_2330 : i32 to index
      %get3A_2332 = arith.index_cast %and3A_2295 : i32 to index
      %get3A_2333 = arith.constant 16 : index
      %get3A_2334 = tpu.vector_load %arg16[%get3A_2331, %get3A_2332, %get3A_2333] {strides = array<i32>} : memref<16x8x64xf32, #tpu.memory_space<vmem>>, vector<1x1x16xf32>,
      %get3A_2335 = vector.shape_cast %get3A_2334 : vector<1x1x16xf32> to vector<16xf32>
      %sub3A_2336 = arith.subf %get3A_2335, %get3A_2329 : vector<16xf32>
      %mul3A_2337 = arith.mulf %get3A_2323, %sub3A_2336 : vector<16xf32>
      %add3A_2338 = arith.addf %add3A_2317, %mul3A_2337 : vector<16xf32>
      %get3A_2339 = arith.constant 0 : i32
      %get3A_2340 = arith.index_cast %get3A_2339 : i32 to index
      %get3A_2341 = arith.index_cast %and3A_2287 : i32 to index
      %get3A_2342 = arith.constant 32 : index
      %get3A_2343 = tpu.vector_load %arg14[%get3A_2340, %get3A_2341, %get3A_2342] {strides = array<i32>} : memref<16x8x64xf32, #tpu.memory_space<vmem>>, vector<1x1x16xf32>,
      %get3A_2344 = vector.shape_cast %get3A_2343 : vector<1x1x16xf32> to vector<16xf32>
      %get3A_2345 = arith.constant 0 : i32
      %get3A_2346 = arith.index_cast %get3A_2345 : i32 to index
      %get3A_2347 = arith.index_cast %and3A_2291 : i32 to index
      %get3A_2348 = arith.constant 32 : index
      %get3A_2349 = tpu.vector_load %arg15[%get3A_2346, %get3A_2347, %get3A_2348] {strides = array<i32>} : memref<16x8x64xf32, #tpu.memory_space<vmem>>, vector<1x1x16xf32>,
      %get3A_2350 = vector.shape_cast %get3A_2349 : vector<1x1x16xf32> to vector<16xf32>
      %get3A_2351 = arith.constant 0 : i32
      %get3A_2352 = arith.index_cast %get3A_2351 : i32 to index
      %get3A_2353 = arith.index_cast %and3A_2295 : i32 to index
      %get3A_2354 = arith.constant 32 : index
      %get3A_2355 = tpu.vector_load %arg16[%get3A_2352, %get3A_2353, %get3A_2354] {strides = array<i32>} : memref<16x8x64xf32, #tpu.memory_space<vmem>>, vector<1x1x16xf32>,
      %get3A_2356 = vector.shape_cast %get3A_2355 : vector<1x1x16xf32> to vector<16xf32>
      %sub3A_2357 = arith.subf %get3A_2356, %get3A_2350 : vector<16xf32>
      %mul3A_2358 = arith.mulf %get3A_2344, %sub3A_2357 : vector<16xf32>
      %add3A_2359 = arith.addf %add3A_2338, %mul3A_2358 : vector<16xf32>
      %get3A_2360 = arith.constant 0 : i32
      %get3A_2361 = arith.index_cast %get3A_2360 : i32 to index
      %get3A_2362 = arith.index_cast %and3A_2287 : i32 to index
      %get3A_2363 = arith.constant 48 : index
      %get3A_2364 = tpu.vector_load %arg14[%get3A_2361, %get3A_2362, %get3A_2363] {strides = array<i32>} : memref<16x8x64xf32, #tpu.memory_space<vmem>>, vector<1x1x16xf32>,
      %get3A_2365 = vector.shape_cast %get3A_2364 : vector<1x1x16xf32> to vector<16xf32>
      %get3A_2366 = arith.constant 0 : i32
      %get3A_2367 = arith.index_cast %get3A_2366 : i32 to index
      %get3A_2368 = arith.index_cast %and3A_2291 : i32 to index
      %get3A_2369 = arith.constant 48 : index
      %get3A_2370 = tpu.vector_load %arg15[%get3A_2367, %get3A_2368, %get3A_2369] {strides = array<i32>} : memref<16x8x64xf32, #tpu.memory_space<vmem>>, vector<1x1x16xf32>,
      %get3A_2371 = vector.shape_cast %get3A_2370 : vector<1x1x16xf32> to vector<16xf32>
      %get3A_2372 = arith.constant 0 : i32
      %get3A_2373 = arith.index_cast %get3A_2372 : i32 to index
      %get3A_2374 = arith.index_cast %and3A_2295 : i32 to index
      %get3A_2375 = arith.constant 48 : index
      %get3A_2376 = tpu.vector_load %arg16[%get3A_2373, %get3A_2374, %get3A_2375] {strides = array<i32>} : memref<16x8x64xf32, #tpu.memory_space<vmem>>, vector<1x1x16xf32>,
      %get3A_2377 = vector.shape_cast %get3A_2376 : vector<1x1x16xf32> to vector<16xf32>
      %sub3A_2378 = arith.subf %get3A_2377, %get3A_2371 : vector<16xf32>
      %mul3A_2379 = arith.mulf %get3A_2365, %sub3A_2378 : vector<16xf32>
      %add3A_2380 = arith.addf %add3A_2359, %mul3A_2379 : vector<16xf32>
      %swap3A_2381 = arith.constant 0 : i32
      %swap3A_2382 = arith.index_cast %swap3A_2381 : i32 to index
      %swap3A_2383 = arith.constant 0 : index
      %swap3A_2384 = tpu.vector_load %arg20[%swap3A_2382, %swap3A_2383] {strides = array<i32>} : memref<16x128xf32, #tpu.memory_space<vmem>>, vector<1x16xf32>,
      %swap3A_2385 = vector.shape_cast %swap3A_2384 : vector<1x16xf32> to vector<16xf32>
      %swap3A_2386 = vector.shape_cast %add3A_2380 : vector<16xf32> to vector<1x16xf32>
      tpu.vector_store %arg20[%swap3A_2382, %swap3A_2383], %swap3A_2386 {strides = array<i32>} : memref<16x128xf32, #tpu.memory_space<vmem>>, vector<1x16xf32>,
      %slice3A_2387 = vector.extract_strided_slice %get3A_544 {offsets = [1], sizes = [1], strides = [1]} : vector<16xi32> to vector<1xi32>
      %squeeze3A_2388 = vector.extract %slice3A_2387[0] : i32 from vector<1xi32>
      %and3A_2389 = arith.constant 7 : i32
      %and3A_2390 = arith.andi %squeeze3A_2388, %and3A_2389 : i32
      %slice3A_2391 = vector.extract_strided_slice %get3A_547 {offsets = [1], sizes = [1], strides = [1]} : vector<16xi32> to vector<1xi32>
      %squeeze3A_2392 = vector.extract %slice3A_2391[0] : i32 from vector<1xi32>
      %and3A_2393 = arith.constant 7 : i32
      %and3A_2394 = arith.andi %squeeze3A_2392, %and3A_2393 : i32
      %slice3A_2395 = vector.extract_strided_slice %get3A_550 {offsets = [1], sizes = [1], strides = [1]} : vector<16xi32> to vector<1xi32>
      %squeeze3A_2396 = vector.extract %slice3A_2395[0] : i32 from vector<1xi32>
      %and3A_2397 = arith.constant 7 : i32
      %and3A_2398 = arith.andi %squeeze3A_2396, %and3A_2397 : i32
      %broadcast_in_dim3A_2399 = arith.constant 0.000000e+00 : f32
      %broadcast_in_dim3A_2400 = vector.broadcast %broadcast_in_dim3A_2399 : f32 to vector<16xf32>
      %get3A_2401 = arith.constant 1 : i32
      %get3A_2402 = arith.index_cast %get3A_2401 : i32 to index
      %get3A_2403 = arith.index_cast %and3A_2390 : i32 to index
      %get3A_2404 = arith.constant 0 : index
      %get3A_2405 = tpu.vector_load %arg14[%get3A_2402, %get3A_2403, %get3A_2404] {strides = array<i32>} : memref<16x8x64xf32, #tpu.memory_space<vmem>>, vector<1x1x16xf32>,
      %get3A_2406 = vector.shape_cast %get3A_2405 : vector<1x1x16xf32> to vector<16xf32>
      %get3A_2407 = arith.constant 1 : i32
      %get3A_2408 = arith.index_cast %get3A_2407 : i32 to index
      %get3A_2409 = arith.index_cast %and3A_2394 : i32 to index
      %get3A_2410 = arith.constant 0 : index
      %get3A_2411 = tpu.vector_load %arg15[%get3A_2408, %get3A_2409, %get3A_2410] {strides = array<i32>} : memref<16x8x64xf32, #tpu.memory_space<vmem>>, vector<1x1x16xf32>,
      %get3A_2412 = vector.shape_cast %get3A_2411 : vector<1x1x16xf32> to vector<16xf32>
      %get3A_2413 = arith.constant 1 : i32
      %get3A_2414 = arith.index_cast %get3A_2413 : i32 to index
      %get3A_2415 = arith.index_cast %and3A_2398 : i32 to index
      %get3A_2416 = arith.constant 0 : index
      %get3A_2417 = tpu.vector_load %arg16[%get3A_2414, %get3A_2415, %get3A_2416] {strides = array<i32>} : memref<16x8x64xf32, #tpu.memory_space<vmem>>, vector<1x1x16xf32>,
      %get3A_2418 = vector.shape_cast %get3A_2417 : vector<1x1x16xf32> to vector<16xf32>
      %sub3A_2419 = arith.subf %get3A_2418, %get3A_2412 : vector<16xf32>
      %mul3A_2420 = arith.mulf %get3A_2406, %sub3A_2419 : vector<16xf32>
      %add3A_2421 = arith.addf %broadcast_in_dim3A_2400, %mul3A_2420 : vector<16xf32>
      %get3A_2422 = arith.constant 1 : i32
      %get3A_2423 = arith.index_cast %get3A_2422 : i32 to index
      %get3A_2424 = arith.index_cast %and3A_2390 : i32 to index
      %get3A_2425 = arith.constant 16 : index
      %get3A_2426 = tpu.vector_load %arg14[%get3A_2423, %get3A_2424, %get3A_2425] {strides = array<i32>} : memref<16x8x64xf32, #tpu.memory_space<vmem>>, vector<1x1x16xf32>,
      %get3A_2427 = vector.shape_cast %get3A_2426 : vector<1x1x16xf32> to vector<16xf32>
      %get3A_2428 = arith.constant 1 : i32
      %get3A_2429 = arith.index_cast %get3A_2428 : i32 to index
      %get3A_2430 = arith.index_cast %and3A_2394 : i32 to index
      %get3A_2431 = arith.constant 16 : index
      %get3A_2432 = tpu.vector_load %arg15[%get3A_2429, %get3A_2430, %get3A_2431] {strides = array<i32>} : memref<16x8x64xf32, #tpu.memory_space<vmem>>, vector<1x1x16xf32>,
      %get3A_2433 = vector.shape_cast %get3A_2432 : vector<1x1x16xf32> to vector<16xf32>
      %get3A_2434 = arith.constant 1 : i32
      %get3A_2435 = arith.index_cast %get3A_2434 : i32 to index
      %get3A_2436 = arith.index_cast %and3A_2398 : i32 to index
      %get3A_2437 = arith.constant 16 : index
      %get3A_2438 = tpu.vector_load %arg16[%get3A_2435, %get3A_2436, %get3A_2437] {strides = array<i32>} : memref<16x8x64xf32, #tpu.memory_space<vmem>>, vector<1x1x16xf32>,
      %get3A_2439 = vector.shape_cast %get3A_2438 : vector<1x1x16xf32> to vector<16xf32>
      %sub3A_2440 = arith.subf %get3A_2439, %get3A_2433 : vector<16xf32>
      %mul3A_2441 = arith.mulf %get3A_2427, %sub3A_2440 : vector<16xf32>
      %add3A_2442 = arith.addf %add3A_2421, %mul3A_2441 : vector<16xf32>
      %get3A_2443 = arith.constant 1 : i32
      %get3A_2444 = arith.index_cast %get3A_2443 : i32 to index
      %get3A_2445 = arith.index_cast %and3A_2390 : i32 to index
      %get3A_2446 = arith.constant 32 : index
      %get3A_2447 = tpu.vector_load %arg14[%get3A_2444, %get3A_2445, %get3A_2446] {strides = array<i32>} : memref<16x8x64xf32, #tpu.memory_space<vmem>>, vector<1x1x16xf32>,
      %get3A_2448 = vector.shape_cast %get3A_2447 : vector<1x1x16xf32> to vector<16xf32>
      %get3A_2449 = arith.constant 1 : i32
      %get3A_2450 = arith.index_cast %get3A_2449 : i32 to index
      %get3A_2451 = arith.index_cast %and3A_2394 : i32 to index
      %get3A_2452 = arith.constant 32 : index
      %get3A_2453 = tpu.vector_load %arg15[%get3A_2450, %get3A_2451, %get3A_2452] {strides = array<i32>} : memref<16x8x64xf32, #tpu.memory_space<vmem>>, vector<1x1x16xf32>,
      %get3A_2454 = vector.shape_cast %get3A_2453 : vector<1x1x16xf32> to vector<16xf32>
      %get3A_2455 = arith.constant 1 : i32
      %get3A_2456 = arith.index_cast %get3A_2455 : i32 to index
      %get3A_2457 = arith.index_cast %and3A_2398 : i32 to index
      %get3A_2458 = arith.constant 32 : index
      %get3A_2459 = tpu.vector_load %arg16[%get3A_2456, %get3A_2457, %get3A_2458] {strides = array<i32>} : memref<16x8x64xf32, #tpu.memory_space<vmem>>, vector<1x1x16xf32>,
      %get3A_2460 = vector.shape_cast %get3A_2459 : vector<1x1x16xf32> to vector<16xf32>
      %sub3A_2461 = arith.subf %get3A_2460, %get3A_2454 : vector<16xf32>
      %mul3A_2462 = arith.mulf %get3A_2448, %sub3A_2461 : vector<16xf32>
      %add3A_2463 = arith.addf %add3A_2442, %mul3A_2462 : vector<16xf32>
      %get3A_2464 = arith.constant 1 : i32
      %get3A_2465 = arith.index_cast %get3A_2464 : i32 to index
      %get3A_2466 = arith.index_cast %and3A_2390 : i32 to index
      %get3A_2467 = arith.constant 48 : index
      %get3A_2468 = tpu.vector_load %arg14[%get3A_2465, %get3A_2466, %get3A_2467] {strides = array<i32>} : memref<16x8x64xf32, #tpu.memory_space<vmem>>, vector<1x1x16xf32>,
      %get3A_2469 = vector.shape_cast %get3A_2468 : vector<1x1x16xf32> to vector<16xf32>
      %get3A_2470 = arith.constant 1 : i32
      %get3A_2471 = arith.index_cast %get3A_2470 : i32 to index
      %get3A_2472 = arith.index_cast %and3A_2394 : i32 to index
      %get3A_2473 = arith.constant 48 : index
      %get3A_2474 = tpu.vector_load %arg15[%get3A_2471, %get3A_2472, %get3A_2473] {strides = array<i32>} : memref<16x8x64xf32, #tpu.memory_space<vmem>>, vector<1x1x16xf32>,
      %get3A_2475 = vector.shape_cast %get3A_2474 : vector<1x1x16xf32> to vector<16xf32>
      %get3A_2476 = arith.constant 1 : i32
      %get3A_2477 = arith.index_cast %get3A_2476 : i32 to index
      %get3A_2478 = arith.index_cast %and3A_2398 : i32 to index
      %get3A_2479 = arith.constant 48 : index
      %get3A_2480 = tpu.vector_load %arg16[%get3A_2477, %get3A_2478, %get3A_2479] {strides = array<i32>} : memref<16x8x64xf32, #tpu.memory_space<vmem>>, vector<1x1x16xf32>,
      %get3A_2481 = vector.shape_cast %get3A_2480 : vector<1x1x16xf32> to vector<16xf32>
      %sub3A_2482 = arith.subf %get3A_2481, %get3A_2475 : vector<16xf32>
      %mul3A_2483 = arith.mulf %get3A_2469, %sub3A_2482 : vector<16xf32>
      %add3A_2484 = arith.addf %add3A_2463, %mul3A_2483 : vector<16xf32>
      %swap3A_2485 = arith.constant 1 : i32
      %swap3A_2486 = arith.index_cast %swap3A_2485 : i32 to index
      %swap3A_2487 = arith.constant 0 : index
      %swap3A_2488 = tpu.vector_load %arg20[%swap3A_2486, %swap3A_2487] {strides = array<i32>} : memref<16x128xf32, #tpu.memory_space<vmem>>, vector<1x16xf32>,
      %swap3A_2489 = vector.shape_cast %swap3A_2488 : vector<1x16xf32> to vector<16xf32>
      %swap3A_2490 = vector.shape_cast %add3A_2484 : vector<16xf32> to vector<1x16xf32>
      tpu.vector_store %arg20[%swap3A_2486, %swap3A_2487], %swap3A_2490 {strides = array<i32>} : memref<16x128xf32, #tpu.memory_space<vmem>>, vector<1x16xf32>,
      %slice3A_2491 = vector.extract_strided_slice %get3A_544 {offsets = [2], sizes = [1], strides = [1]} : vector<16xi32> to vector<1xi32>
      %squeeze3A_2492 = vector.extract %slice3A_2491[0] : i32 from vector<1xi32>
      %and3A_2493 = arith.constant 7 : i32
      %and3A_2494 = arith.andi %squeeze3A_2492, %and3A_2493 : i32
      %slice3A_2495 = vector.extract_strided_slice %get3A_547 {offsets = [2], sizes = [1], strides = [1]} : vector<16xi32> to vector<1xi32>
      %squeeze3A_2496 = vector.extract %slice3A_2495[0] : i32 from vector<1xi32>
      %and3A_2497 = arith.constant 7 : i32
      %and3A_2498 = arith.andi %squeeze3A_2496, %and3A_2497 : i32
      %slice3A_2499 = vector.extract_strided_slice %get3A_550 {offsets = [2], sizes = [1], strides = [1]} : vector<16xi32> to vector<1xi32>
      %squeeze3A_2500 = vector.extract %slice3A_2499[0] : i32 from vector<1xi32>
      %and3A_2501 = arith.constant 7 : i32
      %and3A_2502 = arith.andi %squeeze3A_2500, %and3A_2501 : i32
      %broadcast_in_dim3A_2503 = arith.constant 0.000000e+00 : f32
      %broadcast_in_dim3A_2504 = vector.broadcast %broadcast_in_dim3A_2503 : f32 to vector<16xf32>
      %get3A_2505 = arith.constant 2 : i32
      %get3A_2506 = arith.index_cast %get3A_2505 : i32 to index
      %get3A_2507 = arith.index_cast %and3A_2494 : i32 to index
      %get3A_2508 = arith.constant 0 : index
      %get3A_2509 = tpu.vector_load %arg14[%get3A_2506, %get3A_2507, %get3A_2508] {strides = array<i32>} : memref<16x8x64xf32, #tpu.memory_space<vmem>>, vector<1x1x16xf32>,
      %get3A_2510 = vector.shape_cast %get3A_2509 : vector<1x1x16xf32> to vector<16xf32>
      %get3A_2511 = arith.constant 2 : i32
      %get3A_2512 = arith.index_cast %get3A_2511 : i32 to index
      %get3A_2513 = arith.index_cast %and3A_2498 : i32 to index
      %get3A_2514 = arith.constant 0 : index
      %get3A_2515 = tpu.vector_load %arg15[%get3A_2512, %get3A_2513, %get3A_2514] {strides = array<i32>} : memref<16x8x64xf32, #tpu.memory_space<vmem>>, vector<1x1x16xf32>,
      %get3A_2516 = vector.shape_cast %get3A_2515 : vector<1x1x16xf32> to vector<16xf32>
      %get3A_2517 = arith.constant 2 : i32
      %get3A_2518 = arith.index_cast %get3A_2517 : i32 to index
      %get3A_2519 = arith.index_cast %and3A_2502 : i32 to index
      %get3A_2520 = arith.constant 0 : index
      %get3A_2521 = tpu.vector_load %arg16[%get3A_2518, %get3A_2519, %get3A_2520] {strides = array<i32>} : memref<16x8x64xf32, #tpu.memory_space<vmem>>, vector<1x1x16xf32>,
      %get3A_2522 = vector.shape_cast %get3A_2521 : vector<1x1x16xf32> to vector<16xf32>
      %sub3A_2523 = arith.subf %get3A_2522, %get3A_2516 : vector<16xf32>
      %mul3A_2524 = arith.mulf %get3A_2510, %sub3A_2523 : vector<16xf32>
      %add3A_2525 = arith.addf %broadcast_in_dim3A_2504, %mul3A_2524 : vector<16xf32>
      %get3A_2526 = arith.constant 2 : i32
      %get3A_2527 = arith.index_cast %get3A_2526 : i32 to index
      %get3A_2528 = arith.index_cast %and3A_2494 : i32 to index
      %get3A_2529 = arith.constant 16 : index
      %get3A_2530 = tpu.vector_load %arg14[%get3A_2527, %get3A_2528, %get3A_2529] {strides = array<i32>} : memref<16x8x64xf32, #tpu.memory_space<vmem>>, vector<1x1x16xf32>,
      %get3A_2531 = vector.shape_cast %get3A_2530 : vector<1x1x16xf32> to vector<16xf32>
      %get3A_2532 = arith.constant 2 : i32
      %get3A_2533 = arith.index_cast %get3A_2532 : i32 to index
      %get3A_2534 = arith.index_cast %and3A_2498 : i32 to index
      %get3A_2535 = arith.constant 16 : index
      %get3A_2536 = tpu.vector_load %arg15[%get3A_2533, %get3A_2534, %get3A_2535] {strides = array<i32>} : memref<16x8x64xf32, #tpu.memory_space<vmem>>, vector<1x1x16xf32>,
      %get3A_2537 = vector.shape_cast %get3A_2536 : vector<1x1x16xf32> to vector<16xf32>
      %get3A_2538 = arith.constant 2 : i32
      %get3A_2539 = arith.index_cast %get3A_2538 : i32 to index
      %get3A_2540 = arith.index_cast %and3A_2502 : i32 to index
      %get3A_2541 = arith.constant 16 : index
      %get3A_2542 = tpu.vector_load %arg16[%get3A_2539, %get3A_2540, %get3A_2541] {strides = array<i32>} : memref<16x8x64xf32, #tpu.memory_space<vmem>>, vector<1x1x16xf32>,
      %get3A_2543 = vector.shape_cast %get3A_2542 : vector<1x1x16xf32> to vector<16xf32>
      %sub3A_2544 = arith.subf %get3A_2543, %get3A_2537 : vector<16xf32>
      %mul3A_2545 = arith.mulf %get3A_2531, %sub3A_2544 : vector<16xf32>
      %add3A_2546 = arith.addf %add3A_2525, %mul3A_2545 : vector<16xf32>
      %get3A_2547 = arith.constant 2 : i32
      %get3A_2548 = arith.index_cast %get3A_2547 : i32 to index
      %get3A_2549 = arith.index_cast %and3A_2494 : i32 to index
      %get3A_2550 = arith.constant 32 : index
      %get3A_2551 = tpu.vector_load %arg14[%get3A_2548, %get3A_2549, %get3A_2550] {strides = array<i32>} : memref<16x8x64xf32, #tpu.memory_space<vmem>>, vector<1x1x16xf32>,
      %get3A_2552 = vector.shape_cast %get3A_2551 : vector<1x1x16xf32> to vector<16xf32>
      %get3A_2553 = arith.constant 2 : i32
      %get3A_2554 = arith.index_cast %get3A_2553 : i32 to index
      %get3A_2555 = arith.index_cast %and3A_2498 : i32 to index
      %get3A_2556 = arith.constant 32 : index
      %get3A_2557 = tpu.vector_load %arg15[%get3A_2554, %get3A_2555, %get3A_2556] {strides = array<i32>} : memref<16x8x64xf32, #tpu.memory_space<vmem>>, vector<1x1x16xf32>,
      %get3A_2558 = vector.shape_cast %get3A_2557 : vector<1x1x16xf32> to vector<16xf32>
      %get3A_2559 = arith.constant 2 : i32
      %get3A_2560 = arith.index_cast %get3A_2559 : i32 to index
      %get3A_2561 = arith.index_cast %and3A_2502 : i32 to index
      %get3A_2562 = arith.constant 32 : index
      %get3A_2563 = tpu.vector_load %arg16[%get3A_2560, %get3A_2561, %get3A_2562] {strides = array<i32>} : memref<16x8x64xf32, #tpu.memory_space<vmem>>, vector<1x1x16xf32>,
      %get3A_2564 = vector.shape_cast %get3A_2563 : vector<1x1x16xf32> to vector<16xf32>
      %sub3A_2565 = arith.subf %get3A_2564, %get3A_2558 : vector<16xf32>
      %mul3A_2566 = arith.mulf %get3A_2552, %sub3A_2565 : vector<16xf32>
      %add3A_2567 = arith.addf %add3A_2546, %mul3A_2566 : vector<16xf32>
      %get3A_2568 = arith.constant 2 : i32
      %get3A_2569 = arith.index_cast %get3A_2568 : i32 to index
      %get3A_2570 = arith.index_cast %and3A_2494 : i32 to index
      %get3A_2571 = arith.constant 48 : index
      %get3A_2572 = tpu.vector_load %arg14[%get3A_2569, %get3A_2570, %get3A_2571] {strides = array<i32>} : memref<16x8x64xf32, #tpu.memory_space<vmem>>, vector<1x1x16xf32>,
      %get3A_2573 = vector.shape_cast %get3A_2572 : vector<1x1x16xf32> to vector<16xf32>
      %get3A_2574 = arith.constant 2 : i32
      %get3A_2575 = arith.index_cast %get3A_2574 : i32 to index
      %get3A_2576 = arith.index_cast %and3A_2498 : i32 to index
      %get3A_2577 = arith.constant 48 : index
      %get3A_2578 = tpu.vector_load %arg15[%get3A_2575, %get3A_2576, %get3A_2577] {strides = array<i32>} : memref<16x8x64xf32, #tpu.memory_space<vmem>>, vector<1x1x16xf32>,
      %get3A_2579 = vector.shape_cast %get3A_2578 : vector<1x1x16xf32> to vector<16xf32>
      %get3A_2580 = arith.constant 2 : i32
      %get3A_2581 = arith.index_cast %get3A_2580 : i32 to index
      %get3A_2582 = arith.index_cast %and3A_2502 : i32 to index
      %get3A_2583 = arith.constant 48 : index
      %get3A_2584 = tpu.vector_load %arg16[%get3A_2581, %get3A_2582, %get3A_2583] {strides = array<i32>} : memref<16x8x64xf32, #tpu.memory_space<vmem>>, vector<1x1x16xf32>,
      %get3A_2585 = vector.shape_cast %get3A_2584 : vector<1x1x16xf32> to vector<16xf32>
      %sub3A_2586 = arith.subf %get3A_2585, %get3A_2579 : vector<16xf32>
      %mul3A_2587 = arith.mulf %get3A_2573, %sub3A_2586 : vector<16xf32>
      %add3A_2588 = arith.addf %add3A_2567, %mul3A_2587 : vector<16xf32>
      %swap3A_2589 = arith.constant 2 : i32
      %swap3A_2590 = arith.index_cast %swap3A_2589 : i32 to index
      %swap3A_2591 = arith.constant 0 : index
      %swap3A_2592 = tpu.vector_load %arg20[%swap3A_2590, %swap3A_2591] {strides = array<i32>} : memref<16x128xf32, #tpu.memory_space<vmem>>, vector<1x16xf32>,
      %swap3A_2593 = vector.shape_cast %swap3A_2592 : vector<1x16xf32> to vector<16xf32>
      %swap3A_2594 = vector.shape_cast %add3A_2588 : vector<16xf32> to vector<1x16xf32>
      tpu.vector_store %arg20[%swap3A_2590, %swap3A_2591], %swap3A_2594 {strides = array<i32>} : memref<16x128xf32, #tpu.memory_space<vmem>>, vector<1x16xf32>,
      %slice3A_2595 = vector.extract_strided_slice %get3A_544 {offsets = [3], sizes = [1], strides = [1]} : vector<16xi32> to vector<1xi32>
      %squeeze3A_2596 = vector.extract %slice3A_2595[0] : i32 from vector<1xi32>
      %and3A_2597 = arith.constant 7 : i32
      %and3A_2598 = arith.andi %squeeze3A_2596, %and3A_2597 : i32
      %slice3A_2599 = vector.extract_strided_slice %get3A_547 {offsets = [3], sizes = [1], strides = [1]} : vector<16xi32> to vector<1xi32>
      %squeeze3A_2600 = vector.extract %slice3A_2599[0] : i32 from vector<1xi32>
      %and3A_2601 = arith.constant 7 : i32
      %and3A_2602 = arith.andi %squeeze3A_2600, %and3A_2601 : i32
      %slice3A_2603 = vector.extract_strided_slice %get3A_550 {offsets = [3], sizes = [1], strides = [1]} : vector<16xi32> to vector<1xi32>
      %squeeze3A_2604 = vector.extract %slice3A_2603[0] : i32 from vector<1xi32>
      %and3A_2605 = arith.constant 7 : i32
      %and3A_2606 = arith.andi %squeeze3A_2604, %and3A_2605 : i32
      %broadcast_in_dim3A_2607 = arith.constant 0.000000e+00 : f32
      %broadcast_in_dim3A_2608 = vector.broadcast %broadcast_in_dim3A_2607 : f32 to vector<16xf32>
      %get3A_2609 = arith.constant 3 : i32
      %get3A_2610 = arith.index_cast %get3A_2609 : i32 to index
      %get3A_2611 = arith.index_cast %and3A_2598 : i32 to index
      %get3A_2612 = arith.constant 0 : index
      %get3A_2613 = tpu.vector_load %arg14[%get3A_2610, %get3A_2611, %get3A_2612] {strides = array<i32>} : memref<16x8x64xf32, #tpu.memory_space<vmem>>, vector<1x1x16xf32>,
      %get3A_2614 = vector.shape_cast %get3A_2613 : vector<1x1x16xf32> to vector<16xf32>
      %get3A_2615 = arith.constant 3 : i32
      %get3A_2616 = arith.index_cast %get3A_2615 : i32 to index
      %get3A_2617 = arith.index_cast %and3A_2602 : i32 to index
      %get3A_2618 = arith.constant 0 : index
      %get3A_2619 = tpu.vector_load %arg15[%get3A_2616, %get3A_2617, %get3A_2618] {strides = array<i32>} : memref<16x8x64xf32, #tpu.memory_space<vmem>>, vector<1x1x16xf32>,
      %get3A_2620 = vector.shape_cast %get3A_2619 : vector<1x1x16xf32> to vector<16xf32>
      %get3A_2621 = arith.constant 3 : i32
      %get3A_2622 = arith.index_cast %get3A_2621 : i32 to index
      %get3A_2623 = arith.index_cast %and3A_2606 : i32 to index
      %get3A_2624 = arith.constant 0 : index
      %get3A_2625 = tpu.vector_load %arg16[%get3A_2622, %get3A_2623, %get3A_2624] {strides = array<i32>} : memref<16x8x64xf32, #tpu.memory_space<vmem>>, vector<1x1x16xf32>,
      %get3A_2626 = vector.shape_cast %get3A_2625 : vector<1x1x16xf32> to vector<16xf32>
      %sub3A_2627 = arith.subf %get3A_2626, %get3A_2620 : vector<16xf32>
      %mul3A_2628 = arith.mulf %get3A_2614, %sub3A_2627 : vector<16xf32>
      %add3A_2629 = arith.addf %broadcast_in_dim3A_2608, %mul3A_2628 : vector<16xf32>
      %get3A_2630 = arith.constant 3 : i32
      %get3A_2631 = arith.index_cast %get3A_2630 : i32 to index
      %get3A_2632 = arith.index_cast %and3A_2598 : i32 to index
      %get3A_2633 = arith.constant 16 : index
      %get3A_2634 = tpu.vector_load %arg14[%get3A_2631, %get3A_2632, %get3A_2633] {strides = array<i32>} : memref<16x8x64xf32, #tpu.memory_space<vmem>>, vector<1x1x16xf32>,
      %get3A_2635 = vector.shape_cast %get3A_2634 : vector<1x1x16xf32> to vector<16xf32>
      %get3A_2636 = arith.constant 3 : i32
      %get3A_2637 = arith.index_cast %get3A_2636 : i32 to index
      %get3A_2638 = arith.index_cast %and3A_2602 : i32 to index
      %get3A_2639 = arith.constant 16 : index
      %get3A_2640 = tpu.vector_load %arg15[%get3A_2637, %get3A_2638, %get3A_2639] {strides = array<i32>} : memref<16x8x64xf32, #tpu.memory_space<vmem>>, vector<1x1x16xf32>,
      %get3A_2641 = vector.shape_cast %get3A_2640 : vector<1x1x16xf32> to vector<16xf32>
      %get3A_2642 = arith.constant 3 : i32
      %get3A_2643 = arith.index_cast %get3A_2642 : i32 to index
      %get3A_2644 = arith.index_cast %and3A_2606 : i32 to index
      %get3A_2645 = arith.constant 16 : index
      %get3A_2646 = tpu.vector_load %arg16[%get3A_2643, %get3A_2644, %get3A_2645] {strides = array<i32>} : memref<16x8x64xf32, #tpu.memory_space<vmem>>, vector<1x1x16xf32>,
      %get3A_2647 = vector.shape_cast %get3A_2646 : vector<1x1x16xf32> to vector<16xf32>
      %sub3A_2648 = arith.subf %get3A_2647, %get3A_2641 : vector<16xf32>
      %mul3A_2649 = arith.mulf %get3A_2635, %sub3A_2648 : vector<16xf32>
      %add3A_2650 = arith.addf %add3A_2629, %mul3A_2649 : vector<16xf32>
      %get3A_2651 = arith.constant 3 : i32
      %get3A_2652 = arith.index_cast %get3A_2651 : i32 to index
      %get3A_2653 = arith.index_cast %and3A_2598 : i32 to index
      %get3A_2654 = arith.constant 32 : index
      %get3A_2655 = tpu.vector_load %arg14[%get3A_2652, %get3A_2653, %get3A_2654] {strides = array<i32>} : memref<16x8x64xf32, #tpu.memory_space<vmem>>, vector<1x1x16xf32>,
      %get3A_2656 = vector.shape_cast %get3A_2655 : vector<1x1x16xf32> to vector<16xf32>
      %get3A_2657 = arith.constant 3 : i32
      %get3A_2658 = arith.index_cast %get3A_2657 : i32 to index
      %get3A_2659 = arith.index_cast %and3A_2602 : i32 to index
      %get3A_2660 = arith.constant 32 : index
      %get3A_2661 = tpu.vector_load %arg15[%get3A_2658, %get3A_2659, %get3A_2660] {strides = array<i32>} : memref<16x8x64xf32, #tpu.memory_space<vmem>>, vector<1x1x16xf32>,
      %get3A_2662 = vector.shape_cast %get3A_2661 : vector<1x1x16xf32> to vector<16xf32>
      %get3A_2663 = arith.constant 3 : i32
      %get3A_2664 = arith.index_cast %get3A_2663 : i32 to index
      %get3A_2665 = arith.index_cast %and3A_2606 : i32 to index
      %get3A_2666 = arith.constant 32 : index
      %get3A_2667 = tpu.vector_load %arg16[%get3A_2664, %get3A_2665, %get3A_2666] {strides = array<i32>} : memref<16x8x64xf32, #tpu.memory_space<vmem>>, vector<1x1x16xf32>,
      %get3A_2668 = vector.shape_cast %get3A_2667 : vector<1x1x16xf32> to vector<16xf32>
      %sub3A_2669 = arith.subf %get3A_2668, %get3A_2662 : vector<16xf32>
      %mul3A_2670 = arith.mulf %get3A_2656, %sub3A_2669 : vector<16xf32>
      %add3A_2671 = arith.addf %add3A_2650, %mul3A_2670 : vector<16xf32>
      %get3A_2672 = arith.constant 3 : i32
      %get3A_2673 = arith.index_cast %get3A_2672 : i32 to index
      %get3A_2674 = arith.index_cast %and3A_2598 : i32 to index
      %get3A_2675 = arith.constant 48 : index
      %get3A_2676 = tpu.vector_load %arg14[%get3A_2673, %get3A_2674, %get3A_2675] {strides = array<i32>} : memref<16x8x64xf32, #tpu.memory_space<vmem>>, vector<1x1x16xf32>,
      %get3A_2677 = vector.shape_cast %get3A_2676 : vector<1x1x16xf32> to vector<16xf32>
      %get3A_2678 = arith.constant 3 : i32
      %get3A_2679 = arith.index_cast %get3A_2678 : i32 to index
      %get3A_2680 = arith.index_cast %and3A_2602 : i32 to index
      %get3A_2681 = arith.constant 48 : index
      %get3A_2682 = tpu.vector_load %arg15[%get3A_2679, %get3A_2680, %get3A_2681] {strides = array<i32>} : memref<16x8x64xf32, #tpu.memory_space<vmem>>, vector<1x1x16xf32>,
      %get3A_2683 = vector.shape_cast %get3A_2682 : vector<1x1x16xf32> to vector<16xf32>
      %get3A_2684 = arith.constant 3 : i32
      %get3A_2685 = arith.index_cast %get3A_2684 : i32 to index
      %get3A_2686 = arith.index_cast %and3A_2606 : i32 to index
      %get3A_2687 = arith.constant 48 : index
      %get3A_2688 = tpu.vector_load %arg16[%get3A_2685, %get3A_2686, %get3A_2687] {strides = array<i32>} : memref<16x8x64xf32, #tpu.memory_space<vmem>>, vector<1x1x16xf32>,
      %get3A_2689 = vector.shape_cast %get3A_2688 : vector<1x1x16xf32> to vector<16xf32>
      %sub3A_2690 = arith.subf %get3A_2689, %get3A_2683 : vector<16xf32>
      %mul3A_2691 = arith.mulf %get3A_2677, %sub3A_2690 : vector<16xf32>
      %add3A_2692 = arith.addf %add3A_2671, %mul3A_2691 : vector<16xf32>
      %swap3A_2693 = arith.constant 3 : i32
      %swap3A_2694 = arith.index_cast %swap3A_2693 : i32 to index
      %swap3A_2695 = arith.constant 0 : index
      %swap3A_2696 = tpu.vector_load %arg20[%swap3A_2694, %swap3A_2695] {strides = array<i32>} : memref<16x128xf32, #tpu.memory_space<vmem>>, vector<1x16xf32>,
      %swap3A_2697 = vector.shape_cast %swap3A_2696 : vector<1x16xf32> to vector<16xf32>
      %swap3A_2698 = vector.shape_cast %add3A_2692 : vector<16xf32> to vector<1x16xf32>
      tpu.vector_store %arg20[%swap3A_2694, %swap3A_2695], %swap3A_2698 {strides = array<i32>} : memref<16x128xf32, #tpu.memory_space<vmem>>, vector<1x16xf32>,
      %slice3A_2699 = vector.extract_strided_slice %get3A_544 {offsets = [4], sizes = [1], strides = [1]} : vector<16xi32> to vector<1xi32>
      %squeeze3A_2700 = vector.extract %slice3A_2699[0] : i32 from vector<1xi32>
      %and3A_2701 = arith.constant 7 : i32
      %and3A_2702 = arith.andi %squeeze3A_2700, %and3A_2701 : i32
      %slice3A_2703 = vector.extract_strided_slice %get3A_547 {offsets = [4], sizes = [1], strides = [1]} : vector<16xi32> to vector<1xi32>
      %squeeze3A_2704 = vector.extract %slice3A_2703[0] : i32 from vector<1xi32>
      %and3A_2705 = arith.constant 7 : i32
      %and3A_2706 = arith.andi %squeeze3A_2704, %and3A_2705 : i32
      %slice3A_2707 = vector.extract_strided_slice %get3A_550 {offsets = [4], sizes = [1], strides = [1]} : vector<16xi32> to vector<1xi32>
      %squeeze3A_2708 = vector.extract %slice3A_2707[0] : i32 from vector<1xi32>
      %and3A_2709 = arith.constant 7 : i32
      %and3A_2710 = arith.andi %squeeze3A_2708, %and3A_2709 : i32
      %broadcast_in_dim3A_2711 = arith.constant 0.000000e+00 : f32
      %broadcast_in_dim3A_2712 = vector.broadcast %broadcast_in_dim3A_2711 : f32 to vector<16xf32>
      %get3A_2713 = arith.constant 4 : i32
      %get3A_2714 = arith.index_cast %get3A_2713 : i32 to index
      %get3A_2715 = arith.index_cast %and3A_2702 : i32 to index
      %get3A_2716 = arith.constant 0 : index
      %get3A_2717 = tpu.vector_load %arg14[%get3A_2714, %get3A_2715, %get3A_2716] {strides = array<i32>} : memref<16x8x64xf32, #tpu.memory_space<vmem>>, vector<1x1x16xf32>,
      %get3A_2718 = vector.shape_cast %get3A_2717 : vector<1x1x16xf32> to vector<16xf32>
      %get3A_2719 = arith.constant 4 : i32
      %get3A_2720 = arith.index_cast %get3A_2719 : i32 to index
      %get3A_2721 = arith.index_cast %and3A_2706 : i32 to index
      %get3A_2722 = arith.constant 0 : index
      %get3A_2723 = tpu.vector_load %arg15[%get3A_2720, %get3A_2721, %get3A_2722] {strides = array<i32>} : memref<16x8x64xf32, #tpu.memory_space<vmem>>, vector<1x1x16xf32>,
      %get3A_2724 = vector.shape_cast %get3A_2723 : vector<1x1x16xf32> to vector<16xf32>
      %get3A_2725 = arith.constant 4 : i32
      %get3A_2726 = arith.index_cast %get3A_2725 : i32 to index
      %get3A_2727 = arith.index_cast %and3A_2710 : i32 to index
      %get3A_2728 = arith.constant 0 : index
      %get3A_2729 = tpu.vector_load %arg16[%get3A_2726, %get3A_2727, %get3A_2728] {strides = array<i32>} : memref<16x8x64xf32, #tpu.memory_space<vmem>>, vector<1x1x16xf32>,
      %get3A_2730 = vector.shape_cast %get3A_2729 : vector<1x1x16xf32> to vector<16xf32>
      %sub3A_2731 = arith.subf %get3A_2730, %get3A_2724 : vector<16xf32>
      %mul3A_2732 = arith.mulf %get3A_2718, %sub3A_2731 : vector<16xf32>
      %add3A_2733 = arith.addf %broadcast_in_dim3A_2712, %mul3A_2732 : vector<16xf32>
      %get3A_2734 = arith.constant 4 : i32
      %get3A_2735 = arith.index_cast %get3A_2734 : i32 to index
      %get3A_2736 = arith.index_cast %and3A_2702 : i32 to index
      %get3A_2737 = arith.constant 16 : index
      %get3A_2738 = tpu.vector_load %arg14[%get3A_2735, %get3A_2736, %get3A_2737] {strides = array<i32>} : memref<16x8x64xf32, #tpu.memory_space<vmem>>, vector<1x1x16xf32>,
      %get3A_2739 = vector.shape_cast %get3A_2738 : vector<1x1x16xf32> to vector<16xf32>
      %get3A_2740 = arith.constant 4 : i32
      %get3A_2741 = arith.index_cast %get3A_2740 : i32 to index
      %get3A_2742 = arith.index_cast %and3A_2706 : i32 to index
      %get3A_2743 = arith.constant 16 : index
      %get3A_2744 = tpu.vector_load %arg15[%get3A_2741, %get3A_2742, %get3A_2743] {strides = array<i32>} : memref<16x8x64xf32, #tpu.memory_space<vmem>>, vector<1x1x16xf32>,
      %get3A_2745 = vector.shape_cast %get3A_2744 : vector<1x1x16xf32> to vector<16xf32>
      %get3A_2746 = arith.constant 4 : i32
      %get3A_2747 = arith.index_cast %get3A_2746 : i32 to index
      %get3A_2748 = arith.index_cast %and3A_2710 : i32 to index
      %get3A_2749 = arith.constant 16 : index
      %get3A_2750 = tpu.vector_load %arg16[%get3A_2747, %get3A_2748, %get3A_2749] {strides = array<i32>} : memref<16x8x64xf32, #tpu.memory_space<vmem>>, vector<1x1x16xf32>,
      %get3A_2751 = vector.shape_cast %get3A_2750 : vector<1x1x16xf32> to vector<16xf32>
      %sub3A_2752 = arith.subf %get3A_2751, %get3A_2745 : vector<16xf32>
      %mul3A_2753 = arith.mulf %get3A_2739, %sub3A_2752 : vector<16xf32>
      %add3A_2754 = arith.addf %add3A_2733, %mul3A_2753 : vector<16xf32>
      %get3A_2755 = arith.constant 4 : i32
      %get3A_2756 = arith.index_cast %get3A_2755 : i32 to index
      %get3A_2757 = arith.index_cast %and3A_2702 : i32 to index
      %get3A_2758 = arith.constant 32 : index
      %get3A_2759 = tpu.vector_load %arg14[%get3A_2756, %get3A_2757, %get3A_2758] {strides = array<i32>} : memref<16x8x64xf32, #tpu.memory_space<vmem>>, vector<1x1x16xf32>,
      %get3A_2760 = vector.shape_cast %get3A_2759 : vector<1x1x16xf32> to vector<16xf32>
      %get3A_2761 = arith.constant 4 : i32
      %get3A_2762 = arith.index_cast %get3A_2761 : i32 to index
      %get3A_2763 = arith.index_cast %and3A_2706 : i32 to index
      %get3A_2764 = arith.constant 32 : index
      %get3A_2765 = tpu.vector_load %arg15[%get3A_2762, %get3A_2763, %get3A_2764] {strides = array<i32>} : memref<16x8x64xf32, #tpu.memory_space<vmem>>, vector<1x1x16xf32>,
      %get3A_2766 = vector.shape_cast %get3A_2765 : vector<1x1x16xf32> to vector<16xf32>
      %get3A_2767 = arith.constant 4 : i32
      %get3A_2768 = arith.index_cast %get3A_2767 : i32 to index
      %get3A_2769 = arith.index_cast %and3A_2710 : i32 to index
      %get3A_2770 = arith.constant 32 : index
      %get3A_2771 = tpu.vector_load %arg16[%get3A_2768, %get3A_2769, %get3A_2770] {strides = array<i32>} : memref<16x8x64xf32, #tpu.memory_space<vmem>>, vector<1x1x16xf32>,
      %get3A_2772 = vector.shape_cast %get3A_2771 : vector<1x1x16xf32> to vector<16xf32>
      %sub3A_2773 = arith.subf %get3A_2772, %get3A_2766 : vector<16xf32>
      %mul3A_2774 = arith.mulf %get3A_2760, %sub3A_2773 : vector<16xf32>
      %add3A_2775 = arith.addf %add3A_2754, %mul3A_2774 : vector<16xf32>
      %get3A_2776 = arith.constant 4 : i32
      %get3A_2777 = arith.index_cast %get3A_2776 : i32 to index
      %get3A_2778 = arith.index_cast %and3A_2702 : i32 to index
      %get3A_2779 = arith.constant 48 : index
      %get3A_2780 = tpu.vector_load %arg14[%get3A_2777, %get3A_2778, %get3A_2779] {strides = array<i32>} : memref<16x8x64xf32, #tpu.memory_space<vmem>>, vector<1x1x16xf32>,
      %get3A_2781 = vector.shape_cast %get3A_2780 : vector<1x1x16xf32> to vector<16xf32>
      %get3A_2782 = arith.constant 4 : i32
      %get3A_2783 = arith.index_cast %get3A_2782 : i32 to index
      %get3A_2784 = arith.index_cast %and3A_2706 : i32 to index
      %get3A_2785 = arith.constant 48 : index
      %get3A_2786 = tpu.vector_load %arg15[%get3A_2783, %get3A_2784, %get3A_2785] {strides = array<i32>} : memref<16x8x64xf32, #tpu.memory_space<vmem>>, vector<1x1x16xf32>,
      %get3A_2787 = vector.shape_cast %get3A_2786 : vector<1x1x16xf32> to vector<16xf32>
      %get3A_2788 = arith.constant 4 : i32
      %get3A_2789 = arith.index_cast %get3A_2788 : i32 to index
      %get3A_2790 = arith.index_cast %and3A_2710 : i32 to index
      %get3A_2791 = arith.constant 48 : index
      %get3A_2792 = tpu.vector_load %arg16[%get3A_2789, %get3A_2790, %get3A_2791] {strides = array<i32>} : memref<16x8x64xf32, #tpu.memory_space<vmem>>, vector<1x1x16xf32>,
      %get3A_2793 = vector.shape_cast %get3A_2792 : vector<1x1x16xf32> to vector<16xf32>
      %sub3A_2794 = arith.subf %get3A_2793, %get3A_2787 : vector<16xf32>
      %mul3A_2795 = arith.mulf %get3A_2781, %sub3A_2794 : vector<16xf32>
      %add3A_2796 = arith.addf %add3A_2775, %mul3A_2795 : vector<16xf32>
      %swap3A_2797 = arith.constant 4 : i32
      %swap3A_2798 = arith.index_cast %swap3A_2797 : i32 to index
      %swap3A_2799 = arith.constant 0 : index
      %swap3A_2800 = tpu.vector_load %arg20[%swap3A_2798, %swap3A_2799] {strides = array<i32>} : memref<16x128xf32, #tpu.memory_space<vmem>>, vector<1x16xf32>,
      %swap3A_2801 = vector.shape_cast %swap3A_2800 : vector<1x16xf32> to vector<16xf32>
      %swap3A_2802 = vector.shape_cast %add3A_2796 : vector<16xf32> to vector<1x16xf32>
      tpu.vector_store %arg20[%swap3A_2798, %swap3A_2799], %swap3A_2802 {strides = array<i32>} : memref<16x128xf32, #tpu.memory_space<vmem>>, vector<1x16xf32>,
      %slice3A_2803 = vector.extract_strided_slice %get3A_544 {offsets = [5], sizes = [1], strides = [1]} : vector<16xi32> to vector<1xi32>
      %squeeze3A_2804 = vector.extract %slice3A_2803[0] : i32 from vector<1xi32>
      %and3A_2805 = arith.constant 7 : i32
      %and3A_2806 = arith.andi %squeeze3A_2804, %and3A_2805 : i32
      %slice3A_2807 = vector.extract_strided_slice %get3A_547 {offsets = [5], sizes = [1], strides = [1]} : vector<16xi32> to vector<1xi32>
      %squeeze3A_2808 = vector.extract %slice3A_2807[0] : i32 from vector<1xi32>
      %and3A_2809 = arith.constant 7 : i32
      %and3A_2810 = arith.andi %squeeze3A_2808, %and3A_2809 : i32
      %slice3A_2811 = vector.extract_strided_slice %get3A_550 {offsets = [5], sizes = [1], strides = [1]} : vector<16xi32> to vector<1xi32>
      %squeeze3A_2812 = vector.extract %slice3A_2811[0] : i32 from vector<1xi32>
      %and3A_2813 = arith.constant 7 : i32
      %and3A_2814 = arith.andi %squeeze3A_2812, %and3A_2813 : i32
      %broadcast_in_dim3A_2815 = arith.constant 0.000000e+00 : f32
      %broadcast_in_dim3A_2816 = vector.broadcast %broadcast_in_dim3A_2815 : f32 to vector<16xf32>
      %get3A_2817 = arith.constant 5 : i32
      %get3A_2818 = arith.index_cast %get3A_2817 : i32 to index
      %get3A_2819 = arith.index_cast %and3A_2806 : i32 to index
      %get3A_2820 = arith.constant 0 : index
      %get3A_2821 = tpu.vector_load %arg14[%get3A_2818, %get3A_2819, %get3A_2820] {strides = array<i32>} : memref<16x8x64xf32, #tpu.memory_space<vmem>>, vector<1x1x16xf32>,
      %get3A_2822 = vector.shape_cast %get3A_2821 : vector<1x1x16xf32> to vector<16xf32>
      %get3A_2823 = arith.constant 5 : i32
      %get3A_2824 = arith.index_cast %get3A_2823 : i32 to index
      %get3A_2825 = arith.index_cast %and3A_2810 : i32 to index
      %get3A_2826 = arith.constant 0 : index
      %get3A_2827 = tpu.vector_load %arg15[%get3A_2824, %get3A_2825, %get3A_2826] {strides = array<i32>} : memref<16x8x64xf32, #tpu.memory_space<vmem>>, vector<1x1x16xf32>,
      %get3A_2828 = vector.shape_cast %get3A_2827 : vector<1x1x16xf32> to vector<16xf32>
      %get3A_2829 = arith.constant 5 : i32
      %get3A_2830 = arith.index_cast %get3A_2829 : i32 to index
      %get3A_2831 = arith.index_cast %and3A_2814 : i32 to index
      %get3A_2832 = arith.constant 0 : index
      %get3A_2833 = tpu.vector_load %arg16[%get3A_2830, %get3A_2831, %get3A_2832] {strides = array<i32>} : memref<16x8x64xf32, #tpu.memory_space<vmem>>, vector<1x1x16xf32>,
      %get3A_2834 = vector.shape_cast %get3A_2833 : vector<1x1x16xf32> to vector<16xf32>
      %sub3A_2835 = arith.subf %get3A_2834, %get3A_2828 : vector<16xf32>
      %mul3A_2836 = arith.mulf %get3A_2822, %sub3A_2835 : vector<16xf32>
      %add3A_2837 = arith.addf %broadcast_in_dim3A_2816, %mul3A_2836 : vector<16xf32>
      %get3A_2838 = arith.constant 5 : i32
      %get3A_2839 = arith.index_cast %get3A_2838 : i32 to index
      %get3A_2840 = arith.index_cast %and3A_2806 : i32 to index
      %get3A_2841 = arith.constant 16 : index
      %get3A_2842 = tpu.vector_load %arg14[%get3A_2839, %get3A_2840, %get3A_2841] {strides = array<i32>} : memref<16x8x64xf32, #tpu.memory_space<vmem>>, vector<1x1x16xf32>,
      %get3A_2843 = vector.shape_cast %get3A_2842 : vector<1x1x16xf32> to vector<16xf32>
      %get3A_2844 = arith.constant 5 : i32
      %get3A_2845 = arith.index_cast %get3A_2844 : i32 to index
      %get3A_2846 = arith.index_cast %and3A_2810 : i32 to index
      %get3A_2847 = arith.constant 16 : index
      %get3A_2848 = tpu.vector_load %arg15[%get3A_2845, %get3A_2846, %get3A_2847] {strides = array<i32>} : memref<16x8x64xf32, #tpu.memory_space<vmem>>, vector<1x1x16xf32>,
      %get3A_2849 = vector.shape_cast %get3A_2848 : vector<1x1x16xf32> to vector<16xf32>
      %get3A_2850 = arith.constant 5 : i32
      %get3A_2851 = arith.index_cast %get3A_2850 : i32 to index
      %get3A_2852 = arith.index_cast %and3A_2814 : i32 to index
      %get3A_2853 = arith.constant 16 : index
      %get3A_2854 = tpu.vector_load %arg16[%get3A_2851, %get3A_2852, %get3A_2853] {strides = array<i32>} : memref<16x8x64xf32, #tpu.memory_space<vmem>>, vector<1x1x16xf32>,
      %get3A_2855 = vector.shape_cast %get3A_2854 : vector<1x1x16xf32> to vector<16xf32>
      %sub3A_2856 = arith.subf %get3A_2855, %get3A_2849 : vector<16xf32>
      %mul3A_2857 = arith.mulf %get3A_2843, %sub3A_2856 : vector<16xf32>
      %add3A_2858 = arith.addf %add3A_2837, %mul3A_2857 : vector<16xf32>
      %get3A_2859 = arith.constant 5 : i32
      %get3A_2860 = arith.index_cast %get3A_2859 : i32 to index
      %get3A_2861 = arith.index_cast %and3A_2806 : i32 to index
      %get3A_2862 = arith.constant 32 : index
      %get3A_2863 = tpu.vector_load %arg14[%get3A_2860, %get3A_2861, %get3A_2862] {strides = array<i32>} : memref<16x8x64xf32, #tpu.memory_space<vmem>>, vector<1x1x16xf32>,
      %get3A_2864 = vector.shape_cast %get3A_2863 : vector<1x1x16xf32> to vector<16xf32>
      %get3A_2865 = arith.constant 5 : i32
      %get3A_2866 = arith.index_cast %get3A_2865 : i32 to index
      %get3A_2867 = arith.index_cast %and3A_2810 : i32 to index
      %get3A_2868 = arith.constant 32 : index
      %get3A_2869 = tpu.vector_load %arg15[%get3A_2866, %get3A_2867, %get3A_2868] {strides = array<i32>} : memref<16x8x64xf32, #tpu.memory_space<vmem>>, vector<1x1x16xf32>,
      %get3A_2870 = vector.shape_cast %get3A_2869 : vector<1x1x16xf32> to vector<16xf32>
      %get3A_2871 = arith.constant 5 : i32
      %get3A_2872 = arith.index_cast %get3A_2871 : i32 to index
      %get3A_2873 = arith.index_cast %and3A_2814 : i32 to index
      %get3A_2874 = arith.constant 32 : index
      %get3A_2875 = tpu.vector_load %arg16[%get3A_2872, %get3A_2873, %get3A_2874] {strides = array<i32>} : memref<16x8x64xf32, #tpu.memory_space<vmem>>, vector<1x1x16xf32>,
      %get3A_2876 = vector.shape_cast %get3A_2875 : vector<1x1x16xf32> to vector<16xf32>
      %sub3A_2877 = arith.subf %get3A_2876, %get3A_2870 : vector<16xf32>
      %mul3A_2878 = arith.mulf %get3A_2864, %sub3A_2877 : vector<16xf32>
      %add3A_2879 = arith.addf %add3A_2858, %mul3A_2878 : vector<16xf32>
      %get3A_2880 = arith.constant 5 : i32
      %get3A_2881 = arith.index_cast %get3A_2880 : i32 to index
      %get3A_2882 = arith.index_cast %and3A_2806 : i32 to index
      %get3A_2883 = arith.constant 48 : index
      %get3A_2884 = tpu.vector_load %arg14[%get3A_2881, %get3A_2882, %get3A_2883] {strides = array<i32>} : memref<16x8x64xf32, #tpu.memory_space<vmem>>, vector<1x1x16xf32>,
      %get3A_2885 = vector.shape_cast %get3A_2884 : vector<1x1x16xf32> to vector<16xf32>
      %get3A_2886 = arith.constant 5 : i32
      %get3A_2887 = arith.index_cast %get3A_2886 : i32 to index
      %get3A_2888 = arith.index_cast %and3A_2810 : i32 to index
      %get3A_2889 = arith.constant 48 : index
      %get3A_2890 = tpu.vector_load %arg15[%get3A_2887, %get3A_2888, %get3A_2889] {strides = array<i32>} : memref<16x8x64xf32, #tpu.memory_space<vmem>>, vector<1x1x16xf32>,
      %get3A_2891 = vector.shape_cast %get3A_2890 : vector<1x1x16xf32> to vector<16xf32>
      %get3A_2892 = arith.constant 5 : i32
      %get3A_2893 = arith.index_cast %get3A_2892 : i32 to index
      %get3A_2894 = arith.index_cast %and3A_2814 : i32 to index
      %get3A_2895 = arith.constant 48 : index
      %get3A_2896 = tpu.vector_load %arg16[%get3A_2893, %get3A_2894, %get3A_2895] {strides = array<i32>} : memref<16x8x64xf32, #tpu.memory_space<vmem>>, vector<1x1x16xf32>,
      %get3A_2897 = vector.shape_cast %get3A_2896 : vector<1x1x16xf32> to vector<16xf32>
      %sub3A_2898 = arith.subf %get3A_2897, %get3A_2891 : vector<16xf32>
      %mul3A_2899 = arith.mulf %get3A_2885, %sub3A_2898 : vector<16xf32>
      %add3A_2900 = arith.addf %add3A_2879, %mul3A_2899 : vector<16xf32>
      %swap3A_2901 = arith.constant 5 : i32
      %swap3A_2902 = arith.index_cast %swap3A_2901 : i32 to index
      %swap3A_2903 = arith.constant 0 : index
      %swap3A_2904 = tpu.vector_load %arg20[%swap3A_2902, %swap3A_2903] {strides = array<i32>} : memref<16x128xf32, #tpu.memory_space<vmem>>, vector<1x16xf32>,
      %swap3A_2905 = vector.shape_cast %swap3A_2904 : vector<1x16xf32> to vector<16xf32>
      %swap3A_2906 = vector.shape_cast %add3A_2900 : vector<16xf32> to vector<1x16xf32>
      tpu.vector_store %arg20[%swap3A_2902, %swap3A_2903], %swap3A_2906 {strides = array<i32>} : memref<16x128xf32, #tpu.memory_space<vmem>>, vector<1x16xf32>,
      %slice3A_2907 = vector.extract_strided_slice %get3A_544 {offsets = [6], sizes = [1], strides = [1]} : vector<16xi32> to vector<1xi32>
      %squeeze3A_2908 = vector.extract %slice3A_2907[0] : i32 from vector<1xi32>
      %and3A_2909 = arith.constant 7 : i32
      %and3A_2910 = arith.andi %squeeze3A_2908, %and3A_2909 : i32
      %slice3A_2911 = vector.extract_strided_slice %get3A_547 {offsets = [6], sizes = [1], strides = [1]} : vector<16xi32> to vector<1xi32>
      %squeeze3A_2912 = vector.extract %slice3A_2911[0] : i32 from vector<1xi32>
      %and3A_2913 = arith.constant 7 : i32
      %and3A_2914 = arith.andi %squeeze3A_2912, %and3A_2913 : i32
      %slice3A_2915 = vector.extract_strided_slice %get3A_550 {offsets = [6], sizes = [1], strides = [1]} : vector<16xi32> to vector<1xi32>
      %squeeze3A_2916 = vector.extract %slice3A_2915[0] : i32 from vector<1xi32>
      %and3A_2917 = arith.constant 7 : i32
      %and3A_2918 = arith.andi %squeeze3A_2916, %and3A_2917 : i32
      %broadcast_in_dim3A_2919 = arith.constant 0.000000e+00 : f32
      %broadcast_in_dim3A_2920 = vector.broadcast %broadcast_in_dim3A_2919 : f32 to vector<16xf32>
      %get3A_2921 = arith.constant 6 : i32
      %get3A_2922 = arith.index_cast %get3A_2921 : i32 to index
      %get3A_2923 = arith.index_cast %and3A_2910 : i32 to index
      %get3A_2924 = arith.constant 0 : index
      %get3A_2925 = tpu.vector_load %arg14[%get3A_2922, %get3A_2923, %get3A_2924] {strides = array<i32>} : memref<16x8x64xf32, #tpu.memory_space<vmem>>, vector<1x1x16xf32>,
      %get3A_2926 = vector.shape_cast %get3A_2925 : vector<1x1x16xf32> to vector<16xf32>
      %get3A_2927 = arith.constant 6 : i32
      %get3A_2928 = arith.index_cast %get3A_2927 : i32 to index
      %get3A_2929 = arith.index_cast %and3A_2914 : i32 to index
      %get3A_2930 = arith.constant 0 : index
      %get3A_2931 = tpu.vector_load %arg15[%get3A_2928, %get3A_2929, %get3A_2930] {strides = array<i32>} : memref<16x8x64xf32, #tpu.memory_space<vmem>>, vector<1x1x16xf32>,
      %get3A_2932 = vector.shape_cast %get3A_2931 : vector<1x1x16xf32> to vector<16xf32>
      %get3A_2933 = arith.constant 6 : i32
      %get3A_2934 = arith.index_cast %get3A_2933 : i32 to index
      %get3A_2935 = arith.index_cast %and3A_2918 : i32 to index
      %get3A_2936 = arith.constant 0 : index
      %get3A_2937 = tpu.vector_load %arg16[%get3A_2934, %get3A_2935, %get3A_2936] {strides = array<i32>} : memref<16x8x64xf32, #tpu.memory_space<vmem>>, vector<1x1x16xf32>,
      %get3A_2938 = vector.shape_cast %get3A_2937 : vector<1x1x16xf32> to vector<16xf32>
      %sub3A_2939 = arith.subf %get3A_2938, %get3A_2932 : vector<16xf32>
      %mul3A_2940 = arith.mulf %get3A_2926, %sub3A_2939 : vector<16xf32>
      %add3A_2941 = arith.addf %broadcast_in_dim3A_2920, %mul3A_2940 : vector<16xf32>
      %get3A_2942 = arith.constant 6 : i32
      %get3A_2943 = arith.index_cast %get3A_2942 : i32 to index
      %get3A_2944 = arith.index_cast %and3A_2910 : i32 to index
      %get3A_2945 = arith.constant 16 : index
      %get3A_2946 = tpu.vector_load %arg14[%get3A_2943, %get3A_2944, %get3A_2945] {strides = array<i32>} : memref<16x8x64xf32, #tpu.memory_space<vmem>>, vector<1x1x16xf32>,
      %get3A_2947 = vector.shape_cast %get3A_2946 : vector<1x1x16xf32> to vector<16xf32>
      %get3A_2948 = arith.constant 6 : i32
      %get3A_2949 = arith.index_cast %get3A_2948 : i32 to index
      %get3A_2950 = arith.index_cast %and3A_2914 : i32 to index
      %get3A_2951 = arith.constant 16 : index
      %get3A_2952 = tpu.vector_load %arg15[%get3A_2949, %get3A_2950, %get3A_2951] {strides = array<i32>} : memref<16x8x64xf32, #tpu.memory_space<vmem>>, vector<1x1x16xf32>,
      %get3A_2953 = vector.shape_cast %get3A_2952 : vector<1x1x16xf32> to vector<16xf32>
      %get3A_2954 = arith.constant 6 : i32
      %get3A_2955 = arith.index_cast %get3A_2954 : i32 to index
      %get3A_2956 = arith.index_cast %and3A_2918 : i32 to index
      %get3A_2957 = arith.constant 16 : index
      %get3A_2958 = tpu.vector_load %arg16[%get3A_2955, %get3A_2956, %get3A_2957] {strides = array<i32>} : memref<16x8x64xf32, #tpu.memory_space<vmem>>, vector<1x1x16xf32>,
      %get3A_2959 = vector.shape_cast %get3A_2958 : vector<1x1x16xf32> to vector<16xf32>
      %sub3A_2960 = arith.subf %get3A_2959, %get3A_2953 : vector<16xf32>
      %mul3A_2961 = arith.mulf %get3A_2947, %sub3A_2960 : vector<16xf32>
      %add3A_2962 = arith.addf %add3A_2941, %mul3A_2961 : vector<16xf32>
      %get3A_2963 = arith.constant 6 : i32
      %get3A_2964 = arith.index_cast %get3A_2963 : i32 to index
      %get3A_2965 = arith.index_cast %and3A_2910 : i32 to index
      %get3A_2966 = arith.constant 32 : index
      %get3A_2967 = tpu.vector_load %arg14[%get3A_2964, %get3A_2965, %get3A_2966] {strides = array<i32>} : memref<16x8x64xf32, #tpu.memory_space<vmem>>, vector<1x1x16xf32>,
      %get3A_2968 = vector.shape_cast %get3A_2967 : vector<1x1x16xf32> to vector<16xf32>
      %get3A_2969 = arith.constant 6 : i32
      %get3A_2970 = arith.index_cast %get3A_2969 : i32 to index
      %get3A_2971 = arith.index_cast %and3A_2914 : i32 to index
      %get3A_2972 = arith.constant 32 : index
      %get3A_2973 = tpu.vector_load %arg15[%get3A_2970, %get3A_2971, %get3A_2972] {strides = array<i32>} : memref<16x8x64xf32, #tpu.memory_space<vmem>>, vector<1x1x16xf32>,
      %get3A_2974 = vector.shape_cast %get3A_2973 : vector<1x1x16xf32> to vector<16xf32>
      %get3A_2975 = arith.constant 6 : i32
      %get3A_2976 = arith.index_cast %get3A_2975 : i32 to index
      %get3A_2977 = arith.index_cast %and3A_2918 : i32 to index
      %get3A_2978 = arith.constant 32 : index
      %get3A_2979 = tpu.vector_load %arg16[%get3A_2976, %get3A_2977, %get3A_2978] {strides = array<i32>} : memref<16x8x64xf32, #tpu.memory_space<vmem>>, vector<1x1x16xf32>,
      %get3A_2980 = vector.shape_cast %get3A_2979 : vector<1x1x16xf32> to vector<16xf32>
      %sub3A_2981 = arith.subf %get3A_2980, %get3A_2974 : vector<16xf32>
      %mul3A_2982 = arith.mulf %get3A_2968, %sub3A_2981 : vector<16xf32>
      %add3A_2983 = arith.addf %add3A_2962, %mul3A_2982 : vector<16xf32>
      %get3A_2984 = arith.constant 6 : i32
      %get3A_2985 = arith.index_cast %get3A_2984 : i32 to index
      %get3A_2986 = arith.index_cast %and3A_2910 : i32 to index
      %get3A_2987 = arith.constant 48 : index
      %get3A_2988 = tpu.vector_load %arg14[%get3A_2985, %get3A_2986, %get3A_2987] {strides = array<i32>} : memref<16x8x64xf32, #tpu.memory_space<vmem>>, vector<1x1x16xf32>,
      %get3A_2989 = vector.shape_cast %get3A_2988 : vector<1x1x16xf32> to vector<16xf32>
      %get3A_2990 = arith.constant 6 : i32
      %get3A_2991 = arith.index_cast %get3A_2990 : i32 to index
      %get3A_2992 = arith.index_cast %and3A_2914 : i32 to index
      %get3A_2993 = arith.constant 48 : index
      %get3A_2994 = tpu.vector_load %arg15[%get3A_2991, %get3A_2992, %get3A_2993] {strides = array<i32>} : memref<16x8x64xf32, #tpu.memory_space<vmem>>, vector<1x1x16xf32>,
      %get3A_2995 = vector.shape_cast %get3A_2994 : vector<1x1x16xf32> to vector<16xf32>
      %get3A_2996 = arith.constant 6 : i32
      %get3A_2997 = arith.index_cast %get3A_2996 : i32 to index
      %get3A_2998 = arith.index_cast %and3A_2918 : i32 to index
      %get3A_2999 = arith.constant 48 : index
      %get3A_3000 = tpu.vector_load %arg16[%get3A_2997, %get3A_2998, %get3A_2999] {strides = array<i32>} : memref<16x8x64xf32, #tpu.memory_space<vmem>>, vector<1x1x16xf32>,
      %get3A_3001 = vector.shape_cast %get3A_3000 : vector<1x1x16xf32> to vector<16xf32>
      %sub3A_3002 = arith.subf %get3A_3001, %get3A_2995 : vector<16xf32>
      %mul3A_3003 = arith.mulf %get3A_2989, %sub3A_3002 : vector<16xf32>
      %add3A_3004 = arith.addf %add3A_2983, %mul3A_3003 : vector<16xf32>
      %swap3A_3005 = arith.constant 6 : i32
      %swap3A_3006 = arith.index_cast %swap3A_3005 : i32 to index
      %swap3A_3007 = arith.constant 0 : index
      %swap3A_3008 = tpu.vector_load %arg20[%swap3A_3006, %swap3A_3007] {strides = array<i32>} : memref<16x128xf32, #tpu.memory_space<vmem>>, vector<1x16xf32>,
      %swap3A_3009 = vector.shape_cast %swap3A_3008 : vector<1x16xf32> to vector<16xf32>
      %swap3A_3010 = vector.shape_cast %add3A_3004 : vector<16xf32> to vector<1x16xf32>
      tpu.vector_store %arg20[%swap3A_3006, %swap3A_3007], %swap3A_3010 {strides = array<i32>} : memref<16x128xf32, #tpu.memory_space<vmem>>, vector<1x16xf32>,
      %slice3A_3011 = vector.extract_strided_slice %get3A_544 {offsets = [7], sizes = [1], strides = [1]} : vector<16xi32> to vector<1xi32>
      %squeeze3A_3012 = vector.extract %slice3A_3011[0] : i32 from vector<1xi32>
      %and3A_3013 = arith.constant 7 : i32
      %and3A_3014 = arith.andi %squeeze3A_3012, %and3A_3013 : i32
      %slice3A_3015 = vector.extract_strided_slice %get3A_547 {offsets = [7], sizes = [1], strides = [1]} : vector<16xi32> to vector<1xi32>
      %squeeze3A_3016 = vector.extract %slice3A_3015[0] : i32 from vector<1xi32>
      %and3A_3017 = arith.constant 7 : i32
      %and3A_3018 = arith.andi %squeeze3A_3016, %and3A_3017 : i32
      %slice3A_3019 = vector.extract_strided_slice %get3A_550 {offsets = [7], sizes = [1], strides = [1]} : vector<16xi32> to vector<1xi32>
      %squeeze3A_3020 = vector.extract %slice3A_3019[0] : i32 from vector<1xi32>
      %and3A_3021 = arith.constant 7 : i32
      %and3A_3022 = arith.andi %squeeze3A_3020, %and3A_3021 : i32
      %broadcast_in_dim3A_3023 = arith.constant 0.000000e+00 : f32
      %broadcast_in_dim3A_3024 = vector.broadcast %broadcast_in_dim3A_3023 : f32 to vector<16xf32>
      %get3A_3025 = arith.constant 7 : i32
      %get3A_3026 = arith.index_cast %get3A_3025 : i32 to index
      %get3A_3027 = arith.index_cast %and3A_3014 : i32 to index
      %get3A_3028 = arith.constant 0 : index
      %get3A_3029 = tpu.vector_load %arg14[%get3A_3026, %get3A_3027, %get3A_3028] {strides = array<i32>} : memref<16x8x64xf32, #tpu.memory_space<vmem>>, vector<1x1x16xf32>,
      %get3A_3030 = vector.shape_cast %get3A_3029 : vector<1x1x16xf32> to vector<16xf32>
      %get3A_3031 = arith.constant 7 : i32
      %get3A_3032 = arith.index_cast %get3A_3031 : i32 to index
      %get3A_3033 = arith.index_cast %and3A_3018 : i32 to index
      %get3A_3034 = arith.constant 0 : index
      %get3A_3035 = tpu.vector_load %arg15[%get3A_3032, %get3A_3033, %get3A_3034] {strides = array<i32>} : memref<16x8x64xf32, #tpu.memory_space<vmem>>, vector<1x1x16xf32>,
      %get3A_3036 = vector.shape_cast %get3A_3035 : vector<1x1x16xf32> to vector<16xf32>
      %get3A_3037 = arith.constant 7 : i32
      %get3A_3038 = arith.index_cast %get3A_3037 : i32 to index
      %get3A_3039 = arith.index_cast %and3A_3022 : i32 to index
      %get3A_3040 = arith.constant 0 : index
      %get3A_3041 = tpu.vector_load %arg16[%get3A_3038, %get3A_3039, %get3A_3040] {strides = array<i32>} : memref<16x8x64xf32, #tpu.memory_space<vmem>>, vector<1x1x16xf32>,
      %get3A_3042 = vector.shape_cast %get3A_3041 : vector<1x1x16xf32> to vector<16xf32>
      %sub3A_3043 = arith.subf %get3A_3042, %get3A_3036 : vector<16xf32>
      %mul3A_3044 = arith.mulf %get3A_3030, %sub3A_3043 : vector<16xf32>
      %add3A_3045 = arith.addf %broadcast_in_dim3A_3024, %mul3A_3044 : vector<16xf32>
      %get3A_3046 = arith.constant 7 : i32
      %get3A_3047 = arith.index_cast %get3A_3046 : i32 to index
      %get3A_3048 = arith.index_cast %and3A_3014 : i32 to index
      %get3A_3049 = arith.constant 16 : index
      %get3A_3050 = tpu.vector_load %arg14[%get3A_3047, %get3A_3048, %get3A_3049] {strides = array<i32>} : memref<16x8x64xf32, #tpu.memory_space<vmem>>, vector<1x1x16xf32>,
      %get3A_3051 = vector.shape_cast %get3A_3050 : vector<1x1x16xf32> to vector<16xf32>
      %get3A_3052 = arith.constant 7 : i32
      %get3A_3053 = arith.index_cast %get3A_3052 : i32 to index
      %get3A_3054 = arith.index_cast %and3A_3018 : i32 to index
      %get3A_3055 = arith.constant 16 : index
      %get3A_3056 = tpu.vector_load %arg15[%get3A_3053, %get3A_3054, %get3A_3055] {strides = array<i32>} : memref<16x8x64xf32, #tpu.memory_space<vmem>>, vector<1x1x16xf32>,
      %get3A_3057 = vector.shape_cast %get3A_3056 : vector<1x1x16xf32> to vector<16xf32>
      %get3A_3058 = arith.constant 7 : i32
      %get3A_3059 = arith.index_cast %get3A_3058 : i32 to index
      %get3A_3060 = arith.index_cast %and3A_3022 : i32 to index
      %get3A_3061 = arith.constant 16 : index
      %get3A_3062 = tpu.vector_load %arg16[%get3A_3059, %get3A_3060, %get3A_3061] {strides = array<i32>} : memref<16x8x64xf32, #tpu.memory_space<vmem>>, vector<1x1x16xf32>,
      %get3A_3063 = vector.shape_cast %get3A_3062 : vector<1x1x16xf32> to vector<16xf32>
      %sub3A_3064 = arith.subf %get3A_3063, %get3A_3057 : vector<16xf32>
      %mul3A_3065 = arith.mulf %get3A_3051, %sub3A_3064 : vector<16xf32>
      %add3A_3066 = arith.addf %add3A_3045, %mul3A_3065 : vector<16xf32>
      %get3A_3067 = arith.constant 7 : i32
      %get3A_3068 = arith.index_cast %get3A_3067 : i32 to index
      %get3A_3069 = arith.index_cast %and3A_3014 : i32 to index
      %get3A_3070 = arith.constant 32 : index
      %get3A_3071 = tpu.vector_load %arg14[%get3A_3068, %get3A_3069, %get3A_3070] {strides = array<i32>} : memref<16x8x64xf32, #tpu.memory_space<vmem>>, vector<1x1x16xf32>,
      %get3A_3072 = vector.shape_cast %get3A_3071 : vector<1x1x16xf32> to vector<16xf32>
      %get3A_3073 = arith.constant 7 : i32
      %get3A_3074 = arith.index_cast %get3A_3073 : i32 to index
      %get3A_3075 = arith.index_cast %and3A_3018 : i32 to index
      %get3A_3076 = arith.constant 32 : index
      %get3A_3077 = tpu.vector_load %arg15[%get3A_3074, %get3A_3075, %get3A_3076] {strides = array<i32>} : memref<16x8x64xf32, #tpu.memory_space<vmem>>, vector<1x1x16xf32>,
      %get3A_3078 = vector.shape_cast %get3A_3077 : vector<1x1x16xf32> to vector<16xf32>
      %get3A_3079 = arith.constant 7 : i32
      %get3A_3080 = arith.index_cast %get3A_3079 : i32 to index
      %get3A_3081 = arith.index_cast %and3A_3022 : i32 to index
      %get3A_3082 = arith.constant 32 : index
      %get3A_3083 = tpu.vector_load %arg16[%get3A_3080, %get3A_3081, %get3A_3082] {strides = array<i32>} : memref<16x8x64xf32, #tpu.memory_space<vmem>>, vector<1x1x16xf32>,
      %get3A_3084 = vector.shape_cast %get3A_3083 : vector<1x1x16xf32> to vector<16xf32>
      %sub3A_3085 = arith.subf %get3A_3084, %get3A_3078 : vector<16xf32>
      %mul3A_3086 = arith.mulf %get3A_3072, %sub3A_3085 : vector<16xf32>
      %add3A_3087 = arith.addf %add3A_3066, %mul3A_3086 : vector<16xf32>
      %get3A_3088 = arith.constant 7 : i32
      %get3A_3089 = arith.index_cast %get3A_3088 : i32 to index
      %get3A_3090 = arith.index_cast %and3A_3014 : i32 to index
      %get3A_3091 = arith.constant 48 : index
      %get3A_3092 = tpu.vector_load %arg14[%get3A_3089, %get3A_3090, %get3A_3091] {strides = array<i32>} : memref<16x8x64xf32, #tpu.memory_space<vmem>>, vector<1x1x16xf32>,
      %get3A_3093 = vector.shape_cast %get3A_3092 : vector<1x1x16xf32> to vector<16xf32>
      %get3A_3094 = arith.constant 7 : i32
      %get3A_3095 = arith.index_cast %get3A_3094 : i32 to index
      %get3A_3096 = arith.index_cast %and3A_3018 : i32 to index
      %get3A_3097 = arith.constant 48 : index
      %get3A_3098 = tpu.vector_load %arg15[%get3A_3095, %get3A_3096, %get3A_3097] {strides = array<i32>} : memref<16x8x64xf32, #tpu.memory_space<vmem>>, vector<1x1x16xf32>,
      %get3A_3099 = vector.shape_cast %get3A_3098 : vector<1x1x16xf32> to vector<16xf32>
      %get3A_3100 = arith.constant 7 : i32
      %get3A_3101 = arith.index_cast %get3A_3100 : i32 to index
      %get3A_3102 = arith.index_cast %and3A_3022 : i32 to index
      %get3A_3103 = arith.constant 48 : index
      %get3A_3104 = tpu.vector_load %arg16[%get3A_3101, %get3A_3102, %get3A_3103] {strides = array<i32>} : memref<16x8x64xf32, #tpu.memory_space<vmem>>, vector<1x1x16xf32>,
      %get3A_3105 = vector.shape_cast %get3A_3104 : vector<1x1x16xf32> to vector<16xf32>
      %sub3A_3106 = arith.subf %get3A_3105, %get3A_3099 : vector<16xf32>
      %mul3A_3107 = arith.mulf %get3A_3093, %sub3A_3106 : vector<16xf32>
      %add3A_3108 = arith.addf %add3A_3087, %mul3A_3107 : vector<16xf32>
      %swap3A_3109 = arith.constant 7 : i32
      %swap3A_3110 = arith.index_cast %swap3A_3109 : i32 to index
      %swap3A_3111 = arith.constant 0 : index
      %swap3A_3112 = tpu.vector_load %arg20[%swap3A_3110, %swap3A_3111] {strides = array<i32>} : memref<16x128xf32, #tpu.memory_space<vmem>>, vector<1x16xf32>,
      %swap3A_3113 = vector.shape_cast %swap3A_3112 : vector<1x16xf32> to vector<16xf32>
      %swap3A_3114 = vector.shape_cast %add3A_3108 : vector<16xf32> to vector<1x16xf32>
      tpu.vector_store %arg20[%swap3A_3110, %swap3A_3111], %swap3A_3114 {strides = array<i32>} : memref<16x128xf32, #tpu.memory_space<vmem>>, vector<1x16xf32>,
      %slice3A_3115 = vector.extract_strided_slice %get3A_544 {offsets = [8], sizes = [1], strides = [1]} : vector<16xi32> to vector<1xi32>
      %squeeze3A_3116 = vector.extract %slice3A_3115[0] : i32 from vector<1xi32>
      %and3A_3117 = arith.constant 7 : i32
      %and3A_3118 = arith.andi %squeeze3A_3116, %and3A_3117 : i32
      %slice3A_3119 = vector.extract_strided_slice %get3A_547 {offsets = [8], sizes = [1], strides = [1]} : vector<16xi32> to vector<1xi32>
      %squeeze3A_3120 = vector.extract %slice3A_3119[0] : i32 from vector<1xi32>
      %and3A_3121 = arith.constant 7 : i32
      %and3A_3122 = arith.andi %squeeze3A_3120, %and3A_3121 : i32
      %slice3A_3123 = vector.extract_strided_slice %get3A_550 {offsets = [8], sizes = [1], strides = [1]} : vector<16xi32> to vector<1xi32>
      %squeeze3A_3124 = vector.extract %slice3A_3123[0] : i32 from vector<1xi32>
      %and3A_3125 = arith.constant 7 : i32
      %and3A_3126 = arith.andi %squeeze3A_3124, %and3A_3125 : i32
      %broadcast_in_dim3A_3127 = arith.constant 0.000000e+00 : f32
      %broadcast_in_dim3A_3128 = vector.broadcast %broadcast_in_dim3A_3127 : f32 to vector<16xf32>
      %get3A_3129 = arith.constant 8 : i32
      %get3A_3130 = arith.index_cast %get3A_3129 : i32 to index
      %get3A_3131 = arith.index_cast %and3A_3118 : i32 to index
      %get3A_3132 = arith.constant 0 : index
      %get3A_3133 = tpu.vector_load %arg14[%get3A_3130, %get3A_3131, %get3A_3132] {strides = array<i32>} : memref<16x8x64xf32, #tpu.memory_space<vmem>>, vector<1x1x16xf32>,
      %get3A_3134 = vector.shape_cast %get3A_3133 : vector<1x1x16xf32> to vector<16xf32>
      %get3A_3135 = arith.constant 8 : i32
      %get3A_3136 = arith.index_cast %get3A_3135 : i32 to index
      %get3A_3137 = arith.index_cast %and3A_3122 : i32 to index
      %get3A_3138 = arith.constant 0 : index
      %get3A_3139 = tpu.vector_load %arg15[%get3A_3136, %get3A_3137, %get3A_3138] {strides = array<i32>} : memref<16x8x64xf32, #tpu.memory_space<vmem>>, vector<1x1x16xf32>,
      %get3A_3140 = vector.shape_cast %get3A_3139 : vector<1x1x16xf32> to vector<16xf32>
      %get3A_3141 = arith.constant 8 : i32
      %get3A_3142 = arith.index_cast %get3A_3141 : i32 to index
      %get3A_3143 = arith.index_cast %and3A_3126 : i32 to index
      %get3A_3144 = arith.constant 0 : index
      %get3A_3145 = tpu.vector_load %arg16[%get3A_3142, %get3A_3143, %get3A_3144] {strides = array<i32>} : memref<16x8x64xf32, #tpu.memory_space<vmem>>, vector<1x1x16xf32>,
      %get3A_3146 = vector.shape_cast %get3A_3145 : vector<1x1x16xf32> to vector<16xf32>
      %sub3A_3147 = arith.subf %get3A_3146, %get3A_3140 : vector<16xf32>
      %mul3A_3148 = arith.mulf %get3A_3134, %sub3A_3147 : vector<16xf32>
      %add3A_3149 = arith.addf %broadcast_in_dim3A_3128, %mul3A_3148 : vector<16xf32>
      %get3A_3150 = arith.constant 8 : i32
      %get3A_3151 = arith.index_cast %get3A_3150 : i32 to index
      %get3A_3152 = arith.index_cast %and3A_3118 : i32 to index
      %get3A_3153 = arith.constant 16 : index
      %get3A_3154 = tpu.vector_load %arg14[%get3A_3151, %get3A_3152, %get3A_3153] {strides = array<i32>} : memref<16x8x64xf32, #tpu.memory_space<vmem>>, vector<1x1x16xf32>,
      %get3A_3155 = vector.shape_cast %get3A_3154 : vector<1x1x16xf32> to vector<16xf32>
      %get3A_3156 = arith.constant 8 : i32
      %get3A_3157 = arith.index_cast %get3A_3156 : i32 to index
      %get3A_3158 = arith.index_cast %and3A_3122 : i32 to index
      %get3A_3159 = arith.constant 16 : index
      %get3A_3160 = tpu.vector_load %arg15[%get3A_3157, %get3A_3158, %get3A_3159] {strides = array<i32>} : memref<16x8x64xf32, #tpu.memory_space<vmem>>, vector<1x1x16xf32>,
      %get3A_3161 = vector.shape_cast %get3A_3160 : vector<1x1x16xf32> to vector<16xf32>
      %get3A_3162 = arith.constant 8 : i32
      %get3A_3163 = arith.index_cast %get3A_3162 : i32 to index
      %get3A_3164 = arith.index_cast %and3A_3126 : i32 to index
      %get3A_3165 = arith.constant 16 : index
      %get3A_3166 = tpu.vector_load %arg16[%get3A_3163, %get3A_3164, %get3A_3165] {strides = array<i32>} : memref<16x8x64xf32, #tpu.memory_space<vmem>>, vector<1x1x16xf32>,
      %get3A_3167 = vector.shape_cast %get3A_3166 : vector<1x1x16xf32> to vector<16xf32>
      %sub3A_3168 = arith.subf %get3A_3167, %get3A_3161 : vector<16xf32>
      %mul3A_3169 = arith.mulf %get3A_3155, %sub3A_3168 : vector<16xf32>
      %add3A_3170 = arith.addf %add3A_3149, %mul3A_3169 : vector<16xf32>
      %get3A_3171 = arith.constant 8 : i32
      %get3A_3172 = arith.index_cast %get3A_3171 : i32 to index
      %get3A_3173 = arith.index_cast %and3A_3118 : i32 to index
      %get3A_3174 = arith.constant 32 : index
      %get3A_3175 = tpu.vector_load %arg14[%get3A_3172, %get3A_3173, %get3A_3174] {strides = array<i32>} : memref<16x8x64xf32, #tpu.memory_space<vmem>>, vector<1x1x16xf32>,
      %get3A_3176 = vector.shape_cast %get3A_3175 : vector<1x1x16xf32> to vector<16xf32>
      %get3A_3177 = arith.constant 8 : i32
      %get3A_3178 = arith.index_cast %get3A_3177 : i32 to index
      %get3A_3179 = arith.index_cast %and3A_3122 : i32 to index
      %get3A_3180 = arith.constant 32 : index
      %get3A_3181 = tpu.vector_load %arg15[%get3A_3178, %get3A_3179, %get3A_3180] {strides = array<i32>} : memref<16x8x64xf32, #tpu.memory_space<vmem>>, vector<1x1x16xf32>,
      %get3A_3182 = vector.shape_cast %get3A_3181 : vector<1x1x16xf32> to vector<16xf32>
      %get3A_3183 = arith.constant 8 : i32
      %get3A_3184 = arith.index_cast %get3A_3183 : i32 to index
      %get3A_3185 = arith.index_cast %and3A_3126 : i32 to index
      %get3A_3186 = arith.constant 32 : index
      %get3A_3187 = tpu.vector_load %arg16[%get3A_3184, %get3A_3185, %get3A_3186] {strides = array<i32>} : memref<16x8x64xf32, #tpu.memory_space<vmem>>, vector<1x1x16xf32>,
      %get3A_3188 = vector.shape_cast %get3A_3187 : vector<1x1x16xf32> to vector<16xf32>
      %sub3A_3189 = arith.subf %get3A_3188, %get3A_3182 : vector<16xf32>
      %mul3A_3190 = arith.mulf %get3A_3176, %sub3A_3189 : vector<16xf32>
      %add3A_3191 = arith.addf %add3A_3170, %mul3A_3190 : vector<16xf32>
      %get3A_3192 = arith.constant 8 : i32
      %get3A_3193 = arith.index_cast %get3A_3192 : i32 to index
      %get3A_3194 = arith.index_cast %and3A_3118 : i32 to index
      %get3A_3195 = arith.constant 48 : index
      %get3A_3196 = tpu.vector_load %arg14[%get3A_3193, %get3A_3194, %get3A_3195] {strides = array<i32>} : memref<16x8x64xf32, #tpu.memory_space<vmem>>, vector<1x1x16xf32>,
      %get3A_3197 = vector.shape_cast %get3A_3196 : vector<1x1x16xf32> to vector<16xf32>
      %get3A_3198 = arith.constant 8 : i32
      %get3A_3199 = arith.index_cast %get3A_3198 : i32 to index
      %get3A_3200 = arith.index_cast %and3A_3122 : i32 to index
      %get3A_3201 = arith.constant 48 : index
      %get3A_3202 = tpu.vector_load %arg15[%get3A_3199, %get3A_3200, %get3A_3201] {strides = array<i32>} : memref<16x8x64xf32, #tpu.memory_space<vmem>>, vector<1x1x16xf32>,
      %get3A_3203 = vector.shape_cast %get3A_3202 : vector<1x1x16xf32> to vector<16xf32>
      %get3A_3204 = arith.constant 8 : i32
      %get3A_3205 = arith.index_cast %get3A_3204 : i32 to index
      %get3A_3206 = arith.index_cast %and3A_3126 : i32 to index
      %get3A_3207 = arith.constant 48 : index
      %get3A_3208 = tpu.vector_load %arg16[%get3A_3205, %get3A_3206, %get3A_3207] {strides = array<i32>} : memref<16x8x64xf32, #tpu.memory_space<vmem>>, vector<1x1x16xf32>,
      %get3A_3209 = vector.shape_cast %get3A_3208 : vector<1x1x16xf32> to vector<16xf32>
      %sub3A_3210 = arith.subf %get3A_3209, %get3A_3203 : vector<16xf32>
      %mul3A_3211 = arith.mulf %get3A_3197, %sub3A_3210 : vector<16xf32>
      %add3A_3212 = arith.addf %add3A_3191, %mul3A_3211 : vector<16xf32>
      %swap3A_3213 = arith.constant 8 : i32
      %swap3A_3214 = arith.index_cast %swap3A_3213 : i32 to index
      %swap3A_3215 = arith.constant 0 : index
      %swap3A_3216 = tpu.vector_load %arg20[%swap3A_3214, %swap3A_3215] {strides = array<i32>} : memref<16x128xf32, #tpu.memory_space<vmem>>, vector<1x16xf32>,
      %swap3A_3217 = vector.shape_cast %swap3A_3216 : vector<1x16xf32> to vector<16xf32>
      %swap3A_3218 = vector.shape_cast %add3A_3212 : vector<16xf32> to vector<1x16xf32>
      tpu.vector_store %arg20[%swap3A_3214, %swap3A_3215], %swap3A_3218 {strides = array<i32>} : memref<16x128xf32, #tpu.memory_space<vmem>>, vector<1x16xf32>,
      %slice3A_3219 = vector.extract_strided_slice %get3A_544 {offsets = [9], sizes = [1], strides = [1]} : vector<16xi32> to vector<1xi32>
      %squeeze3A_3220 = vector.extract %slice3A_3219[0] : i32 from vector<1xi32>
      %and3A_3221 = arith.constant 7 : i32
      %and3A_3222 = arith.andi %squeeze3A_3220, %and3A_3221 : i32
      %slice3A_3223 = vector.extract_strided_slice %get3A_547 {offsets = [9], sizes = [1], strides = [1]} : vector<16xi32> to vector<1xi32>
      %squeeze3A_3224 = vector.extract %slice3A_3223[0] : i32 from vector<1xi32>
      %and3A_3225 = arith.constant 7 : i32
      %and3A_3226 = arith.andi %squeeze3A_3224, %and3A_3225 : i32
      %slice3A_3227 = vector.extract_strided_slice %get3A_550 {offsets = [9], sizes = [1], strides = [1]} : vector<16xi32> to vector<1xi32>
      %squeeze3A_3228 = vector.extract %slice3A_3227[0] : i32 from vector<1xi32>
      %and3A_3229 = arith.constant 7 : i32
      %and3A_3230 = arith.andi %squeeze3A_3228, %and3A_3229 : i32
      %broadcast_in_dim3A_3231 = arith.constant 0.000000e+00 : f32
      %broadcast_in_dim3A_3232 = vector.broadcast %broadcast_in_dim3A_3231 : f32 to vector<16xf32>
      %get3A_3233 = arith.constant 9 : i32
      %get3A_3234 = arith.index_cast %get3A_3233 : i32 to index
      %get3A_3235 = arith.index_cast %and3A_3222 : i32 to index
      %get3A_3236 = arith.constant 0 : index
      %get3A_3237 = tpu.vector_load %arg14[%get3A_3234, %get3A_3235, %get3A_3236] {strides = array<i32>} : memref<16x8x64xf32, #tpu.memory_space<vmem>>, vector<1x1x16xf32>,
      %get3A_3238 = vector.shape_cast %get3A_3237 : vector<1x1x16xf32> to vector<16xf32>
      %get3A_3239 = arith.constant 9 : i32
      %get3A_3240 = arith.index_cast %get3A_3239 : i32 to index
      %get3A_3241 = arith.index_cast %and3A_3226 : i32 to index
      %get3A_3242 = arith.constant 0 : index
      %get3A_3243 = tpu.vector_load %arg15[%get3A_3240, %get3A_3241, %get3A_3242] {strides = array<i32>} : memref<16x8x64xf32, #tpu.memory_space<vmem>>, vector<1x1x16xf32>,
      %get3A_3244 = vector.shape_cast %get3A_3243 : vector<1x1x16xf32> to vector<16xf32>
      %get3A_3245 = arith.constant 9 : i32
      %get3A_3246 = arith.index_cast %get3A_3245 : i32 to index
      %get3A_3247 = arith.index_cast %and3A_3230 : i32 to index
      %get3A_3248 = arith.constant 0 : index
      %get3A_3249 = tpu.vector_load %arg16[%get3A_3246, %get3A_3247, %get3A_3248] {strides = array<i32>} : memref<16x8x64xf32, #tpu.memory_space<vmem>>, vector<1x1x16xf32>,
      %get3A_3250 = vector.shape_cast %get3A_3249 : vector<1x1x16xf32> to vector<16xf32>
      %sub3A_3251 = arith.subf %get3A_3250, %get3A_3244 : vector<16xf32>
      %mul3A_3252 = arith.mulf %get3A_3238, %sub3A_3251 : vector<16xf32>
      %add3A_3253 = arith.addf %broadcast_in_dim3A_3232, %mul3A_3252 : vector<16xf32>
      %get3A_3254 = arith.constant 9 : i32
      %get3A_3255 = arith.index_cast %get3A_3254 : i32 to index
      %get3A_3256 = arith.index_cast %and3A_3222 : i32 to index
      %get3A_3257 = arith.constant 16 : index
      %get3A_3258 = tpu.vector_load %arg14[%get3A_3255, %get3A_3256, %get3A_3257] {strides = array<i32>} : memref<16x8x64xf32, #tpu.memory_space<vmem>>, vector<1x1x16xf32>,
      %get3A_3259 = vector.shape_cast %get3A_3258 : vector<1x1x16xf32> to vector<16xf32>
      %get3A_3260 = arith.constant 9 : i32
      %get3A_3261 = arith.index_cast %get3A_3260 : i32 to index
      %get3A_3262 = arith.index_cast %and3A_3226 : i32 to index
      %get3A_3263 = arith.constant 16 : index
      %get3A_3264 = tpu.vector_load %arg15[%get3A_3261, %get3A_3262, %get3A_3263] {strides = array<i32>} : memref<16x8x64xf32, #tpu.memory_space<vmem>>, vector<1x1x16xf32>,
      %get3A_3265 = vector.shape_cast %get3A_3264 : vector<1x1x16xf32> to vector<16xf32>
      %get3A_3266 = arith.constant 9 : i32
      %get3A_3267 = arith.index_cast %get3A_3266 : i32 to index
      %get3A_3268 = arith.index_cast %and3A_3230 : i32 to index
      %get3A_3269 = arith.constant 16 : index
      %get3A_3270 = tpu.vector_load %arg16[%get3A_3267, %get3A_3268, %get3A_3269] {strides = array<i32>} : memref<16x8x64xf32, #tpu.memory_space<vmem>>, vector<1x1x16xf32>,
      %get3A_3271 = vector.shape_cast %get3A_3270 : vector<1x1x16xf32> to vector<16xf32>
      %sub3A_3272 = arith.subf %get3A_3271, %get3A_3265 : vector<16xf32>
      %mul3A_3273 = arith.mulf %get3A_3259, %sub3A_3272 : vector<16xf32>
      %add3A_3274 = arith.addf %add3A_3253, %mul3A_3273 : vector<16xf32>
      %get3A_3275 = arith.constant 9 : i32
      %get3A_3276 = arith.index_cast %get3A_3275 : i32 to index
      %get3A_3277 = arith.index_cast %and3A_3222 : i32 to index
      %get3A_3278 = arith.constant 32 : index
      %get3A_3279 = tpu.vector_load %arg14[%get3A_3276, %get3A_3277, %get3A_3278] {strides = array<i32>} : memref<16x8x64xf32, #tpu.memory_space<vmem>>, vector<1x1x16xf32>,
      %get3A_3280 = vector.shape_cast %get3A_3279 : vector<1x1x16xf32> to vector<16xf32>
      %get3A_3281 = arith.constant 9 : i32
      %get3A_3282 = arith.index_cast %get3A_3281 : i32 to index
      %get3A_3283 = arith.index_cast %and3A_3226 : i32 to index
      %get3A_3284 = arith.constant 32 : index
      %get3A_3285 = tpu.vector_load %arg15[%get3A_3282, %get3A_3283, %get3A_3284] {strides = array<i32>} : memref<16x8x64xf32, #tpu.memory_space<vmem>>, vector<1x1x16xf32>,
      %get3A_3286 = vector.shape_cast %get3A_3285 : vector<1x1x16xf32> to vector<16xf32>
      %get3A_3287 = arith.constant 9 : i32
      %get3A_3288 = arith.index_cast %get3A_3287 : i32 to index
      %get3A_3289 = arith.index_cast %and3A_3230 : i32 to index
      %get3A_3290 = arith.constant 32 : index
      %get3A_3291 = tpu.vector_load %arg16[%get3A_3288, %get3A_3289, %get3A_3290] {strides = array<i32>} : memref<16x8x64xf32, #tpu.memory_space<vmem>>, vector<1x1x16xf32>,
      %get3A_3292 = vector.shape_cast %get3A_3291 : vector<1x1x16xf32> to vector<16xf32>
      %sub3A_3293 = arith.subf %get3A_3292, %get3A_3286 : vector<16xf32>
      %mul3A_3294 = arith.mulf %get3A_3280, %sub3A_3293 : vector<16xf32>
      %add3A_3295 = arith.addf %add3A_3274, %mul3A_3294 : vector<16xf32>
      %get3A_3296 = arith.constant 9 : i32
      %get3A_3297 = arith.index_cast %get3A_3296 : i32 to index
      %get3A_3298 = arith.index_cast %and3A_3222 : i32 to index
      %get3A_3299 = arith.constant 48 : index
      %get3A_3300 = tpu.vector_load %arg14[%get3A_3297, %get3A_3298, %get3A_3299] {strides = array<i32>} : memref<16x8x64xf32, #tpu.memory_space<vmem>>, vector<1x1x16xf32>,
      %get3A_3301 = vector.shape_cast %get3A_3300 : vector<1x1x16xf32> to vector<16xf32>
      %get3A_3302 = arith.constant 9 : i32
      %get3A_3303 = arith.index_cast %get3A_3302 : i32 to index
      %get3A_3304 = arith.index_cast %and3A_3226 : i32 to index
      %get3A_3305 = arith.constant 48 : index
      %get3A_3306 = tpu.vector_load %arg15[%get3A_3303, %get3A_3304, %get3A_3305] {strides = array<i32>} : memref<16x8x64xf32, #tpu.memory_space<vmem>>, vector<1x1x16xf32>,
      %get3A_3307 = vector.shape_cast %get3A_3306 : vector<1x1x16xf32> to vector<16xf32>
      %get3A_3308 = arith.constant 9 : i32
      %get3A_3309 = arith.index_cast %get3A_3308 : i32 to index
      %get3A_3310 = arith.index_cast %and3A_3230 : i32 to index
      %get3A_3311 = arith.constant 48 : index
      %get3A_3312 = tpu.vector_load %arg16[%get3A_3309, %get3A_3310, %get3A_3311] {strides = array<i32>} : memref<16x8x64xf32, #tpu.memory_space<vmem>>, vector<1x1x16xf32>,
      %get3A_3313 = vector.shape_cast %get3A_3312 : vector<1x1x16xf32> to vector<16xf32>
      %sub3A_3314 = arith.subf %get3A_3313, %get3A_3307 : vector<16xf32>
      %mul3A_3315 = arith.mulf %get3A_3301, %sub3A_3314 : vector<16xf32>
      %add3A_3316 = arith.addf %add3A_3295, %mul3A_3315 : vector<16xf32>
      %swap3A_3317 = arith.constant 9 : i32
      %swap3A_3318 = arith.index_cast %swap3A_3317 : i32 to index
      %swap3A_3319 = arith.constant 0 : index
      %swap3A_3320 = tpu.vector_load %arg20[%swap3A_3318, %swap3A_3319] {strides = array<i32>} : memref<16x128xf32, #tpu.memory_space<vmem>>, vector<1x16xf32>,
      %swap3A_3321 = vector.shape_cast %swap3A_3320 : vector<1x16xf32> to vector<16xf32>
      %swap3A_3322 = vector.shape_cast %add3A_3316 : vector<16xf32> to vector<1x16xf32>
      tpu.vector_store %arg20[%swap3A_3318, %swap3A_3319], %swap3A_3322 {strides = array<i32>} : memref<16x128xf32, #tpu.memory_space<vmem>>, vector<1x16xf32>,
      %slice3A_3323 = vector.extract_strided_slice %get3A_544 {offsets = [10], sizes = [1], strides = [1]} : vector<16xi32> to vector<1xi32>
      %squeeze3A_3324 = vector.extract %slice3A_3323[0] : i32 from vector<1xi32>
      %and3A_3325 = arith.constant 7 : i32
      %and3A_3326 = arith.andi %squeeze3A_3324, %and3A_3325 : i32
      %slice3A_3327 = vector.extract_strided_slice %get3A_547 {offsets = [10], sizes = [1], strides = [1]} : vector<16xi32> to vector<1xi32>
      %squeeze3A_3328 = vector.extract %slice3A_3327[0] : i32 from vector<1xi32>
      %and3A_3329 = arith.constant 7 : i32
      %and3A_3330 = arith.andi %squeeze3A_3328, %and3A_3329 : i32
      %slice3A_3331 = vector.extract_strided_slice %get3A_550 {offsets = [10], sizes = [1], strides = [1]} : vector<16xi32> to vector<1xi32>
      %squeeze3A_3332 = vector.extract %slice3A_3331[0] : i32 from vector<1xi32>
      %and3A_3333 = arith.constant 7 : i32
      %and3A_3334 = arith.andi %squeeze3A_3332, %and3A_3333 : i32
      %broadcast_in_dim3A_3335 = arith.constant 0.000000e+00 : f32
      %broadcast_in_dim3A_3336 = vector.broadcast %broadcast_in_dim3A_3335 : f32 to vector<16xf32>
      %get3A_3337 = arith.constant 10 : i32
      %get3A_3338 = arith.index_cast %get3A_3337 : i32 to index
      %get3A_3339 = arith.index_cast %and3A_3326 : i32 to index
      %get3A_3340 = arith.constant 0 : index
      %get3A_3341 = tpu.vector_load %arg14[%get3A_3338, %get3A_3339, %get3A_3340] {strides = array<i32>} : memref<16x8x64xf32, #tpu.memory_space<vmem>>, vector<1x1x16xf32>,
      %get3A_3342 = vector.shape_cast %get3A_3341 : vector<1x1x16xf32> to vector<16xf32>
      %get3A_3343 = arith.constant 10 : i32
      %get3A_3344 = arith.index_cast %get3A_3343 : i32 to index
      %get3A_3345 = arith.index_cast %and3A_3330 : i32 to index
      %get3A_3346 = arith.constant 0 : index
      %get3A_3347 = tpu.vector_load %arg15[%get3A_3344, %get3A_3345, %get3A_3346] {strides = array<i32>} : memref<16x8x64xf32, #tpu.memory_space<vmem>>, vector<1x1x16xf32>,
      %get3A_3348 = vector.shape_cast %get3A_3347 : vector<1x1x16xf32> to vector<16xf32>
      %get3A_3349 = arith.constant 10 : i32
      %get3A_3350 = arith.index_cast %get3A_3349 : i32 to index
      %get3A_3351 = arith.index_cast %and3A_3334 : i32 to index
      %get3A_3352 = arith.constant 0 : index
      %get3A_3353 = tpu.vector_load %arg16[%get3A_3350, %get3A_3351, %get3A_3352] {strides = array<i32>} : memref<16x8x64xf32, #tpu.memory_space<vmem>>, vector<1x1x16xf32>,
      %get3A_3354 = vector.shape_cast %get3A_3353 : vector<1x1x16xf32> to vector<16xf32>
      %sub3A_3355 = arith.subf %get3A_3354, %get3A_3348 : vector<16xf32>
      %mul3A_3356 = arith.mulf %get3A_3342, %sub3A_3355 : vector<16xf32>
      %add3A_3357 = arith.addf %broadcast_in_dim3A_3336, %mul3A_3356 : vector<16xf32>
      %get3A_3358 = arith.constant 10 : i32
      %get3A_3359 = arith.index_cast %get3A_3358 : i32 to index
      %get3A_3360 = arith.index_cast %and3A_3326 : i32 to index
      %get3A_3361 = arith.constant 16 : index
      %get3A_3362 = tpu.vector_load %arg14[%get3A_3359, %get3A_3360, %get3A_3361] {strides = array<i32>} : memref<16x8x64xf32, #tpu.memory_space<vmem>>, vector<1x1x16xf32>,
      %get3A_3363 = vector.shape_cast %get3A_3362 : vector<1x1x16xf32> to vector<16xf32>
      %get3A_3364 = arith.constant 10 : i32
      %get3A_3365 = arith.index_cast %get3A_3364 : i32 to index
      %get3A_3366 = arith.index_cast %and3A_3330 : i32 to index
      %get3A_3367 = arith.constant 16 : index
      %get3A_3368 = tpu.vector_load %arg15[%get3A_3365, %get3A_3366, %get3A_3367] {strides = array<i32>} : memref<16x8x64xf32, #tpu.memory_space<vmem>>, vector<1x1x16xf32>,
      %get3A_3369 = vector.shape_cast %get3A_3368 : vector<1x1x16xf32> to vector<16xf32>
      %get3A_3370 = arith.constant 10 : i32
      %get3A_3371 = arith.index_cast %get3A_3370 : i32 to index
      %get3A_3372 = arith.index_cast %and3A_3334 : i32 to index
      %get3A_3373 = arith.constant 16 : index
      %get3A_3374 = tpu.vector_load %arg16[%get3A_3371, %get3A_3372, %get3A_3373] {strides = array<i32>} : memref<16x8x64xf32, #tpu.memory_space<vmem>>, vector<1x1x16xf32>,
      %get3A_3375 = vector.shape_cast %get3A_3374 : vector<1x1x16xf32> to vector<16xf32>
      %sub3A_3376 = arith.subf %get3A_3375, %get3A_3369 : vector<16xf32>
      %mul3A_3377 = arith.mulf %get3A_3363, %sub3A_3376 : vector<16xf32>
      %add3A_3378 = arith.addf %add3A_3357, %mul3A_3377 : vector<16xf32>
      %get3A_3379 = arith.constant 10 : i32
      %get3A_3380 = arith.index_cast %get3A_3379 : i32 to index
      %get3A_3381 = arith.index_cast %and3A_3326 : i32 to index
      %get3A_3382 = arith.constant 32 : index
      %get3A_3383 = tpu.vector_load %arg14[%get3A_3380, %get3A_3381, %get3A_3382] {strides = array<i32>} : memref<16x8x64xf32, #tpu.memory_space<vmem>>, vector<1x1x16xf32>,
      %get3A_3384 = vector.shape_cast %get3A_3383 : vector<1x1x16xf32> to vector<16xf32>
      %get3A_3385 = arith.constant 10 : i32
      %get3A_3386 = arith.index_cast %get3A_3385 : i32 to index
      %get3A_3387 = arith.index_cast %and3A_3330 : i32 to index
      %get3A_3388 = arith.constant 32 : index
      %get3A_3389 = tpu.vector_load %arg15[%get3A_3386, %get3A_3387, %get3A_3388] {strides = array<i32>} : memref<16x8x64xf32, #tpu.memory_space<vmem>>, vector<1x1x16xf32>,
      %get3A_3390 = vector.shape_cast %get3A_3389 : vector<1x1x16xf32> to vector<16xf32>
      %get3A_3391 = arith.constant 10 : i32
      %get3A_3392 = arith.index_cast %get3A_3391 : i32 to index
      %get3A_3393 = arith.index_cast %and3A_3334 : i32 to index
      %get3A_3394 = arith.constant 32 : index
      %get3A_3395 = tpu.vector_load %arg16[%get3A_3392, %get3A_3393, %get3A_3394] {strides = array<i32>} : memref<16x8x64xf32, #tpu.memory_space<vmem>>, vector<1x1x16xf32>,
      %get3A_3396 = vector.shape_cast %get3A_3395 : vector<1x1x16xf32> to vector<16xf32>
      %sub3A_3397 = arith.subf %get3A_3396, %get3A_3390 : vector<16xf32>
      %mul3A_3398 = arith.mulf %get3A_3384, %sub3A_3397 : vector<16xf32>
      %add3A_3399 = arith.addf %add3A_3378, %mul3A_3398 : vector<16xf32>
      %get3A_3400 = arith.constant 10 : i32
      %get3A_3401 = arith.index_cast %get3A_3400 : i32 to index
      %get3A_3402 = arith.index_cast %and3A_3326 : i32 to index
      %get3A_3403 = arith.constant 48 : index
      %get3A_3404 = tpu.vector_load %arg14[%get3A_3401, %get3A_3402, %get3A_3403] {strides = array<i32>} : memref<16x8x64xf32, #tpu.memory_space<vmem>>, vector<1x1x16xf32>,
      %get3A_3405 = vector.shape_cast %get3A_3404 : vector<1x1x16xf32> to vector<16xf32>
      %get3A_3406 = arith.constant 10 : i32
      %get3A_3407 = arith.index_cast %get3A_3406 : i32 to index
      %get3A_3408 = arith.index_cast %and3A_3330 : i32 to index
      %get3A_3409 = arith.constant 48 : index
      %get3A_3410 = tpu.vector_load %arg15[%get3A_3407, %get3A_3408, %get3A_3409] {strides = array<i32>} : memref<16x8x64xf32, #tpu.memory_space<vmem>>, vector<1x1x16xf32>,
      %get3A_3411 = vector.shape_cast %get3A_3410 : vector<1x1x16xf32> to vector<16xf32>
      %get3A_3412 = arith.constant 10 : i32
      %get3A_3413 = arith.index_cast %get3A_3412 : i32 to index
      %get3A_3414 = arith.index_cast %and3A_3334 : i32 to index
      %get3A_3415 = arith.constant 48 : index
      %get3A_3416 = tpu.vector_load %arg16[%get3A_3413, %get3A_3414, %get3A_3415] {strides = array<i32>} : memref<16x8x64xf32, #tpu.memory_space<vmem>>, vector<1x1x16xf32>,
      %get3A_3417 = vector.shape_cast %get3A_3416 : vector<1x1x16xf32> to vector<16xf32>
      %sub3A_3418 = arith.subf %get3A_3417, %get3A_3411 : vector<16xf32>
      %mul3A_3419 = arith.mulf %get3A_3405, %sub3A_3418 : vector<16xf32>
      %add3A_3420 = arith.addf %add3A_3399, %mul3A_3419 : vector<16xf32>
      %swap3A_3421 = arith.constant 10 : i32
      %swap3A_3422 = arith.index_cast %swap3A_3421 : i32 to index
      %swap3A_3423 = arith.constant 0 : index
      %swap3A_3424 = tpu.vector_load %arg20[%swap3A_3422, %swap3A_3423] {strides = array<i32>} : memref<16x128xf32, #tpu.memory_space<vmem>>, vector<1x16xf32>,
      %swap3A_3425 = vector.shape_cast %swap3A_3424 : vector<1x16xf32> to vector<16xf32>
      %swap3A_3426 = vector.shape_cast %add3A_3420 : vector<16xf32> to vector<1x16xf32>
      tpu.vector_store %arg20[%swap3A_3422, %swap3A_3423], %swap3A_3426 {strides = array<i32>} : memref<16x128xf32, #tpu.memory_space<vmem>>, vector<1x16xf32>,
      %slice3A_3427 = vector.extract_strided_slice %get3A_544 {offsets = [11], sizes = [1], strides = [1]} : vector<16xi32> to vector<1xi32>
      %squeeze3A_3428 = vector.extract %slice3A_3427[0] : i32 from vector<1xi32>
      %and3A_3429 = arith.constant 7 : i32
      %and3A_3430 = arith.andi %squeeze3A_3428, %and3A_3429 : i32
      %slice3A_3431 = vector.extract_strided_slice %get3A_547 {offsets = [11], sizes = [1], strides = [1]} : vector<16xi32> to vector<1xi32>
      %squeeze3A_3432 = vector.extract %slice3A_3431[0] : i32 from vector<1xi32>
      %and3A_3433 = arith.constant 7 : i32
      %and3A_3434 = arith.andi %squeeze3A_3432, %and3A_3433 : i32
      %slice3A_3435 = vector.extract_strided_slice %get3A_550 {offsets = [11], sizes = [1], strides = [1]} : vector<16xi32> to vector<1xi32>
      %squeeze3A_3436 = vector.extract %slice3A_3435[0] : i32 from vector<1xi32>
      %and3A_3437 = arith.constant 7 : i32
      %and3A_3438 = arith.andi %squeeze3A_3436, %and3A_3437 : i32
      %broadcast_in_dim3A_3439 = arith.constant 0.000000e+00 : f32
      %broadcast_in_dim3A_3440 = vector.broadcast %broadcast_in_dim3A_3439 : f32 to vector<16xf32>
      %get3A_3441 = arith.constant 11 : i32
      %get3A_3442 = arith.index_cast %get3A_3441 : i32 to index
      %get3A_3443 = arith.index_cast %and3A_3430 : i32 to index
      %get3A_3444 = arith.constant 0 : index
      %get3A_3445 = tpu.vector_load %arg14[%get3A_3442, %get3A_3443, %get3A_3444] {strides = array<i32>} : memref<16x8x64xf32, #tpu.memory_space<vmem>>, vector<1x1x16xf32>,
      %get3A_3446 = vector.shape_cast %get3A_3445 : vector<1x1x16xf32> to vector<16xf32>
      %get3A_3447 = arith.constant 11 : i32
      %get3A_3448 = arith.index_cast %get3A_3447 : i32 to index
      %get3A_3449 = arith.index_cast %and3A_3434 : i32 to index
      %get3A_3450 = arith.constant 0 : index
      %get3A_3451 = tpu.vector_load %arg15[%get3A_3448, %get3A_3449, %get3A_3450] {strides = array<i32>} : memref<16x8x64xf32, #tpu.memory_space<vmem>>, vector<1x1x16xf32>,
      %get3A_3452 = vector.shape_cast %get3A_3451 : vector<1x1x16xf32> to vector<16xf32>
      %get3A_3453 = arith.constant 11 : i32
      %get3A_3454 = arith.index_cast %get3A_3453 : i32 to index
      %get3A_3455 = arith.index_cast %and3A_3438 : i32 to index
      %get3A_3456 = arith.constant 0 : index
      %get3A_3457 = tpu.vector_load %arg16[%get3A_3454, %get3A_3455, %get3A_3456] {strides = array<i32>} : memref<16x8x64xf32, #tpu.memory_space<vmem>>, vector<1x1x16xf32>,
      %get3A_3458 = vector.shape_cast %get3A_3457 : vector<1x1x16xf32> to vector<16xf32>
      %sub3A_3459 = arith.subf %get3A_3458, %get3A_3452 : vector<16xf32>
      %mul3A_3460 = arith.mulf %get3A_3446, %sub3A_3459 : vector<16xf32>
      %add3A_3461 = arith.addf %broadcast_in_dim3A_3440, %mul3A_3460 : vector<16xf32>
      %get3A_3462 = arith.constant 11 : i32
      %get3A_3463 = arith.index_cast %get3A_3462 : i32 to index
      %get3A_3464 = arith.index_cast %and3A_3430 : i32 to index
      %get3A_3465 = arith.constant 16 : index
      %get3A_3466 = tpu.vector_load %arg14[%get3A_3463, %get3A_3464, %get3A_3465] {strides = array<i32>} : memref<16x8x64xf32, #tpu.memory_space<vmem>>, vector<1x1x16xf32>,
      %get3A_3467 = vector.shape_cast %get3A_3466 : vector<1x1x16xf32> to vector<16xf32>
      %get3A_3468 = arith.constant 11 : i32
      %get3A_3469 = arith.index_cast %get3A_3468 : i32 to index
      %get3A_3470 = arith.index_cast %and3A_3434 : i32 to index
      %get3A_3471 = arith.constant 16 : index
      %get3A_3472 = tpu.vector_load %arg15[%get3A_3469, %get3A_3470, %get3A_3471] {strides = array<i32>} : memref<16x8x64xf32, #tpu.memory_space<vmem>>, vector<1x1x16xf32>,
      %get3A_3473 = vector.shape_cast %get3A_3472 : vector<1x1x16xf32> to vector<16xf32>
      %get3A_3474 = arith.constant 11 : i32
      %get3A_3475 = arith.index_cast %get3A_3474 : i32 to index
      %get3A_3476 = arith.index_cast %and3A_3438 : i32 to index
      %get3A_3477 = arith.constant 16 : index
      %get3A_3478 = tpu.vector_load %arg16[%get3A_3475, %get3A_3476, %get3A_3477] {strides = array<i32>} : memref<16x8x64xf32, #tpu.memory_space<vmem>>, vector<1x1x16xf32>,
      %get3A_3479 = vector.shape_cast %get3A_3478 : vector<1x1x16xf32> to vector<16xf32>
      %sub3A_3480 = arith.subf %get3A_3479, %get3A_3473 : vector<16xf32>
      %mul3A_3481 = arith.mulf %get3A_3467, %sub3A_3480 : vector<16xf32>
      %add3A_3482 = arith.addf %add3A_3461, %mul3A_3481 : vector<16xf32>
      %get3A_3483 = arith.constant 11 : i32
      %get3A_3484 = arith.index_cast %get3A_3483 : i32 to index
      %get3A_3485 = arith.index_cast %and3A_3430 : i32 to index
      %get3A_3486 = arith.constant 32 : index
      %get3A_3487 = tpu.vector_load %arg14[%get3A_3484, %get3A_3485, %get3A_3486] {strides = array<i32>} : memref<16x8x64xf32, #tpu.memory_space<vmem>>, vector<1x1x16xf32>,
      %get3A_3488 = vector.shape_cast %get3A_3487 : vector<1x1x16xf32> to vector<16xf32>
      %get3A_3489 = arith.constant 11 : i32
      %get3A_3490 = arith.index_cast %get3A_3489 : i32 to index
      %get3A_3491 = arith.index_cast %and3A_3434 : i32 to index
      %get3A_3492 = arith.constant 32 : index
      %get3A_3493 = tpu.vector_load %arg15[%get3A_3490, %get3A_3491, %get3A_3492] {strides = array<i32>} : memref<16x8x64xf32, #tpu.memory_space<vmem>>, vector<1x1x16xf32>,
      %get3A_3494 = vector.shape_cast %get3A_3493 : vector<1x1x16xf32> to vector<16xf32>
      %get3A_3495 = arith.constant 11 : i32
      %get3A_3496 = arith.index_cast %get3A_3495 : i32 to index
      %get3A_3497 = arith.index_cast %and3A_3438 : i32 to index
      %get3A_3498 = arith.constant 32 : index
      %get3A_3499 = tpu.vector_load %arg16[%get3A_3496, %get3A_3497, %get3A_3498] {strides = array<i32>} : memref<16x8x64xf32, #tpu.memory_space<vmem>>, vector<1x1x16xf32>,
      %get3A_3500 = vector.shape_cast %get3A_3499 : vector<1x1x16xf32> to vector<16xf32>
      %sub3A_3501 = arith.subf %get3A_3500, %get3A_3494 : vector<16xf32>
      %mul3A_3502 = arith.mulf %get3A_3488, %sub3A_3501 : vector<16xf32>
      %add3A_3503 = arith.addf %add3A_3482, %mul3A_3502 : vector<16xf32>
      %get3A_3504 = arith.constant 11 : i32
      %get3A_3505 = arith.index_cast %get3A_3504 : i32 to index
      %get3A_3506 = arith.index_cast %and3A_3430 : i32 to index
      %get3A_3507 = arith.constant 48 : index
      %get3A_3508 = tpu.vector_load %arg14[%get3A_3505, %get3A_3506, %get3A_3507] {strides = array<i32>} : memref<16x8x64xf32, #tpu.memory_space<vmem>>, vector<1x1x16xf32>,
      %get3A_3509 = vector.shape_cast %get3A_3508 : vector<1x1x16xf32> to vector<16xf32>
      %get3A_3510 = arith.constant 11 : i32
      %get3A_3511 = arith.index_cast %get3A_3510 : i32 to index
      %get3A_3512 = arith.index_cast %and3A_3434 : i32 to index
      %get3A_3513 = arith.constant 48 : index
      %get3A_3514 = tpu.vector_load %arg15[%get3A_3511, %get3A_3512, %get3A_3513] {strides = array<i32>} : memref<16x8x64xf32, #tpu.memory_space<vmem>>, vector<1x1x16xf32>,
      %get3A_3515 = vector.shape_cast %get3A_3514 : vector<1x1x16xf32> to vector<16xf32>
      %get3A_3516 = arith.constant 11 : i32
      %get3A_3517 = arith.index_cast %get3A_3516 : i32 to index
      %get3A_3518 = arith.index_cast %and3A_3438 : i32 to index
      %get3A_3519 = arith.constant 48 : index
      %get3A_3520 = tpu.vector_load %arg16[%get3A_3517, %get3A_3518, %get3A_3519] {strides = array<i32>} : memref<16x8x64xf32, #tpu.memory_space<vmem>>, vector<1x1x16xf32>,
      %get3A_3521 = vector.shape_cast %get3A_3520 : vector<1x1x16xf32> to vector<16xf32>
      %sub3A_3522 = arith.subf %get3A_3521, %get3A_3515 : vector<16xf32>
      %mul3A_3523 = arith.mulf %get3A_3509, %sub3A_3522 : vector<16xf32>
      %add3A_3524 = arith.addf %add3A_3503, %mul3A_3523 : vector<16xf32>
      %swap3A_3525 = arith.constant 11 : i32
      %swap3A_3526 = arith.index_cast %swap3A_3525 : i32 to index
      %swap3A_3527 = arith.constant 0 : index
      %swap3A_3528 = tpu.vector_load %arg20[%swap3A_3526, %swap3A_3527] {strides = array<i32>} : memref<16x128xf32, #tpu.memory_space<vmem>>, vector<1x16xf32>,
      %swap3A_3529 = vector.shape_cast %swap3A_3528 : vector<1x16xf32> to vector<16xf32>
      %swap3A_3530 = vector.shape_cast %add3A_3524 : vector<16xf32> to vector<1x16xf32>
      tpu.vector_store %arg20[%swap3A_3526, %swap3A_3527], %swap3A_3530 {strides = array<i32>} : memref<16x128xf32, #tpu.memory_space<vmem>>, vector<1x16xf32>,
      %slice3A_3531 = vector.extract_strided_slice %get3A_544 {offsets = [12], sizes = [1], strides = [1]} : vector<16xi32> to vector<1xi32>
      %squeeze3A_3532 = vector.extract %slice3A_3531[0] : i32 from vector<1xi32>
      %and3A_3533 = arith.constant 7 : i32
      %and3A_3534 = arith.andi %squeeze3A_3532, %and3A_3533 : i32
      %slice3A_3535 = vector.extract_strided_slice %get3A_547 {offsets = [12], sizes = [1], strides = [1]} : vector<16xi32> to vector<1xi32>
      %squeeze3A_3536 = vector.extract %slice3A_3535[0] : i32 from vector<1xi32>
      %and3A_3537 = arith.constant 7 : i32
      %and3A_3538 = arith.andi %squeeze3A_3536, %and3A_3537 : i32
      %slice3A_3539 = vector.extract_strided_slice %get3A_550 {offsets = [12], sizes = [1], strides = [1]} : vector<16xi32> to vector<1xi32>
      %squeeze3A_3540 = vector.extract %slice3A_3539[0] : i32 from vector<1xi32>
      %and3A_3541 = arith.constant 7 : i32
      %and3A_3542 = arith.andi %squeeze3A_3540, %and3A_3541 : i32
      %broadcast_in_dim3A_3543 = arith.constant 0.000000e+00 : f32
      %broadcast_in_dim3A_3544 = vector.broadcast %broadcast_in_dim3A_3543 : f32 to vector<16xf32>
      %get3A_3545 = arith.constant 12 : i32
      %get3A_3546 = arith.index_cast %get3A_3545 : i32 to index
      %get3A_3547 = arith.index_cast %and3A_3534 : i32 to index
      %get3A_3548 = arith.constant 0 : index
      %get3A_3549 = tpu.vector_load %arg14[%get3A_3546, %get3A_3547, %get3A_3548] {strides = array<i32>} : memref<16x8x64xf32, #tpu.memory_space<vmem>>, vector<1x1x16xf32>,
      %get3A_3550 = vector.shape_cast %get3A_3549 : vector<1x1x16xf32> to vector<16xf32>
      %get3A_3551 = arith.constant 12 : i32
      %get3A_3552 = arith.index_cast %get3A_3551 : i32 to index
      %get3A_3553 = arith.index_cast %and3A_3538 : i32 to index
      %get3A_3554 = arith.constant 0 : index
      %get3A_3555 = tpu.vector_load %arg15[%get3A_3552, %get3A_3553, %get3A_3554] {strides = array<i32>} : memref<16x8x64xf32, #tpu.memory_space<vmem>>, vector<1x1x16xf32>,
      %get3A_3556 = vector.shape_cast %get3A_3555 : vector<1x1x16xf32> to vector<16xf32>
      %get3A_3557 = arith.constant 12 : i32
      %get3A_3558 = arith.index_cast %get3A_3557 : i32 to index
      %get3A_3559 = arith.index_cast %and3A_3542 : i32 to index
      %get3A_3560 = arith.constant 0 : index
      %get3A_3561 = tpu.vector_load %arg16[%get3A_3558, %get3A_3559, %get3A_3560] {strides = array<i32>} : memref<16x8x64xf32, #tpu.memory_space<vmem>>, vector<1x1x16xf32>,
      %get3A_3562 = vector.shape_cast %get3A_3561 : vector<1x1x16xf32> to vector<16xf32>
      %sub3A_3563 = arith.subf %get3A_3562, %get3A_3556 : vector<16xf32>
      %mul3A_3564 = arith.mulf %get3A_3550, %sub3A_3563 : vector<16xf32>
      %add3A_3565 = arith.addf %broadcast_in_dim3A_3544, %mul3A_3564 : vector<16xf32>
      %get3A_3566 = arith.constant 12 : i32
      %get3A_3567 = arith.index_cast %get3A_3566 : i32 to index
      %get3A_3568 = arith.index_cast %and3A_3534 : i32 to index
      %get3A_3569 = arith.constant 16 : index
      %get3A_3570 = tpu.vector_load %arg14[%get3A_3567, %get3A_3568, %get3A_3569] {strides = array<i32>} : memref<16x8x64xf32, #tpu.memory_space<vmem>>, vector<1x1x16xf32>,
      %get3A_3571 = vector.shape_cast %get3A_3570 : vector<1x1x16xf32> to vector<16xf32>
      %get3A_3572 = arith.constant 12 : i32
      %get3A_3573 = arith.index_cast %get3A_3572 : i32 to index
      %get3A_3574 = arith.index_cast %and3A_3538 : i32 to index
      %get3A_3575 = arith.constant 16 : index
      %get3A_3576 = tpu.vector_load %arg15[%get3A_3573, %get3A_3574, %get3A_3575] {strides = array<i32>} : memref<16x8x64xf32, #tpu.memory_space<vmem>>, vector<1x1x16xf32>,
      %get3A_3577 = vector.shape_cast %get3A_3576 : vector<1x1x16xf32> to vector<16xf32>
      %get3A_3578 = arith.constant 12 : i32
      %get3A_3579 = arith.index_cast %get3A_3578 : i32 to index
      %get3A_3580 = arith.index_cast %and3A_3542 : i32 to index
      %get3A_3581 = arith.constant 16 : index
      %get3A_3582 = tpu.vector_load %arg16[%get3A_3579, %get3A_3580, %get3A_3581] {strides = array<i32>} : memref<16x8x64xf32, #tpu.memory_space<vmem>>, vector<1x1x16xf32>,
      %get3A_3583 = vector.shape_cast %get3A_3582 : vector<1x1x16xf32> to vector<16xf32>
      %sub3A_3584 = arith.subf %get3A_3583, %get3A_3577 : vector<16xf32>
      %mul3A_3585 = arith.mulf %get3A_3571, %sub3A_3584 : vector<16xf32>
      %add3A_3586 = arith.addf %add3A_3565, %mul3A_3585 : vector<16xf32>
      %get3A_3587 = arith.constant 12 : i32
      %get3A_3588 = arith.index_cast %get3A_3587 : i32 to index
      %get3A_3589 = arith.index_cast %and3A_3534 : i32 to index
      %get3A_3590 = arith.constant 32 : index
      %get3A_3591 = tpu.vector_load %arg14[%get3A_3588, %get3A_3589, %get3A_3590] {strides = array<i32>} : memref<16x8x64xf32, #tpu.memory_space<vmem>>, vector<1x1x16xf32>,
      %get3A_3592 = vector.shape_cast %get3A_3591 : vector<1x1x16xf32> to vector<16xf32>
      %get3A_3593 = arith.constant 12 : i32
      %get3A_3594 = arith.index_cast %get3A_3593 : i32 to index
      %get3A_3595 = arith.index_cast %and3A_3538 : i32 to index
      %get3A_3596 = arith.constant 32 : index
      %get3A_3597 = tpu.vector_load %arg15[%get3A_3594, %get3A_3595, %get3A_3596] {strides = array<i32>} : memref<16x8x64xf32, #tpu.memory_space<vmem>>, vector<1x1x16xf32>,
      %get3A_3598 = vector.shape_cast %get3A_3597 : vector<1x1x16xf32> to vector<16xf32>
      %get3A_3599 = arith.constant 12 : i32
      %get3A_3600 = arith.index_cast %get3A_3599 : i32 to index
      %get3A_3601 = arith.index_cast %and3A_3542 : i32 to index
      %get3A_3602 = arith.constant 32 : index
      %get3A_3603 = tpu.vector_load %arg16[%get3A_3600, %get3A_3601, %get3A_3602] {strides = array<i32>} : memref<16x8x64xf32, #tpu.memory_space<vmem>>, vector<1x1x16xf32>,
      %get3A_3604 = vector.shape_cast %get3A_3603 : vector<1x1x16xf32> to vector<16xf32>
      %sub3A_3605 = arith.subf %get3A_3604, %get3A_3598 : vector<16xf32>
      %mul3A_3606 = arith.mulf %get3A_3592, %sub3A_3605 : vector<16xf32>
      %add3A_3607 = arith.addf %add3A_3586, %mul3A_3606 : vector<16xf32>
      %get3A_3608 = arith.constant 12 : i32
      %get3A_3609 = arith.index_cast %get3A_3608 : i32 to index
      %get3A_3610 = arith.index_cast %and3A_3534 : i32 to index
      %get3A_3611 = arith.constant 48 : index
      %get3A_3612 = tpu.vector_load %arg14[%get3A_3609, %get3A_3610, %get3A_3611] {strides = array<i32>} : memref<16x8x64xf32, #tpu.memory_space<vmem>>, vector<1x1x16xf32>,
      %get3A_3613 = vector.shape_cast %get3A_3612 : vector<1x1x16xf32> to vector<16xf32>
      %get3A_3614 = arith.constant 12 : i32
      %get3A_3615 = arith.index_cast %get3A_3614 : i32 to index
      %get3A_3616 = arith.index_cast %and3A_3538 : i32 to index
      %get3A_3617 = arith.constant 48 : index
      %get3A_3618 = tpu.vector_load %arg15[%get3A_3615, %get3A_3616, %get3A_3617] {strides = array<i32>} : memref<16x8x64xf32, #tpu.memory_space<vmem>>, vector<1x1x16xf32>,
      %get3A_3619 = vector.shape_cast %get3A_3618 : vector<1x1x16xf32> to vector<16xf32>
      %get3A_3620 = arith.constant 12 : i32
      %get3A_3621 = arith.index_cast %get3A_3620 : i32 to index
      %get3A_3622 = arith.index_cast %and3A_3542 : i32 to index
      %get3A_3623 = arith.constant 48 : index
      %get3A_3624 = tpu.vector_load %arg16[%get3A_3621, %get3A_3622, %get3A_3623] {strides = array<i32>} : memref<16x8x64xf32, #tpu.memory_space<vmem>>, vector<1x1x16xf32>,
      %get3A_3625 = vector.shape_cast %get3A_3624 : vector<1x1x16xf32> to vector<16xf32>
      %sub3A_3626 = arith.subf %get3A_3625, %get3A_3619 : vector<16xf32>
      %mul3A_3627 = arith.mulf %get3A_3613, %sub3A_3626 : vector<16xf32>
      %add3A_3628 = arith.addf %add3A_3607, %mul3A_3627 : vector<16xf32>
      %swap3A_3629 = arith.constant 12 : i32
      %swap3A_3630 = arith.index_cast %swap3A_3629 : i32 to index
      %swap3A_3631 = arith.constant 0 : index
      %swap3A_3632 = tpu.vector_load %arg20[%swap3A_3630, %swap3A_3631] {strides = array<i32>} : memref<16x128xf32, #tpu.memory_space<vmem>>, vector<1x16xf32>,
      %swap3A_3633 = vector.shape_cast %swap3A_3632 : vector<1x16xf32> to vector<16xf32>
      %swap3A_3634 = vector.shape_cast %add3A_3628 : vector<16xf32> to vector<1x16xf32>
      tpu.vector_store %arg20[%swap3A_3630, %swap3A_3631], %swap3A_3634 {strides = array<i32>} : memref<16x128xf32, #tpu.memory_space<vmem>>, vector<1x16xf32>,
      %slice3A_3635 = vector.extract_strided_slice %get3A_544 {offsets = [13], sizes = [1], strides = [1]} : vector<16xi32> to vector<1xi32>
      %squeeze3A_3636 = vector.extract %slice3A_3635[0] : i32 from vector<1xi32>
      %and3A_3637 = arith.constant 7 : i32
      %and3A_3638 = arith.andi %squeeze3A_3636, %and3A_3637 : i32
      %slice3A_3639 = vector.extract_strided_slice %get3A_547 {offsets = [13], sizes = [1], strides = [1]} : vector<16xi32> to vector<1xi32>
      %squeeze3A_3640 = vector.extract %slice3A_3639[0] : i32 from vector<1xi32>
      %and3A_3641 = arith.constant 7 : i32
      %and3A_3642 = arith.andi %squeeze3A_3640, %and3A_3641 : i32
      %slice3A_3643 = vector.extract_strided_slice %get3A_550 {offsets = [13], sizes = [1], strides = [1]} : vector<16xi32> to vector<1xi32>
      %squeeze3A_3644 = vector.extract %slice3A_3643[0] : i32 from vector<1xi32>
      %and3A_3645 = arith.constant 7 : i32
      %and3A_3646 = arith.andi %squeeze3A_3644, %and3A_3645 : i32
      %broadcast_in_dim3A_3647 = arith.constant 0.000000e+00 : f32
      %broadcast_in_dim3A_3648 = vector.broadcast %broadcast_in_dim3A_3647 : f32 to vector<16xf32>
      %get3A_3649 = arith.constant 13 : i32
      %get3A_3650 = arith.index_cast %get3A_3649 : i32 to index
      %get3A_3651 = arith.index_cast %and3A_3638 : i32 to index
      %get3A_3652 = arith.constant 0 : index
      %get3A_3653 = tpu.vector_load %arg14[%get3A_3650, %get3A_3651, %get3A_3652] {strides = array<i32>} : memref<16x8x64xf32, #tpu.memory_space<vmem>>, vector<1x1x16xf32>,
      %get3A_3654 = vector.shape_cast %get3A_3653 : vector<1x1x16xf32> to vector<16xf32>
      %get3A_3655 = arith.constant 13 : i32
      %get3A_3656 = arith.index_cast %get3A_3655 : i32 to index
      %get3A_3657 = arith.index_cast %and3A_3642 : i32 to index
      %get3A_3658 = arith.constant 0 : index
      %get3A_3659 = tpu.vector_load %arg15[%get3A_3656, %get3A_3657, %get3A_3658] {strides = array<i32>} : memref<16x8x64xf32, #tpu.memory_space<vmem>>, vector<1x1x16xf32>,
      %get3A_3660 = vector.shape_cast %get3A_3659 : vector<1x1x16xf32> to vector<16xf32>
      %get3A_3661 = arith.constant 13 : i32
      %get3A_3662 = arith.index_cast %get3A_3661 : i32 to index
      %get3A_3663 = arith.index_cast %and3A_3646 : i32 to index
      %get3A_3664 = arith.constant 0 : index
      %get3A_3665 = tpu.vector_load %arg16[%get3A_3662, %get3A_3663, %get3A_3664] {strides = array<i32>} : memref<16x8x64xf32, #tpu.memory_space<vmem>>, vector<1x1x16xf32>,
      %get3A_3666 = vector.shape_cast %get3A_3665 : vector<1x1x16xf32> to vector<16xf32>
      %sub3A_3667 = arith.subf %get3A_3666, %get3A_3660 : vector<16xf32>
      %mul3A_3668 = arith.mulf %get3A_3654, %sub3A_3667 : vector<16xf32>
      %add3A_3669 = arith.addf %broadcast_in_dim3A_3648, %mul3A_3668 : vector<16xf32>
      %get3A_3670 = arith.constant 13 : i32
      %get3A_3671 = arith.index_cast %get3A_3670 : i32 to index
      %get3A_3672 = arith.index_cast %and3A_3638 : i32 to index
      %get3A_3673 = arith.constant 16 : index
      %get3A_3674 = tpu.vector_load %arg14[%get3A_3671, %get3A_3672, %get3A_3673] {strides = array<i32>} : memref<16x8x64xf32, #tpu.memory_space<vmem>>, vector<1x1x16xf32>,
      %get3A_3675 = vector.shape_cast %get3A_3674 : vector<1x1x16xf32> to vector<16xf32>
      %get3A_3676 = arith.constant 13 : i32
      %get3A_3677 = arith.index_cast %get3A_3676 : i32 to index
      %get3A_3678 = arith.index_cast %and3A_3642 : i32 to index
      %get3A_3679 = arith.constant 16 : index
      %get3A_3680 = tpu.vector_load %arg15[%get3A_3677, %get3A_3678, %get3A_3679] {strides = array<i32>} : memref<16x8x64xf32, #tpu.memory_space<vmem>>, vector<1x1x16xf32>,
      %get3A_3681 = vector.shape_cast %get3A_3680 : vector<1x1x16xf32> to vector<16xf32>
      %get3A_3682 = arith.constant 13 : i32
      %get3A_3683 = arith.index_cast %get3A_3682 : i32 to index
      %get3A_3684 = arith.index_cast %and3A_3646 : i32 to index
      %get3A_3685 = arith.constant 16 : index
      %get3A_3686 = tpu.vector_load %arg16[%get3A_3683, %get3A_3684, %get3A_3685] {strides = array<i32>} : memref<16x8x64xf32, #tpu.memory_space<vmem>>, vector<1x1x16xf32>,
      %get3A_3687 = vector.shape_cast %get3A_3686 : vector<1x1x16xf32> to vector<16xf32>
      %sub3A_3688 = arith.subf %get3A_3687, %get3A_3681 : vector<16xf32>
      %mul3A_3689 = arith.mulf %get3A_3675, %sub3A_3688 : vector<16xf32>
      %add3A_3690 = arith.addf %add3A_3669, %mul3A_3689 : vector<16xf32>
      %get3A_3691 = arith.constant 13 : i32
      %get3A_3692 = arith.index_cast %get3A_3691 : i32 to index
      %get3A_3693 = arith.index_cast %and3A_3638 : i32 to index
      %get3A_3694 = arith.constant 32 : index
      %get3A_3695 = tpu.vector_load %arg14[%get3A_3692, %get3A_3693, %get3A_3694] {strides = array<i32>} : memref<16x8x64xf32, #tpu.memory_space<vmem>>, vector<1x1x16xf32>,
      %get3A_3696 = vector.shape_cast %get3A_3695 : vector<1x1x16xf32> to vector<16xf32>
      %get3A_3697 = arith.constant 13 : i32
      %get3A_3698 = arith.index_cast %get3A_3697 : i32 to index
      %get3A_3699 = arith.index_cast %and3A_3642 : i32 to index
      %get3A_3700 = arith.constant 32 : index
      %get3A_3701 = tpu.vector_load %arg15[%get3A_3698, %get3A_3699, %get3A_3700] {strides = array<i32>} : memref<16x8x64xf32, #tpu.memory_space<vmem>>, vector<1x1x16xf32>,
      %get3A_3702 = vector.shape_cast %get3A_3701 : vector<1x1x16xf32> to vector<16xf32>
      %get3A_3703 = arith.constant 13 : i32
      %get3A_3704 = arith.index_cast %get3A_3703 : i32 to index
      %get3A_3705 = arith.index_cast %and3A_3646 : i32 to index
      %get3A_3706 = arith.constant 32 : index
      %get3A_3707 = tpu.vector_load %arg16[%get3A_3704, %get3A_3705, %get3A_3706] {strides = array<i32>} : memref<16x8x64xf32, #tpu.memory_space<vmem>>, vector<1x1x16xf32>,
      %get3A_3708 = vector.shape_cast %get3A_3707 : vector<1x1x16xf32> to vector<16xf32>
      %sub3A_3709 = arith.subf %get3A_3708, %get3A_3702 : vector<16xf32>
      %mul3A_3710 = arith.mulf %get3A_3696, %sub3A_3709 : vector<16xf32>
      %add3A_3711 = arith.addf %add3A_3690, %mul3A_3710 : vector<16xf32>
      %get3A_3712 = arith.constant 13 : i32
      %get3A_3713 = arith.index_cast %get3A_3712 : i32 to index
      %get3A_3714 = arith.index_cast %and3A_3638 : i32 to index
      %get3A_3715 = arith.constant 48 : index
      %get3A_3716 = tpu.vector_load %arg14[%get3A_3713, %get3A_3714, %get3A_3715] {strides = array<i32>} : memref<16x8x64xf32, #tpu.memory_space<vmem>>, vector<1x1x16xf32>,
      %get3A_3717 = vector.shape_cast %get3A_3716 : vector<1x1x16xf32> to vector<16xf32>
      %get3A_3718 = arith.constant 13 : i32
      %get3A_3719 = arith.index_cast %get3A_3718 : i32 to index
      %get3A_3720 = arith.index_cast %and3A_3642 : i32 to index
      %get3A_3721 = arith.constant 48 : index
      %get3A_3722 = tpu.vector_load %arg15[%get3A_3719, %get3A_3720, %get3A_3721] {strides = array<i32>} : memref<16x8x64xf32, #tpu.memory_space<vmem>>, vector<1x1x16xf32>,
      %get3A_3723 = vector.shape_cast %get3A_3722 : vector<1x1x16xf32> to vector<16xf32>
      %get3A_3724 = arith.constant 13 : i32
      %get3A_3725 = arith.index_cast %get3A_3724 : i32 to index
      %get3A_3726 = arith.index_cast %and3A_3646 : i32 to index
      %get3A_3727 = arith.constant 48 : index
      %get3A_3728 = tpu.vector_load %arg16[%get3A_3725, %get3A_3726, %get3A_3727] {strides = array<i32>} : memref<16x8x64xf32, #tpu.memory_space<vmem>>, vector<1x1x16xf32>,
      %get3A_3729 = vector.shape_cast %get3A_3728 : vector<1x1x16xf32> to vector<16xf32>
      %sub3A_3730 = arith.subf %get3A_3729, %get3A_3723 : vector<16xf32>
      %mul3A_3731 = arith.mulf %get3A_3717, %sub3A_3730 : vector<16xf32>
      %add3A_3732 = arith.addf %add3A_3711, %mul3A_3731 : vector<16xf32>
      %swap3A_3733 = arith.constant 13 : i32
      %swap3A_3734 = arith.index_cast %swap3A_3733 : i32 to index
      %swap3A_3735 = arith.constant 0 : index
      %swap3A_3736 = tpu.vector_load %arg20[%swap3A_3734, %swap3A_3735] {strides = array<i32>} : memref<16x128xf32, #tpu.memory_space<vmem>>, vector<1x16xf32>,
      %swap3A_3737 = vector.shape_cast %swap3A_3736 : vector<1x16xf32> to vector<16xf32>
      %swap3A_3738 = vector.shape_cast %add3A_3732 : vector<16xf32> to vector<1x16xf32>
      tpu.vector_store %arg20[%swap3A_3734, %swap3A_3735], %swap3A_3738 {strides = array<i32>} : memref<16x128xf32, #tpu.memory_space<vmem>>, vector<1x16xf32>,
      %slice3A_3739 = vector.extract_strided_slice %get3A_544 {offsets = [14], sizes = [1], strides = [1]} : vector<16xi32> to vector<1xi32>
      %squeeze3A_3740 = vector.extract %slice3A_3739[0] : i32 from vector<1xi32>
      %and3A_3741 = arith.constant 7 : i32
      %and3A_3742 = arith.andi %squeeze3A_3740, %and3A_3741 : i32
      %slice3A_3743 = vector.extract_strided_slice %get3A_547 {offsets = [14], sizes = [1], strides = [1]} : vector<16xi32> to vector<1xi32>
      %squeeze3A_3744 = vector.extract %slice3A_3743[0] : i32 from vector<1xi32>
      %and3A_3745 = arith.constant 7 : i32
      %and3A_3746 = arith.andi %squeeze3A_3744, %and3A_3745 : i32
      %slice3A_3747 = vector.extract_strided_slice %get3A_550 {offsets = [14], sizes = [1], strides = [1]} : vector<16xi32> to vector<1xi32>
      %squeeze3A_3748 = vector.extract %slice3A_3747[0] : i32 from vector<1xi32>
      %and3A_3749 = arith.constant 7 : i32
      %and3A_3750 = arith.andi %squeeze3A_3748, %and3A_3749 : i32
      %broadcast_in_dim3A_3751 = arith.constant 0.000000e+00 : f32
      %broadcast_in_dim3A_3752 = vector.broadcast %broadcast_in_dim3A_3751 : f32 to vector<16xf32>
      %get3A_3753 = arith.constant 14 : i32
      %get3A_3754 = arith.index_cast %get3A_3753 : i32 to index
      %get3A_3755 = arith.index_cast %and3A_3742 : i32 to index
      %get3A_3756 = arith.constant 0 : index
      %get3A_3757 = tpu.vector_load %arg14[%get3A_3754, %get3A_3755, %get3A_3756] {strides = array<i32>} : memref<16x8x64xf32, #tpu.memory_space<vmem>>, vector<1x1x16xf32>,
      %get3A_3758 = vector.shape_cast %get3A_3757 : vector<1x1x16xf32> to vector<16xf32>
      %get3A_3759 = arith.constant 14 : i32
      %get3A_3760 = arith.index_cast %get3A_3759 : i32 to index
      %get3A_3761 = arith.index_cast %and3A_3746 : i32 to index
      %get3A_3762 = arith.constant 0 : index
      %get3A_3763 = tpu.vector_load %arg15[%get3A_3760, %get3A_3761, %get3A_3762] {strides = array<i32>} : memref<16x8x64xf32, #tpu.memory_space<vmem>>, vector<1x1x16xf32>,
      %get3A_3764 = vector.shape_cast %get3A_3763 : vector<1x1x16xf32> to vector<16xf32>
      %get3A_3765 = arith.constant 14 : i32
      %get3A_3766 = arith.index_cast %get3A_3765 : i32 to index
      %get3A_3767 = arith.index_cast %and3A_3750 : i32 to index
      %get3A_3768 = arith.constant 0 : index
      %get3A_3769 = tpu.vector_load %arg16[%get3A_3766, %get3A_3767, %get3A_3768] {strides = array<i32>} : memref<16x8x64xf32, #tpu.memory_space<vmem>>, vector<1x1x16xf32>,
      %get3A_3770 = vector.shape_cast %get3A_3769 : vector<1x1x16xf32> to vector<16xf32>
      %sub3A_3771 = arith.subf %get3A_3770, %get3A_3764 : vector<16xf32>
      %mul3A_3772 = arith.mulf %get3A_3758, %sub3A_3771 : vector<16xf32>
      %add3A_3773 = arith.addf %broadcast_in_dim3A_3752, %mul3A_3772 : vector<16xf32>
      %get3A_3774 = arith.constant 14 : i32
      %get3A_3775 = arith.index_cast %get3A_3774 : i32 to index
      %get3A_3776 = arith.index_cast %and3A_3742 : i32 to index
      %get3A_3777 = arith.constant 16 : index
      %get3A_3778 = tpu.vector_load %arg14[%get3A_3775, %get3A_3776, %get3A_3777] {strides = array<i32>} : memref<16x8x64xf32, #tpu.memory_space<vmem>>, vector<1x1x16xf32>,
      %get3A_3779 = vector.shape_cast %get3A_3778 : vector<1x1x16xf32> to vector<16xf32>
      %get3A_3780 = arith.constant 14 : i32
      %get3A_3781 = arith.index_cast %get3A_3780 : i32 to index
      %get3A_3782 = arith.index_cast %and3A_3746 : i32 to index
      %get3A_3783 = arith.constant 16 : index
      %get3A_3784 = tpu.vector_load %arg15[%get3A_3781, %get3A_3782, %get3A_3783] {strides = array<i32>} : memref<16x8x64xf32, #tpu.memory_space<vmem>>, vector<1x1x16xf32>,
      %get3A_3785 = vector.shape_cast %get3A_3784 : vector<1x1x16xf32> to vector<16xf32>
      %get3A_3786 = arith.constant 14 : i32
      %get3A_3787 = arith.index_cast %get3A_3786 : i32 to index
      %get3A_3788 = arith.index_cast %and3A_3750 : i32 to index
      %get3A_3789 = arith.constant 16 : index
      %get3A_3790 = tpu.vector_load %arg16[%get3A_3787, %get3A_3788, %get3A_3789] {strides = array<i32>} : memref<16x8x64xf32, #tpu.memory_space<vmem>>, vector<1x1x16xf32>,
      %get3A_3791 = vector.shape_cast %get3A_3790 : vector<1x1x16xf32> to vector<16xf32>
      %sub3A_3792 = arith.subf %get3A_3791, %get3A_3785 : vector<16xf32>
      %mul3A_3793 = arith.mulf %get3A_3779, %sub3A_3792 : vector<16xf32>
      %add3A_3794 = arith.addf %add3A_3773, %mul3A_3793 : vector<16xf32>
      %get3A_3795 = arith.constant 14 : i32
      %get3A_3796 = arith.index_cast %get3A_3795 : i32 to index
      %get3A_3797 = arith.index_cast %and3A_3742 : i32 to index
      %get3A_3798 = arith.constant 32 : index
      %get3A_3799 = tpu.vector_load %arg14[%get3A_3796, %get3A_3797, %get3A_3798] {strides = array<i32>} : memref<16x8x64xf32, #tpu.memory_space<vmem>>, vector<1x1x16xf32>,
      %get3A_3800 = vector.shape_cast %get3A_3799 : vector<1x1x16xf32> to vector<16xf32>
      %get3A_3801 = arith.constant 14 : i32
      %get3A_3802 = arith.index_cast %get3A_3801 : i32 to index
      %get3A_3803 = arith.index_cast %and3A_3746 : i32 to index
      %get3A_3804 = arith.constant 32 : index
      %get3A_3805 = tpu.vector_load %arg15[%get3A_3802, %get3A_3803, %get3A_3804] {strides = array<i32>} : memref<16x8x64xf32, #tpu.memory_space<vmem>>, vector<1x1x16xf32>,
      %get3A_3806 = vector.shape_cast %get3A_3805 : vector<1x1x16xf32> to vector<16xf32>
      %get3A_3807 = arith.constant 14 : i32
      %get3A_3808 = arith.index_cast %get3A_3807 : i32 to index
      %get3A_3809 = arith.index_cast %and3A_3750 : i32 to index
      %get3A_3810 = arith.constant 32 : index
      %get3A_3811 = tpu.vector_load %arg16[%get3A_3808, %get3A_3809, %get3A_3810] {strides = array<i32>} : memref<16x8x64xf32, #tpu.memory_space<vmem>>, vector<1x1x16xf32>,
      %get3A_3812 = vector.shape_cast %get3A_3811 : vector<1x1x16xf32> to vector<16xf32>
      %sub3A_3813 = arith.subf %get3A_3812, %get3A_3806 : vector<16xf32>
      %mul3A_3814 = arith.mulf %get3A_3800, %sub3A_3813 : vector<16xf32>
      %add3A_3815 = arith.addf %add3A_3794, %mul3A_3814 : vector<16xf32>
      %get3A_3816 = arith.constant 14 : i32
      %get3A_3817 = arith.index_cast %get3A_3816 : i32 to index
      %get3A_3818 = arith.index_cast %and3A_3742 : i32 to index
      %get3A_3819 = arith.constant 48 : index
      %get3A_3820 = tpu.vector_load %arg14[%get3A_3817, %get3A_3818, %get3A_3819] {strides = array<i32>} : memref<16x8x64xf32, #tpu.memory_space<vmem>>, vector<1x1x16xf32>,
      %get3A_3821 = vector.shape_cast %get3A_3820 : vector<1x1x16xf32> to vector<16xf32>
      %get3A_3822 = arith.constant 14 : i32
      %get3A_3823 = arith.index_cast %get3A_3822 : i32 to index
      %get3A_3824 = arith.index_cast %and3A_3746 : i32 to index
      %get3A_3825 = arith.constant 48 : index
      %get3A_3826 = tpu.vector_load %arg15[%get3A_3823, %get3A_3824, %get3A_3825] {strides = array<i32>} : memref<16x8x64xf32, #tpu.memory_space<vmem>>, vector<1x1x16xf32>,
      %get3A_3827 = vector.shape_cast %get3A_3826 : vector<1x1x16xf32> to vector<16xf32>
      %get3A_3828 = arith.constant 14 : i32
      %get3A_3829 = arith.index_cast %get3A_3828 : i32 to index
      %get3A_3830 = arith.index_cast %and3A_3750 : i32 to index
      %get3A_3831 = arith.constant 48 : index
      %get3A_3832 = tpu.vector_load %arg16[%get3A_3829, %get3A_3830, %get3A_3831] {strides = array<i32>} : memref<16x8x64xf32, #tpu.memory_space<vmem>>, vector<1x1x16xf32>,
      %get3A_3833 = vector.shape_cast %get3A_3832 : vector<1x1x16xf32> to vector<16xf32>
      %sub3A_3834 = arith.subf %get3A_3833, %get3A_3827 : vector<16xf32>
      %mul3A_3835 = arith.mulf %get3A_3821, %sub3A_3834 : vector<16xf32>
      %add3A_3836 = arith.addf %add3A_3815, %mul3A_3835 : vector<16xf32>
      %swap3A_3837 = arith.constant 14 : i32
      %swap3A_3838 = arith.index_cast %swap3A_3837 : i32 to index
      %swap3A_3839 = arith.constant 0 : index
      %swap3A_3840 = tpu.vector_load %arg20[%swap3A_3838, %swap3A_3839] {strides = array<i32>} : memref<16x128xf32, #tpu.memory_space<vmem>>, vector<1x16xf32>,
      %swap3A_3841 = vector.shape_cast %swap3A_3840 : vector<1x16xf32> to vector<16xf32>
      %swap3A_3842 = vector.shape_cast %add3A_3836 : vector<16xf32> to vector<1x16xf32>
      tpu.vector_store %arg20[%swap3A_3838, %swap3A_3839], %swap3A_3842 {strides = array<i32>} : memref<16x128xf32, #tpu.memory_space<vmem>>, vector<1x16xf32>,
      %slice3A_3843 = vector.extract_strided_slice %get3A_544 {offsets = [15], sizes = [1], strides = [1]} : vector<16xi32> to vector<1xi32>
      %squeeze3A_3844 = vector.extract %slice3A_3843[0] : i32 from vector<1xi32>
      %and3A_3845 = arith.constant 7 : i32
      %and3A_3846 = arith.andi %squeeze3A_3844, %and3A_3845 : i32
      %slice3A_3847 = vector.extract_strided_slice %get3A_547 {offsets = [15], sizes = [1], strides = [1]} : vector<16xi32> to vector<1xi32>
      %squeeze3A_3848 = vector.extract %slice3A_3847[0] : i32 from vector<1xi32>
      %and3A_3849 = arith.constant 7 : i32
      %and3A_3850 = arith.andi %squeeze3A_3848, %and3A_3849 : i32
      %slice3A_3851 = vector.extract_strided_slice %get3A_550 {offsets = [15], sizes = [1], strides = [1]} : vector<16xi32> to vector<1xi32>
      %squeeze3A_3852 = vector.extract %slice3A_3851[0] : i32 from vector<1xi32>
      %and3A_3853 = arith.constant 7 : i32
      %and3A_3854 = arith.andi %squeeze3A_3852, %and3A_3853 : i32
      %broadcast_in_dim3A_3855 = arith.constant 0.000000e+00 : f32
      %broadcast_in_dim3A_3856 = vector.broadcast %broadcast_in_dim3A_3855 : f32 to vector<16xf32>
      %get3A_3857 = arith.constant 15 : i32
      %get3A_3858 = arith.index_cast %get3A_3857 : i32 to index
      %get3A_3859 = arith.index_cast %and3A_3846 : i32 to index
      %get3A_3860 = arith.constant 0 : index
      %get3A_3861 = tpu.vector_load %arg14[%get3A_3858, %get3A_3859, %get3A_3860] {strides = array<i32>} : memref<16x8x64xf32, #tpu.memory_space<vmem>>, vector<1x1x16xf32>,
      %get3A_3862 = vector.shape_cast %get3A_3861 : vector<1x1x16xf32> to vector<16xf32>
      %get3A_3863 = arith.constant 15 : i32
      %get3A_3864 = arith.index_cast %get3A_3863 : i32 to index
      %get3A_3865 = arith.index_cast %and3A_3850 : i32 to index
      %get3A_3866 = arith.constant 0 : index
      %get3A_3867 = tpu.vector_load %arg15[%get3A_3864, %get3A_3865, %get3A_3866] {strides = array<i32>} : memref<16x8x64xf32, #tpu.memory_space<vmem>>, vector<1x1x16xf32>,
      %get3A_3868 = vector.shape_cast %get3A_3867 : vector<1x1x16xf32> to vector<16xf32>
      %get3A_3869 = arith.constant 15 : i32
      %get3A_3870 = arith.index_cast %get3A_3869 : i32 to index
      %get3A_3871 = arith.index_cast %and3A_3854 : i32 to index
      %get3A_3872 = arith.constant 0 : index
      %get3A_3873 = tpu.vector_load %arg16[%get3A_3870, %get3A_3871, %get3A_3872] {strides = array<i32>} : memref<16x8x64xf32, #tpu.memory_space<vmem>>, vector<1x1x16xf32>,
      %get3A_3874 = vector.shape_cast %get3A_3873 : vector<1x1x16xf32> to vector<16xf32>
      %sub3A_3875 = arith.subf %get3A_3874, %get3A_3868 : vector<16xf32>
      %mul3A_3876 = arith.mulf %get3A_3862, %sub3A_3875 : vector<16xf32>
      %add3A_3877 = arith.addf %broadcast_in_dim3A_3856, %mul3A_3876 : vector<16xf32>
      %get3A_3878 = arith.constant 15 : i32
      %get3A_3879 = arith.index_cast %get3A_3878 : i32 to index
      %get3A_3880 = arith.index_cast %and3A_3846 : i32 to index
      %get3A_3881 = arith.constant 16 : index
      %get3A_3882 = tpu.vector_load %arg14[%get3A_3879, %get3A_3880, %get3A_3881] {strides = array<i32>} : memref<16x8x64xf32, #tpu.memory_space<vmem>>, vector<1x1x16xf32>,
      %get3A_3883 = vector.shape_cast %get3A_3882 : vector<1x1x16xf32> to vector<16xf32>
      %get3A_3884 = arith.constant 15 : i32
      %get3A_3885 = arith.index_cast %get3A_3884 : i32 to index
      %get3A_3886 = arith.index_cast %and3A_3850 : i32 to index
      %get3A_3887 = arith.constant 16 : index
      %get3A_3888 = tpu.vector_load %arg15[%get3A_3885, %get3A_3886, %get3A_3887] {strides = array<i32>} : memref<16x8x64xf32, #tpu.memory_space<vmem>>, vector<1x1x16xf32>,
      %get3A_3889 = vector.shape_cast %get3A_3888 : vector<1x1x16xf32> to vector<16xf32>
      %get3A_3890 = arith.constant 15 : i32
      %get3A_3891 = arith.index_cast %get3A_3890 : i32 to index
      %get3A_3892 = arith.index_cast %and3A_3854 : i32 to index
      %get3A_3893 = arith.constant 16 : index
      %get3A_3894 = tpu.vector_load %arg16[%get3A_3891, %get3A_3892, %get3A_3893] {strides = array<i32>} : memref<16x8x64xf32, #tpu.memory_space<vmem>>, vector<1x1x16xf32>,
      %get3A_3895 = vector.shape_cast %get3A_3894 : vector<1x1x16xf32> to vector<16xf32>
      %sub3A_3896 = arith.subf %get3A_3895, %get3A_3889 : vector<16xf32>
      %mul3A_3897 = arith.mulf %get3A_3883, %sub3A_3896 : vector<16xf32>
      %add3A_3898 = arith.addf %add3A_3877, %mul3A_3897 : vector<16xf32>
      %get3A_3899 = arith.constant 15 : i32
      %get3A_3900 = arith.index_cast %get3A_3899 : i32 to index
      %get3A_3901 = arith.index_cast %and3A_3846 : i32 to index
      %get3A_3902 = arith.constant 32 : index
      %get3A_3903 = tpu.vector_load %arg14[%get3A_3900, %get3A_3901, %get3A_3902] {strides = array<i32>} : memref<16x8x64xf32, #tpu.memory_space<vmem>>, vector<1x1x16xf32>,
      %get3A_3904 = vector.shape_cast %get3A_3903 : vector<1x1x16xf32> to vector<16xf32>
      %get3A_3905 = arith.constant 15 : i32
      %get3A_3906 = arith.index_cast %get3A_3905 : i32 to index
      %get3A_3907 = arith.index_cast %and3A_3850 : i32 to index
      %get3A_3908 = arith.constant 32 : index
      %get3A_3909 = tpu.vector_load %arg15[%get3A_3906, %get3A_3907, %get3A_3908] {strides = array<i32>} : memref<16x8x64xf32, #tpu.memory_space<vmem>>, vector<1x1x16xf32>,
      %get3A_3910 = vector.shape_cast %get3A_3909 : vector<1x1x16xf32> to vector<16xf32>
      %get3A_3911 = arith.constant 15 : i32
      %get3A_3912 = arith.index_cast %get3A_3911 : i32 to index
      %get3A_3913 = arith.index_cast %and3A_3854 : i32 to index
      %get3A_3914 = arith.constant 32 : index
      %get3A_3915 = tpu.vector_load %arg16[%get3A_3912, %get3A_3913, %get3A_3914] {strides = array<i32>} : memref<16x8x64xf32, #tpu.memory_space<vmem>>, vector<1x1x16xf32>,
      %get3A_3916 = vector.shape_cast %get3A_3915 : vector<1x1x16xf32> to vector<16xf32>
      %sub3A_3917 = arith.subf %get3A_3916, %get3A_3910 : vector<16xf32>
      %mul3A_3918 = arith.mulf %get3A_3904, %sub3A_3917 : vector<16xf32>
      %add3A_3919 = arith.addf %add3A_3898, %mul3A_3918 : vector<16xf32>
      %get3A_3920 = arith.constant 15 : i32
      %get3A_3921 = arith.index_cast %get3A_3920 : i32 to index
      %get3A_3922 = arith.index_cast %and3A_3846 : i32 to index
      %get3A_3923 = arith.constant 48 : index
      %get3A_3924 = tpu.vector_load %arg14[%get3A_3921, %get3A_3922, %get3A_3923] {strides = array<i32>} : memref<16x8x64xf32, #tpu.memory_space<vmem>>, vector<1x1x16xf32>,
      %get3A_3925 = vector.shape_cast %get3A_3924 : vector<1x1x16xf32> to vector<16xf32>
      %get3A_3926 = arith.constant 15 : i32
      %get3A_3927 = arith.index_cast %get3A_3926 : i32 to index
      %get3A_3928 = arith.index_cast %and3A_3850 : i32 to index
      %get3A_3929 = arith.constant 48 : index
      %get3A_3930 = tpu.vector_load %arg15[%get3A_3927, %get3A_3928, %get3A_3929] {strides = array<i32>} : memref<16x8x64xf32, #tpu.memory_space<vmem>>, vector<1x1x16xf32>,
      %get3A_3931 = vector.shape_cast %get3A_3930 : vector<1x1x16xf32> to vector<16xf32>
      %get3A_3932 = arith.constant 15 : i32
      %get3A_3933 = arith.index_cast %get3A_3932 : i32 to index
      %get3A_3934 = arith.index_cast %and3A_3854 : i32 to index
      %get3A_3935 = arith.constant 48 : index
      %get3A_3936 = tpu.vector_load %arg16[%get3A_3933, %get3A_3934, %get3A_3935] {strides = array<i32>} : memref<16x8x64xf32, #tpu.memory_space<vmem>>, vector<1x1x16xf32>,
      %get3A_3937 = vector.shape_cast %get3A_3936 : vector<1x1x16xf32> to vector<16xf32>
      %sub3A_3938 = arith.subf %get3A_3937, %get3A_3931 : vector<16xf32>
      %mul3A_3939 = arith.mulf %get3A_3925, %sub3A_3938 : vector<16xf32>
      %add3A_3940 = arith.addf %add3A_3919, %mul3A_3939 : vector<16xf32>
      %swap3A_3941 = arith.constant 15 : i32
      %swap3A_3942 = arith.index_cast %swap3A_3941 : i32 to index
      %swap3A_3943 = arith.constant 0 : index
      %swap3A_3944 = tpu.vector_load %arg20[%swap3A_3942, %swap3A_3943] {strides = array<i32>} : memref<16x128xf32, #tpu.memory_space<vmem>>, vector<1x16xf32>,
      %swap3A_3945 = vector.shape_cast %swap3A_3944 : vector<1x16xf32> to vector<16xf32>
      %swap3A_3946 = vector.shape_cast %add3A_3940 : vector<16xf32> to vector<1x16xf32>
      tpu.vector_store %arg20[%swap3A_3942, %swap3A_3943], %swap3A_3946 {strides = array<i32>} : memref<16x128xf32, #tpu.memory_space<vmem>>, vector<1x16xf32>,
      %mul3A_3947 = arith.constant 16 : i32
      %mul3A_3948 = arith.muli %scan3A_539, %mul3A_3947 : i32
      %add3A_3949 = arith.addi %mul3A_2, %mul3A_3948 : i32
      "tpu.region"() ({
        %run_scoped3A = tpu.sem_alloc : memref<!tpu.dma_semaphore, #tpu.memory_space<semaphore_mem>>
        %dma_start3A_3950 = arith.constant 0 : i32
        %dma_start3A_3951 = tpu.memref_slice %arg9[%add3A_3949, %dma_start3A_3950] : memref<16384x128xf32, #tpu.memory_space<hbm>> -> memref<16x128xf32, #tpu.memory_space<hbm>>
        %dma_start3A_3952 = arith.constant 0 : i32
        %dma_start3A_3953 = tpu.memref_slice %arg9[%add3A_3949, %dma_start3A_3952] : memref<16384x128xf32, #tpu.memory_space<hbm>> -> memref<16x128xf32, #tpu.memory_space<hbm>>
        tpu.enqueue_dma source(%arg20 : memref<16x128xf32, #tpu.memory_space<vmem>>) target(%dma_start3A_3953 : memref<16x128xf32, #tpu.memory_space<hbm>>) target_semaphore(%run_scoped3A : memref<!tpu.dma_semaphore, #tpu.memory_space<semaphore_mem>>)
        %dma_wait3A_3954 = arith.constant 0 : i32
        %dma_wait3A_3955 = tpu.memref_slice %arg9[%add3A_3949, %dma_wait3A_3954] : memref<16384x128xf32, #tpu.memory_space<hbm>> -> memref<16x128xf32, #tpu.memory_space<hbm>>
        %dma_wait3A_3956 = arith.constant 0 : i32
        %dma_wait3A_3957 = tpu.memref_slice %arg9[%add3A_3949, %dma_wait3A_3956] : memref<16384x128xf32, #tpu.memory_space<hbm>> -> memref<16x128xf32, #tpu.memory_space<hbm>>
        tpu.wait_dma2 semaphore(%run_scoped3A : memref<!tpu.dma_semaphore, #tpu.memory_space<semaphore_mem>>) src(%arg20 : memref<16x128xf32, #tpu.memory_space<vmem>>) dst(%dma_wait3A_3957 : memref<16x128xf32, #tpu.memory_space<hbm>>)
        tpu.yield
      }) : () -> ()
    }
    %scan3A_78 = arith.constant 32 : i32
    %dma_wait3A = arith.constant 0 : i32
    %dma_wait3A_79 = tpu.memref_slice %arg17[%dma_wait3A] : memref<512xf32, #tpu.memory_space<vmem>> -> memref<128xf32, #tpu.memory_space<vmem>>
    %dma_wait3A_80 = arith.constant 0 : i32
    %dma_wait3A_81 = tpu.memref_slice %arg11[%dma_wait3A_80] : memref<512xi32, #tpu.memory_space<vmem>> -> memref<128xi32, #tpu.memory_space<vmem>>
    %dma_wait3A_82 = arith.constant 0 : i32
    %dma_wait3A_83 = tpu.memref_slice %arg7[%dma_wait3A_82] : memref<1000000xf32, #tpu.memory_space<hbm>> -> memref<1000000xf32, #tpu.memory_space<hbm>>
    tpu.wait_indirect_dma semaphore(%arg23 : memref<!tpu.dma_semaphore, #tpu.memory_space<semaphore_mem>>) src(%dma_wait3A_83 : memref<1000000xf32, #tpu.memory_space<hbm>>) dst(%dma_wait3A_79 : memref<128xf32, #tpu.memory_space<vmem>>)
    %dma_wait3A_84 = arith.constant 0 : i32
    %dma_wait3A_85 = tpu.memref_slice %arg18[%dma_wait3A_84] : memref<512xf32, #tpu.memory_space<vmem>> -> memref<128xf32, #tpu.memory_space<vmem>>
    %dma_wait3A_86 = arith.constant 0 : i32
    %dma_wait3A_87 = tpu.memref_slice %arg12[%dma_wait3A_86] : memref<512xi32, #tpu.memory_space<vmem>> -> memref<128xi32, #tpu.memory_space<vmem>>
    %dma_wait3A_88 = arith.constant 0 : i32
    %dma_wait3A_89 = tpu.memref_slice %arg8[%dma_wait3A_88] : memref<1000000xf32, #tpu.memory_space<hbm>> -> memref<1000000xf32, #tpu.memory_space<hbm>>
    tpu.wait_indirect_dma semaphore(%arg23 : memref<!tpu.dma_semaphore, #tpu.memory_space<semaphore_mem>>) src(%dma_wait3A_89 : memref<1000000xf32, #tpu.memory_space<hbm>>) dst(%dma_wait3A_85 : memref<128xf32, #tpu.memory_space<vmem>>)
    %dma_wait3A_90 = arith.constant 0 : i32
    %dma_wait3A_91 = tpu.memref_slice %arg19[%dma_wait3A_90] : memref<512xf32, #tpu.memory_space<vmem>> -> memref<128xf32, #tpu.memory_space<vmem>>
    %dma_wait3A_92 = arith.constant 0 : i32
    %dma_wait3A_93 = tpu.memref_slice %arg13[%dma_wait3A_92] : memref<512xi32, #tpu.memory_space<vmem>> -> memref<128xi32, #tpu.memory_space<vmem>>
    %dma_wait3A_94 = arith.constant 0 : i32
    %dma_wait3A_95 = tpu.memref_slice %arg8[%dma_wait3A_94] : memref<1000000xf32, #tpu.memory_space<hbm>> -> memref<1000000xf32, #tpu.memory_space<hbm>>
    tpu.wait_indirect_dma semaphore(%arg23 : memref<!tpu.dma_semaphore, #tpu.memory_space<semaphore_mem>>) src(%dma_wait3A_95 : memref<1000000xf32, #tpu.memory_space<hbm>>) dst(%dma_wait3A_91 : memref<128xf32, #tpu.memory_space<vmem>>)
    %dma_wait3A_96 = arith.constant 128 : i32
    %dma_wait3A_97 = tpu.memref_slice %arg17[%dma_wait3A_96] : memref<512xf32, #tpu.memory_space<vmem>> -> memref<128xf32, #tpu.memory_space<vmem>>
    %dma_wait3A_98 = arith.constant 128 : i32
    %dma_wait3A_99 = tpu.memref_slice %arg11[%dma_wait3A_98] : memref<512xi32, #tpu.memory_space<vmem>> -> memref<128xi32, #tpu.memory_space<vmem>>
    %dma_wait3A_100 = arith.constant 0 : i32
    %dma_wait3A_101 = tpu.memref_slice %arg7[%dma_wait3A_100] : memref<1000000xf32, #tpu.memory_space<hbm>> -> memref<1000000xf32, #tpu.memory_space<hbm>>
    tpu.wait_indirect_dma semaphore(%arg23 : memref<!tpu.dma_semaphore, #tpu.memory_space<semaphore_mem>>) src(%dma_wait3A_101 : memref<1000000xf32, #tpu.memory_space<hbm>>) dst(%dma_wait3A_97 : memref<128xf32, #tpu.memory_space<vmem>>)
    %dma_wait3A_102 = arith.constant 128 : i32
    %dma_wait3A_103 = tpu.memref_slice %arg18[%dma_wait3A_102] : memref<512xf32, #tpu.memory_space<vmem>> -> memref<128xf32, #tpu.memory_space<vmem>>
    %dma_wait3A_104 = arith.constant 128 : i32
    %dma_wait3A_105 = tpu.memref_slice %arg12[%dma_wait3A_104] : memref<512xi32, #tpu.memory_space<vmem>> -> memref<128xi32, #tpu.memory_space<vmem>>
    %dma_wait3A_106 = arith.constant 0 : i32
    %dma_wait3A_107 = tpu.memref_slice %arg8[%dma_wait3A_106] : memref<1000000xf32, #tpu.memory_space<hbm>> -> memref<1000000xf32, #tpu.memory_space<hbm>>
    tpu.wait_indirect_dma semaphore(%arg23 : memref<!tpu.dma_semaphore, #tpu.memory_space<semaphore_mem>>) src(%dma_wait3A_107 : memref<1000000xf32, #tpu.memory_space<hbm>>) dst(%dma_wait3A_103 : memref<128xf32, #tpu.memory_space<vmem>>)
    %dma_wait3A_108 = arith.constant 128 : i32
    %dma_wait3A_109 = tpu.memref_slice %arg19[%dma_wait3A_108] : memref<512xf32, #tpu.memory_space<vmem>> -> memref<128xf32, #tpu.memory_space<vmem>>
    %dma_wait3A_110 = arith.constant 128 : i32
    %dma_wait3A_111 = tpu.memref_slice %arg13[%dma_wait3A_110] : memref<512xi32, #tpu.memory_space<vmem>> -> memref<128xi32, #tpu.memory_space<vmem>>
    %dma_wait3A_112 = arith.constant 0 : i32
    %dma_wait3A_113 = tpu.memref_slice %arg8[%dma_wait3A_112] : memref<1000000xf32, #tpu.memory_space<hbm>> -> memref<1000000xf32, #tpu.memory_space<hbm>>
    tpu.wait_indirect_dma semaphore(%arg23 : memref<!tpu.dma_semaphore, #tpu.memory_space<semaphore_mem>>) src(%dma_wait3A_113 : memref<1000000xf32, #tpu.memory_space<hbm>>) dst(%dma_wait3A_109 : memref<128xf32, #tpu.memory_space<vmem>>)
    %dma_wait3A_114 = arith.constant 256 : i32
    %dma_wait3A_115 = tpu.memref_slice %arg17[%dma_wait3A_114] : memref<512xf32, #tpu.memory_space<vmem>> -> memref<128xf32, #tpu.memory_space<vmem>>
    %dma_wait3A_116 = arith.constant 256 : i32
    %dma_wait3A_117 = tpu.memref_slice %arg11[%dma_wait3A_116] : memref<512xi32, #tpu.memory_space<vmem>> -> memref<128xi32, #tpu.memory_space<vmem>>
    %dma_wait3A_118 = arith.constant 0 : i32
    %dma_wait3A_119 = tpu.memref_slice %arg7[%dma_wait3A_118] : memref<1000000xf32, #tpu.memory_space<hbm>> -> memref<1000000xf32, #tpu.memory_space<hbm>>
    tpu.wait_indirect_dma semaphore(%arg23 : memref<!tpu.dma_semaphore, #tpu.memory_space<semaphore_mem>>) src(%dma_wait3A_119 : memref<1000000xf32, #tpu.memory_space<hbm>>) dst(%dma_wait3A_115 : memref<128xf32, #tpu.memory_space<vmem>>)
    %dma_wait3A_120 = arith.constant 256 : i32
    %dma_wait3A_121 = tpu.memref_slice %arg18[%dma_wait3A_120] : memref<512xf32, #tpu.memory_space<vmem>> -> memref<128xf32, #tpu.memory_space<vmem>>
    %dma_wait3A_122 = arith.constant 256 : i32
    %dma_wait3A_123 = tpu.memref_slice %arg12[%dma_wait3A_122] : memref<512xi32, #tpu.memory_space<vmem>> -> memref<128xi32, #tpu.memory_space<vmem>>
    %dma_wait3A_124 = arith.constant 0 : i32
    %dma_wait3A_125 = tpu.memref_slice %arg8[%dma_wait3A_124] : memref<1000000xf32, #tpu.memory_space<hbm>> -> memref<1000000xf32, #tpu.memory_space<hbm>>
    tpu.wait_indirect_dma semaphore(%arg23 : memref<!tpu.dma_semaphore, #tpu.memory_space<semaphore_mem>>) src(%dma_wait3A_125 : memref<1000000xf32, #tpu.memory_space<hbm>>) dst(%dma_wait3A_121 : memref<128xf32, #tpu.memory_space<vmem>>)
    %dma_wait3A_126 = arith.constant 256 : i32
    %dma_wait3A_127 = tpu.memref_slice %arg19[%dma_wait3A_126] : memref<512xf32, #tpu.memory_space<vmem>> -> memref<128xf32, #tpu.memory_space<vmem>>
    %dma_wait3A_128 = arith.constant 256 : i32
    %dma_wait3A_129 = tpu.memref_slice %arg13[%dma_wait3A_128] : memref<512xi32, #tpu.memory_space<vmem>> -> memref<128xi32, #tpu.memory_space<vmem>>
    %dma_wait3A_130 = arith.constant 0 : i32
    %dma_wait3A_131 = tpu.memref_slice %arg8[%dma_wait3A_130] : memref<1000000xf32, #tpu.memory_space<hbm>> -> memref<1000000xf32, #tpu.memory_space<hbm>>
    tpu.wait_indirect_dma semaphore(%arg23 : memref<!tpu.dma_semaphore, #tpu.memory_space<semaphore_mem>>) src(%dma_wait3A_131 : memref<1000000xf32, #tpu.memory_space<hbm>>) dst(%dma_wait3A_127 : memref<128xf32, #tpu.memory_space<vmem>>)
    %dma_wait3A_132 = arith.constant 384 : i32
    %dma_wait3A_133 = tpu.memref_slice %arg17[%dma_wait3A_132] : memref<512xf32, #tpu.memory_space<vmem>> -> memref<128xf32, #tpu.memory_space<vmem>>
    %dma_wait3A_134 = arith.constant 384 : i32
    %dma_wait3A_135 = tpu.memref_slice %arg11[%dma_wait3A_134] : memref<512xi32, #tpu.memory_space<vmem>> -> memref<128xi32, #tpu.memory_space<vmem>>
    %dma_wait3A_136 = arith.constant 0 : i32
    %dma_wait3A_137 = tpu.memref_slice %arg7[%dma_wait3A_136] : memref<1000000xf32, #tpu.memory_space<hbm>> -> memref<1000000xf32, #tpu.memory_space<hbm>>
    tpu.wait_indirect_dma semaphore(%arg23 : memref<!tpu.dma_semaphore, #tpu.memory_space<semaphore_mem>>) src(%dma_wait3A_137 : memref<1000000xf32, #tpu.memory_space<hbm>>) dst(%dma_wait3A_133 : memref<128xf32, #tpu.memory_space<vmem>>)
    %dma_wait3A_138 = arith.constant 384 : i32
    %dma_wait3A_139 = tpu.memref_slice %arg18[%dma_wait3A_138] : memref<512xf32, #tpu.memory_space<vmem>> -> memref<128xf32, #tpu.memory_space<vmem>>
    %dma_wait3A_140 = arith.constant 384 : i32
    %dma_wait3A_141 = tpu.memref_slice %arg12[%dma_wait3A_140] : memref<512xi32, #tpu.memory_space<vmem>> -> memref<128xi32, #tpu.memory_space<vmem>>
    %dma_wait3A_142 = arith.constant 0 : i32
    %dma_wait3A_143 = tpu.memref_slice %arg8[%dma_wait3A_142] : memref<1000000xf32, #tpu.memory_space<hbm>> -> memref<1000000xf32, #tpu.memory_space<hbm>>
    tpu.wait_indirect_dma semaphore(%arg23 : memref<!tpu.dma_semaphore, #tpu.memory_space<semaphore_mem>>) src(%dma_wait3A_143 : memref<1000000xf32, #tpu.memory_space<hbm>>) dst(%dma_wait3A_139 : memref<128xf32, #tpu.memory_space<vmem>>)
    %dma_wait3A_144 = arith.constant 384 : i32
    %dma_wait3A_145 = tpu.memref_slice %arg19[%dma_wait3A_144] : memref<512xf32, #tpu.memory_space<vmem>> -> memref<128xf32, #tpu.memory_space<vmem>>
    %dma_wait3A_146 = arith.constant 384 : i32
    %dma_wait3A_147 = tpu.memref_slice %arg13[%dma_wait3A_146] : memref<512xi32, #tpu.memory_space<vmem>> -> memref<128xi32, #tpu.memory_space<vmem>>
    %dma_wait3A_148 = arith.constant 0 : i32
    %dma_wait3A_149 = tpu.memref_slice %arg8[%dma_wait3A_148] : memref<1000000xf32, #tpu.memory_space<hbm>> -> memref<1000000xf32, #tpu.memory_space<hbm>>
    tpu.wait_indirect_dma semaphore(%arg23 : memref<!tpu.dma_semaphore, #tpu.memory_space<semaphore_mem>>) src(%dma_wait3A_149 : memref<1000000xf32, #tpu.memory_space<hbm>>) dst(%dma_wait3A_145 : memref<128xf32, #tpu.memory_space<vmem>>)
    %broadcast_in_dim3A = arith.constant 0.000000e+00 : f32
    %broadcast_in_dim3A_150 = vector.broadcast %broadcast_in_dim3A : f32 to vector<16xf32>
    %get3A = arith.constant 0 : index
    %get3A_151 = tpu.vector_load %arg17[%get3A] {strides = array<i32>} : memref<512xf32, #tpu.memory_space<vmem>>, vector<16xf32>,
    %get3A_152 = vector.shape_cast %get3A_151 : vector<16xf32> to vector<16xf32>
    %add3A_153 = arith.addf %broadcast_in_dim3A_150, %get3A_152 : vector<16xf32>
    %get3A_154 = arith.constant 0 : index
    %get3A_155 = tpu.vector_load %arg18[%get3A_154] {strides = array<i32>} : memref<512xf32, #tpu.memory_space<vmem>>, vector<16xf32>,
    %get3A_156 = vector.shape_cast %get3A_155 : vector<16xf32> to vector<16xf32>
    %add3A_157 = arith.addf %add3A_153, %get3A_156 : vector<16xf32>
    %get3A_158 = arith.constant 0 : index
    %get3A_159 = tpu.vector_load %arg19[%get3A_158] {strides = array<i32>} : memref<512xf32, #tpu.memory_space<vmem>>, vector<16xf32>,
    %get3A_160 = vector.shape_cast %get3A_159 : vector<16xf32> to vector<16xf32>
    %add3A_161 = arith.addf %add3A_157, %get3A_160 : vector<16xf32>
    %get3A_162 = arith.constant 16 : index
    %get3A_163 = tpu.vector_load %arg17[%get3A_162] {strides = array<i32>} : memref<512xf32, #tpu.memory_space<vmem>>, vector<16xf32>,
    %get3A_164 = vector.shape_cast %get3A_163 : vector<16xf32> to vector<16xf32>
    %add3A_165 = arith.addf %add3A_161, %get3A_164 : vector<16xf32>
    %get3A_166 = arith.constant 16 : index
    %get3A_167 = tpu.vector_load %arg18[%get3A_166] {strides = array<i32>} : memref<512xf32, #tpu.memory_space<vmem>>, vector<16xf32>,
    %get3A_168 = vector.shape_cast %get3A_167 : vector<16xf32> to vector<16xf32>
    %add3A_169 = arith.addf %add3A_165, %get3A_168 : vector<16xf32>
    %get3A_170 = arith.constant 16 : index
    %get3A_171 = tpu.vector_load %arg19[%get3A_170] {strides = array<i32>} : memref<512xf32, #tpu.memory_space<vmem>>, vector<16xf32>,
    %get3A_172 = vector.shape_cast %get3A_171 : vector<16xf32> to vector<16xf32>
    %add3A_173 = arith.addf %add3A_169, %get3A_172 : vector<16xf32>
    %get3A_174 = arith.constant 32 : index
    %get3A_175 = tpu.vector_load %arg17[%get3A_174] {strides = array<i32>} : memref<512xf32, #tpu.memory_space<vmem>>, vector<16xf32>,
    %get3A_176 = vector.shape_cast %get3A_175 : vector<16xf32> to vector<16xf32>
    %add3A_177 = arith.addf %add3A_173, %get3A_176 : vector<16xf32>
    %get3A_178 = arith.constant 32 : index
    %get3A_179 = tpu.vector_load %arg18[%get3A_178] {strides = array<i32>} : memref<512xf32, #tpu.memory_space<vmem>>, vector<16xf32>,
    %get3A_180 = vector.shape_cast %get3A_179 : vector<16xf32> to vector<16xf32>
    %add3A_181 = arith.addf %add3A_177, %get3A_180 : vector<16xf32>
    %get3A_182 = arith.constant 32 : index
    %get3A_183 = tpu.vector_load %arg19[%get3A_182] {strides = array<i32>} : memref<512xf32, #tpu.memory_space<vmem>>, vector<16xf32>,
    %get3A_184 = vector.shape_cast %get3A_183 : vector<16xf32> to vector<16xf32>
    %add3A_185 = arith.addf %add3A_181, %get3A_184 : vector<16xf32>
    %get3A_186 = arith.constant 48 : index
    %get3A_187 = tpu.vector_load %arg17[%get3A_186] {strides = array<i32>} : memref<512xf32, #tpu.memory_space<vmem>>, vector<16xf32>,
    %get3A_188 = vector.shape_cast %get3A_187 : vector<16xf32> to vector<16xf32>
    %add3A_189 = arith.addf %add3A_185, %get3A_188 : vector<16xf32>
    %get3A_190 = arith.constant 48 : index
    %get3A_191 = tpu.vector_load %arg18[%get3A_190] {strides = array<i32>} : memref<512xf32, #tpu.memory_space<vmem>>, vector<16xf32>,
    %get3A_192 = vector.shape_cast %get3A_191 : vector<16xf32> to vector<16xf32>
    %add3A_193 = arith.addf %add3A_189, %get3A_192 : vector<16xf32>
    %get3A_194 = arith.constant 48 : index
    %get3A_195 = tpu.vector_load %arg19[%get3A_194] {strides = array<i32>} : memref<512xf32, #tpu.memory_space<vmem>>, vector<16xf32>,
    %get3A_196 = vector.shape_cast %get3A_195 : vector<16xf32> to vector<16xf32>
    %add3A_197 = arith.addf %add3A_193, %get3A_196 : vector<16xf32>
    %get3A_198 = arith.constant 64 : index
    %get3A_199 = tpu.vector_load %arg17[%get3A_198] {strides = array<i32>} : memref<512xf32, #tpu.memory_space<vmem>>, vector<16xf32>,
    %get3A_200 = vector.shape_cast %get3A_199 : vector<16xf32> to vector<16xf32>
    %add3A_201 = arith.addf %add3A_197, %get3A_200 : vector<16xf32>
    %get3A_202 = arith.constant 64 : index
    %get3A_203 = tpu.vector_load %arg18[%get3A_202] {strides = array<i32>} : memref<512xf32, #tpu.memory_space<vmem>>, vector<16xf32>,
    %get3A_204 = vector.shape_cast %get3A_203 : vector<16xf32> to vector<16xf32>
    %add3A_205 = arith.addf %add3A_201, %get3A_204 : vector<16xf32>
    %get3A_206 = arith.constant 64 : index
    %get3A_207 = tpu.vector_load %arg19[%get3A_206] {strides = array<i32>} : memref<512xf32, #tpu.memory_space<vmem>>, vector<16xf32>,
    %get3A_208 = vector.shape_cast %get3A_207 : vector<16xf32> to vector<16xf32>
    %add3A_209 = arith.addf %add3A_205, %get3A_208 : vector<16xf32>
    %get3A_210 = arith.constant 80 : index
    %get3A_211 = tpu.vector_load %arg17[%get3A_210] {strides = array<i32>} : memref<512xf32, #tpu.memory_space<vmem>>, vector<16xf32>,
    %get3A_212 = vector.shape_cast %get3A_211 : vector<16xf32> to vector<16xf32>
    %add3A_213 = arith.addf %add3A_209, %get3A_212 : vector<16xf32>
    %get3A_214 = arith.constant 80 : index
    %get3A_215 = tpu.vector_load %arg18[%get3A_214] {strides = array<i32>} : memref<512xf32, #tpu.memory_space<vmem>>, vector<16xf32>,
    %get3A_216 = vector.shape_cast %get3A_215 : vector<16xf32> to vector<16xf32>
    %add3A_217 = arith.addf %add3A_213, %get3A_216 : vector<16xf32>
    %get3A_218 = arith.constant 80 : index
    %get3A_219 = tpu.vector_load %arg19[%get3A_218] {strides = array<i32>} : memref<512xf32, #tpu.memory_space<vmem>>, vector<16xf32>,
    %get3A_220 = vector.shape_cast %get3A_219 : vector<16xf32> to vector<16xf32>
    %add3A_221 = arith.addf %add3A_217, %get3A_220 : vector<16xf32>
    %get3A_222 = arith.constant 96 : index
    %get3A_223 = tpu.vector_load %arg17[%get3A_222] {strides = array<i32>} : memref<512xf32, #tpu.memory_space<vmem>>, vector<16xf32>,
    %get3A_224 = vector.shape_cast %get3A_223 : vector<16xf32> to vector<16xf32>
    %add3A_225 = arith.addf %add3A_221, %get3A_224 : vector<16xf32>
    %get3A_226 = arith.constant 96 : index
    %get3A_227 = tpu.vector_load %arg18[%get3A_226] {strides = array<i32>} : memref<512xf32, #tpu.memory_space<vmem>>, vector<16xf32>,
    %get3A_228 = vector.shape_cast %get3A_227 : vector<16xf32> to vector<16xf32>
    %add3A_229 = arith.addf %add3A_225, %get3A_228 : vector<16xf32>
    %get3A_230 = arith.constant 96 : index
    %get3A_231 = tpu.vector_load %arg19[%get3A_230] {strides = array<i32>} : memref<512xf32, #tpu.memory_space<vmem>>, vector<16xf32>,
    %get3A_232 = vector.shape_cast %get3A_231 : vector<16xf32> to vector<16xf32>
    %add3A_233 = arith.addf %add3A_229, %get3A_232 : vector<16xf32>
    %get3A_234 = arith.constant 112 : index
    %get3A_235 = tpu.vector_load %arg17[%get3A_234] {strides = array<i32>} : memref<512xf32, #tpu.memory_space<vmem>>, vector<16xf32>,
    %get3A_236 = vector.shape_cast %get3A_235 : vector<16xf32> to vector<16xf32>
    %add3A_237 = arith.addf %add3A_233, %get3A_236 : vector<16xf32>
    %get3A_238 = arith.constant 112 : index
    %get3A_239 = tpu.vector_load %arg18[%get3A_238] {strides = array<i32>} : memref<512xf32, #tpu.memory_space<vmem>>, vector<16xf32>,
    %get3A_240 = vector.shape_cast %get3A_239 : vector<16xf32> to vector<16xf32>
    %add3A_241 = arith.addf %add3A_237, %get3A_240 : vector<16xf32>
    %get3A_242 = arith.constant 112 : index
    %get3A_243 = tpu.vector_load %arg19[%get3A_242] {strides = array<i32>} : memref<512xf32, #tpu.memory_space<vmem>>, vector<16xf32>,
    %get3A_244 = vector.shape_cast %get3A_243 : vector<16xf32> to vector<16xf32>
    %add3A_245 = arith.addf %add3A_241, %get3A_244 : vector<16xf32>
    %get3A_246 = arith.constant 128 : index
    %get3A_247 = tpu.vector_load %arg17[%get3A_246] {strides = array<i32>} : memref<512xf32, #tpu.memory_space<vmem>>, vector<16xf32>,
    %get3A_248 = vector.shape_cast %get3A_247 : vector<16xf32> to vector<16xf32>
    %add3A_249 = arith.addf %add3A_245, %get3A_248 : vector<16xf32>
    %get3A_250 = arith.constant 128 : index
    %get3A_251 = tpu.vector_load %arg18[%get3A_250] {strides = array<i32>} : memref<512xf32, #tpu.memory_space<vmem>>, vector<16xf32>,
    %get3A_252 = vector.shape_cast %get3A_251 : vector<16xf32> to vector<16xf32>
    %add3A_253 = arith.addf %add3A_249, %get3A_252 : vector<16xf32>
    %get3A_254 = arith.constant 128 : index
    %get3A_255 = tpu.vector_load %arg19[%get3A_254] {strides = array<i32>} : memref<512xf32, #tpu.memory_space<vmem>>, vector<16xf32>,
    %get3A_256 = vector.shape_cast %get3A_255 : vector<16xf32> to vector<16xf32>
    %add3A_257 = arith.addf %add3A_253, %get3A_256 : vector<16xf32>
    %get3A_258 = arith.constant 144 : index
    %get3A_259 = tpu.vector_load %arg17[%get3A_258] {strides = array<i32>} : memref<512xf32, #tpu.memory_space<vmem>>, vector<16xf32>,
    %get3A_260 = vector.shape_cast %get3A_259 : vector<16xf32> to vector<16xf32>
    %add3A_261 = arith.addf %add3A_257, %get3A_260 : vector<16xf32>
    %get3A_262 = arith.constant 144 : index
    %get3A_263 = tpu.vector_load %arg18[%get3A_262] {strides = array<i32>} : memref<512xf32, #tpu.memory_space<vmem>>, vector<16xf32>,
    %get3A_264 = vector.shape_cast %get3A_263 : vector<16xf32> to vector<16xf32>
    %add3A_265 = arith.addf %add3A_261, %get3A_264 : vector<16xf32>
    %get3A_266 = arith.constant 144 : index
    %get3A_267 = tpu.vector_load %arg19[%get3A_266] {strides = array<i32>} : memref<512xf32, #tpu.memory_space<vmem>>, vector<16xf32>,
    %get3A_268 = vector.shape_cast %get3A_267 : vector<16xf32> to vector<16xf32>
    %add3A_269 = arith.addf %add3A_265, %get3A_268 : vector<16xf32>
    %get3A_270 = arith.constant 160 : index
    %get3A_271 = tpu.vector_load %arg17[%get3A_270] {strides = array<i32>} : memref<512xf32, #tpu.memory_space<vmem>>, vector<16xf32>,
    %get3A_272 = vector.shape_cast %get3A_271 : vector<16xf32> to vector<16xf32>
    %add3A_273 = arith.addf %add3A_269, %get3A_272 : vector<16xf32>
    %get3A_274 = arith.constant 160 : index
    %get3A_275 = tpu.vector_load %arg18[%get3A_274] {strides = array<i32>} : memref<512xf32, #tpu.memory_space<vmem>>, vector<16xf32>,
    %get3A_276 = vector.shape_cast %get3A_275 : vector<16xf32> to vector<16xf32>
    %add3A_277 = arith.addf %add3A_273, %get3A_276 : vector<16xf32>
    %get3A_278 = arith.constant 160 : index
    %get3A_279 = tpu.vector_load %arg19[%get3A_278] {strides = array<i32>} : memref<512xf32, #tpu.memory_space<vmem>>, vector<16xf32>,
    %get3A_280 = vector.shape_cast %get3A_279 : vector<16xf32> to vector<16xf32>
    %add3A_281 = arith.addf %add3A_277, %get3A_280 : vector<16xf32>
    %get3A_282 = arith.constant 176 : index
    %get3A_283 = tpu.vector_load %arg17[%get3A_282] {strides = array<i32>} : memref<512xf32, #tpu.memory_space<vmem>>, vector<16xf32>,
    %get3A_284 = vector.shape_cast %get3A_283 : vector<16xf32> to vector<16xf32>
    %add3A_285 = arith.addf %add3A_281, %get3A_284 : vector<16xf32>
    %get3A_286 = arith.constant 176 : index
    %get3A_287 = tpu.vector_load %arg18[%get3A_286] {strides = array<i32>} : memref<512xf32, #tpu.memory_space<vmem>>, vector<16xf32>,
    %get3A_288 = vector.shape_cast %get3A_287 : vector<16xf32> to vector<16xf32>
    %add3A_289 = arith.addf %add3A_285, %get3A_288 : vector<16xf32>
    %get3A_290 = arith.constant 176 : index
    %get3A_291 = tpu.vector_load %arg19[%get3A_290] {strides = array<i32>} : memref<512xf32, #tpu.memory_space<vmem>>, vector<16xf32>,
    %get3A_292 = vector.shape_cast %get3A_291 : vector<16xf32> to vector<16xf32>
    %add3A_293 = arith.addf %add3A_289, %get3A_292 : vector<16xf32>
    %get3A_294 = arith.constant 192 : index
    %get3A_295 = tpu.vector_load %arg17[%get3A_294] {strides = array<i32>} : memref<512xf32, #tpu.memory_space<vmem>>, vector<16xf32>,
    %get3A_296 = vector.shape_cast %get3A_295 : vector<16xf32> to vector<16xf32>
    %add3A_297 = arith.addf %add3A_293, %get3A_296 : vector<16xf32>
    %get3A_298 = arith.constant 192 : index
    %get3A_299 = tpu.vector_load %arg18[%get3A_298] {strides = array<i32>} : memref<512xf32, #tpu.memory_space<vmem>>, vector<16xf32>,
    %get3A_300 = vector.shape_cast %get3A_299 : vector<16xf32> to vector<16xf32>
    %add3A_301 = arith.addf %add3A_297, %get3A_300 : vector<16xf32>
    %get3A_302 = arith.constant 192 : index
    %get3A_303 = tpu.vector_load %arg19[%get3A_302] {strides = array<i32>} : memref<512xf32, #tpu.memory_space<vmem>>, vector<16xf32>,
    %get3A_304 = vector.shape_cast %get3A_303 : vector<16xf32> to vector<16xf32>
    %add3A_305 = arith.addf %add3A_301, %get3A_304 : vector<16xf32>
    %get3A_306 = arith.constant 208 : index
    %get3A_307 = tpu.vector_load %arg17[%get3A_306] {strides = array<i32>} : memref<512xf32, #tpu.memory_space<vmem>>, vector<16xf32>,
    %get3A_308 = vector.shape_cast %get3A_307 : vector<16xf32> to vector<16xf32>
    %add3A_309 = arith.addf %add3A_305, %get3A_308 : vector<16xf32>
    %get3A_310 = arith.constant 208 : index
    %get3A_311 = tpu.vector_load %arg18[%get3A_310] {strides = array<i32>} : memref<512xf32, #tpu.memory_space<vmem>>, vector<16xf32>,
    %get3A_312 = vector.shape_cast %get3A_311 : vector<16xf32> to vector<16xf32>
    %add3A_313 = arith.addf %add3A_309, %get3A_312 : vector<16xf32>
    %get3A_314 = arith.constant 208 : index
    %get3A_315 = tpu.vector_load %arg19[%get3A_314] {strides = array<i32>} : memref<512xf32, #tpu.memory_space<vmem>>, vector<16xf32>,
    %get3A_316 = vector.shape_cast %get3A_315 : vector<16xf32> to vector<16xf32>
    %add3A_317 = arith.addf %add3A_313, %get3A_316 : vector<16xf32>
    %get3A_318 = arith.constant 224 : index
    %get3A_319 = tpu.vector_load %arg17[%get3A_318] {strides = array<i32>} : memref<512xf32, #tpu.memory_space<vmem>>, vector<16xf32>,
    %get3A_320 = vector.shape_cast %get3A_319 : vector<16xf32> to vector<16xf32>
    %add3A_321 = arith.addf %add3A_317, %get3A_320 : vector<16xf32>
    %get3A_322 = arith.constant 224 : index
    %get3A_323 = tpu.vector_load %arg18[%get3A_322] {strides = array<i32>} : memref<512xf32, #tpu.memory_space<vmem>>, vector<16xf32>,
    %get3A_324 = vector.shape_cast %get3A_323 : vector<16xf32> to vector<16xf32>
    %add3A_325 = arith.addf %add3A_321, %get3A_324 : vector<16xf32>
    %get3A_326 = arith.constant 224 : index
    %get3A_327 = tpu.vector_load %arg19[%get3A_326] {strides = array<i32>} : memref<512xf32, #tpu.memory_space<vmem>>, vector<16xf32>,
    %get3A_328 = vector.shape_cast %get3A_327 : vector<16xf32> to vector<16xf32>
    %add3A_329 = arith.addf %add3A_325, %get3A_328 : vector<16xf32>
    %get3A_330 = arith.constant 240 : index
    %get3A_331 = tpu.vector_load %arg17[%get3A_330] {strides = array<i32>} : memref<512xf32, #tpu.memory_space<vmem>>, vector<16xf32>,
    %get3A_332 = vector.shape_cast %get3A_331 : vector<16xf32> to vector<16xf32>
    %add3A_333 = arith.addf %add3A_329, %get3A_332 : vector<16xf32>
    %get3A_334 = arith.constant 240 : index
    %get3A_335 = tpu.vector_load %arg18[%get3A_334] {strides = array<i32>} : memref<512xf32, #tpu.memory_space<vmem>>, vector<16xf32>,
    %get3A_336 = vector.shape_cast %get3A_335 : vector<16xf32> to vector<16xf32>
    %add3A_337 = arith.addf %add3A_333, %get3A_336 : vector<16xf32>
    %get3A_338 = arith.constant 240 : index
    %get3A_339 = tpu.vector_load %arg19[%get3A_338] {strides = array<i32>} : memref<512xf32, #tpu.memory_space<vmem>>, vector<16xf32>,
    %get3A_340 = vector.shape_cast %get3A_339 : vector<16xf32> to vector<16xf32>
    %add3A_341 = arith.addf %add3A_337, %get3A_340 : vector<16xf32>
    %get3A_342 = arith.constant 256 : index
    %get3A_343 = tpu.vector_load %arg17[%get3A_342] {strides = array<i32>} : memref<512xf32, #tpu.memory_space<vmem>>, vector<16xf32>,
    %get3A_344 = vector.shape_cast %get3A_343 : vector<16xf32> to vector<16xf32>
    %add3A_345 = arith.addf %add3A_341, %get3A_344 : vector<16xf32>
    %get3A_346 = arith.constant 256 : index
    %get3A_347 = tpu.vector_load %arg18[%get3A_346] {strides = array<i32>} : memref<512xf32, #tpu.memory_space<vmem>>, vector<16xf32>,
    %get3A_348 = vector.shape_cast %get3A_347 : vector<16xf32> to vector<16xf32>
    %add3A_349 = arith.addf %add3A_345, %get3A_348 : vector<16xf32>
    %get3A_350 = arith.constant 256 : index
    %get3A_351 = tpu.vector_load %arg19[%get3A_350] {strides = array<i32>} : memref<512xf32, #tpu.memory_space<vmem>>, vector<16xf32>,
    %get3A_352 = vector.shape_cast %get3A_351 : vector<16xf32> to vector<16xf32>
    %add3A_353 = arith.addf %add3A_349, %get3A_352 : vector<16xf32>
    %get3A_354 = arith.constant 272 : index
    %get3A_355 = tpu.vector_load %arg17[%get3A_354] {strides = array<i32>} : memref<512xf32, #tpu.memory_space<vmem>>, vector<16xf32>,
    %get3A_356 = vector.shape_cast %get3A_355 : vector<16xf32> to vector<16xf32>
    %add3A_357 = arith.addf %add3A_353, %get3A_356 : vector<16xf32>
    %get3A_358 = arith.constant 272 : index
    %get3A_359 = tpu.vector_load %arg18[%get3A_358] {strides = array<i32>} : memref<512xf32, #tpu.memory_space<vmem>>, vector<16xf32>,
    %get3A_360 = vector.shape_cast %get3A_359 : vector<16xf32> to vector<16xf32>
    %add3A_361 = arith.addf %add3A_357, %get3A_360 : vector<16xf32>
    %get3A_362 = arith.constant 272 : index
    %get3A_363 = tpu.vector_load %arg19[%get3A_362] {strides = array<i32>} : memref<512xf32, #tpu.memory_space<vmem>>, vector<16xf32>,
    %get3A_364 = vector.shape_cast %get3A_363 : vector<16xf32> to vector<16xf32>
    %add3A_365 = arith.addf %add3A_361, %get3A_364 : vector<16xf32>
    %get3A_366 = arith.constant 288 : index
    %get3A_367 = tpu.vector_load %arg17[%get3A_366] {strides = array<i32>} : memref<512xf32, #tpu.memory_space<vmem>>, vector<16xf32>,
    %get3A_368 = vector.shape_cast %get3A_367 : vector<16xf32> to vector<16xf32>
    %add3A_369 = arith.addf %add3A_365, %get3A_368 : vector<16xf32>
    %get3A_370 = arith.constant 288 : index
    %get3A_371 = tpu.vector_load %arg18[%get3A_370] {strides = array<i32>} : memref<512xf32, #tpu.memory_space<vmem>>, vector<16xf32>,
    %get3A_372 = vector.shape_cast %get3A_371 : vector<16xf32> to vector<16xf32>
    %add3A_373 = arith.addf %add3A_369, %get3A_372 : vector<16xf32>
    %get3A_374 = arith.constant 288 : index
    %get3A_375 = tpu.vector_load %arg19[%get3A_374] {strides = array<i32>} : memref<512xf32, #tpu.memory_space<vmem>>, vector<16xf32>,
    %get3A_376 = vector.shape_cast %get3A_375 : vector<16xf32> to vector<16xf32>
    %add3A_377 = arith.addf %add3A_373, %get3A_376 : vector<16xf32>
    %get3A_378 = arith.constant 304 : index
    %get3A_379 = tpu.vector_load %arg17[%get3A_378] {strides = array<i32>} : memref<512xf32, #tpu.memory_space<vmem>>, vector<16xf32>,
    %get3A_380 = vector.shape_cast %get3A_379 : vector<16xf32> to vector<16xf32>
    %add3A_381 = arith.addf %add3A_377, %get3A_380 : vector<16xf32>
    %get3A_382 = arith.constant 304 : index
    %get3A_383 = tpu.vector_load %arg18[%get3A_382] {strides = array<i32>} : memref<512xf32, #tpu.memory_space<vmem>>, vector<16xf32>,
    %get3A_384 = vector.shape_cast %get3A_383 : vector<16xf32> to vector<16xf32>
    %add3A_385 = arith.addf %add3A_381, %get3A_384 : vector<16xf32>
    %get3A_386 = arith.constant 304 : index
    %get3A_387 = tpu.vector_load %arg19[%get3A_386] {strides = array<i32>} : memref<512xf32, #tpu.memory_space<vmem>>, vector<16xf32>,
    %get3A_388 = vector.shape_cast %get3A_387 : vector<16xf32> to vector<16xf32>
    %add3A_389 = arith.addf %add3A_385, %get3A_388 : vector<16xf32>
    %get3A_390 = arith.constant 320 : index
    %get3A_391 = tpu.vector_load %arg17[%get3A_390] {strides = array<i32>} : memref<512xf32, #tpu.memory_space<vmem>>, vector<16xf32>,
    %get3A_392 = vector.shape_cast %get3A_391 : vector<16xf32> to vector<16xf32>
    %add3A_393 = arith.addf %add3A_389, %get3A_392 : vector<16xf32>
    %get3A_394 = arith.constant 320 : index
    %get3A_395 = tpu.vector_load %arg18[%get3A_394] {strides = array<i32>} : memref<512xf32, #tpu.memory_space<vmem>>, vector<16xf32>,
    %get3A_396 = vector.shape_cast %get3A_395 : vector<16xf32> to vector<16xf32>
    %add3A_397 = arith.addf %add3A_393, %get3A_396 : vector<16xf32>
    %get3A_398 = arith.constant 320 : index
    %get3A_399 = tpu.vector_load %arg19[%get3A_398] {strides = array<i32>} : memref<512xf32, #tpu.memory_space<vmem>>, vector<16xf32>,
    %get3A_400 = vector.shape_cast %get3A_399 : vector<16xf32> to vector<16xf32>
    %add3A_401 = arith.addf %add3A_397, %get3A_400 : vector<16xf32>
    %get3A_402 = arith.constant 336 : index
    %get3A_403 = tpu.vector_load %arg17[%get3A_402] {strides = array<i32>} : memref<512xf32, #tpu.memory_space<vmem>>, vector<16xf32>,
    %get3A_404 = vector.shape_cast %get3A_403 : vector<16xf32> to vector<16xf32>
    %add3A_405 = arith.addf %add3A_401, %get3A_404 : vector<16xf32>
    %get3A_406 = arith.constant 336 : index
    %get3A_407 = tpu.vector_load %arg18[%get3A_406] {strides = array<i32>} : memref<512xf32, #tpu.memory_space<vmem>>, vector<16xf32>,
    %get3A_408 = vector.shape_cast %get3A_407 : vector<16xf32> to vector<16xf32>
    %add3A_409 = arith.addf %add3A_405, %get3A_408 : vector<16xf32>
    %get3A_410 = arith.constant 336 : index
    %get3A_411 = tpu.vector_load %arg19[%get3A_410] {strides = array<i32>} : memref<512xf32, #tpu.memory_space<vmem>>, vector<16xf32>,
    %get3A_412 = vector.shape_cast %get3A_411 : vector<16xf32> to vector<16xf32>
    %add3A_413 = arith.addf %add3A_409, %get3A_412 : vector<16xf32>
    %get3A_414 = arith.constant 352 : index
    %get3A_415 = tpu.vector_load %arg17[%get3A_414] {strides = array<i32>} : memref<512xf32, #tpu.memory_space<vmem>>, vector<16xf32>,
    %get3A_416 = vector.shape_cast %get3A_415 : vector<16xf32> to vector<16xf32>
    %add3A_417 = arith.addf %add3A_413, %get3A_416 : vector<16xf32>
    %get3A_418 = arith.constant 352 : index
    %get3A_419 = tpu.vector_load %arg18[%get3A_418] {strides = array<i32>} : memref<512xf32, #tpu.memory_space<vmem>>, vector<16xf32>,
    %get3A_420 = vector.shape_cast %get3A_419 : vector<16xf32> to vector<16xf32>
    %add3A_421 = arith.addf %add3A_417, %get3A_420 : vector<16xf32>
    %get3A_422 = arith.constant 352 : index
    %get3A_423 = tpu.vector_load %arg19[%get3A_422] {strides = array<i32>} : memref<512xf32, #tpu.memory_space<vmem>>, vector<16xf32>,
    %get3A_424 = vector.shape_cast %get3A_423 : vector<16xf32> to vector<16xf32>
    %add3A_425 = arith.addf %add3A_421, %get3A_424 : vector<16xf32>
    %get3A_426 = arith.constant 368 : index
    %get3A_427 = tpu.vector_load %arg17[%get3A_426] {strides = array<i32>} : memref<512xf32, #tpu.memory_space<vmem>>, vector<16xf32>,
    %get3A_428 = vector.shape_cast %get3A_427 : vector<16xf32> to vector<16xf32>
    %add3A_429 = arith.addf %add3A_425, %get3A_428 : vector<16xf32>
    %get3A_430 = arith.constant 368 : index
    %get3A_431 = tpu.vector_load %arg18[%get3A_430] {strides = array<i32>} : memref<512xf32, #tpu.memory_space<vmem>>, vector<16xf32>,
    %get3A_432 = vector.shape_cast %get3A_431 : vector<16xf32> to vector<16xf32>
    %add3A_433 = arith.addf %add3A_429, %get3A_432 : vector<16xf32>
    %get3A_434 = arith.constant 368 : index
    %get3A_435 = tpu.vector_load %arg19[%get3A_434] {strides = array<i32>} : memref<512xf32, #tpu.memory_space<vmem>>, vector<16xf32>,
    %get3A_436 = vector.shape_cast %get3A_435 : vector<16xf32> to vector<16xf32>
    %add3A_437 = arith.addf %add3A_433, %get3A_436 : vector<16xf32>
    %get3A_438 = arith.constant 384 : index
    %get3A_439 = tpu.vector_load %arg17[%get3A_438] {strides = array<i32>} : memref<512xf32, #tpu.memory_space<vmem>>, vector<16xf32>,
    %get3A_440 = vector.shape_cast %get3A_439 : vector<16xf32> to vector<16xf32>
    %add3A_441 = arith.addf %add3A_437, %get3A_440 : vector<16xf32>
    %get3A_442 = arith.constant 384 : index
    %get3A_443 = tpu.vector_load %arg18[%get3A_442] {strides = array<i32>} : memref<512xf32, #tpu.memory_space<vmem>>, vector<16xf32>,
    %get3A_444 = vector.shape_cast %get3A_443 : vector<16xf32> to vector<16xf32>
    %add3A_445 = arith.addf %add3A_441, %get3A_444 : vector<16xf32>
    %get3A_446 = arith.constant 384 : index
    %get3A_447 = tpu.vector_load %arg19[%get3A_446] {strides = array<i32>} : memref<512xf32, #tpu.memory_space<vmem>>, vector<16xf32>,
    %get3A_448 = vector.shape_cast %get3A_447 : vector<16xf32> to vector<16xf32>
    %add3A_449 = arith.addf %add3A_445, %get3A_448 : vector<16xf32>
    %get3A_450 = arith.constant 400 : index
    %get3A_451 = tpu.vector_load %arg17[%get3A_450] {strides = array<i32>} : memref<512xf32, #tpu.memory_space<vmem>>, vector<16xf32>,
    %get3A_452 = vector.shape_cast %get3A_451 : vector<16xf32> to vector<16xf32>
    %add3A_453 = arith.addf %add3A_449, %get3A_452 : vector<16xf32>
    %get3A_454 = arith.constant 400 : index
    %get3A_455 = tpu.vector_load %arg18[%get3A_454] {strides = array<i32>} : memref<512xf32, #tpu.memory_space<vmem>>, vector<16xf32>,
    %get3A_456 = vector.shape_cast %get3A_455 : vector<16xf32> to vector<16xf32>
    %add3A_457 = arith.addf %add3A_453, %get3A_456 : vector<16xf32>
    %get3A_458 = arith.constant 400 : index
    %get3A_459 = tpu.vector_load %arg19[%get3A_458] {strides = array<i32>} : memref<512xf32, #tpu.memory_space<vmem>>, vector<16xf32>,
    %get3A_460 = vector.shape_cast %get3A_459 : vector<16xf32> to vector<16xf32>
    %add3A_461 = arith.addf %add3A_457, %get3A_460 : vector<16xf32>
    %get3A_462 = arith.constant 416 : index
    %get3A_463 = tpu.vector_load %arg17[%get3A_462] {strides = array<i32>} : memref<512xf32, #tpu.memory_space<vmem>>, vector<16xf32>,
    %get3A_464 = vector.shape_cast %get3A_463 : vector<16xf32> to vector<16xf32>
    %add3A_465 = arith.addf %add3A_461, %get3A_464 : vector<16xf32>
    %get3A_466 = arith.constant 416 : index
    %get3A_467 = tpu.vector_load %arg18[%get3A_466] {strides = array<i32>} : memref<512xf32, #tpu.memory_space<vmem>>, vector<16xf32>,
    %get3A_468 = vector.shape_cast %get3A_467 : vector<16xf32> to vector<16xf32>
    %add3A_469 = arith.addf %add3A_465, %get3A_468 : vector<16xf32>
    %get3A_470 = arith.constant 416 : index
    %get3A_471 = tpu.vector_load %arg19[%get3A_470] {strides = array<i32>} : memref<512xf32, #tpu.memory_space<vmem>>, vector<16xf32>,
    %get3A_472 = vector.shape_cast %get3A_471 : vector<16xf32> to vector<16xf32>
    %add3A_473 = arith.addf %add3A_469, %get3A_472 : vector<16xf32>
    %get3A_474 = arith.constant 432 : index
    %get3A_475 = tpu.vector_load %arg17[%get3A_474] {strides = array<i32>} : memref<512xf32, #tpu.memory_space<vmem>>, vector<16xf32>,
    %get3A_476 = vector.shape_cast %get3A_475 : vector<16xf32> to vector<16xf32>
    %add3A_477 = arith.addf %add3A_473, %get3A_476 : vector<16xf32>
    %get3A_478 = arith.constant 432 : index
    %get3A_479 = tpu.vector_load %arg18[%get3A_478] {strides = array<i32>} : memref<512xf32, #tpu.memory_space<vmem>>, vector<16xf32>,
    %get3A_480 = vector.shape_cast %get3A_479 : vector<16xf32> to vector<16xf32>
    %add3A_481 = arith.addf %add3A_477, %get3A_480 : vector<16xf32>
    %get3A_482 = arith.constant 432 : index
    %get3A_483 = tpu.vector_load %arg19[%get3A_482] {strides = array<i32>} : memref<512xf32, #tpu.memory_space<vmem>>, vector<16xf32>,
    %get3A_484 = vector.shape_cast %get3A_483 : vector<16xf32> to vector<16xf32>
    %add3A_485 = arith.addf %add3A_481, %get3A_484 : vector<16xf32>
    %get3A_486 = arith.constant 448 : index
    %get3A_487 = tpu.vector_load %arg17[%get3A_486] {strides = array<i32>} : memref<512xf32, #tpu.memory_space<vmem>>, vector<16xf32>,
    %get3A_488 = vector.shape_cast %get3A_487 : vector<16xf32> to vector<16xf32>
    %add3A_489 = arith.addf %add3A_485, %get3A_488 : vector<16xf32>
    %get3A_490 = arith.constant 448 : index
    %get3A_491 = tpu.vector_load %arg18[%get3A_490] {strides = array<i32>} : memref<512xf32, #tpu.memory_space<vmem>>, vector<16xf32>,
    %get3A_492 = vector.shape_cast %get3A_491 : vector<16xf32> to vector<16xf32>
    %add3A_493 = arith.addf %add3A_489, %get3A_492 : vector<16xf32>
    %get3A_494 = arith.constant 448 : index
    %get3A_495 = tpu.vector_load %arg19[%get3A_494] {strides = array<i32>} : memref<512xf32, #tpu.memory_space<vmem>>, vector<16xf32>,
    %get3A_496 = vector.shape_cast %get3A_495 : vector<16xf32> to vector<16xf32>
    %add3A_497 = arith.addf %add3A_493, %get3A_496 : vector<16xf32>
    %get3A_498 = arith.constant 464 : index
    %get3A_499 = tpu.vector_load %arg17[%get3A_498] {strides = array<i32>} : memref<512xf32, #tpu.memory_space<vmem>>, vector<16xf32>,
    %get3A_500 = vector.shape_cast %get3A_499 : vector<16xf32> to vector<16xf32>
    %add3A_501 = arith.addf %add3A_497, %get3A_500 : vector<16xf32>
    %get3A_502 = arith.constant 464 : index
    %get3A_503 = tpu.vector_load %arg18[%get3A_502] {strides = array<i32>} : memref<512xf32, #tpu.memory_space<vmem>>, vector<16xf32>,
    %get3A_504 = vector.shape_cast %get3A_503 : vector<16xf32> to vector<16xf32>
    %add3A_505 = arith.addf %add3A_501, %get3A_504 : vector<16xf32>
    %get3A_506 = arith.constant 464 : index
    %get3A_507 = tpu.vector_load %arg19[%get3A_506] {strides = array<i32>} : memref<512xf32, #tpu.memory_space<vmem>>, vector<16xf32>,
    %get3A_508 = vector.shape_cast %get3A_507 : vector<16xf32> to vector<16xf32>
    %add3A_509 = arith.addf %add3A_505, %get3A_508 : vector<16xf32>
    %get3A_510 = arith.constant 480 : index
    %get3A_511 = tpu.vector_load %arg17[%get3A_510] {strides = array<i32>} : memref<512xf32, #tpu.memory_space<vmem>>, vector<16xf32>,
    %get3A_512 = vector.shape_cast %get3A_511 : vector<16xf32> to vector<16xf32>
    %add3A_513 = arith.addf %add3A_509, %get3A_512 : vector<16xf32>
    %get3A_514 = arith.constant 480 : index
    %get3A_515 = tpu.vector_load %arg18[%get3A_514] {strides = array<i32>} : memref<512xf32, #tpu.memory_space<vmem>>, vector<16xf32>,
    %get3A_516 = vector.shape_cast %get3A_515 : vector<16xf32> to vector<16xf32>
    %add3A_517 = arith.addf %add3A_513, %get3A_516 : vector<16xf32>
    %get3A_518 = arith.constant 480 : index
    %get3A_519 = tpu.vector_load %arg19[%get3A_518] {strides = array<i32>} : memref<512xf32, #tpu.memory_space<vmem>>, vector<16xf32>,
    %get3A_520 = vector.shape_cast %get3A_519 : vector<16xf32> to vector<16xf32>
    %add3A_521 = arith.addf %add3A_517, %get3A_520 : vector<16xf32>
    %get3A_522 = arith.constant 496 : index
    %get3A_523 = tpu.vector_load %arg17[%get3A_522] {strides = array<i32>} : memref<512xf32, #tpu.memory_space<vmem>>, vector<16xf32>,
    %get3A_524 = vector.shape_cast %get3A_523 : vector<16xf32> to vector<16xf32>
    %add3A_525 = arith.addf %add3A_521, %get3A_524 : vector<16xf32>
    %get3A_526 = arith.constant 496 : index
    %get3A_527 = tpu.vector_load %arg18[%get3A_526] {strides = array<i32>} : memref<512xf32, #tpu.memory_space<vmem>>, vector<16xf32>,
    %get3A_528 = vector.shape_cast %get3A_527 : vector<16xf32> to vector<16xf32>
    %add3A_529 = arith.addf %add3A_525, %get3A_528 : vector<16xf32>
    %get3A_530 = arith.constant 496 : index
    %get3A_531 = tpu.vector_load %arg19[%get3A_530] {strides = array<i32>} : memref<512xf32, #tpu.memory_space<vmem>>, vector<16xf32>,
    %get3A_532 = vector.shape_cast %get3A_531 : vector<16xf32> to vector<16xf32>
    %add3A_533 = arith.addf %add3A_529, %get3A_532 : vector<16xf32>
    %swap3A = arith.constant 0 : index
    %swap3A_534 = tpu.vector_load %arg21[%swap3A] {strides = array<i32>} : memref<16xf32, #tpu.memory_space<vmem>>, vector<16xf32>,
    %swap3A_535 = vector.shape_cast %swap3A_534 : vector<16xf32> to vector<16xf32>
    %swap3A_536 = vector.shape_cast %add3A_533 : vector<16xf32> to vector<16xf32>
    tpu.vector_store %arg21[%swap3A], %swap3A_536 {strides = array<i32>} : memref<16xf32, #tpu.memory_space<vmem>>, vector<16xf32>,
    %mul3A_537 = arith.constant 16 : i32
    %mul3A_538 = arith.muli %add3A, %mul3A_537 : i32
    "tpu.region"() ({
      %run_scoped3A = tpu.sem_alloc : memref<!tpu.dma_semaphore, #tpu.memory_space<semaphore_mem>>
      %dma_start3A_539 = tpu.memref_slice %arg10[%mul3A_538] : memref<512xf32, #tpu.memory_space<hbm>> -> memref<16xf32, #tpu.memory_space<hbm>>
      %dma_start3A_540 = tpu.memref_slice %arg10[%mul3A_538] : memref<512xf32, #tpu.memory_space<hbm>> -> memref<16xf32, #tpu.memory_space<hbm>>
      tpu.enqueue_dma source(%arg21 : memref<16xf32, #tpu.memory_space<vmem>>) target(%dma_start3A_540 : memref<16xf32, #tpu.memory_space<hbm>>) target_semaphore(%run_scoped3A : memref<!tpu.dma_semaphore, #tpu.memory_space<semaphore_mem>>)
      %dma_wait3A_541 = tpu.memref_slice %arg10[%mul3A_538] : memref<512xf32, #tpu.memory_space<hbm>> -> memref<16xf32, #tpu.memory_space<hbm>>
      %dma_wait3A_542 = tpu.memref_slice %arg10[%mul3A_538] : memref<512xf32, #tpu.memory_space<hbm>> -> memref<16xf32, #tpu.memory_space<hbm>>
      tpu.wait_dma2 semaphore(%run_scoped3A : memref<!tpu.dma_semaphore, #tpu.memory_space<semaphore_mem>>) src(%arg21 : memref<16xf32, #tpu.memory_space<vmem>>) dst(%dma_wait3A_542 : memref<16xf32, #tpu.memory_space<hbm>>)
      tpu.yield
    }) : () -> ()
    return
  }
}

module attributes {stable_mosaic.version = 14 : i64} {
  func.func @_norms_body(%arg0: i32, %arg1: memref<64x16384xf32, #tpu.memory_space<vmem>>, %arg2: memref<64x16384xf32, #tpu.memory_space<vmem>>, %arg3: memref<16384xf32, #tpu.memory_space<vmem>>, %arg4: memref<16384xf32, #tpu.memory_space<vmem>>) attributes {dimension_semantics = [#tpu.dimension_semantics<arbitrary>], iteration_bounds = array<i64: 62>, scalar_prefetch = 0 : i64, scratch_operands = 0 : i64, tpu.core_type = #tpu.core_type<tc>, window_params = [{transform_indices = @transform_0, window_bounds = array<i64: 64, 16384>}, {transform_indices = @transform_1, window_bounds = array<i64: 64, 16384>}, {transform_indices = @transform_2, window_bounds = array<i64: 16384>}, {transform_indices = @transform_3, window_bounds = array<i64: 16384>}]} {
    %get3A = arith.constant 0 : index
    %get3A_0 = arith.constant 0 : index
    %get3A_1 = vector.load %arg1[%get3A, %get3A_0] : memref<64x16384xf32, #tpu.memory_space<vmem>>, vector<64x16384xf32>
    %get3A_2 = arith.constant 0 : index
    %get3A_3 = arith.constant 0 : index
    %get3A_4 = vector.load %arg2[%get3A_2, %get3A_3] : memref<64x16384xf32, #tpu.memory_space<vmem>>, vector<64x16384xf32>
    %mul3A = arith.mulf %get3A_1, %get3A_1 : vector<64x16384xf32>
    %reduce_sum3A = arith.constant dense<0.000000e+00> : vector<16384xf32>
    %reduce_sum3A_5 = vector.multi_reduction <add>, %mul3A, %reduce_sum3A [0] : vector<64x16384xf32> to vector<16384xf32>
    %swap3A = arith.constant 0 : index
    %swap3A_6 = vector.load %arg3[%swap3A] : memref<16384xf32, #tpu.memory_space<vmem>>, vector<16384xf32>
    tpu.vector_store %arg3[%swap3A], %reduce_sum3A_5 {strides = array<i32>} : memref<16384xf32, #tpu.memory_space<vmem>>, vector<16384xf32>,
    %mul3A_7 = arith.mulf %get3A_4, %get3A_4 : vector<64x16384xf32>
    %reduce_sum3A_8 = arith.constant dense<0.000000e+00> : vector<16384xf32>
    %reduce_sum3A_9 = vector.multi_reduction <add>, %mul3A_7, %reduce_sum3A_8 [0] : vector<64x16384xf32> to vector<16384xf32>
    %swap3A_10 = arith.constant 0 : index
    %swap3A_11 = vector.load %arg4[%swap3A_10] : memref<16384xf32, #tpu.memory_space<vmem>>, vector<16384xf32>
    tpu.vector_store %arg4[%swap3A_10], %reduce_sum3A_9 {strides = array<i32>} : memref<16384xf32, #tpu.memory_space<vmem>>, vector<16384xf32>,
    return
  }
  func.func @transform_0(%arg0: i32) -> (i32, i32) {
    %c0_i32 = arith.constant 0 : i32
    %c0_i32_0 = arith.constant 0 : i32
    return %c0_i32, %arg0 : i32, i32
  }
  func.func @transform_1(%arg0: i32) -> (i32, i32) {
    %c0_i32 = arith.constant 0 : i32
    %c0_i32_0 = arith.constant 0 : i32
    return %c0_i32, %arg0 : i32, i32
  }
  func.func @transform_2(%arg0: i32) -> i32 {
    %c0_i32 = arith.constant 0 : i32
    return %arg0 : i32
  }
  func.func @transform_3(%arg0: i32) -> i32 {
    %c0_i32 = arith.constant 0 : i32
    return %arg0 : i32
  }
}

module attributes {stable_mosaic.version = 14 : i64} {
  func.func @_tc_body(%arg0: memref<16384x128xf32, #tpu.memory_space<vmem>>, %arg1: memref<4x128xf32, #tpu.memory_space<vmem>>, %arg2: memref<1x1xf32, #tpu.memory_space<smem>>) attributes {dimension_semantics = [], scalar_prefetch = 0 : i64, scratch_operands = 0 : i64, tpu.core_type = #tpu.core_type<tc>} {
    %get3A = arith.constant 0 : index
    %get3A_0 = arith.constant 0 : index
    %get3A_1 = vector.load %arg0[%get3A, %get3A_0] : memref<16384x128xf32, #tpu.memory_space<vmem>>, vector<16384x16xf32>
    %reduce_sum3A = arith.constant dense<0.000000e+00> : vector<16384xf32>
    %reduce_sum3A_2 = vector.multi_reduction <add>, %get3A_1, %reduce_sum3A [1] : vector<16384x16xf32> to vector<16384xf32>
    %broadcast_in_dim3A = vector.shape_cast %reduce_sum3A_2 : vector<16384xf32> to vector<16384x1xf32>
    %max3A = arith.constant 0.000000e+00 : f32
    %max3A_3 = vector.broadcast %max3A : f32 to vector<16384x1xf32>
    %max3A_4 = arith.maximumf %broadcast_in_dim3A, %max3A_3 : vector<16384x1xf32>
    %abs3A = math.absf %broadcast_in_dim3A : vector<16384x1xf32>
    %neg3A = arith.constant 0.000000e+00 : f32
    %neg3A_5 = vector.broadcast %neg3A : f32 to vector<16384x1xf32>
    %neg3A_6 = arith.subf %neg3A_5, %abs3A : vector<16384x1xf32>
    %exp3A = math.exp %neg3A_6 : vector<16384x1xf32>
    %log1p3A = math.log1p %exp3A : vector<16384x1xf32>
    %add3A = arith.addf %max3A_4, %log1p3A : vector<16384x1xf32>
    %get3A_7 = arith.constant 0 : index
    %get3A_8 = arith.constant 0 : index
    %get3A_9 = vector.load %arg1[%get3A_7, %get3A_8] : memref<4x128xf32, #tpu.memory_space<vmem>>, vector<4x128xf32>
    %reduce_sum3A_10 = vector.shape_cast %get3A_9 : vector<4x128xf32> to vector<1x4x128xf32>
    %reduce_sum3A_11 = arith.constant dense<0.000000e+00> : vector<1xf32>
    %reduce_sum3A_12 = vector.multi_reduction <add>, %reduce_sum3A_10, %reduce_sum3A_11 [1, 2] : vector<1x4x128xf32> to vector<1xf32>
    %reduce_sum3A_13 = vector.shape_cast %reduce_sum3A_12 : vector<1xf32> to vector<1x1x1xf32>
    %reduce_sum3A_14 = vector.extract %reduce_sum3A_13[0, 0, 0] : f32 from vector<1x1x1xf32>
    %reduce_sum3A_15 = vector.shape_cast %add3A : vector<16384x1xf32> to vector<1x16384x1xf32>
    %reduce_sum3A_16 = arith.constant dense<0.000000e+00> : vector<1xf32>
    %reduce_sum3A_17 = vector.multi_reduction <add>, %reduce_sum3A_15, %reduce_sum3A_16 [1, 2] : vector<1x16384x1xf32> to vector<1xf32>
    %reduce_sum3A_18 = vector.shape_cast %reduce_sum3A_17 : vector<1xf32> to vector<1x1x1xf32>
    %reduce_sum3A_19 = vector.extract %reduce_sum3A_18[0, 0, 0] : f32 from vector<1x1x1xf32>
    %div3A = arith.constant 1.638400e+04 : f32
    %div3A_20 = arith.divf %reduce_sum3A_19, %div3A : f32
    %mul3A = arith.constant 3.05175774E-9 : f32
    %mul3A_21 = arith.mulf %mul3A, %reduce_sum3A_14 : f32
    %add3A_22 = arith.addf %div3A_20, %mul3A_21 : f32
    %swap3A = arith.constant 0 : index
    %swap3A_23 = arith.constant 0 : index
    %swap3A_24 = memref.load %arg2[%swap3A, %swap3A_23] : memref<1x1xf32, #tpu.memory_space<smem>>
    memref.store %add3A_22, %arg2[%swap3A, %swap3A_23] : memref<1x1xf32, #tpu.memory_space<smem>>
    return
  }
}

</mosaic_0001>

<sc_bundles>
// kernel: kernel.5.cloned.1.call-start
scs
__scs_entry_jumppad:
0x0: {  	(pc) =	sbr.rel $0x88, $3  }
0x1: {  	(tag) =	ssettag $0x0;
	lr =	simm.s32 $0x1  }
0x2: {  	[smem:$0x3F9A] =	sst lr;
	_ =	strace $0xD0000000  }
0x3: {  	_ = 	snop  }
0x4: {  	_ = 	snop  }
0x5: {  	_ = 	snop  }
0x6: {  	_ = 	snop  }
0x7: {  	_ = 	snop  }
__scs_overlays_trampoline_lowered:
0x8: {  	[smem:$0x3FA9] =	sst s0  }
0x9: {  	[smem:$0x3FAA] =	sst s1  }
0xa: {  	[smem:$0x3FAB] =	sst s2  }
0xb: {  	[smem:$0x3FAC] =	sst s3  }
0xc: {  	[smem:$0x3FAD] =	sst s4  }
0xd: {  	[smem:$0x3FAE] =	sst s5  }
0xe: {  	[smem:$0x3FAF] =	sst s6  }
0xf: {  	[smem:$0x3FB0] =	sst s7  }
0x10: {  	[smem:$0x3FB1] =	sst s8  }
0x11: {  	[smem:$0x3FB2] =	sst s9;
	s0 =	simm.s32 @!p0 $0x0  }
0x12: {  	s1 =	sld [smem:$0x3F98];
	s0 =	simm.s32 @p0 $0x1  }
0x13: {  	[smem:$0x3FB3] =	sst s0;
	s0 =	simm.s32 @!p1 $0x0  }
0x14: {  	s2 =	sld [smem:$0x3F97];
	s0 =	simm.s32 @p1 $0x1  }
0x15: {  	[smem:$0x3FB4] =	sst s0;
	s0 =	simm.s32 @!p2 $0x0  }
0x16: {  	s3 =	sld [smem:$0x3FDB];
	s0 =	simm.s32 @p2 $0x1  }
0x17: {  	s4 =	simm.s32 $0x1BF5;
	[smem:$0x3FB6] =	sst s0  }
0x18: {  	s0 =	sld [smem:$0x3F99];
	_ =	swait.ge [sflag:s4], $0x0  }
0x19: {  	s7 =	sld [smem:$0x3F9A]  }
0x1a: {  	s8 =	sadd.s32 $0xFFFFE003, lr  }
0x1b: {  	s9 =	sadd.s32 $0xFFFFFEF7, lr;
	s5 =	simm.s32 $0xFFFFFFFF;
	p2 =	slt.u32 s8, $0xFFFFF086  }
0x1c: {  	p1 =	slt.u32 s9, $0xF7A;
	s5 =	simm.s32 @!p2 $0x0  }
0x1d: {  	s5 =	simm.s32 @p1 $0x1;
	p0 =	seq.s32 s7, s2  }
0x1e: {  	s7 =	smul.u32 @!p0 $0xF7A, s2;
	p2 =	seq.s32 @!p0 s5, $0x0  }
0x1f: {  	s9 =	smul.u32 $0xF7A, s1;
	s8 =	simm.s32 @!p0 $0x1BF5;
	p2 =	por !p2, p0  }
0x20: {  	[sflag:s8] =	ssyncset.s32 @!p0 $0xFFFFF086;
	s6 =	sadd.s32 @!p0 s3, s7;
	s7 =	simm.s32 @!p0 $0x108  }
0x21: {  	s3 =	sadd.s32 s3, s9;
	s6 =	sadd.s32 @!p0 $0x88, s6;
	s7 =	simm.s32 @p2 $0x1082  }
0x22: {  	[simem:s7], [sflag:s8] =	dma.local @!p0 [hbm:s6], $0xF7A  }
0x23: {  	s9 =	sor.u32 $0xD0000000, s2;
	s6 =	simm.s32 $0x108;
	_ =	swait.ge @!p0 [sflag:s8], $0x0  }
0x24: {  	s3 =	sadd.s32 $0x88, s3;
	s6 =	simm.s32 @!p1 $0x1082;
	[sflag:s4] =	ssyncset.s32 $0xFFFFF086  }
0x25: {  	[simem:s6], [sflag:s4] =	dma.local [hbm:s3], $0xF7A  }
0x26: {  	[smem:$0x3F9A] =	sst s1;
	(tag) =	ssettag s2;
	_ =	strace s9  }
0x27: {  	s1 =	sld [smem:$0x3FAA]  }
0x28: {  	s2 =	sld [smem:$0x3FAB]  }
0x29: {  	s4 =	sld [smem:$0x3FAD]  }
0x2a: {  	p0 =	seq.s32 s5, $0x0;
	s5 =	sld [smem:$0x3FAE]  }
0x2b: {  	s6 =	sld [smem:$0x3FAF]  }
0x2c: {  	s7 =	sld [smem:$0x3FB0]  }
0x2d: {  	s3 =	simm.s32 $0x108;
	s8 =	sld [smem:$0x3FB1]  }
0x2e: {  	s3 =	simm.s32 @!p0 $0x1082;
	s9 =	sld [smem:$0x3FB2]  }
0x2f: {  	lr =	sadd.s32 s0, s3;
	s0 =	sld [smem:$0x3FA9]  }
0x30: {  	s3 =	sld [smem:$0x3FAC]  }
0x31: {  	[smem:$0x3FB5] =	sst s10  }
0x32: {  	s10 =	sld [smem:$0x3FB3];
	_ =	sdelay $0x3  }
0x33: {  	p0 =	seq.s32 s10, $0x1;
	s10 =	sld [smem:$0x3FB5];
	_ =	sdelay $0x3  }
0x34: {  	[smem:$0x3FB5] =	sst s10  }
0x35: {  	s10 =	sld [smem:$0x3FB4];
	_ =	sdelay $0x3  }
0x36: {  	p1 =	seq.s32 s10, $0x1;
	s10 =	sld [smem:$0x3FB5];
	_ =	sdelay $0x3  }
0x37: {  	[smem:$0x3FB5] =	sst s10  }
0x38: {  	s10 =	sld [smem:$0x3FB6]  }
0x39: {  	_ = 	snop;
	(pc) =	sbr.ind lr, $3  }
0x3a: {  	_ = 	snop  }
0x3b: {  	_ = 	snop  }
0x3c: {  	p2 =	seq.s32 s10, $0x1;
	s10 =	sld [smem:$0x3FB5]  }
0x3d: {  	_ =	shalt  }
0x3e: {  	_ =	shalt  }
0x3f: {  	_ =	shalt  }
0x40: {  	_ =	shalt  }
0x41: {  	_ =	shalt  }
0x42: {  	_ =	shalt  }
0x43: {  	_ =	shalt  }
0x44: {  	_ =	shalt  }
0x45: {  	_ =	shalt  }
0x46: {  	_ =	shalt  }
0x47: {  	_ =	shalt  }
0x48: {  	_ =	shalt  }
0x49: {  	_ =	shalt  }
0x4a: {  	_ =	shalt  }
0x4b: {  	_ =	shalt  }
0x4c: {  	_ =	shalt  }
0x4d: {  	_ =	shalt  }
0x4e: {  	_ =	shalt  }
0x4f: {  	_ =	shalt  }
0x50: {  	_ =	shalt  }
0x51: {  	_ =	shalt  }
0x52: {  	_ =	shalt  }
0x53: {  	_ =	shalt  }
0x54: {  	_ =	shalt  }
0x55: {  	_ =	shalt  }
0x56: {  	_ =	shalt  }
0x57: {  	_ =	shalt  }
0x58: {  	_ =	shalt  }
0x59: {  	_ =	shalt  }
0x5a: {  	_ =	shalt  }
0x5b: {  	_ =	shalt  }
0x5c: {  	_ =	shalt  }
0x5d: {  	_ =	shalt  }
0x5e: {  	_ =	shalt  }
0x5f: {  	_ =	shalt  }
0x60: {  	_ =	shalt  }
0x61: {  	_ =	shalt  }
0x62: {  	_ =	shalt  }
0x63: {  	_ =	shalt  }
0x64: {  	_ =	shalt  }
0x65: {  	_ =	shalt  }
0x66: {  	_ =	shalt  }
0x67: {  	_ =	shalt  }
0x68: {  	_ =	shalt  }
0x69: {  	_ =	shalt  }
0x6a: {  	_ =	shalt  }
0x6b: {  	_ =	shalt  }
0x6c: {  	_ =	shalt  }
0x6d: {  	_ =	shalt  }
0x6e: {  	_ =	shalt  }
0x6f: {  	_ =	shalt  }
0x70: {  	_ =	shalt  }
0x71: {  	_ =	shalt  }
0x72: {  	_ =	shalt  }
0x73: {  	_ =	shalt  }
0x74: {  	_ =	shalt  }
0x75: {  	_ =	shalt  }
0x76: {  	_ =	shalt  }
0x77: {  	_ =	shalt  }
0x78: {  	_ =	shalt  }
0x79: {  	_ =	shalt  }
0x7a: {  	_ =	shalt  }
0x7b: {  	_ =	shalt  }
0x7c: {  	_ =	shalt  }
0x7d: {  	_ =	shalt  }
0x7e: {  	_ =	shalt  }
0x7f: {  	_ =	shalt  }
0x80: {  	_ =	shalt  }
0x81: {  	_ =	shalt  }
0x82: {  	_ =	shalt  }
0x83: {  	_ =	shalt  }
0x84: {  	_ =	shalt  }
0x85: {  	_ =	shalt  }
0x86: {  	_ =	shalt  }
0x87: {  	_ =	shalt  }
.Lfunc_end0:
.L_simem_size_0:
called_computation_lowered:
.L_overlay_start_0:
0x88: {  	s2 =	sld [smem:$0x3FD9]  }
0x89: {  	s3 =	sld [smem:$0x3FFE];
	_ =	sdelay $0x1  }
0x8a: {  	s1 =	srdreg.scid  }
0x8b: {  	s0 =	sand.u32 $0x1, s1  }
0x8c: {  	s17 =	sshll.u32 s0, $0xA;
	s2 =	sadd.s32 s3, s2  }
0x8d: {  	s2 =	sadd.s32 s2, s17  }
0x8e: {  	[smem:$0x3FC1] =	sst s2  }
0x8f: {  	_ = 	snop  }
0x90: {  	s2 =	sld [smem:$0x3FC7]  }
0x91: {  	s18 =	sld [smem:$0x3FC6]  }
0x92: {  	s4 =	sld [smem:$0x3FC5];
	(tm) =	ssettm $0x1  }
0x93: {  	s5 =	sld [smem:$0x3FFB];
	_ =	sdelay $0x3  }
0x94: {  	_ =	strace s5  }
0x95: {  	s5 =	sld [smem:$0x3FFC];
	_ =	sdelay $0x3  }
0x96: {  	_ =	strace s5  }
0x97: {  	s5 =	sld [smem:$0x3FFD];
	_ =	sdelay $0x3  }
0x98: {  	_ =	strace s5  }
0x99: {  	_ =	strace $0x8FFFFFFF  }
0x9a: {  	s19 =	sld [smem:$0x3FDB];
	_ =	sdelay $0x1  }
0x9b: {  	s6 =	simm.s32 $_scs_section_size  }
0x9c: {  	s7 =	simm.s32 $_size__tile_overlayer_lowered;
	s8 =	simm.s32 $_tile_overlayer_lowered  }
0x9d: {  	s22 =	simm.s32 $0x1BFF;
	s21 =	sshll.u32 s8, $0x1;
	s5 =	sadd.s32 s6, s19  }
0x9e: {  	s9 =	simm.s32 $0x0;
	s20 =	sshll.u32 s7, $0x1;
	s7 =	sadd.s32 s21, s5  }
0x9f: {  	[timem:s9], [sflag:s22] =	dma.local [hbm:s7], s20  }
0xa0: {  	_ =	swait.ge [sflag:s22], s20  }
0xa1: {  	s6 =	ssub.s32 $0x0, s20;
	[sflag:s22] =	ssyncset.done $0x0  }
0xa2: {  	[sflag:s22] =	ssyncadd.s32 s6;
	_ =	sdelay $0x1  }
0xa3: {  	s23 =	simm.s32 $0x1B8B  }
0xa4: {  	_ =	swait.ge [sflag:s23], $0x1  }
0xa5: {  	[sflag:s23] =	ssyncset.done $0x0  }
0xa6: {  	s25 =	simm.s32 $0x1B8E;
	s24 =	sld [smem:$0x3FFE];
	[sflag:s23] =	ssyncadd.s32 $0xFFFFFFFF  }
0xa7: {  	s26 =	simm.s32 $execute0_lowered;
	[smem:$0x3FD2] =	sst s25  }
0xa8: {  	s7 =	sshll.u32 s26, $0x1;
	_ =	strace $0x80000046;
	[dreg:$0x1] =	wrdreg $0xFFFFFFFF  }
0xa9: {  	s28 =	simm.s32 $_size_execute0_lowered;
	s5 =	sadd.s32 s5, s7;
	[dreg:$0x0] =	wrdreg $0x0  }
0xaa: {  	s7 =	sshll.u32 s28, $0x1;
	[dreg:$0x2] =	wrdreg s5  }
0xab: {  	[dreg:$0x3] =	wrdreg s7  }
0xac: {  	[dreg:$0x4] =	wrdreg $0xC0  }
0xad: {  	_ =	task [dreg:s9], $0x5FFFF  }
0xae: {  	[dreg:$0x1] =	wrdreg $0xFFFFFFFF  }
0xaf: {  	[dreg:$0x0] =	wrdreg $0x60  }
0xb0: {  	[dreg:$0x2] =	wrdreg s24  }
0xb1: {  	[dreg:$0x3] =	wrdreg s2  }
0xb2: {  	[dreg:$0x4] =	wrdreg s18  }
0xb3: {  	[dreg:$0x5] =	wrdreg s4  }
0xb4: {  	[dreg:$0x6] =	wrdreg $0x9  }
0xb5: {  	_ =	task.clear_ibuf [dreg:s9], $0x7FFFF;
	_ =	strace $0x90000046  }
0xb6: {  	s29 =	simm.s32 $0x9;
	_ =	strace $0x80000048  }
0xb7: {  	_ =	swait.ge [sflag:s29], $0x1  }
0xb8: {  	[sflag:s29] =	ssyncadd.s32 $0xFFFFFFFF  }
0xb9: {  	_ =	strace $0x90000048  }
0xba: {  	_ =	sfence  }
0xbb: {  	s30 =	sld [smem:$0x0];
	_ =	sdelay $0x2  }
0xbc: {  	s31 =	sshll.u32 s1, $0xD;
	s1 =	sshrl.u32 s1, $0x2  }
0xbd: {  	s3 =	sand.u32 $0x4000, s31;
	s1 =	sadd.s32 s1, s30  }
0xbe: {  	s0 =	sor.u32 s3, s0;
	s1 =	sshll.u32 s1, $0x11  }
0xbf: {  	s0 =	sor.u32 s1, s0  }
0xc0: {  	s0 =	sadd.s32 $0x8F2B, s0  }
0xc1: {  	[sflag:s0] =	ssyncadd.remote.s32 $0x1  }
0xc2: {  	_ =	sfence.sel $0xFFFF  }
0xc3: {  	[dreg:$0x0] =	wrdreg $0xFFFFFFFF;
	(pc) =	sbr.abs _section_cstart, $3  }
0xc4: {  	[dreg:$0x1] =	wrdreg $0xFFFFFFFF  }
0xc5: {  	_ =	task.clear_ibuf [dreg:s9], $0x2FFFF;
	_ =	strace $0x9FFFFFFF  }
0xc6: {  	(tm) =	ssettm $0x7FFFFFFF  }
0xc7: {  	_ =	shalt  }
tec
execute0_lowered:
.L_overlay_start_1:
0x0: {  	(tag) =	ssettag $0x1  }
0x1: {  	s8 =	rddreg [dreg:$0x0]  }
0x2: {  	s7 =	rddreg [dreg:$0x1]  }
0x3: {  	s5 =	rddreg [dreg:$0x2]  }
0x4: {  	s0 =	rddreg [dreg:$0x3];
	s1 =	simm.s32 $0x0  }
0x5: {  	s2 =	simm.s32 $0x600;
	[smem:$0x7FF] =	sst s1  }
0x6: {  	s13 =	simm.s32 $0x4600;
	_ =	strace $0x80000047;
	[dreg:$0x5] =	wrdreg s2  }
0x7: {  	s14 =	simm.s32 $0x8600;
	[dreg:$0x6] =	wrdreg s13  }
0x8: {  	s15 =	simm.s32 $0xA00;
	[dreg:$0x7] =	wrdreg s14  }
0x9: {  	s16 =	simm.s32 $0x4A00;
	[dreg:$0x8] =	wrdreg s15  }
0xa: {  	s17 =	simm.s32 $0x8A00;
	[dreg:$0x9] =	wrdreg s16  }
0xb: {  	s18 =	simm.s32 $0xE00;
	[dreg:$0xa] =	wrdreg s17  }
0xc: {  	s19 =	simm.s32 $0x4E00;
	[dreg:$0xb] =	wrdreg s18  }
0xd: {  	s20 =	simm.s32 $0x8E00;
	[dreg:$0xc] =	wrdreg s19  }
0xe: {  	s21 =	simm.s32 $0x1200;
	[dreg:$0xd] =	wrdreg s20  }
0xf: {  	s22 =	simm.s32 $0x5200;
	[dreg:$0xe] =	wrdreg s21  }
0x10: {  	s23 =	simm.s32 $0x9200;
	[dreg:$0xf] =	wrdreg s22  }
0x11: {  	s3 =	simm.s32 $0x1600;
	[dreg:$0x10] =	wrdreg s23  }
0x12: {  	s4 =	simm.s32 $0x5600;
	[dreg:$0x11] =	wrdreg s3  }
0x13: {  	s6 =	simm.s32 $0x9600;
	[dreg:$0x12] =	wrdreg s4  }
0x14: {  	s9 =	simm.s32 $0x1A00;
	[dreg:$0x13] =	wrdreg s6  }
0x15: {  	s24 =	simm.s32 $0x5A00;
	[dreg:$0x14] =	wrdreg s9  }
0x16: {  	s25 =	simm.s32 $0x9A00;
	[dreg:$0x15] =	wrdreg s24  }
0x17: {  	s26 =	simm.s32 $0x1E00;
	[dreg:$0x16] =	wrdreg s25  }
0x18: {  	s11 =	stileid.u32;
	s28 =	simm.s32 $0x5E00;
	[dreg:$0x17] =	wrdreg s26  }
0x19: {  	s30 =	simm.s32 $0x9E00;
	s10 =	sshll.u32 s11, $0xE;
	[dreg:$0x18] =	wrdreg s28  }
0x1a: {  	s12 =	sadd.s32 s10, s8;
	[dreg:$0x19] =	wrdreg s30;
	s10 =	simm.s32 $0x2200  }
0x1b: {  	s15 =	simm.s32 $0x6200;
	[dreg:$0x1a] =	wrdreg s10  }
0x1c: {  	s16 =	simm.s32 $0xA200;
	[dreg:$0x1b] =	wrdreg s15  }
0x1d: {  	s18 =	simm.s32 $0x2600;
	[dreg:$0x1c] =	wrdreg s16  }
0x1e: {  	s19 =	simm.s32 $0x6600;
	[dreg:$0x1d] =	wrdreg s18  }
0x1f: {  	s21 =	simm.s32 $0xA600;
	[dreg:$0x1e] =	wrdreg s19  }
0x20: {  	s22 =	simm.s32 $0x2A00;
	[dreg:$0x1f] =	wrdreg s21  }
0x21: {  	s23 =	simm.s32 $0x6A00;
	[smem:$0x7E8] =	sst s22  }
0x22: {  	s25 =	simm.s32 $0xAA00;
	[smem:$0x7E9] =	sst s23  }
0x23: {  	s26 =	simm.s32 $0x2E00;
	[smem:$0x7EA] =	sst s25  }
0x24: {  	s29 =	srdreg.scid;
	s28 =	simm.s32 $0x6E00;
	[smem:$0x7EB] =	sst s26  }
0x25: {  	s13 =	sand.u32 $0x1, s29;
	s29 =	simm.s32 $0xAE00;
	[smem:$0x7EC] =	sst s28  }
0x26: {  	s30 =	simm.s32 $0x3200;
	[smem:$0x7ED] =	sst s29  }
0x27: {  	s31 =	simm.s32 $0xCB00;
	[smem:$0x7EE] =	sst s30;
	s15 =	simm.s32 $0xB200  }
0x28: {  	s2 =	sadd.s32 $0x1200, s8;
	s16 =	simm.s32 $0x3600;
	[smem:$0x7F0] =	sst s15  }
0x29: {  	s3 =	sadd.s32 $0xF43600, s8;
	s18 =	simm.s32 $0xB600;
	[smem:$0x7F1] =	sst s16  }
0x2a: {  	s4 =	sadd.s32 $0x1E85A00, s8;
	s19 =	simm.s32 $0x3A00;
	[smem:$0x7F3] =	sst s18  }
0x2b: {  	s6 =	sadd.s32 $0x1EA4400, s8;
	s21 =	simm.s32 $0xBA00;
	[smem:$0x7F4] =	sst s19  }
0x2c: {  	s14 =	sshll.u32 s11, $0x1;
	s22 =	simm.s32 $0x3E00;
	[smem:$0x7F6] =	sst s21  }
0x2d: {  	s10 =	sor.u32 s13, s14;
	s23 =	simm.s32 $0x7E00;
	[smem:$0x7F7] =	sst s22  }
0x2e: {  	s20 =	ssub.s32 $0x2, s13;
	s26 =	simm.s32 $0x4200;
	[smem:$0x7F8] =	sst s23  }
0x2f: {  	s28 =	simm.s32 $0x8200;
	s29 =	simm.s32 $0xC200;
	[smem:$0x7FA] =	sst s26  }
0x30: {  	s30 =	simm.s32 $0xCC00;
	s17 =	sshll.u32 s10, $0x1;
	[smem:$0x7FB] =	sst s28  }
0x31: {  	s14 =	sshrl.u32 s20, $0x1;
	s24 =	sshll.u32 s10, $0x6;
	[smem:$0x7FC] =	sst s29  }
0x32: {  	s15 =	simm.s32 $0x400;
	s16 =	simm.s32 $0x80;
	[smem:$0x7FD] =	sst s30  }
0x33: {  	s18 =	simm.s32 $0xC980;
	s19 =	simm.s32 $0x580;
	s21 =	simm.s32 $0x1  }
0x34: {  	s22 =	simm.s32 $0x2;
	s23 =	simm.s32 $0xD400;
	s11 =	sadd.s32 s17, s8  }
0x35: {  	s14 =	ssub.s32 s20, s14;
	s7 =	sadd.s32 s7, s24;
	s8 =	sadd.s32 s5, s24  }
0x36: {  	s9 =	sadd.s32 s0, s24;
	s5 =	simm.s32 $0x7200;
	s17 =	simm.s32 $0x7600  }
0x37: {  	s20 =	simm.s32 $0x7A00;
	s24 =	simm.s32 $0xBE00;
	[smem:$0x7EF] =	sst s5  }
0x38: {  	s0 =	simm.s32 $0x180;
	s10 =	sadd.s32 $0x1F02E00, s11;
	[smem:$0x7F2] =	sst s17  }
0x39: {  	s11 =	smax.u32 s14, $0x1;
	s14 =	sshll.u32 s13, $0xD;
	[smem:$0x7F5] =	sst s20  }
0x3a: {  	s13 =	simm.s32 $0x3;
	[smem:$0x7F9] =	sst s24;
	s17 =	simm.s32 $0x380  }
0x3b: {  	s20 =	simm.s32 $0xCB80;
	s24 =	simm.s32 $0x0;
	s5 =	sadd.s32 s14, s12  }
0x3c: {  	s14 =	simm.s32 $0x200;
	s25 =	sadd.s32 $0x1EC2E00, s5;
	s5 =	simm.s32 $0xC780  }
.LBB2_1:
0x3d: {  	[tilespmem:s1], [sflag:$0x3] =	stream.linear.gather [hbm4b:s7+s1], $0x200, $0x38;
	[tilespmem:$0xD480] =	vst v63  }
0x3e: {  	_ =	swait.ge [sflag:s13], $0x200  }
0x3f: {  	[sflag:s13] =	ssyncset.done $0x0  }
0x40: {  	[sflag:s13] =	ssyncadd.s32 $0xFFFFFE00  }
0x41: {  	[tilespmem:s14], [sflag:$0x3] =	stream.linear.gather [hbm4b:s8+s1], $0x200, $0x38;
	[tilespmem:$0xD480] =	vst v63  }
0x42: {  	_ =	swait.ge [sflag:s13], $0x200  }
0x43: {  	[sflag:s13] =	ssyncset.done $0x0  }
0x44: {  	[sflag:s13] =	ssyncadd.s32 $0xFFFFFE00  }
0x45: {  	[tilespmem:s15], [sflag:$0x3] =	stream.linear.gather [hbm4b:s9+s1], $0x200, $0x38;
	[tilespmem:$0xD480] =	vst v63  }
0x46: {  	_ =	swait.ge [sflag:s13], $0x200  }
0x47: {  	[sflag:s13] =	ssyncset.done $0x0  }
0x48: {  	s12 =	simm.s32 $0xC600;
	[sflag:s13] =	ssyncadd.s32 $0xFFFFFE00  }
0x49: {  	[tilespmem:s12], [sflag:$0x2] =	stream.indirect.gather [hbm4b:s4+s16], $0x1, s1, s16, $0xb8;
	[tilespmem:$0xD480] =	vst v63  }
0x4a: {  	s26 =	simm.s32 $0xC800  }
0x4b: {  	[tilespmem:s26], [sflag:$0x2] =	stream.indirect.gather [hbm4b:s6+s16], $0x1, s14, s16, $0xb8;
	[tilespmem:$0xD480] =	vst v63  }
0x4c: {  	s28 =	simm.s32 $0xCA00  }
0x4d: {  	[tilespmem:s28], [sflag:$0x2] =	stream.indirect.gather [hbm4b:s6+s16], $0x1, s15, s16, $0xb8;
	[tilespmem:$0xD480] =	vst v63  }
0x4e: {  	s29 =	simm.s32 $0xC680  }
0x4f: {  	[tilespmem:s29], [sflag:$0x2] =	stream.indirect.gather [hbm4b:s4+s16], $0x1, s16, s16, $0xb8;
	[tilespmem:$0xD480] =	vst v63  }
0x50: {  	s30 =	simm.s32 $0x280;
	s26 =	simm.s32 $0xC880  }
0x51: {  	[tilespmem:s26], [sflag:$0x2] =	stream.indirect.gather [hbm4b:s6+s16], $0x1, s30, s16, $0xb8;
	[tilespmem:$0xD480] =	vst v63  }
0x52: {  	s28 =	simm.s32 $0xCA80;
	s26 =	simm.s32 $0x480  }
0x53: {  	[tilespmem:s28], [sflag:$0x2] =	stream.indirect.gather [hbm4b:s6+s16], $0x1, s26, s16, $0xb8;
	[tilespmem:$0xD480] =	vst v63  }
0x54: {  	s29 =	simm.s32 $0x100;
	s30 =	simm.s32 $0xC700  }
0x55: {  	[tilespmem:s30], [sflag:$0x2] =	stream.indirect.gather [hbm4b:s4+s16], $0x1, s29, s16, $0xb8;
	[tilespmem:$0xD480] =	vst v63  }
0x56: {  	s28 =	simm.s32 $0x300;
	s29 =	simm.s32 $0xC900  }
0x57: {  	[tilespmem:s29], [sflag:$0x2] =	stream.indirect.gather [hbm4b:s6+s16], $0x1, s28, s16, $0xb8;
	[tilespmem:$0xD480] =	vst v63  }
0x58: {  	s30 =	simm.s32 $0x500  }
0x59: {  	[tilespmem:s31], [sflag:$0x2] =	stream.indirect.gather [hbm4b:s6+s16], $0x1, s30, s16, $0xb8;
	[tilespmem:$0xD480] =	vst v63  }
0x5a: {  	_ = 	snop  }
0x5b: {  	[tilespmem:s5], [sflag:$0x2] =	stream.indirect.gather [hbm4b:s4+s16], $0x1, s0, s16, $0xb8;
	[tilespmem:$0xD480] =	vst v63  }
0x5c: {  	_ = 	snop  }
0x5d: {  	[tilespmem:s18], [sflag:$0x2] =	stream.indirect.gather [hbm4b:s6+s16], $0x1, s17, s16, $0xb8;
	[tilespmem:$0xD480] =	vst v63  }
0x5e: {  	s12 =	smov.u32 s25;
	s26 =	simm.s32 $0x0  }
0x5f: {  	[tilespmem:s20], [sflag:$0x2] =	stream.indirect.gather [hbm4b:s6+s16], $0x1, s19, s16, $0xb8;
	[tilespmem:$0xD480] =	vst v63  }
.LBB2_2:
0x60: {  	s28 =	sshra.s32 s26, $0x2  }
0x61: {  	v0 =	vld [tilespmem:s28+$0x0];
	_ =	sdelay $0x3  }
0x62: {  	v1 =	vld [tilespmem:s28+$0x200]  }
0x63: {  	v2 =	vshrl.u32 v0, $0x3  }
0x64: {  	v5 =	vshll.u32 v2, $0x7  }
0x65: {  	(v2sf) =	vpush v5, $0x0  }
0x66: {  	v26 =	vld [tilespmem:s28+$0x400]  }
0x67: {  	v3 =	vshrl.u32 v1, $0x3  }
0x68: {  	v4 =	vshll.u32 v3, $0x7  }
0x69: {  	(v2sf) =	vpush v4, $0x0;
	_ =	sdelay $0x1  }
0x6a: {  	v27 =	vshrl.u32 v26, $0x3  }
0x6b: {  	v3 =	vshll.u32 v27, $0x7  }
0x6c: {  	(v2sf) =	vpush v3, $0x0;
	_ =	sdelay $0x3  }
0x6d: {  	(v2sf) =	vpush v5, $0x1;
	_ =	sdelay $0x2  }
0x6e: {  	s30 =	spop (v2sf)  }
0x6f: {  	(v2sf) =	vpush v4, $0x1;
	s28 =	sand.u32 $0x1FFFFF80, s30  }
0x70: {  	s29 =	rddreg [dreg:$0x5];
	s28 =	sadd.s32 s2, s28  }
0x71: {  	[tilespmem:s29], [sflag:$0x1] =	stream.linear.gather [hbm4b:s28+s1], $0x400, $0x38;
	[tilespmem:$0xD480] =	vst v63  }
0x72: {  	s28 =	spop (v2sf)  }
0x73: {  	(v2sf) =	vpush v3, $0x1;
	s28 =	sand.u32 $0x1FFFFF80, s28  }
0x74: {  	s30 =	rddreg [dreg:$0x6];
	s28 =	sadd.s32 s3, s28  }
0x75: {  	[tilespmem:s30], [sflag:$0x1] =	stream.linear.gather [hbm4b:s28+s1], $0x400, $0x38;
	[tilespmem:$0xD480] =	vst v63  }
0x76: {  	s28 =	spop (v2sf)  }
0x77: {  	(v2sf) =	vpush v5, $0x2;
	s28 =	sand.u32 $0x1FFFFF80, s28  }
0x78: {  	s30 =	rddreg [dreg:$0x7];
	s28 =	sadd.s32 s3, s28  }
0x79: {  	[tilespmem:s30], [sflag:$0x1] =	stream.linear.gather [hbm4b:s28+s1], $0x400, $0x38;
	[tilespmem:$0xD480] =	vst v63  }
0x7a: {  	s28 =	spop (v2sf)  }
0x7b: {  	(v2sf) =	vpush v4, $0x2;
	s28 =	sand.u32 $0x1FFFFF80, s28  }
0x7c: {  	s30 =	rddreg [dreg:$0x8];
	s28 =	sadd.s32 s2, s28  }
0x7d: {  	[tilespmem:s30], [sflag:$0x1] =	stream.linear.gather [hbm4b:s28+s1], $0x400, $0x38;
	[tilespmem:$0xD480] =	vst v63  }
0x7e: {  	s28 =	spop (v2sf)  }
0x7f: {  	(v2sf) =	vpush v3, $0x2;
	s28 =	sand.u32 $0x1FFFFF80, s28  }
0x80: {  	s30 =	rddreg [dreg:$0x9];
	s28 =	sadd.s32 s3, s28  }
0x81: {  	[tilespmem:s30], [sflag:$0x1] =	stream.linear.gather [hbm4b:s28+s1], $0x400, $0x38;
	[tilespmem:$0xD480] =	vst v63  }
0x82: {  	s28 =	spop (v2sf)  }
0x83: {  	(v2sf) =	vpush v5, $0x3;
	s28 =	sand.u32 $0x1FFFFF80, s28  }
0x84: {  	s30 =	rddreg [dreg:$0xa];
	s28 =	sadd.s32 s3, s28  }
0x85: {  	[tilespmem:s30], [sflag:$0x1] =	stream.linear.gather [hbm4b:s28+s1], $0x400, $0x38;
	[tilespmem:$0xD480] =	vst v63  }
0x86: {  	s28 =	spop (v2sf)  }
0x87: {  	(v2sf) =	vpush v4, $0x3;
	s28 =	sand.u32 $0x1FFFFF80, s28  }
0x88: {  	s30 =	rddreg [dreg:$0xb];
	s28 =	sadd.s32 s2, s28  }
0x89: {  	[tilespmem:s30], [sflag:$0x1] =	stream.linear.gather [hbm4b:s28+s1], $0x400, $0x38;
	[tilespmem:$0xD480] =	vst v63  }
0x8a: {  	s28 =	spop (v2sf)  }
0x8b: {  	(v2sf) =	vpush v3, $0x3;
	s28 =	sand.u32 $0x1FFFFF80, s28  }
0x8c: {  	s30 =	rddreg [dreg:$0xc];
	s28 =	sadd.s32 s3, s28  }
0x8d: {  	[tilespmem:s30], [sflag:$0x1] =	stream.linear.gather [hbm4b:s28+s1], $0x400, $0x38;
	[tilespmem:$0xD480] =	vst v63  }
0x8e: {  	s28 =	spop (v2sf)  }
0x8f: {  	(v2sf) =	vpush v5, $0x4;
	s28 =	sand.u32 $0x1FFFFF80, s28  }
0x90: {  	s30 =	rddreg [dreg:$0xd];
	s28 =	sadd.s32 s3, s28  }
0x91: {  	[tilespmem:s30], [sflag:$0x1] =	stream.linear.gather [hbm4b:s28+s1], $0x400, $0x38;
	[tilespmem:$0xD480] =	vst v63  }
0x92: {  	s28 =	spop (v2sf)  }
0x93: {  	(v2sf) =	vpush v4, $0x4;
	s28 =	sand.u32 $0x1FFFFF80, s28  }
0x94: {  	s30 =	rddreg [dreg:$0xe];
	s28 =	sadd.s32 s2, s28  }
0x95: {  	[tilespmem:s30], [sflag:$0x1] =	stream.linear.gather [hbm4b:s28+s1], $0x400, $0x38;
	[tilespmem:$0xD480] =	vst v63  }
0x96: {  	s28 =	spop (v2sf)  }
0x97: {  	(v2sf) =	vpush v3, $0x4;
	s28 =	sand.u32 $0x1FFFFF80, s28  }
0x98: {  	s30 =	rddreg [dreg:$0xf];
	s28 =	sadd.s32 s3, s28  }
0x99: {  	[tilespmem:s30], [sflag:$0x1] =	stream.linear.gather [hbm4b:s28+s1], $0x400, $0x38;
	[tilespmem:$0xD480] =	vst v63  }
0x9a: {  	s28 =	spop (v2sf)  }
0x9b: {  	(v2sf) =	vpush v5, $0x5;
	s28 =	sand.u32 $0x1FFFFF80, s28  }
0x9c: {  	s30 =	rddreg [dreg:$0x10];
	s28 =	sadd.s32 s3, s28  }
0x9d: {  	[tilespmem:s30], [sflag:$0x1] =	stream.linear.gather [hbm4b:s28+s1], $0x400, $0x38;
	[tilespmem:$0xD480] =	vst v63  }
0x9e: {  	s28 =	spop (v2sf)  }
0x9f: {  	(v2sf) =	vpush v4, $0x5;
	s28 =	sand.u32 $0x1FFFFF80, s28  }
0xa0: {  	s30 =	rddreg [dreg:$0x11];
	s28 =	sadd.s32 s2, s28  }
0xa1: {  	[tilespmem:s30], [sflag:$0x1] =	stream.linear.gather [hbm4b:s28+s1], $0x400, $0x38;
	[tilespmem:$0xD480] =	vst v63  }
0xa2: {  	s28 =	spop (v2sf)  }
0xa3: {  	(v2sf) =	vpush v3, $0x5;
	s28 =	sand.u32 $0x1FFFFF80, s28  }
0xa4: {  	s30 =	rddreg [dreg:$0x12];
	s28 =	sadd.s32 s3, s28  }
0xa5: {  	[tilespmem:s30], [sflag:$0x1] =	stream.linear.gather [hbm4b:s28+s1], $0x400, $0x38;
	[tilespmem:$0xD480] =	vst v63  }
0xa6: {  	s28 =	spop (v2sf)  }
0xa7: {  	(v2sf) =	vpush v5, $0x6;
	s28 =	sand.u32 $0x1FFFFF80, s28  }
0xa8: {  	s30 =	rddreg [dreg:$0x13];
	s28 =	sadd.s32 s3, s28  }
0xa9: {  	[tilespmem:s30], [sflag:$0x1] =	stream.linear.gather [hbm4b:s28+s1], $0x400, $0x38;
	[tilespmem:$0xD480] =	vst v63  }
0xaa: {  	s28 =	spop (v2sf)  }
0xab: {  	(v2sf) =	vpush v4, $0x6;
	s28 =	sand.u32 $0x1FFFFF80, s28  }
0xac: {  	s30 =	rddreg [dreg:$0x14];
	s28 =	sadd.s32 s2, s28  }
0xad: {  	[tilespmem:s30], [sflag:$0x1] =	stream.linear.gather [hbm4b:s28+s1], $0x400, $0x38;
	[tilespmem:$0xD480] =	vst v63  }
0xae: {  	s28 =	spop (v2sf)  }
0xaf: {  	(v2sf) =	vpush v3, $0x6;
	s28 =	sand.u32 $0x1FFFFF80, s28  }
0xb0: {  	s30 =	rddreg [dreg:$0x15];
	s28 =	sadd.s32 s3, s28  }
0xb1: {  	[tilespmem:s30], [sflag:$0x1] =	stream.linear.gather [hbm4b:s28+s1], $0x400, $0x38;
	[tilespmem:$0xD480] =	vst v63  }
0xb2: {  	s28 =	spop (v2sf)  }
0xb3: {  	(v2sf) =	vpush v5, $0x7;
	s28 =	sand.u32 $0x1FFFFF80, s28  }
0xb4: {  	s30 =	rddreg [dreg:$0x16];
	s28 =	sadd.s32 s3, s28  }
0xb5: {  	[tilespmem:s30], [sflag:$0x1] =	stream.linear.gather [hbm4b:s28+s1], $0x400, $0x38;
	[tilespmem:$0xD480] =	vst v63  }
0xb6: {  	s28 =	spop (v2sf)  }
0xb7: {  	(v2sf) =	vpush v4, $0x7;
	s28 =	sand.u32 $0x1FFFFF80, s28  }
0xb8: {  	s30 =	rddreg [dreg:$0x17];
	s28 =	sadd.s32 s2, s28  }
0xb9: {  	[tilespmem:s30], [sflag:$0x1] =	stream.linear.gather [hbm4b:s28+s1], $0x400, $0x38;
	[tilespmem:$0xD480] =	vst v63  }
0xba: {  	s28 =	spop (v2sf)  }
0xbb: {  	(v2sf) =	vpush v3, $0x7;
	s28 =	sand.u32 $0x1FFFFF80, s28  }
0xbc: {  	s30 =	rddreg [dreg:$0x18];
	s28 =	sadd.s32 s3, s28  }
0xbd: {  	[tilespmem:s30], [sflag:$0x1] =	stream.linear.gather [hbm4b:s28+s1], $0x400, $0x38;
	[tilespmem:$0xD480] =	vst v63  }
0xbe: {  	s28 =	spop (v2sf)  }
0xbf: {  	s28 =	sand.u32 $0x1FFFFF80, s28  }
0xc0: {  	s30 =	rddreg [dreg:$0x19];
	s28 =	sadd.s32 s3, s28  }
0xc1: {  	[tilespmem:s30], [sflag:$0x1] =	stream.linear.gather [hbm4b:s28+s1], $0x400, $0x38;
	[tilespmem:$0xD480] =	vst v63  }
0xc2: {  	s28 =	spop (v2sf)  }
0xc3: {  	s28 =	sand.u32 $0x1FFFFF80, s28  }
0xc4: {  	s30 =	rddreg [dreg:$0x1a];
	s28 =	sadd.s32 s2, s28  }
0xc5: {  	[tilespmem:s30], [sflag:$0x1] =	stream.linear.gather [hbm4b:s28+s1], $0x400, $0x38;
	[tilespmem:$0xD480] =	vst v63  }
0xc6: {  	s28 =	spop (v2sf)  }
0xc7: {  	s28 =	sand.u32 $0x1FFFFF80, s28  }
0xc8: {  	s30 =	rddreg [dreg:$0x1b];
	s28 =	sadd.s32 s3, s28  }
0xc9: {  	[tilespmem:s30], [sflag:$0x1] =	stream.linear.gather [hbm4b:s28+s1], $0x400, $0x38;
	[tilespmem:$0xD480] =	vst v63  }
0xca: {  	s28 =	spop (v2sf)  }
0xcb: {  	s28 =	sand.u32 $0x1FFFFF80, s28  }
0xcc: {  	s30 =	rddreg [dreg:$0x1c];
	s28 =	sadd.s32 s3, s28  }
0xcd: {  	[tilespmem:s30], [sflag:$0x1] =	stream.linear.gather [hbm4b:s28+s1], $0x400, $0x38;
	[tilespmem:$0xD480] =	vst v63  }
0xce: {  	(v2sf) =	vpush v5, $0x8;
	_ =	sdelay $0x3  }
0xcf: {  	(v2sf) =	vpush v4, $0x8;
	_ =	sdelay $0x3  }
0xd0: {  	(v2sf) =	vpush v3, $0x8;
	_ =	sdelay $0x3  }
0xd1: {  	(v2sf) =	vpush v5, $0x9;
	_ =	sdelay $0x2  }
0xd2: {  	s28 =	spop (v2sf)  }
0xd3: {  	(v2sf) =	vpush v4, $0x9;
	s28 =	sand.u32 $0x1FFFFF80, s28  }
0xd4: {  	s30 =	rddreg [dreg:$0x1d];
	s28 =	sadd.s32 s2, s28  }
0xd5: {  	[tilespmem:s30], [sflag:$0x1] =	stream.linear.gather [hbm4b:s28+s1], $0x400, $0x38;
	[tilespmem:$0xD480] =	vst v63  }
0xd6: {  	s28 =	spop (v2sf)  }
0xd7: {  	(v2sf) =	vpush v3, $0x9;
	s28 =	sand.u32 $0x1FFFFF80, s28  }
0xd8: {  	s30 =	rddreg [dreg:$0x1e];
	s28 =	sadd.s32 s3, s28  }
0xd9: {  	[tilespmem:s30], [sflag:$0x1] =	stream.linear.gather [hbm4b:s28+s1], $0x400, $0x38;
	[tilespmem:$0xD480] =	vst v63  }
0xda: {  	s28 =	spop (v2sf)  }
0xdb: {  	(v2sf) =	vpush v5, $0xA;
	s28 =	sand.u32 $0x1FFFFF80, s28  }
0xdc: {  	s30 =	rddreg [dreg:$0x1f];
	s28 =	sadd.s32 s3, s28  }
0xdd: {  	[tilespmem:s30], [sflag:$0x1] =	stream.linear.gather [hbm4b:s28+s1], $0x400, $0x38;
	[tilespmem:$0xD480] =	vst v63  }
0xde: {  	s28 =	spop (v2sf);
	s30 =	sld [smem:$0x7E8]  }
0xdf: {  	(v2sf) =	vpush v4, $0xA;
	s28 =	sand.u32 $0x1FFFFF80, s28  }
0xe0: {  	s28 =	sadd.s32 s2, s28  }
0xe1: {  	[tilespmem:s30], [sflag:$0x1] =	stream.linear.gather [hbm4b:s28+s1], $0x400, $0x38;
	[tilespmem:$0xD480] =	vst v63  }
0xe2: {  	s30 =	sld [smem:$0x7E9];
	s28 =	spop (v2sf)  }
0xe3: {  	(v2sf) =	vpush v3, $0xA;
	s28 =	sand.u32 $0x1FFFFF80, s28  }
0xe4: {  	s28 =	sadd.s32 s3, s28  }
0xe5: {  	[tilespmem:s30], [sflag:$0x1] =	stream.linear.gather [hbm4b:s28+s1], $0x400, $0x38;
	[tilespmem:$0xD480] =	vst v63  }
0xe6: {  	s28 =	spop (v2sf);
	s30 =	sld [smem:$0x7EA]  }
0xe7: {  	(v2sf) =	vpush v5, $0xB;
	s28 =	sand.u32 $0x1FFFFF80, s28  }
0xe8: {  	s28 =	sadd.s32 s3, s28  }
0xe9: {  	[tilespmem:s30], [sflag:$0x1] =	stream.linear.gather [hbm4b:s28+s1], $0x400, $0x38;
	[tilespmem:$0xD480] =	vst v63  }
0xea: {  	s28 =	spop (v2sf);
	s30 =	sld [smem:$0x7EB]  }
0xeb: {  	(v2sf) =	vpush v4, $0xB;
	s28 =	sand.u32 $0x1FFFFF80, s28  }
0xec: {  	s28 =	sadd.s32 s2, s28  }
0xed: {  	[tilespmem:s30], [sflag:$0x1] =	stream.linear.gather [hbm4b:s28+s1], $0x400, $0x38;
	[tilespmem:$0xD480] =	vst v63  }
0xee: {  	s28 =	spop (v2sf);
	s30 =	sld [smem:$0x7EC]  }
0xef: {  	(v2sf) =	vpush v3, $0xB;
	s28 =	sand.u32 $0x1FFFFF80, s28  }
0xf0: {  	s28 =	sadd.s32 s3, s28  }
0xf1: {  	[tilespmem:s30], [sflag:$0x1] =	stream.linear.gather [hbm4b:s28+s1], $0x400, $0x38;
	[tilespmem:$0xD480] =	vst v63  }
0xf2: {  	s30 =	sld [smem:$0x7ED];
	s28 =	spop (v2sf)  }
0xf3: {  	(v2sf) =	vpush v5, $0xC;
	s28 =	sand.u32 $0x1FFFFF80, s28  }
0xf4: {  	s28 =	sadd.s32 s3, s28  }
0xf5: {  	[tilespmem:s30], [sflag:$0x1] =	stream.linear.gather [hbm4b:s28+s1], $0x400, $0x38;
	[tilespmem:$0xD480] =	vst v63  }
0xf6: {  	s28 =	spop (v2sf);
	s30 =	sld [smem:$0x7EE]  }
0xf7: {  	(v2sf) =	vpush v4, $0xC;
	s28 =	sand.u32 $0x1FFFFF80, s28  }
0xf8: {  	s28 =	sadd.s32 s2, s28  }
0xf9: {  	[tilespmem:s30], [sflag:$0x1] =	stream.linear.gather [hbm4b:s28+s1], $0x400, $0x38;
	[tilespmem:$0xD480] =	vst v63  }
0xfa: {  	s28 =	spop (v2sf);
	s30 =	sld [smem:$0x7EF]  }
0xfb: {  	(v2sf) =	vpush v3, $0xC;
	s28 =	sand.u32 $0x1FFFFF80, s28  }
0xfc: {  	s28 =	sadd.s32 s3, s28  }
0xfd: {  	[tilespmem:s30], [sflag:$0x1] =	stream.linear.gather [hbm4b:s28+s1], $0x400, $0x38;
	[tilespmem:$0xD480] =	vst v63  }
0xfe: {  	s28 =	spop (v2sf);
	s30 =	sld [smem:$0x7F0]  }
0xff: {  	(v2sf) =	vpush v5, $0xD;
	s28 =	sand.u32 $0x1FFFFF80, s28  }
0x100: {  	s28 =	sadd.s32 s3, s28  }
0x101: {  	[tilespmem:s30], [sflag:$0x1] =	stream.linear.gather [hbm4b:s28+s1], $0x400, $0x38;
	[tilespmem:$0xD480] =	vst v63  }
0x102: {  	s30 =	sld [smem:$0x7F1];
	s28 =	spop (v2sf)  }
0x103: {  	(v2sf) =	vpush v4, $0xD;
	s28 =	sand.u32 $0x1FFFFF80, s28  }
0x104: {  	s28 =	sadd.s32 s2, s28  }
0x105: {  	[tilespmem:s30], [sflag:$0x1] =	stream.linear.gather [hbm4b:s28+s1], $0x400, $0x38;
	[tilespmem:$0xD480] =	vst v63  }
0x106: {  	s28 =	spop (v2sf);
	s30 =	sld [smem:$0x7F2]  }
0x107: {  	(v2sf) =	vpush v3, $0xD;
	s28 =	sand.u32 $0x1FFFFF80, s28  }
0x108: {  	s28 =	sadd.s32 s3, s28  }
0x109: {  	[tilespmem:s30], [sflag:$0x1] =	stream.linear.gather [hbm4b:s28+s1], $0x400, $0x38;
	[tilespmem:$0xD480] =	vst v63  }
0x10a: {  	s28 =	spop (v2sf);
	s30 =	sld [smem:$0x7F3]  }
0x10b: {  	(v2sf) =	vpush v5, $0xE;
	s28 =	sand.u32 $0x1FFFFF80, s28  }
0x10c: {  	s28 =	sadd.s32 s3, s28  }
0x10d: {  	[tilespmem:s30], [sflag:$0x1] =	stream.linear.gather [hbm4b:s28+s1], $0x400, $0x38;
	[tilespmem:$0xD480] =	vst v63  }
0x10e: {  	s28 =	spop (v2sf);
	s30 =	sld [smem:$0x7F4]  }
0x10f: {  	(v2sf) =	vpush v4, $0xE;
	s28 =	sand.u32 $0x1FFFFF80, s28  }
0x110: {  	s28 =	sadd.s32 s2, s28  }
0x111: {  	[tilespmem:s30], [sflag:$0x1] =	stream.linear.gather [hbm4b:s28+s1], $0x400, $0x38;
	[tilespmem:$0xD480] =	vst v63  }
0x112: {  	s30 =	sld [smem:$0x7F5];
	s28 =	spop (v2sf)  }
0x113: {  	(v2sf) =	vpush v3, $0xE;
	s28 =	sand.u32 $0x1FFFFF80, s28  }
0x114: {  	s28 =	sadd.s32 s3, s28  }
0x115: {  	[tilespmem:s30], [sflag:$0x1] =	stream.linear.gather [hbm4b:s28+s1], $0x400, $0x38;
	[tilespmem:$0xD480] =	vst v63  }
0x116: {  	s28 =	spop (v2sf);
	s30 =	sld [smem:$0x7F6]  }
0x117: {  	(v2sf) =	vpush v5, $0xF;
	s28 =	sand.u32 $0x1FFFFF80, s28  }
0x118: {  	s28 =	sadd.s32 s3, s28  }
0x119: {  	[tilespmem:s30], [sflag:$0x1] =	stream.linear.gather [hbm4b:s28+s1], $0x400, $0x38;
	[tilespmem:$0xD480] =	vst v63  }
0x11a: {  	s28 =	spop (v2sf);
	s30 =	sld [smem:$0x7F7]  }
0x11b: {  	(v2sf) =	vpush v4, $0xF;
	s28 =	sand.u32 $0x1FFFFF80, s28  }
0x11c: {  	s28 =	sadd.s32 s2, s28  }
0x11d: {  	[tilespmem:s30], [sflag:$0x1] =	stream.linear.gather [hbm4b:s28+s1], $0x400, $0x38;
	[tilespmem:$0xD480] =	vst v63  }
0x11e: {  	s28 =	spop (v2sf);
	s30 =	sld [smem:$0x7F8]  }
0x11f: {  	(v2sf) =	vpush v3, $0xF;
	s28 =	sand.u32 $0x1FFFFF80, s28  }
0x120: {  	s28 =	sadd.s32 s3, s28  }
0x121: {  	[tilespmem:s30], [sflag:$0x1] =	stream.linear.gather [hbm4b:s28+s1], $0x400, $0x38;
	[tilespmem:$0xD480] =	vst v63  }
0x122: {  	s30 =	sld [smem:$0x7F9];
	s28 =	spop (v2sf)  }
0x123: {  	s28 =	sand.u32 $0x1FFFFF80, s28  }
0x124: {  	s28 =	sadd.s32 s3, s28  }
0x125: {  	[tilespmem:s30], [sflag:$0x1] =	stream.linear.gather [hbm4b:s28+s1], $0x400, $0x38;
	[tilespmem:$0xD480] =	vst v63  }
0x126: {  	s28 =	spop (v2sf);
	s30 =	sld [smem:$0x7FA]  }
0x127: {  	s28 =	sand.u32 $0x1FFFFF80, s28  }
0x128: {  	s28 =	sadd.s32 s2, s28  }
0x129: {  	[tilespmem:s30], [sflag:$0x1] =	stream.linear.gather [hbm4b:s28+s1], $0x400, $0x38;
	[tilespmem:$0xD480] =	vst v63  }
0x12a: {  	s28 =	spop (v2sf);
	s30 =	sld [smem:$0x7FB]  }
0x12b: {  	s28 =	sand.u32 $0x1FFFFF80, s28  }
0x12c: {  	s28 =	sadd.s32 s3, s28  }
0x12d: {  	[tilespmem:s30], [sflag:$0x1] =	stream.linear.gather [hbm4b:s28+s1], $0x400, $0x38;
	[tilespmem:$0xD480] =	vst v63  }
0x12e: {  	s28 =	spop (v2sf);
	s30 =	sld [smem:$0x7FC]  }
0x12f: {  	s28 =	sand.u32 $0x1FFFFF80, s28  }
0x130: {  	s28 =	sadd.s32 s3, s28  }
0x131: {  	[tilespmem:s30], [sflag:$0x1] =	stream.linear.gather [hbm4b:s28+s1], $0x400, $0x38;
	[tilespmem:$0xD480] =	vst v63  }
0x132: {  	_ =	swait.ge [sflag:s21], $0x400  }
0x133: {  	[sflag:s21] =	ssyncset.done $0x0  }
0x134: {  	[sflag:s21] =	ssyncadd.s32 $0xFFFFFC00  }
0x135: {  	_ =	swait.ge [sflag:s21], $0x400  }
0x136: {  	[sflag:s21] =	ssyncset.done $0x0  }
0x137: {  	[sflag:s21] =	ssyncadd.s32 $0xFFFFFC00  }
0x138: {  	_ =	swait.ge [sflag:s21], $0x400  }
0x139: {  	[sflag:s21] =	ssyncset.done $0x0  }
0x13a: {  	[sflag:s21] =	ssyncadd.s32 $0xFFFFFC00  }
0x13b: {  	_ =	swait.ge [sflag:s21], $0x400  }
0x13c: {  	[sflag:s21] =	ssyncset.done $0x0  }
0x13d: {  	[sflag:s21] =	ssyncadd.s32 $0xFFFFFC00  }
0x13e: {  	_ =	swait.ge [sflag:s21], $0x400  }
0x13f: {  	[sflag:s21] =	ssyncset.done $0x0  }
0x140: {  	[sflag:s21] =	ssyncadd.s32 $0xFFFFFC00  }
0x141: {  	_ =	swait.ge [sflag:s21], $0x400  }
0x142: {  	[sflag:s21] =	ssyncset.done $0x0  }
0x143: {  	[sflag:s21] =	ssyncadd.s32 $0xFFFFFC00  }
0x144: {  	_ =	swait.ge [sflag:s21], $0x400  }
0x145: {  	[sflag:s21] =	ssyncset.done $0x0  }
0x146: {  	[sflag:s21] =	ssyncadd.s32 $0xFFFFFC00  }
0x147: {  	_ =	swait.ge [sflag:s21], $0x400  }
0x148: {  	[sflag:s21] =	ssyncset.done $0x0  }
0x149: {  	[sflag:s21] =	ssyncadd.s32 $0xFFFFFC00  }
0x14a: {  	_ =	swait.ge [sflag:s21], $0x400  }
0x14b: {  	[sflag:s21] =	ssyncset.done $0x0  }
0x14c: {  	[sflag:s21] =	ssyncadd.s32 $0xFFFFFC00  }
0x14d: {  	_ =	swait.ge [sflag:s21], $0x400  }
0x14e: {  	[sflag:s21] =	ssyncset.done $0x0  }
0x14f: {  	[sflag:s21] =	ssyncadd.s32 $0xFFFFFC00  }
0x150: {  	_ =	swait.ge [sflag:s21], $0x400  }
0x151: {  	[sflag:s21] =	ssyncset.done $0x0  }
0x152: {  	[sflag:s21] =	ssyncadd.s32 $0xFFFFFC00  }
0x153: {  	_ =	swait.ge [sflag:s21], $0x400  }
0x154: {  	[sflag:s21] =	ssyncset.done $0x0  }
0x155: {  	[sflag:s21] =	ssyncadd.s32 $0xFFFFFC00  }
0x156: {  	_ =	swait.ge [sflag:s21], $0x400  }
0x157: {  	[sflag:s21] =	ssyncset.done $0x0  }
0x158: {  	[sflag:s21] =	ssyncadd.s32 $0xFFFFFC00  }
0x159: {  	_ =	swait.ge [sflag:s21], $0x400  }
0x15a: {  	[sflag:s21] =	ssyncset.done $0x0  }
0x15b: {  	[sflag:s21] =	ssyncadd.s32 $0xFFFFFC00  }
0x15c: {  	_ =	swait.ge [sflag:s21], $0x400  }
0x15d: {  	[sflag:s21] =	ssyncset.done $0x0  }
0x15e: {  	[sflag:s21] =	ssyncadd.s32 $0xFFFFFC00  }
0x15f: {  	_ =	swait.ge [sflag:s21], $0x400  }
0x160: {  	[sflag:s21] =	ssyncset.done $0x0  }
0x161: {  	[sflag:s21] =	ssyncadd.s32 $0xFFFFFC00  }
0x162: {  	_ =	swait.ge [sflag:s21], $0x400  }
0x163: {  	[sflag:s21] =	ssyncset.done $0x0  }
0x164: {  	[sflag:s21] =	ssyncadd.s32 $0xFFFFFC00  }
0x165: {  	_ =	swait.ge [sflag:s21], $0x400  }
0x166: {  	[sflag:s21] =	ssyncset.done $0x0  }
0x167: {  	[sflag:s21] =	ssyncadd.s32 $0xFFFFFC00  }
0x168: {  	_ =	swait.ge [sflag:s21], $0x400  }
0x169: {  	[sflag:s21] =	ssyncset.done $0x0  }
0x16a: {  	[sflag:s21] =	ssyncadd.s32 $0xFFFFFC00  }
0x16b: {  	_ =	swait.ge [sflag:s21], $0x400  }
0x16c: {  	[sflag:s21] =	ssyncset.done $0x0  }
0x16d: {  	[sflag:s21] =	ssyncadd.s32 $0xFFFFFC00  }
0x16e: {  	_ =	swait.ge [sflag:s21], $0x400  }
0x16f: {  	[sflag:s21] =	ssyncset.done $0x0  }
0x170: {  	[sflag:s21] =	ssyncadd.s32 $0xFFFFFC00  }
0x171: {  	_ =	swait.ge [sflag:s21], $0x400  }
0x172: {  	[sflag:s21] =	ssyncset.done $0x0  }
0x173: {  	[sflag:s21] =	ssyncadd.s32 $0xFFFFFC00  }
0x174: {  	_ =	swait.ge [sflag:s21], $0x400  }
0x175: {  	[sflag:s21] =	ssyncset.done $0x0  }
0x176: {  	[sflag:s21] =	ssyncadd.s32 $0xFFFFFC00  }
0x177: {  	_ =	swait.ge [sflag:s21], $0x400  }
0x178: {  	[sflag:s21] =	ssyncset.done $0x0  }
0x179: {  	[sflag:s21] =	ssyncadd.s32 $0xFFFFFC00  }
0x17a: {  	_ =	swait.ge [sflag:s21], $0x400  }
0x17b: {  	[sflag:s21] =	ssyncset.done $0x0  }
0x17c: {  	[sflag:s21] =	ssyncadd.s32 $0xFFFFFC00  }
0x17d: {  	_ =	swait.ge [sflag:s21], $0x400  }
0x17e: {  	[sflag:s21] =	ssyncset.done $0x0  }
0x17f: {  	[sflag:s21] =	ssyncadd.s32 $0xFFFFFC00  }
0x180: {  	_ =	swait.ge [sflag:s21], $0x400  }
0x181: {  	[sflag:s21] =	ssyncset.done $0x0  }
0x182: {  	[sflag:s21] =	ssyncadd.s32 $0xFFFFFC00  }
0x183: {  	_ =	swait.ge [sflag:s21], $0x400  }
0x184: {  	[sflag:s21] =	ssyncset.done $0x0  }
0x185: {  	[sflag:s21] =	ssyncadd.s32 $0xFFFFFC00  }
0x186: {  	_ =	swait.ge [sflag:s21], $0x400  }
0x187: {  	[sflag:s21] =	ssyncset.done $0x0  }
0x188: {  	[sflag:s21] =	ssyncadd.s32 $0xFFFFFC00  }
0x189: {  	_ =	swait.ge [sflag:s21], $0x400  }
0x18a: {  	[sflag:s21] =	ssyncset.done $0x0  }
0x18b: {  	[sflag:s21] =	ssyncadd.s32 $0xFFFFFC00  }
0x18c: {  	_ =	swait.ge [sflag:s21], $0x400  }
0x18d: {  	[sflag:s21] =	ssyncset.done $0x0  }
0x18e: {  	[sflag:s21] =	ssyncadd.s32 $0xFFFFFC00  }
0x18f: {  	_ =	swait.ge [sflag:s21], $0x400  }
0x190: {  	[sflag:s21] =	ssyncset.done $0x0  }
0x191: {  	[sflag:s21] =	ssyncadd.s32 $0xFFFFFC00  }
0x192: {  	_ =	swait.ge [sflag:s21], $0x400  }
0x193: {  	[sflag:s21] =	ssyncset.done $0x0  }
0x194: {  	[sflag:s21] =	ssyncadd.s32 $0xFFFFFC00  }
0x195: {  	_ =	swait.ge [sflag:s21], $0x400  }
0x196: {  	[sflag:s21] =	ssyncset.done $0x0  }
0x197: {  	[sflag:s21] =	ssyncadd.s32 $0xFFFFFC00  }
0x198: {  	_ =	swait.ge [sflag:s21], $0x400  }
0x199: {  	[sflag:s21] =	ssyncset.done $0x0  }
0x19a: {  	[sflag:s21] =	ssyncadd.s32 $0xFFFFFC00  }
0x19b: {  	_ =	swait.ge [sflag:s21], $0x400  }
0x19c: {  	[sflag:s21] =	ssyncset.done $0x0  }
0x19d: {  	[sflag:s21] =	ssyncadd.s32 $0xFFFFFC00  }
0x19e: {  	_ =	swait.ge [sflag:s21], $0x400  }
0x19f: {  	[sflag:s21] =	ssyncset.done $0x0  }
0x1a0: {  	[sflag:s21] =	ssyncadd.s32 $0xFFFFFC00  }
0x1a1: {  	_ =	swait.ge [sflag:s21], $0x400  }
0x1a2: {  	[sflag:s21] =	ssyncset.done $0x0  }
0x1a3: {  	[sflag:s21] =	ssyncadd.s32 $0xFFFFFC00  }
0x1a4: {  	_ =	swait.ge [sflag:s21], $0x400  }
0x1a5: {  	[sflag:s21] =	ssyncset.done $0x0  }
0x1a6: {  	[sflag:s21] =	ssyncadd.s32 $0xFFFFFC00  }
0x1a7: {  	_ =	swait.ge [sflag:s21], $0x400  }
0x1a8: {  	[sflag:s21] =	ssyncset.done $0x0  }
0x1a9: {  	[sflag:s21] =	ssyncadd.s32 $0xFFFFFC00  }
0x1aa: {  	_ =	swait.ge [sflag:s21], $0x400  }
0x1ab: {  	[sflag:s21] =	ssyncset.done $0x0  }
0x1ac: {  	[sflag:s21] =	ssyncadd.s32 $0xFFFFFC00  }
0x1ad: {  	_ =	swait.ge [sflag:s21], $0x400  }
0x1ae: {  	[sflag:s21] =	ssyncset.done $0x0  }
0x1af: {  	[sflag:s21] =	ssyncadd.s32 $0xFFFFFC00  }
0x1b0: {  	_ =	swait.ge [sflag:s21], $0x400  }
0x1b1: {  	[sflag:s21] =	ssyncset.done $0x0  }
0x1b2: {  	[sflag:s21] =	ssyncadd.s32 $0xFFFFFC00  }
0x1b3: {  	_ =	swait.ge [sflag:s21], $0x400  }
0x1b4: {  	[sflag:s21] =	ssyncset.done $0x0  }
0x1b5: {  	[sflag:s21] =	ssyncadd.s32 $0xFFFFFC00  }
0x1b6: {  	_ =	swait.ge [sflag:s21], $0x400  }
0x1b7: {  	[sflag:s21] =	ssyncset.done $0x0  }
0x1b8: {  	[sflag:s21] =	ssyncadd.s32 $0xFFFFFC00  }
0x1b9: {  	_ =	swait.ge [sflag:s21], $0x400  }
0x1ba: {  	[sflag:s21] =	ssyncset.done $0x0  }
0x1bb: {  	[sflag:s21] =	ssyncadd.s32 $0xFFFFFC00  }
0x1bc: {  	_ =	swait.ge [sflag:s21], $0x400  }
0x1bd: {  	[sflag:s21] =	ssyncset.done $0x0  }
0x1be: {  	[sflag:s21] =	ssyncadd.s32 $0xFFFFFC00  }
0x1bf: {  	v0 =	vshll.u32 v0, $0x7;
	_ =	swait.ge [sflag:s21], $0x400  }
0x1c0: {  	(v2sf) =	vpush v0, $0x0;
	_ =	sdelay $0x1  }
0x1c1: {  	v1 =	vshll.u32 v1, $0x7  }
0x1c2: {  	v2 =	vshll.u32 v26, $0x7;
	(v2sf) =	vpush v1, $0x0  }
0x1c3: {  	(v2sf) =	vpush v2, $0x0;
	_ =	sdelay $0xa  }
0x1c4: {  	[sflag:s21] =	ssyncset.done $0x0;
	s29 =	spop (v2sf)  }
0x1c5: {  	[sflag:s21] =	ssyncadd.s32 $0xFFFFFC00;
	s28 =	sand.u32 $0x380, s29  }
0x1c6: {  	v28 =	vld [tilespmem:s28+$0x600]  }
0x1c7: {  	s30 =	spop (v2sf);
	v6 =	vld [tilespmem:s28+$0x610]  }
0x1c8: {  	s29 =	sand.u32 $0x380, s30;
	s30 =	spop (v2sf);
	v9 =	vld [tilespmem:s28+$0x620]  }
0x1c9: {  	v29 =	vld [tilespmem:s29+$0x4600];
	s30 =	sand.u32 $0x380, s30  }
0x1ca: {  	v30 =	vld [tilespmem:s30+$0x8600]  }
0x1cb: {  	(v2sf) =	vpush v0, $0x1;
	v7 =	vld [tilespmem:s29+$0x4610]  }
0x1cc: {  	(v2sf) =	vpush v1, $0x1;
	v8 =	vld [tilespmem:s30+$0x8610]  }
0x1cd: {  	(v2sf) =	vpush v2, $0x1;
	v10 =	vld [tilespmem:s29+$0x4620]  }
0x1ce: {  	v11 =	vld [tilespmem:s30+$0x8620]  }
0x1cf: {  	v31 =	vld [tilespmem:s29+$0x4630];
	v4 =	vsub.f32 v30, v29  }
0x1d0: {  	v12 =	vld [tilespmem:s30+$0x8630]  }
0x1d1: {  	v32 =	vsub.f32 v8, v7;
	v3 =	vmul.f32 v4, v28  }
0x1d2: {  	v33 =	vld [tilespmem:s28+$0x630]  }
0x1d3: {  	v34 =	vsub.f32 v11, v10;
	v4 =	vmul.f32 v32, v6;
	v3 =	vadd.f32 $0.0e+00, v3;
	_ =	sdelay $0x1  }
0x1d4: {  	v5 =	vsub.f32 v12, v31;
	v35 =	vmul.f32 v34, v9;
	v3 =	vadd.f32 v4, v3;
	_ =	sdelay $0x1  }
0x1d5: {  	v36 =	vmul.f32 v5, v33;
	v3 =	vadd.f32 v35, v3;
	_ =	sdelay $0x1  }
0x1d6: {  	v3 =	vadd.f32 v36, v3  }
0x1d7: {  	s29 =	spop (v2sf)  }
0x1d8: {  	s28 =	sand.u32 $0x380, s29;
	s30 =	spop (v2sf);
	[tilespmem:$0xCC00] =	vst v3  }
0x1d9: {  	s29 =	sand.u32 $0x380, s30;
	s30 =	spop (v2sf);
	v3 =	vld [tilespmem:s28+$0xA00]  }
0x1da: {  	s30 =	sand.u32 $0x380, s30;
	v37 =	vld [tilespmem:s29+$0x4A00]  }
0x1db: {  	v38 =	vld [tilespmem:s30+$0x8A00]  }
0x1dc: {  	v39 =	vld [tilespmem:s28+$0xA10]  }
0x1dd: {  	v40 =	vld [tilespmem:s29+$0x4A10]  }
0x1de: {  	(v2sf) =	vpush v0, $0x2;
	v41 =	vld [tilespmem:s30+$0x8A10]  }
0x1df: {  	(v2sf) =	vpush v1, $0x2;
	v42 =	vld [tilespmem:s28+$0xA20]  }
0x1e0: {  	(v2sf) =	vpush v2, $0x2;
	v43 =	vld [tilespmem:s29+$0x4A20]  }
0x1e1: {  	v44 =	vld [tilespmem:s30+$0x8A20]  }
0x1e2: {  	v45 =	vld [tilespmem:s29+$0x4A30];
	v4 =	vsub.f32 v38, v37  }
0x1e3: {  	v46 =	vld [tilespmem:s30+$0x8A30]  }
0x1e4: {  	v47 =	vsub.f32 v41, v40;
	v3 =	vmul.f32 v4, v3  }
0x1e5: {  	v48 =	vld [tilespmem:s28+$0xA30]  }
0x1e6: {  	v49 =	vsub.f32 v44, v43;
	v4 =	vmul.f32 v47, v39;
	v3 =	vadd.f32 $0.0e+00, v3;
	_ =	sdelay $0x1  }
0x1e7: {  	v5 =	vsub.f32 v46, v45;
	v50 =	vmul.f32 v49, v42;
	v3 =	vadd.f32 v4, v3;
	_ =	sdelay $0x1  }
0x1e8: {  	v51 =	vmul.f32 v5, v48;
	v3 =	vadd.f32 v50, v3;
	_ =	sdelay $0x1  }
0x1e9: {  	v3 =	vadd.f32 v51, v3  }
0x1ea: {  	s29 =	spop (v2sf)  }
0x1eb: {  	s28 =	sand.u32 $0x380, s29;
	s30 =	spop (v2sf);
	[tilespmem:$0xCC80] =	vst v3  }
0x1ec: {  	s29 =	sand.u32 $0x380, s30;
	s30 =	spop (v2sf);
	v3 =	vld [tilespmem:s28+$0xE00]  }
0x1ed: {  	s30 =	sand.u32 $0x380, s30;
	v52 =	vld [tilespmem:s29+$0x4E00]  }
0x1ee: {  	v53 =	vld [tilespmem:s30+$0x8E00]  }
0x1ef: {  	v54 =	vld [tilespmem:s28+$0xE10]  }
0x1f0: {  	v55 =	vld [tilespmem:s29+$0x4E10]  }
0x1f1: {  	(v2sf) =	vpush v0, $0x3;
	v56 =	vld [tilespmem:s30+$0x8E10]  }
0x1f2: {  	(v2sf) =	vpush v1, $0x3;
	v57 =	vld [tilespmem:s28+$0xE20]  }
0x1f3: {  	(v2sf) =	vpush v2, $0x3;
	v58 =	vld [tilespmem:s29+$0x4E20]  }
0x1f4: {  	v59 =	vld [tilespmem:s30+$0x8E20]  }
0x1f5: {  	v60 =	vld [tilespmem:s29+$0x4E30];
	v4 =	vsub.f32 v53, v52  }
0x1f6: {  	v61 =	vld [tilespmem:s30+$0x8E30]  }
0x1f7: {  	v62 =	vsub.f32 v56, v55;
	v3 =	vmul.f32 v4, v3  }
0x1f8: {  	v63 =	vld [tilespmem:s28+$0xE30]  }
0x1f9: {  	v11 =	vsub.f32 v59, v58;
	v4 =	vmul.f32 v62, v54;
	v3 =	vadd.f32 $0.0e+00, v3;
	_ =	sdelay $0x1  }
0x1fa: {  	v5 =	vsub.f32 v61, v60;
	v13 =	vmul.f32 v11, v57;
	v3 =	vadd.f32 v4, v3;
	_ =	sdelay $0x1  }
0x1fb: {  	v14 =	vmul.f32 v5, v63;
	v3 =	vadd.f32 v13, v3;
	_ =	sdelay $0x1  }
0x1fc: {  	v3 =	vadd.f32 v14, v3  }
0x1fd: {  	s29 =	spop (v2sf)  }
0x1fe: {  	s28 =	sand.u32 $0x380, s29;
	s30 =	spop (v2sf);
	[tilespmem:$0xCD00] =	vst v3  }
0x1ff: {  	s29 =	sand.u32 $0x380, s30;
	s30 =	spop (v2sf);
	v3 =	vld [tilespmem:s28+$0x1200]  }
0x200: {  	s30 =	sand.u32 $0x380, s30;
	v15 =	vld [tilespmem:s29+$0x5200]  }
0x201: {  	v16 =	vld [tilespmem:s30+$0x9200]  }
0x202: {  	v17 =	vld [tilespmem:s28+$0x1210]  }
0x203: {  	v18 =	vld [tilespmem:s29+$0x5210]  }
0x204: {  	(v2sf) =	vpush v0, $0x4;
	v19 =	vld [tilespmem:s30+$0x9210]  }
0x205: {  	(v2sf) =	vpush v1, $0x4;
	v20 =	vld [tilespmem:s28+$0x1220]  }
0x206: {  	(v2sf) =	vpush v2, $0x4;
	v21 =	vld [tilespmem:s29+$0x5220]  }
0x207: {  	v22 =	vld [tilespmem:s30+$0x9220]  }
0x208: {  	v23 =	vld [tilespmem:s29+$0x5230];
	v4 =	vsub.f32 v16, v15  }
0x209: {  	v24 =	vld [tilespmem:s30+$0x9230]  }
0x20a: {  	v25 =	vsub.f32 v19, v18;
	v3 =	vmul.f32 v4, v3  }
0x20b: {  	v26 =	vld [tilespmem:s28+$0x1230]  }
0x20c: {  	v27 =	vsub.f32 v22, v21;
	v4 =	vmul.f32 v25, v17;
	v3 =	vadd.f32 $0.0e+00, v3;
	_ =	sdelay $0x1  }
0x20d: {  	v5 =	vsub.f32 v24, v23;
	v28 =	vmul.f32 v27, v20;
	v3 =	vadd.f32 v4, v3;
	_ =	sdelay $0x1  }
0x20e: {  	v29 =	vmul.f32 v5, v26;
	v3 =	vadd.f32 v28, v3;
	_ =	sdelay $0x1  }
0x20f: {  	v3 =	vadd.f32 v29, v3  }
0x210: {  	s29 =	spop (v2sf)  }
0x211: {  	s28 =	sand.u32 $0x380, s29;
	s30 =	spop (v2sf);
	[tilespmem:$0xCD80] =	vst v3  }
0x212: {  	s29 =	sand.u32 $0x380, s30;
	s30 =	spop (v2sf);
	v3 =	vld [tilespmem:s28+$0x1600]  }
0x213: {  	s30 =	sand.u32 $0x380, s30;
	v30 =	vld [tilespmem:s29+$0x5600]  }
0x214: {  	v31 =	vld [tilespmem:s30+$0x9600]  }
0x215: {  	v32 =	vld [tilespmem:s28+$0x1610]  }
0x216: {  	v33 =	vld [tilespmem:s29+$0x5610]  }
0x217: {  	(v2sf) =	vpush v0, $0x5;
	v34 =	vld [tilespmem:s30+$0x9610]  }
0x218: {  	(v2sf) =	vpush v1, $0x5;
	v35 =	vld [tilespmem:s28+$0x1620]  }
0x219: {  	(v2sf) =	vpush v2, $0x5;
	v36 =	vld [tilespmem:s29+$0x5620]  }
0x21a: {  	v37 =	vld [tilespmem:s30+$0x9620]  }
0x21b: {  	v38 =	vld [tilespmem:s29+$0x5630];
	v4 =	vsub.f32 v31, v30  }
0x21c: {  	v39 =	vld [tilespmem:s30+$0x9630]  }
0x21d: {  	v40 =	vsub.f32 v34, v33;
	v3 =	vmul.f32 v4, v3  }
0x21e: {  	v41 =	vld [tilespmem:s28+$0x1630]  }
0x21f: {  	v42 =	vsub.f32 v37, v36;
	v4 =	vmul.f32 v40, v32;
	v3 =	vadd.f32 $0.0e+00, v3;
	_ =	sdelay $0x1  }
0x220: {  	v5 =	vsub.f32 v39, v38;
	v43 =	vmul.f32 v42, v35;
	v3 =	vadd.f32 v4, v3;
	_ =	sdelay $0x1  }
0x221: {  	v44 =	vmul.f32 v5, v41;
	v3 =	vadd.f32 v43, v3;
	_ =	sdelay $0x1  }
0x222: {  	v3 =	vadd.f32 v44, v3  }
0x223: {  	s29 =	spop (v2sf)  }
0x224: {  	s28 =	sand.u32 $0x380, s29;
	s30 =	spop (v2sf);
	[tilespmem:$0xCE00] =	vst v3  }
0x225: {  	s29 =	sand.u32 $0x380, s30;
	s30 =	spop (v2sf);
	v3 =	vld [tilespmem:s28+$0x1A00]  }
0x226: {  	s30 =	sand.u32 $0x380, s30;
	v45 =	vld [tilespmem:s29+$0x5A00]  }
0x227: {  	v46 =	vld [tilespmem:s30+$0x9A00]  }
0x228: {  	v47 =	vld [tilespmem:s28+$0x1A10]  }
0x229: {  	v48 =	vld [tilespmem:s29+$0x5A10]  }
0x22a: {  	(v2sf) =	vpush v0, $0x6;
	v49 =	vld [tilespmem:s30+$0x9A10]  }
0x22b: {  	(v2sf) =	vpush v1, $0x6;
	v50 =	vld [tilespmem:s28+$0x1A20]  }
0x22c: {  	(v2sf) =	vpush v2, $0x6;
	v51 =	vld [tilespmem:s29+$0x5A20]  }
0x22d: {  	v52 =	vld [tilespmem:s30+$0x9A20]  }
0x22e: {  	v53 =	vld [tilespmem:s29+$0x5A30];
	v4 =	vsub.f32 v46, v45  }
0x22f: {  	v54 =	vld [tilespmem:s30+$0x9A30]  }
0x230: {  	v55 =	vsub.f32 v49, v48;
	v3 =	vmul.f32 v4, v3  }
0x231: {  	v56 =	vld [tilespmem:s28+$0x1A30]  }
0x232: {  	v57 =	vsub.f32 v52, v51;
	v4 =	vmul.f32 v55, v47;
	v3 =	vadd.f32 $0.0e+00, v3;
	_ =	sdelay $0x1  }
0x233: {  	v5 =	vsub.f32 v54, v53;
	v58 =	vmul.f32 v57, v50;
	v3 =	vadd.f32 v4, v3;
	_ =	sdelay $0x1  }
0x234: {  	v59 =	vmul.f32 v5, v56;
	v3 =	vadd.f32 v58, v3;
	_ =	sdelay $0x1  }
0x235: {  	v3 =	vadd.f32 v59, v3  }
0x236: {  	s29 =	spop (v2sf)  }
0x237: {  	s28 =	sand.u32 $0x380, s29;
	s30 =	spop (v2sf);
	[tilespmem:$0xCE80] =	vst v3  }
0x238: {  	s29 =	sand.u32 $0x380, s30;
	s30 =	spop (v2sf);
	v3 =	vld [tilespmem:s28+$0x1E00]  }
0x239: {  	s30 =	sand.u32 $0x380, s30;
	v60 =	vld [tilespmem:s29+$0x5E00]  }
0x23a: {  	v61 =	vld [tilespmem:s30+$0x9E00]  }
0x23b: {  	v62 =	vld [tilespmem:s28+$0x1E10]  }
0x23c: {  	v63 =	vld [tilespmem:s29+$0x5E10]  }
0x23d: {  	(v2sf) =	vpush v0, $0x7;
	v16 =	vld [tilespmem:s30+$0x9E10]  }
0x23e: {  	(v2sf) =	vpush v1, $0x7;
	v17 =	vld [tilespmem:s28+$0x1E20]  }
0x23f: {  	(v2sf) =	vpush v2, $0x7;
	v18 =	vld [tilespmem:s29+$0x5E20]  }
0x240: {  	v19 =	vld [tilespmem:s30+$0x9E20]  }
0x241: {  	v20 =	vld [tilespmem:s29+$0x5E30];
	v4 =	vsub.f32 v61, v60  }
0x242: {  	v21 =	vld [tilespmem:s30+$0x9E30]  }
0x243: {  	v22 =	vsub.f32 v16, v63;
	v3 =	vmul.f32 v4, v3  }
0x244: {  	v23 =	vld [tilespmem:s28+$0x1E30]  }
0x245: {  	v24 =	vsub.f32 v19, v18;
	v4 =	vmul.f32 v22, v62;
	v3 =	vadd.f32 $0.0e+00, v3;
	_ =	sdelay $0x1  }
0x246: {  	v5 =	vsub.f32 v21, v20;
	v25 =	vmul.f32 v24, v17;
	v3 =	vadd.f32 v4, v3;
	_ =	sdelay $0x1  }
0x247: {  	v26 =	vmul.f32 v5, v23;
	v3 =	vadd.f32 v25, v3;
	_ =	sdelay $0x1  }
0x248: {  	v3 =	vadd.f32 v26, v3  }
0x249: {  	s29 =	spop (v2sf)  }
0x24a: {  	s28 =	sand.u32 $0x380, s29;
	s30 =	spop (v2sf);
	[tilespmem:$0xCF00] =	vst v3  }
0x24b: {  	s29 =	sand.u32 $0x380, s30;
	s30 =	spop (v2sf);
	v3 =	vld [tilespmem:s28+$0x2200]  }
0x24c: {  	s30 =	sand.u32 $0x380, s30;
	v27 =	vld [tilespmem:s29+$0x6200]  }
0x24d: {  	v28 =	vld [tilespmem:s30+$0xA200]  }
0x24e: {  	v29 =	vld [tilespmem:s28+$0x2210]  }
0x24f: {  	v30 =	vld [tilespmem:s29+$0x6210]  }
0x250: {  	(v2sf) =	vpush v0, $0x8;
	v31 =	vld [tilespmem:s30+$0xA210]  }
0x251: {  	(v2sf) =	vpush v1, $0x8;
	v32 =	vld [tilespmem:s28+$0x2220]  }
0x252: {  	(v2sf) =	vpush v2, $0x8;
	v33 =	vld [tilespmem:s29+$0x6220]  }
0x253: {  	v34 =	vld [tilespmem:s30+$0xA220]  }
0x254: {  	v35 =	vld [tilespmem:s29+$0x6230];
	v4 =	vsub.f32 v28, v27  }
0x255: {  	v36 =	vld [tilespmem:s30+$0xA230]  }
0x256: {  	v37 =	vsub.f32 v31, v30;
	v3 =	vmul.f32 v4, v3  }
0x257: {  	v38 =	vld [tilespmem:s28+$0x2230]  }
0x258: {  	v39 =	vsub.f32 v34, v33;
	v4 =	vmul.f32 v37, v29;
	v3 =	vadd.f32 $0.0e+00, v3;
	_ =	sdelay $0x1  }
0x259: {  	v5 =	vsub.f32 v36, v35;
	v40 =	vmul.f32 v39, v32;
	v3 =	vadd.f32 v4, v3;
	_ =	sdelay $0x1  }
0x25a: {  	v41 =	vmul.f32 v5, v38;
	v3 =	vadd.f32 v40, v3;
	_ =	sdelay $0x1  }
0x25b: {  	v3 =	vadd.f32 v41, v3  }
0x25c: {  	s29 =	spop (v2sf)  }
0x25d: {  	s28 =	sand.u32 $0x380, s29;
	s30 =	spop (v2sf);
	[tilespmem:$0xCF80] =	vst v3  }
0x25e: {  	s29 =	sand.u32 $0x380, s30;
	s30 =	spop (v2sf);
	v3 =	vld [tilespmem:s28+$0x2600]  }
0x25f: {  	s30 =	sand.u32 $0x380, s30;
	v42 =	vld [tilespmem:s29+$0x6600]  }
0x260: {  	v43 =	vld [tilespmem:s30+$0xA600]  }
0x261: {  	v44 =	vld [tilespmem:s28+$0x2610]  }
0x262: {  	v45 =	vld [tilespmem:s29+$0x6610]  }
0x263: {  	(v2sf) =	vpush v0, $0x9;
	v46 =	vld [tilespmem:s30+$0xA610]  }
0x264: {  	(v2sf) =	vpush v1, $0x9;
	v47 =	vld [tilespmem:s28+$0x2620]  }
0x265: {  	(v2sf) =	vpush v2, $0x9;
	v48 =	vld [tilespmem:s29+$0x6620]  }
0x266: {  	v49 =	vld [tilespmem:s30+$0xA620]  }
0x267: {  	v50 =	vld [tilespmem:s29+$0x6630];
	v4 =	vsub.f32 v43, v42  }
0x268: {  	v51 =	vld [tilespmem:s30+$0xA630]  }
0x269: {  	v52 =	vsub.f32 v46, v45;
	v3 =	vmul.f32 v4, v3  }
0x26a: {  	v53 =	vld [tilespmem:s28+$0x2630]  }
0x26b: {  	v54 =	vsub.f32 v49, v48;
	v4 =	vmul.f32 v52, v44;
	v3 =	vadd.f32 $0.0e+00, v3;
	_ =	sdelay $0x1  }
0x26c: {  	v5 =	vsub.f32 v51, v50;
	v55 =	vmul.f32 v54, v47;
	v3 =	vadd.f32 v4, v3;
	_ =	sdelay $0x1  }
0x26d: {  	v56 =	vmul.f32 v5, v53;
	v3 =	vadd.f32 v55, v3;
	_ =	sdelay $0x1  }
0x26e: {  	v3 =	vadd.f32 v56, v3  }
0x26f: {  	s29 =	spop (v2sf)  }
0x270: {  	s28 =	sand.u32 $0x380, s29;
	s30 =	spop (v2sf);
	[tilespmem:$0xD000] =	vst v3  }
0x271: {  	s29 =	sand.u32 $0x380, s30;
	s30 =	spop (v2sf);
	v3 =	vld [tilespmem:s28+$0x2A00]  }
0x272: {  	s30 =	sand.u32 $0x380, s30;
	v57 =	vld [tilespmem:s29+$0x6A00]  }
0x273: {  	v58 =	vld [tilespmem:s30+$0xAA00]  }
0x274: {  	v59 =	vld [tilespmem:s28+$0x2A10]  }
0x275: {  	v60 =	vld [tilespmem:s29+$0x6A10]  }
0x276: {  	(v2sf) =	vpush v0, $0xA;
	v61 =	vld [tilespmem:s30+$0xAA10]  }
0x277: {  	(v2sf) =	vpush v1, $0xA;
	v62 =	vld [tilespmem:s28+$0x2A20]  }
0x278: {  	(v2sf) =	vpush v2, $0xA;
	v63 =	vld [tilespmem:s29+$0x6A20]  }
0x279: {  	v16 =	vld [tilespmem:s30+$0xAA20]  }
0x27a: {  	v17 =	vld [tilespmem:s29+$0x6A30];
	v4 =	vsub.f32 v58, v57  }
0x27b: {  	v18 =	vld [tilespmem:s30+$0xAA30]  }
0x27c: {  	v19 =	vsub.f32 v61, v60;
	v3 =	vmul.f32 v4, v3  }
0x27d: {  	v20 =	vld [tilespmem:s28+$0x2A30]  }
0x27e: {  	v21 =	vsub.f32 v16, v63;
	v4 =	vmul.f32 v19, v59;
	v3 =	vadd.f32 $0.0e+00, v3;
	_ =	sdelay $0x1  }
0x27f: {  	v5 =	vsub.f32 v18, v17;
	v22 =	vmul.f32 v21, v62;
	v3 =	vadd.f32 v4, v3;
	_ =	sdelay $0x1  }
0x280: {  	v23 =	vmul.f32 v5, v20;
	v3 =	vadd.f32 v22, v3;
	_ =	sdelay $0x1  }
0x281: {  	v3 =	vadd.f32 v23, v3  }
0x282: {  	s29 =	spop (v2sf)  }
0x283: {  	s28 =	sand.u32 $0x380, s29;
	s30 =	spop (v2sf);
	[tilespmem:$0xD080] =	vst v3  }
0x284: {  	s29 =	sand.u32 $0x380, s30;
	s30 =	spop (v2sf);
	v3 =	vld [tilespmem:s28+$0x2E00]  }
0x285: {  	s30 =	sand.u32 $0x380, s30;
	v24 =	vld [tilespmem:s29+$0x6E00]  }
0x286: {  	v25 =	vld [tilespmem:s30+$0xAE00]  }
0x287: {  	v26 =	vld [tilespmem:s28+$0x2E10]  }
0x288: {  	v27 =	vld [tilespmem:s29+$0x6E10]  }
0x289: {  	(v2sf) =	vpush v0, $0xB;
	v28 =	vld [tilespmem:s30+$0xAE10]  }
0x28a: {  	(v2sf) =	vpush v1, $0xB;
	v29 =	vld [tilespmem:s28+$0x2E20]  }
0x28b: {  	(v2sf) =	vpush v2, $0xB;
	v30 =	vld [tilespmem:s29+$0x6E20]  }
0x28c: {  	v31 =	vld [tilespmem:s30+$0xAE20]  }
0x28d: {  	v32 =	vld [tilespmem:s29+$0x6E30];
	v4 =	vsub.f32 v25, v24  }
0x28e: {  	v33 =	vld [tilespmem:s30+$0xAE30]  }
0x28f: {  	v34 =	vsub.f32 v28, v27;
	v3 =	vmul.f32 v4, v3  }
0x290: {  	v35 =	vld [tilespmem:s28+$0x2E30]  }
0x291: {  	v36 =	vsub.f32 v31, v30;
	v4 =	vmul.f32 v34, v26;
	v3 =	vadd.f32 $0.0e+00, v3;
	_ =	sdelay $0x1  }
0x292: {  	v5 =	vsub.f32 v33, v32;
	v37 =	vmul.f32 v36, v29;
	v3 =	vadd.f32 v4, v3;
	_ =	sdelay $0x1  }
0x293: {  	v38 =	vmul.f32 v5, v35;
	v3 =	vadd.f32 v37, v3;
	_ =	sdelay $0x1  }
0x294: {  	v3 =	vadd.f32 v38, v3  }
0x295: {  	s29 =	spop (v2sf)  }
0x296: {  	s28 =	sand.u32 $0x380, s29;
	s30 =	spop (v2sf);
	[tilespmem:$0xD100] =	vst v3  }
0x297: {  	s29 =	sand.u32 $0x380, s30;
	s30 =	spop (v2sf);
	v3 =	vld [tilespmem:s28+$0x3200]  }
0x298: {  	s30 =	sand.u32 $0x380, s30;
	v39 =	vld [tilespmem:s29+$0x7200]  }
0x299: {  	v40 =	vld [tilespmem:s30+$0xB200]  }
0x29a: {  	v41 =	vld [tilespmem:s28+$0x3210]  }
0x29b: {  	v42 =	vld [tilespmem:s29+$0x7210]  }
0x29c: {  	(v2sf) =	vpush v0, $0xC;
	v43 =	vld [tilespmem:s30+$0xB210]  }
0x29d: {  	(v2sf) =	vpush v1, $0xC;
	v44 =	vld [tilespmem:s28+$0x3220]  }
0x29e: {  	(v2sf) =	vpush v2, $0xC;
	v45 =	vld [tilespmem:s29+$0x7220]  }
0x29f: {  	v46 =	vld [tilespmem:s30+$0xB220]  }
0x2a0: {  	v47 =	vld [tilespmem:s29+$0x7230];
	v4 =	vsub.f32 v40, v39  }
0x2a1: {  	v48 =	vld [tilespmem:s30+$0xB230]  }
0x2a2: {  	v49 =	vsub.f32 v43, v42;
	v3 =	vmul.f32 v4, v3  }
0x2a3: {  	v50 =	vld [tilespmem:s28+$0x3230]  }
0x2a4: {  	v51 =	vsub.f32 v46, v45;
	v4 =	vmul.f32 v49, v41;
	v3 =	vadd.f32 $0.0e+00, v3;
	_ =	sdelay $0x1  }
0x2a5: {  	v5 =	vsub.f32 v48, v47;
	v52 =	vmul.f32 v51, v44;
	v3 =	vadd.f32 v4, v3;
	_ =	sdelay $0x1  }
0x2a6: {  	v53 =	vmul.f32 v5, v50;
	v3 =	vadd.f32 v52, v3;
	_ =	sdelay $0x1  }
0x2a7: {  	v3 =	vadd.f32 v53, v3  }
0x2a8: {  	s29 =	spop (v2sf)  }
0x2a9: {  	s28 =	sand.u32 $0x380, s29;
	s30 =	spop (v2sf);
	[tilespmem:$0xD180] =	vst v3  }
0x2aa: {  	s29 =	sand.u32 $0x380, s30;
	s30 =	spop (v2sf);
	v3 =	vld [tilespmem:s28+$0x3600]  }
0x2ab: {  	s30 =	sand.u32 $0x380, s30;
	v54 =	vld [tilespmem:s29+$0x7600]  }
0x2ac: {  	v55 =	vld [tilespmem:s30+$0xB600]  }
0x2ad: {  	v56 =	vld [tilespmem:s28+$0x3610]  }
0x2ae: {  	v57 =	vld [tilespmem:s29+$0x7610]  }
0x2af: {  	(v2sf) =	vpush v0, $0xD;
	v58 =	vld [tilespmem:s30+$0xB610]  }
0x2b0: {  	(v2sf) =	vpush v1, $0xD;
	v59 =	vld [tilespmem:s28+$0x3620]  }
0x2b1: {  	(v2sf) =	vpush v2, $0xD;
	v60 =	vld [tilespmem:s29+$0x7620]  }
0x2b2: {  	v61 =	vld [tilespmem:s30+$0xB620]  }
0x2b3: {  	v62 =	vld [tilespmem:s29+$0x7630];
	v4 =	vsub.f32 v55, v54  }
0x2b4: {  	v63 =	vld [tilespmem:s30+$0xB630]  }
0x2b5: {  	v15 =	vsub.f32 v58, v57;
	v3 =	vmul.f32 v4, v3  }
0x2b6: {  	v16 =	vld [tilespmem:s28+$0x3630]  }
0x2b7: {  	v17 =	vsub.f32 v61, v60;
	v4 =	vmul.f32 v15, v56;
	v3 =	vadd.f32 $0.0e+00, v3;
	_ =	sdelay $0x1  }
0x2b8: {  	v5 =	vsub.f32 v63, v62;
	v18 =	vmul.f32 v17, v59;
	v3 =	vadd.f32 v4, v3;
	_ =	sdelay $0x1  }
0x2b9: {  	v19 =	vmul.f32 v5, v16;
	v3 =	vadd.f32 v18, v3;
	_ =	sdelay $0x1  }
0x2ba: {  	v3 =	vadd.f32 v19, v3  }
0x2bb: {  	s29 =	spop (v2sf)  }
0x2bc: {  	s28 =	sand.u32 $0x380, s29;
	s30 =	spop (v2sf);
	[tilespmem:$0xD200] =	vst v3  }
0x2bd: {  	s29 =	sand.u32 $0x380, s30;
	s30 =	spop (v2sf);
	v3 =	vld [tilespmem:s28+$0x3A00]  }
0x2be: {  	s30 =	sand.u32 $0x380, s30;
	v20 =	vld [tilespmem:s29+$0x7A00]  }
0x2bf: {  	v21 =	vld [tilespmem:s30+$0xBA00]  }
0x2c0: {  	v22 =	vld [tilespmem:s28+$0x3A10]  }
0x2c1: {  	v23 =	vld [tilespmem:s29+$0x7A10]  }
0x2c2: {  	(v2sf) =	vpush v0, $0xE;
	v24 =	vld [tilespmem:s30+$0xBA10]  }
0x2c3: {  	(v2sf) =	vpush v1, $0xE;
	v25 =	vld [tilespmem:s28+$0x3A20]  }
0x2c4: {  	(v2sf) =	vpush v2, $0xE;
	v26 =	vld [tilespmem:s29+$0x7A20]  }
0x2c5: {  	v27 =	vld [tilespmem:s30+$0xBA20]  }
0x2c6: {  	v28 =	vld [tilespmem:s29+$0x7A30];
	v4 =	vsub.f32 v21, v20  }
0x2c7: {  	v29 =	vld [tilespmem:s30+$0xBA30]  }
0x2c8: {  	v30 =	vsub.f32 v24, v23;
	v3 =	vmul.f32 v4, v3  }
0x2c9: {  	v31 =	vld [tilespmem:s28+$0x3A30]  }
0x2ca: {  	v32 =	vsub.f32 v27, v26;
	v4 =	vmul.f32 v30, v22;
	v3 =	vadd.f32 $0.0e+00, v3;
	_ =	sdelay $0x1  }
0x2cb: {  	v5 =	vsub.f32 v29, v28;
	v33 =	vmul.f32 v32, v25;
	v3 =	vadd.f32 v4, v3;
	_ =	sdelay $0x1  }
0x2cc: {  	v34 =	vmul.f32 v5, v31;
	v3 =	vadd.f32 v33, v3;
	_ =	sdelay $0x1  }
0x2cd: {  	v3 =	vadd.f32 v34, v3  }
0x2ce: {  	s29 =	spop (v2sf)  }
0x2cf: {  	s28 =	sand.u32 $0x380, s29;
	s30 =	spop (v2sf);
	[tilespmem:$0xD280] =	vst v3  }
0x2d0: {  	s29 =	sand.u32 $0x380, s30;
	s30 =	spop (v2sf);
	v3 =	vld [tilespmem:s28+$0x3E00]  }
0x2d1: {  	s30 =	sand.u32 $0x380, s30;
	v35 =	vld [tilespmem:s29+$0x7E00]  }
0x2d2: {  	v36 =	vld [tilespmem:s30+$0xBE00]  }
0x2d3: {  	v37 =	vld [tilespmem:s28+$0x3E10]  }
0x2d4: {  	v38 =	vld [tilespmem:s29+$0x7E10]  }
0x2d5: {  	(v2sf) =	vpush v0, $0xF;
	v39 =	vld [tilespmem:s30+$0xBE10]  }
0x2d6: {  	(v2sf) =	vpush v1, $0xF;
	v40 =	vld [tilespmem:s28+$0x3E20]  }
0x2d7: {  	(v2sf) =	vpush v2, $0xF;
	v41 =	vld [tilespmem:s29+$0x7E20]  }
0x2d8: {  	v42 =	vld [tilespmem:s30+$0xBE20]  }
0x2d9: {  	v43 =	vld [tilespmem:s29+$0x7E30];
	v4 =	vsub.f32 v36, v35  }
0x2da: {  	v44 =	vld [tilespmem:s30+$0xBE30]  }
0x2db: {  	v45 =	vsub.f32 v39, v38;
	v3 =	vmul.f32 v4, v3  }
0x2dc: {  	v46 =	vld [tilespmem:s28+$0x3E30]  }
0x2dd: {  	v1 =	vsub.f32 v42, v41;
	v4 =	vmul.f32 v45, v37;
	v3 =	vadd.f32 $0.0e+00, v3;
	_ =	sdelay $0x1  }
0x2de: {  	v48 =	vsub.f32 v44, v43;
	v0 =	vmul.f32 v1, v40;
	v47 =	vadd.f32 v4, v3;
	_ =	sdelay $0x1  }
0x2df: {  	v1 =	vmul.f32 v48, v46;
	v0 =	vadd.f32 v0, v47;
	_ =	sdelay $0x1  }
0x2e0: {  	v0 =	vadd.f32 v1, v0  }
0x2e1: {  	s28 =	spop (v2sf)  }
0x2e2: {  	s30 =	spop (v2sf);
	s28 =	sand.u32 $0x380, s28;
	[tilespmem:$0xD300] =	vst v0  }
0x2e3: {  	s29 =	sand.u32 $0x380, s30;
	s30 =	spop (v2sf);
	v0 =	vld [tilespmem:s28+$0x4200]  }
0x2e4: {  	s30 =	sand.u32 $0x380, s30;
	v49 =	vld [tilespmem:s29+$0x8200]  }
0x2e5: {  	v50 =	vld [tilespmem:s30+$0xC200]  }
0x2e6: {  	v51 =	vld [tilespmem:s28+$0x4210]  }
0x2e7: {  	v52 =	vld [tilespmem:s29+$0x8210]  }
0x2e8: {  	v53 =	vld [tilespmem:s30+$0xC210]  }
0x2e9: {  	v54 =	vld [tilespmem:s28+$0x4220]  }
0x2ea: {  	v55 =	vld [tilespmem:s29+$0x8220]  }
0x2eb: {  	v56 =	vld [tilespmem:s30+$0xC220]  }
0x2ec: {  	v57 =	vld [tilespmem:s29+$0x8230];
	v1 =	vsub.f32 v50, v49  }
0x2ed: {  	v58 =	vld [tilespmem:s30+$0xC230]  }
0x2ee: {  	v59 =	vsub.f32 v53, v52;
	v0 =	vmul.f32 v1, v0  }
0x2ef: {  	v60 =	vld [tilespmem:s28+$0x4230]  }
0x2f0: {  	v61 =	vsub.f32 v56, v55;
	v1 =	vmul.f32 v59, v51;
	v0 =	vadd.f32 $0.0e+00, v0;
	_ =	sdelay $0x1  }
0x2f1: {  	v2 =	vsub.f32 v58, v57;
	v62 =	vmul.f32 v61, v54;
	v0 =	vadd.f32 v1, v0;
	_ =	sdelay $0x1  }
0x2f2: {  	v63 =	vmul.f32 v2, v60;
	v0 =	vadd.f32 v62, v0;
	_ =	sdelay $0x1  }
0x2f3: {  	s30 =	sld [smem:$0x7FD];
	v0 =	vadd.f32 v63, v0  }
0x2f4: {  	p0 =	sne.s32 s26, $0x7C0  }
.Ltmp0:
0x2f5: {  	[tilespmem:$0xD380] =	vst v0;
	(pc) =	sbr.rel @p0 .LBB2_2-.Ltmp0, $4  }
0x2f6: {  	[hbm4b:s12+s1] =	stream.linear.scatter [tilespmem:s30], [sflag:$0x3], $0x800, $0x38;
	[tilespmem:$0xD480] =	vst v63  }
0x2f7: {  	_ =	swait.ge [sflag:s13], $0x800  }
0x2f8: {  	[sflag:s13] =	ssyncset.done $0x0  }
0x2f9: {  	s26 =	sadd.s32 $0x40, s26;
	s12 =	sadd.s32 $0x100, s12;
	[sflag:s13] =	ssyncadd.s32 $0xFFFFF800  }
0x2fa: {  	_ =	swait.ge [sflag:s22], $0x80  }
0x2fb: {  	[sflag:s22] =	ssyncset.done $0x0  }
0x2fc: {  	[sflag:s22] =	ssyncadd.s32 $0xFFFFFF80  }
0x2fd: {  	_ =	swait.ge [sflag:s22], $0x80  }
0x2fe: {  	[sflag:s22] =	ssyncset.done $0x0  }
0x2ff: {  	[sflag:s22] =	ssyncadd.s32 $0xFFFFFF80  }
0x300: {  	_ =	swait.ge [sflag:s22], $0x80  }
0x301: {  	[sflag:s22] =	ssyncset.done $0x0  }
0x302: {  	[sflag:s22] =	ssyncadd.s32 $0xFFFFFF80  }
0x303: {  	_ =	swait.ge [sflag:s22], $0x80  }
0x304: {  	[sflag:s22] =	ssyncset.done $0x0  }
0x305: {  	[sflag:s22] =	ssyncadd.s32 $0xFFFFFF80  }
0x306: {  	_ =	swait.ge [sflag:s22], $0x80  }
0x307: {  	[sflag:s22] =	ssyncset.done $0x0  }
0x308: {  	[sflag:s22] =	ssyncadd.s32 $0xFFFFFF80  }
0x309: {  	_ =	swait.ge [sflag:s22], $0x80  }
0x30a: {  	[sflag:s22] =	ssyncset.done $0x0  }
0x30b: {  	[sflag:s22] =	ssyncadd.s32 $0xFFFFFF80  }
0x30c: {  	_ =	swait.ge [sflag:s22], $0x80  }
0x30d: {  	[sflag:s22] =	ssyncset.done $0x0  }
0x30e: {  	[sflag:s22] =	ssyncadd.s32 $0xFFFFFF80  }
0x30f: {  	_ =	swait.ge [sflag:s22], $0x80  }
0x310: {  	[sflag:s22] =	ssyncset.done $0x0  }
0x311: {  	[sflag:s22] =	ssyncadd.s32 $0xFFFFFF80  }
0x312: {  	_ =	swait.ge [sflag:s22], $0x80  }
0x313: {  	[sflag:s22] =	ssyncset.done $0x0  }
0x314: {  	[sflag:s22] =	ssyncadd.s32 $0xFFFFFF80  }
0x315: {  	_ =	swait.ge [sflag:s22], $0x80  }
0x316: {  	[sflag:s22] =	ssyncset.done $0x0  }
0x317: {  	[sflag:s22] =	ssyncadd.s32 $0xFFFFFF80  }
0x318: {  	_ =	swait.ge [sflag:s22], $0x80  }
0x319: {  	[sflag:s22] =	ssyncset.done $0x0  }
0x31a: {  	[sflag:s22] =	ssyncadd.s32 $0xFFFFFF80  }
0x31b: {  	_ =	swait.ge [sflag:s22], $0x80  }
0x31c: {  	[sflag:s22] =	ssyncset.done $0x0  }
0x31d: {  	[sflag:s22] =	ssyncadd.s32 $0xFFFFFF80  }
0x31e: {  	v0 =	vld [tilespmem:$0xC600];
	_ =	sdelay $0x1  }
0x31f: {  	v1 =	vld [tilespmem:$0xC800];
	_ =	sdelay $0x1  }
0x320: {  	v2 =	vld [tilespmem:$0xCA00]  }
0x321: {  	v0 =	vadd.f32 $0.0e+00, v0  }
0x322: {  	v3 =	vld [tilespmem:$0xC610]  }
0x323: {  	v0 =	vadd.f32 v1, v0  }
0x324: {  	v30 =	vld [tilespmem:$0xC810]  }
0x325: {  	v0 =	vadd.f32 v2, v0  }
0x326: {  	v31 =	vld [tilespmem:$0xCA10]  }
0x327: {  	v0 =	vadd.f32 v3, v0  }
0x328: {  	v32 =	vld [tilespmem:$0xC620]  }
0x329: {  	v0 =	vadd.f32 v30, v0  }
0x32a: {  	v33 =	vld [tilespmem:$0xC820]  }
0x32b: {  	v0 =	vadd.f32 v31, v0  }
0x32c: {  	v34 =	vld [tilespmem:$0xCA20]  }
0x32d: {  	v0 =	vadd.f32 v32, v0  }
0x32e: {  	v35 =	vld [tilespmem:$0xC630]  }
0x32f: {  	v0 =	vadd.f32 v33, v0  }
0x330: {  	v36 =	vld [tilespmem:$0xC830]  }
0x331: {  	v0 =	vadd.f32 v34, v0  }
0x332: {  	v37 =	vld [tilespmem:$0xCA30]  }
0x333: {  	v0 =	vadd.f32 v35, v0  }
0x334: {  	v38 =	vld [tilespmem:$0xC640]  }
0x335: {  	v0 =	vadd.f32 v36, v0  }
0x336: {  	v39 =	vld [tilespmem:$0xC840]  }
0x337: {  	v0 =	vadd.f32 v37, v0  }
0x338: {  	v40 =	vld [tilespmem:$0xCA40]  }
0x339: {  	v0 =	vadd.f32 v38, v0  }
0x33a: {  	v41 =	vld [tilespmem:$0xC650]  }
0x33b: {  	v0 =	vadd.f32 v39, v0  }
0x33c: {  	v42 =	vld [tilespmem:$0xC850]  }
0x33d: {  	v0 =	vadd.f32 v40, v0  }
0x33e: {  	v43 =	vld [tilespmem:$0xCA50]  }
0x33f: {  	v0 =	vadd.f32 v41, v0  }
0x340: {  	v44 =	vld [tilespmem:$0xC660]  }
0x341: {  	v0 =	vadd.f32 v42, v0  }
0x342: {  	v45 =	vld [tilespmem:$0xC860]  }
0x343: {  	v0 =	vadd.f32 v43, v0  }
0x344: {  	v46 =	vld [tilespmem:$0xCA60]  }
0x345: {  	v0 =	vadd.f32 v44, v0  }
0x346: {  	v47 =	vld [tilespmem:$0xC670]  }
0x347: {  	v0 =	vadd.f32 v45, v0  }
0x348: {  	v48 =	vld [tilespmem:$0xC870]  }
0x349: {  	v0 =	vadd.f32 v46, v0  }
0x34a: {  	v49 =	vld [tilespmem:$0xCA70]  }
0x34b: {  	v0 =	vadd.f32 v47, v0  }
0x34c: {  	v50 =	vld [tilespmem:$0xC680]  }
0x34d: {  	v0 =	vadd.f32 v48, v0  }
0x34e: {  	v51 =	vld [tilespmem:$0xC880]  }
0x34f: {  	v0 =	vadd.f32 v49, v0  }
0x350: {  	v52 =	vld [tilespmem:$0xCA80]  }
0x351: {  	v0 =	vadd.f32 v50, v0  }
0x352: {  	v53 =	vld [tilespmem:$0xC690]  }
0x353: {  	v0 =	vadd.f32 v51, v0  }
0x354: {  	v54 =	vld [tilespmem:$0xC890]  }
0x355: {  	v0 =	vadd.f32 v52, v0  }
0x356: {  	v55 =	vld [tilespmem:$0xCA90]  }
0x357: {  	v0 =	vadd.f32 v53, v0  }
0x358: {  	v56 =	vld [tilespmem:$0xC6A0]  }
0x359: {  	v0 =	vadd.f32 v54, v0  }
0x35a: {  	v57 =	vld [tilespmem:$0xC8A0]  }
0x35b: {  	v0 =	vadd.f32 v55, v0  }
0x35c: {  	v58 =	vld [tilespmem:$0xCAA0]  }
0x35d: {  	v0 =	vadd.f32 v56, v0  }
0x35e: {  	v59 =	vld [tilespmem:$0xC6B0]  }
0x35f: {  	v0 =	vadd.f32 v57, v0  }
0x360: {  	v60 =	vld [tilespmem:$0xC8B0]  }
0x361: {  	v0 =	vadd.f32 v58, v0  }
0x362: {  	v61 =	vld [tilespmem:$0xCAB0]  }
0x363: {  	v0 =	vadd.f32 v59, v0  }
0x364: {  	v62 =	vld [tilespmem:$0xC6C0]  }
0x365: {  	v0 =	vadd.f32 v60, v0  }
0x366: {  	v63 =	vld [tilespmem:$0xC8C0]  }
0x367: {  	v0 =	vadd.f32 v61, v0  }
0x368: {  	v6 =	vld [tilespmem:$0xCAC0]  }
0x369: {  	v0 =	vadd.f32 v62, v0  }
0x36a: {  	v7 =	vld [tilespmem:$0xC6D0]  }
0x36b: {  	v0 =	vadd.f32 v63, v0  }
0x36c: {  	v8 =	vld [tilespmem:$0xC8D0]  }
0x36d: {  	v0 =	vadd.f32 v6, v0  }
0x36e: {  	v9 =	vld [tilespmem:$0xCAD0]  }
0x36f: {  	v0 =	vadd.f32 v7, v0  }
0x370: {  	v10 =	vld [tilespmem:$0xC6E0]  }
0x371: {  	v0 =	vadd.f32 v8, v0  }
0x372: {  	v11 =	vld [tilespmem:$0xC8E0]  }
0x373: {  	v0 =	vadd.f32 v9, v0  }
0x374: {  	v12 =	vld [tilespmem:$0xCAE0]  }
0x375: {  	v0 =	vadd.f32 v10, v0  }
0x376: {  	v13 =	vld [tilespmem:$0xC6F0]  }
0x377: {  	v0 =	vadd.f32 v11, v0  }
0x378: {  	v14 =	vld [tilespmem:$0xC8F0]  }
0x379: {  	v0 =	vadd.f32 v12, v0  }
0x37a: {  	v15 =	vld [tilespmem:$0xCAF0]  }
0x37b: {  	v0 =	vadd.f32 v13, v0  }
0x37c: {  	v16 =	vld [tilespmem:$0xC700]  }
0x37d: {  	v0 =	vadd.f32 v14, v0  }
0x37e: {  	v17 =	vld [tilespmem:$0xC900]  }
0x37f: {  	v0 =	vadd.f32 v15, v0  }
0x380: {  	v18 =	vld [tilespmem:$0xCB00]  }
0x381: {  	v0 =	vadd.f32 v16, v0  }
0x382: {  	v19 =	vld [tilespmem:$0xC710]  }
0x383: {  	v0 =	vadd.f32 v17, v0  }
0x384: {  	v20 =	vld [tilespmem:$0xC910]  }
0x385: {  	v0 =	vadd.f32 v18, v0  }
0x386: {  	v21 =	vld [tilespmem:$0xCB10]  }
0x387: {  	v0 =	vadd.f32 v19, v0  }
0x388: {  	v22 =	vld [tilespmem:$0xC720]  }
0x389: {  	v0 =	vadd.f32 v20, v0  }
0x38a: {  	v23 =	vld [tilespmem:$0xC920]  }
0x38b: {  	v0 =	vadd.f32 v21, v0  }
0x38c: {  	v24 =	vld [tilespmem:$0xCB20]  }
0x38d: {  	v0 =	vadd.f32 v22, v0  }
0x38e: {  	v25 =	vld [tilespmem:$0xC730]  }
0x38f: {  	v0 =	vadd.f32 v23, v0  }
0x390: {  	v26 =	vld [tilespmem:$0xC930]  }
0x391: {  	v0 =	vadd.f32 v24, v0  }
0x392: {  	v27 =	vld [tilespmem:$0xCB30]  }
0x393: {  	v0 =	vadd.f32 v25, v0  }
0x394: {  	v28 =	vld [tilespmem:$0xC740]  }
0x395: {  	v0 =	vadd.f32 v26, v0  }
0x396: {  	v29 =	vld [tilespmem:$0xC940]  }
0x397: {  	v0 =	vadd.f32 v27, v0  }
0x398: {  	v30 =	vld [tilespmem:$0xCB40]  }
0x399: {  	v0 =	vadd.f32 v28, v0  }
0x39a: {  	v31 =	vld [tilespmem:$0xC750]  }
0x39b: {  	v0 =	vadd.f32 v29, v0  }
0x39c: {  	v32 =	vld [tilespmem:$0xC950]  }
0x39d: {  	v0 =	vadd.f32 v30, v0  }
0x39e: {  	v33 =	vld [tilespmem:$0xCB50]  }
0x39f: {  	v0 =	vadd.f32 v31, v0  }
0x3a0: {  	v34 =	vld [tilespmem:$0xC760]  }
0x3a1: {  	v0 =	vadd.f32 v32, v0  }
0x3a2: {  	v35 =	vld [tilespmem:$0xC960]  }
0x3a3: {  	v0 =	vadd.f32 v33, v0  }
0x3a4: {  	v36 =	vld [tilespmem:$0xCB60]  }
0x3a5: {  	v0 =	vadd.f32 v34, v0  }
0x3a6: {  	v37 =	vld [tilespmem:$0xC770]  }
0x3a7: {  	v0 =	vadd.f32 v35, v0  }
0x3a8: {  	v38 =	vld [tilespmem:$0xC970]  }
0x3a9: {  	v0 =	vadd.f32 v36, v0  }
0x3aa: {  	v39 =	vld [tilespmem:$0xCB70]  }
0x3ab: {  	v0 =	vadd.f32 v37, v0  }
0x3ac: {  	v40 =	vld [tilespmem:$0xC780]  }
0x3ad: {  	v0 =	vadd.f32 v38, v0  }
0x3ae: {  	v41 =	vld [tilespmem:$0xC980]  }
0x3af: {  	v0 =	vadd.f32 v39, v0  }
0x3b0: {  	v42 =	vld [tilespmem:$0xCB80]  }
0x3b1: {  	v0 =	vadd.f32 v40, v0  }
0x3b2: {  	v43 =	vld [tilespmem:$0xC790]  }
0x3b3: {  	v0 =	vadd.f32 v41, v0  }
0x3b4: {  	v44 =	vld [tilespmem:$0xC990]  }
0x3b5: {  	v0 =	vadd.f32 v42, v0  }
0x3b6: {  	v45 =	vld [tilespmem:$0xCB90]  }
0x3b7: {  	v0 =	vadd.f32 v43, v0  }
0x3b8: {  	v46 =	vld [tilespmem:$0xC7A0]  }
0x3b9: {  	v0 =	vadd.f32 v44, v0  }
0x3ba: {  	v47 =	vld [tilespmem:$0xC9A0]  }
0x3bb: {  	v0 =	vadd.f32 v45, v0  }
0x3bc: {  	v48 =	vld [tilespmem:$0xCBA0]  }
0x3bd: {  	v0 =	vadd.f32 v46, v0  }
0x3be: {  	v49 =	vld [tilespmem:$0xC7B0]  }
0x3bf: {  	v0 =	vadd.f32 v47, v0  }
0x3c0: {  	v50 =	vld [tilespmem:$0xC9B0]  }
0x3c1: {  	v0 =	vadd.f32 v48, v0  }
0x3c2: {  	v51 =	vld [tilespmem:$0xCBB0]  }
0x3c3: {  	v0 =	vadd.f32 v49, v0  }
0x3c4: {  	v52 =	vld [tilespmem:$0xC7C0]  }
0x3c5: {  	v0 =	vadd.f32 v50, v0  }
0x3c6: {  	v53 =	vld [tilespmem:$0xC9C0]  }
0x3c7: {  	v0 =	vadd.f32 v51, v0  }
0x3c8: {  	v54 =	vld [tilespmem:$0xCBC0]  }
0x3c9: {  	v0 =	vadd.f32 v52, v0  }
0x3ca: {  	v55 =	vld [tilespmem:$0xC7D0]  }
0x3cb: {  	v0 =	vadd.f32 v53, v0  }
0x3cc: {  	v56 =	vld [tilespmem:$0xC9D0]  }
0x3cd: {  	v0 =	vadd.f32 v54, v0  }
0x3ce: {  	v57 =	vld [tilespmem:$0xCBD0]  }
0x3cf: {  	v0 =	vadd.f32 v55, v0  }
0x3d0: {  	v58 =	vld [tilespmem:$0xC7E0]  }
0x3d1: {  	v0 =	vadd.f32 v56, v0  }
0x3d2: {  	v59 =	vld [tilespmem:$0xC9E0]  }
0x3d3: {  	v0 =	vadd.f32 v57, v0  }
0x3d4: {  	v60 =	vld [tilespmem:$0xCBE0]  }
0x3d5: {  	v0 =	vadd.f32 v58, v0  }
0x3d6: {  	v61 =	vld [tilespmem:$0xC7F0]  }
0x3d7: {  	v0 =	vadd.f32 v59, v0  }
0x3d8: {  	v62 =	vld [tilespmem:$0xC9F0]  }
0x3d9: {  	v0 =	vadd.f32 v60, v0  }
0x3da: {  	v63 =	vld [tilespmem:$0xCBF0]  }
0x3db: {  	v0 =	vadd.f32 v61, v0;
	_ =	sdelay $0x1  }
0x3dc: {  	v0 =	vadd.f32 v62, v0;
	_ =	sdelay $0x1  }
0x3dd: {  	s24 =	sadd.s32 $0x1, s24;
	v0 =	vadd.f32 v63, v0  }
0x3de: {  	p0 =	sne.s32 s24, s11  }
.Ltmp1:
0x3df: {  	[tilespmem:$0xD400] =	vst v0;
	(pc) =	sbr.rel @p0 .LBB2_1-.Ltmp1, $4  }
0x3e0: {  	[hbm4b:s10+s1] =	stream.linear.scatter [tilespmem:s23], [sflag:$0x3], $0x10, $0x38;
	[tilespmem:$0xD480] =	vst v63  }
0x3e1: {  	_ =	swait.ge [sflag:s13], $0x10  }
0x3e2: {  	[sflag:s13] =	ssyncset.done $0x0  }
0x3e3: {  	[sflag:s13] =	ssyncadd.s32 $0xFFFFFFF0  }
0x3e4: {  	_ =	sfence.sel $0x180000  }
0x3e5: {  	[bflag:$0x0] =	sbarrier.arrive $0xFFFF  }
0x3e6: {  	_ =	strace $0x90000047  }
0x3e7: {  	s0 =	stileid.u32;
	[bflag:$0x2] =	sbarrier.arrive $0xFFFF  }
0x3e8: {  	p0 =	sne.s32 s0, $0x0;
	s0 =	rddreg [dreg:$0x4]  }
0x3e9: {  	s0 =	sadd.s32 @!p0 $0x100000, s0  }
0x3ea: {  	[sflag:s0] =	ssyncadd.tile.s32 @!p0 $0x1;
	_ =	shalt  }
.Lfunc_end2:
_tile_overlayer_lowered:
.L_overlay_start_2:
0x3eb: {  	(tag) =	ssettag $0x2  }
0x3ec: {  	s0 =	rddreg [dreg:$0x0];
	s2 =	stileid.u32  }
0x3ed: {  	s1 =	rddreg [dreg:$0x1];
	p0 =	sne.s32 s2, $0x0  }
0x3ee: {  	s3 =	rddreg [dreg:$0x2];
	[bflag:$0x3] =	sbarrier.arrive $0xFFFF;
	s2 =	simm.s32 @!p0 $0x1C03  }
0x3ef: {  	[timem:s3], [sflag:s2] =	dma.local @!p0 [hbm:s0], s1  }
0x3f0: {  	s0 =	simm.s32 @!p0 $0x3  }
0x3f1: {  	_ =	swait.ge @!p0 [sflag:s0], s1  }
0x3f2: {  	s1 =	ssub.s32 @!p0 $0x0, s1;
	[sflag:s0] =	ssyncset.done @!p0 $0x0  }
0x3f3: {  	[sflag:s0] =	ssyncadd.s32 @!p0 s1  }
0x3f4: {  	[bflag:$0x3] =	sbarrier.arrive $0xFFFF  }
0x3f5: {  	_ =	shalt  }

</sc_bundles>
